<compile_context>
chip_gen: v7x
topology: tpu7x:2x2x1
jax: 0.10.2.dev20260603
libtpu: 0.0.44.dev20260713+nightly
codegen_flags: <defaults>
</compile_context>

<pallas_src>
import functools

import jax
import jax.numpy as jnp
from jax import lax
from jax.experimental import pallas as pl
from jax.experimental.pallas import tpu as pltpu
from jax.experimental.pallas import tpu_sc as plsc

_B, _L, _D, _V = 4096, 50, 128, 1000
_NC, _NS, _LANES = 2, 16, 16
_NW = _NC * _NS
_ROWS_W = _B // _NW


def _table_body(emb_ref, w_ref, b_ref, out_ref):
    s = jnp.sum(emb_ref[...] * w_ref[...], axis=1, keepdims=True)
    out_ref[...] = (s + b_ref[0, 0]) * (1.0 / _L)


def _fold_table(emb_table, W, b):
    return pl.pallas_call(
        _table_body,
        out_shape=jax.ShapeDtypeStruct((_V, 1), jnp.float32),
    )(emb_table, W, b.reshape(1, 1))


def _sc_body(x_hbm, t_hbm, out_hbm, x_v, t_v, o_v):
    wid = lax.axis_index("s") * _NC + lax.axis_index("c")
    pltpu.sync_copy(x_hbm.at[pl.ds(wid * _ROWS_W * _L, _ROWS_W * _L)], x_v)
    pltpu.sync_copy(t_hbm, t_v)
    lane = lax.iota(jnp.int32, _LANES)
    for g in range(_ROWS_W // _LANES):
        base = (g * _LANES + lane) * _L
        sums = [jnp.zeros((_LANES,), jnp.float32) for _ in range(4)]
        for l in range(_L):
            xi = plsc.load_gather(x_v, [base + l])
            sums[l % 4] = sums[l % 4] + plsc.load_gather(t_v, [xi])
        acc = (sums[0] + sums[1]) + (sums[2] + sums[3])
        o_v[pl.ds(g * _LANES, _LANES)] = 1.0 / (1.0 + jnp.exp(-acc))
    pltpu.sync_copy(o_v, out_hbm.at[pl.ds(wid * _ROWS_W, _ROWS_W)])


@functools.cache
def _sc_call():
    return pl.kernel(
        _sc_body,
        out_type=jax.ShapeDtypeStruct((_B,), jnp.float32),
        mesh=plsc.VectorSubcoreMesh(
            core_axis_name="c", subcore_axis_name="s",
            num_cores=_NC, num_subcores=_NS,
        ),
        scratch_types=[
            pltpu.VMEM((_ROWS_W * _L,), jnp.int32),
            pltpu.VMEM((_V,), jnp.float32),
            pltpu.VMEM((_ROWS_W,), jnp.float32),
        ],
        compiler_params=pltpu.CompilerParams(needs_layout_passes=False),
    )


def kernel(x, emb_table, W, b):
    t = _fold_table(emb_table, W, b).reshape(_V)
    out = _sc_call()(x.reshape(_B * _L), t)
    return out.reshape(_B, 1)

# --- scband reference (transcript-rebuilt; emitter-appended) ---
"""Pipeline reference for scband-nlp-model-40853728919836 (READ-ONLY COPY).

The authoritative reference and input builder live on the scoring server;
editing this copy changes nothing except your own understanding.
"""

import jax, jax.numpy as jnp
import numpy as np

B, L, D, V = 4096, 50, 128, 1000

def setup_inputs(seed: int = 0):
    key = jax.random.key(seed)
    k1, k2, k3, k4 = jax.random.split(key, 4)
    x = jax.random.randint(k1, (B, L), 0, 990, dtype=jnp.int32)
    emb_table = jax.random.normal(k2, (V, D), dtype=jnp.float32)
    W = jax.random.normal(k3, (1, D), dtype=jnp.float32) * (1.0 / np.sqrt(D))
    b = jax.random.normal(k4, (1,), dtype=jnp.float32) * 0.01
    return {"x": x, "emb_table": emb_table, "W": W, "b": b}

def reference(x, emb_table, W, b):
    # nn.Embedding lookup: [B, L] -> [B, L, D]
    e = jnp.take(emb_table, x, axis=0)
    # transpose(1,2) -> [B, D, L]; AvgPool1d(kernel=L) -> [B, D, 1]; squeeze -> [B, D]
    pooled = jnp.mean(e, axis=1)
    # Linear(D, 1) -> [B, 1]
    logits = pooled @ W.T + b
    # sigmoid activation (y is None, so return y_pred)
    return jax.nn.sigmoid(logits)

if __name__ == "__main__":
    import jax
    _d = setup_inputs()
    print(jax.jit(kernel)(*tuple(_d.values())))

</pallas_src>

<mosaic_0001>
#map = affine_map<(d0, d1) -> (0)>
module attributes {stable_mosaic.version = 14 : i64} {
  func.func @_sc_body(%arg0: i32, %arg1: i32, %arg2: memref<204800xi32, #tpu.memory_space<hbm>>, %arg3: memref<1000xf32, #tpu.memory_space<hbm>>, %arg4: memref<4096xf32, #tpu.memory_space<hbm>>, %arg5: memref<6400xi32, #tpu.memory_space<vmem>>, %arg6: memref<1000xf32, #tpu.memory_space<vmem>>, %arg7: memref<128xf32, #tpu.memory_space<vmem>>) attributes {dimension_semantics = [#tpu.dimension_semantics<core_parallel>, #tpu.dimension_semantics<subcore_parallel>], iteration_bounds = array<i64: 2, 16>, scalar_prefetch = 0 : i64, scratch_operands = 3 : i64, tpu.core_type = #tpu.core_type<sc_vector_subcore>, window_params = [{transform_indices = #map}, {transform_indices = #map}, {transform_indices = #map}]} {
    %mul3A = arith.constant 2 : i32
    %mul3A_0 = arith.muli %arg1, %mul3A : i32
    %add3A = arith.addi %mul3A_0, %arg0 : i32
    %mul3A_1 = arith.constant 128 : i32
    %mul3A_2 = arith.muli %add3A, %mul3A_1 : i32
    %mul3A_3 = arith.constant 50 : i32
    %mul3A_4 = arith.muli %mul3A_2, %mul3A_3 : i32
    "tpu.region"() ({
      %run_scoped3A = tpu.sem_alloc : memref<!tpu.dma_semaphore, #tpu.memory_space<semaphore_mem>>
      %dma_start3A = tpu.memref_slice %arg2[%mul3A_4] : memref<204800xi32, #tpu.memory_space<hbm>> -> memref<6400xi32, #tpu.memory_space<hbm>>
      %dma_start3A_2633 = tpu.memref_slice %arg2[%mul3A_4] : memref<204800xi32, #tpu.memory_space<hbm>> -> memref<6400xi32, #tpu.memory_space<hbm>>
      tpu.enqueue_dma source(%dma_start3A_2633 : memref<6400xi32, #tpu.memory_space<hbm>>) target(%arg5 : memref<6400xi32, #tpu.memory_space<vmem>>) target_semaphore(%run_scoped3A : memref<!tpu.dma_semaphore, #tpu.memory_space<semaphore_mem>>)
      %dma_wait3A = tpu.memref_slice %arg2[%mul3A_4] : memref<204800xi32, #tpu.memory_space<hbm>> -> memref<6400xi32, #tpu.memory_space<hbm>>
      %dma_wait3A_2634 = tpu.memref_slice %arg2[%mul3A_4] : memref<204800xi32, #tpu.memory_space<hbm>> -> memref<6400xi32, #tpu.memory_space<hbm>>
      tpu.wait_dma2 semaphore(%run_scoped3A : memref<!tpu.dma_semaphore, #tpu.memory_space<semaphore_mem>>) src(%dma_wait3A_2634 : memref<6400xi32, #tpu.memory_space<hbm>>) dst(%arg5 : memref<6400xi32, #tpu.memory_space<vmem>>)
      tpu.yield
    }) : () -> ()
    "tpu.region"() ({
      %run_scoped3A = tpu.sem_alloc : memref<!tpu.dma_semaphore, #tpu.memory_space<semaphore_mem>>
      tpu.enqueue_dma source(%arg3 : memref<1000xf32, #tpu.memory_space<hbm>>) target(%arg6 : memref<1000xf32, #tpu.memory_space<vmem>>) target_semaphore(%run_scoped3A : memref<!tpu.dma_semaphore, #tpu.memory_space<semaphore_mem>>)
      tpu.wait_dma2 semaphore(%run_scoped3A : memref<!tpu.dma_semaphore, #tpu.memory_space<semaphore_mem>>) src(%arg3 : memref<1000xf32, #tpu.memory_space<hbm>>) dst(%arg6 : memref<1000xf32, #tpu.memory_space<vmem>>)
      tpu.yield
    }) : () -> ()
    %iota3A = tpu.iota {dimensions = array<i32: 0>} : vector<16xi32>
    %add3A_5 = arith.constant 0 : i32
    %add3A_6 = vector.broadcast %add3A_5 : i32 to vector<16xi32>
    %add3A_7 = arith.addi %add3A_6, %iota3A : vector<16xi32>
    %mul3A_8 = arith.constant 50 : i32
    %mul3A_9 = vector.broadcast %mul3A_8 : i32 to vector<16xi32>
    %mul3A_10 = arith.muli %add3A_7, %mul3A_9 : vector<16xi32>
    %broadcast_in_dim3A = arith.constant 0.000000e+00 : f32
    %broadcast_in_dim3A_11 = vector.broadcast %broadcast_in_dim3A : f32 to vector<16xf32>
    %broadcast_in_dim3A_12 = arith.constant 0.000000e+00 : f32
    %broadcast_in_dim3A_13 = vector.broadcast %broadcast_in_dim3A_12 : f32 to vector<16xf32>
    %broadcast_in_dim3A_14 = arith.constant 0.000000e+00 : f32
    %broadcast_in_dim3A_15 = vector.broadcast %broadcast_in_dim3A_14 : f32 to vector<16xf32>
    %broadcast_in_dim3A_16 = arith.constant 0.000000e+00 : f32
    %broadcast_in_dim3A_17 = vector.broadcast %broadcast_in_dim3A_16 : f32 to vector<16xf32>
    %add3A_18 = arith.constant 0 : i32
    %add3A_19 = vector.broadcast %add3A_18 : i32 to vector<16xi32>
    %add3A_20 = arith.addi %mul3A_10, %add3A_19 : vector<16xi32>
    %gather3A = tpu.vector_load_idx %arg5[%add3A_20] : memref<6400xi32, #tpu.memory_space<vmem>>[vector<16xi32>], vector<16xi32>,
    %gather3A_21 = tpu.vector_load_idx %arg6[%gather3A] : memref<1000xf32, #tpu.memory_space<vmem>>[vector<16xi32>], vector<16xf32>,
    %add3A_22 = arith.addf %broadcast_in_dim3A_11, %gather3A_21 : vector<16xf32>
    %add3A_23 = arith.constant 1 : i32
    %add3A_24 = vector.broadcast %add3A_23 : i32 to vector<16xi32>
    %add3A_25 = arith.addi %mul3A_10, %add3A_24 : vector<16xi32>
    %gather3A_26 = tpu.vector_load_idx %arg5[%add3A_25] : memref<6400xi32, #tpu.memory_space<vmem>>[vector<16xi32>], vector<16xi32>,
    %gather3A_27 = tpu.vector_load_idx %arg6[%gather3A_26] : memref<1000xf32, #tpu.memory_space<vmem>>[vector<16xi32>], vector<16xf32>,
    %add3A_28 = arith.addf %broadcast_in_dim3A_13, %gather3A_27 : vector<16xf32>
    %add3A_29 = arith.constant 2 : i32
    %add3A_30 = vector.broadcast %add3A_29 : i32 to vector<16xi32>
    %add3A_31 = arith.addi %mul3A_10, %add3A_30 : vector<16xi32>
    %gather3A_32 = tpu.vector_load_idx %arg5[%add3A_31] : memref<6400xi32, #tpu.memory_space<vmem>>[vector<16xi32>], vector<16xi32>,
    %gather3A_33 = tpu.vector_load_idx %arg6[%gather3A_32] : memref<1000xf32, #tpu.memory_space<vmem>>[vector<16xi32>], vector<16xf32>,
    %add3A_34 = arith.addf %broadcast_in_dim3A_15, %gather3A_33 : vector<16xf32>
    %add3A_35 = arith.constant 3 : i32
    %add3A_36 = vector.broadcast %add3A_35 : i32 to vector<16xi32>
    %add3A_37 = arith.addi %mul3A_10, %add3A_36 : vector<16xi32>
    %gather3A_38 = tpu.vector_load_idx %arg5[%add3A_37] : memref<6400xi32, #tpu.memory_space<vmem>>[vector<16xi32>], vector<16xi32>,
    %gather3A_39 = tpu.vector_load_idx %arg6[%gather3A_38] : memref<1000xf32, #tpu.memory_space<vmem>>[vector<16xi32>], vector<16xf32>,
    %add3A_40 = arith.addf %broadcast_in_dim3A_17, %gather3A_39 : vector<16xf32>
    %add3A_41 = arith.constant 4 : i32
    %add3A_42 = vector.broadcast %add3A_41 : i32 to vector<16xi32>
    %add3A_43 = arith.addi %mul3A_10, %add3A_42 : vector<16xi32>
    %gather3A_44 = tpu.vector_load_idx %arg5[%add3A_43] : memref<6400xi32, #tpu.memory_space<vmem>>[vector<16xi32>], vector<16xi32>,
    %gather3A_45 = tpu.vector_load_idx %arg6[%gather3A_44] : memref<1000xf32, #tpu.memory_space<vmem>>[vector<16xi32>], vector<16xf32>,
    %add3A_46 = arith.addf %add3A_22, %gather3A_45 : vector<16xf32>
    %add3A_47 = arith.constant 5 : i32
    %add3A_48 = vector.broadcast %add3A_47 : i32 to vector<16xi32>
    %add3A_49 = arith.addi %mul3A_10, %add3A_48 : vector<16xi32>
    %gather3A_50 = tpu.vector_load_idx %arg5[%add3A_49] : memref<6400xi32, #tpu.memory_space<vmem>>[vector<16xi32>], vector<16xi32>,
    %gather3A_51 = tpu.vector_load_idx %arg6[%gather3A_50] : memref<1000xf32, #tpu.memory_space<vmem>>[vector<16xi32>], vector<16xf32>,
    %add3A_52 = arith.addf %add3A_28, %gather3A_51 : vector<16xf32>
    %add3A_53 = arith.constant 6 : i32
    %add3A_54 = vector.broadcast %add3A_53 : i32 to vector<16xi32>
    %add3A_55 = arith.addi %mul3A_10, %add3A_54 : vector<16xi32>
    %gather3A_56 = tpu.vector_load_idx %arg5[%add3A_55] : memref<6400xi32, #tpu.memory_space<vmem>>[vector<16xi32>], vector<16xi32>,
    %gather3A_57 = tpu.vector_load_idx %arg6[%gather3A_56] : memref<1000xf32, #tpu.memory_space<vmem>>[vector<16xi32>], vector<16xf32>,
    %add3A_58 = arith.addf %add3A_34, %gather3A_57 : vector<16xf32>
    %add3A_59 = arith.constant 7 : i32
    %add3A_60 = vector.broadcast %add3A_59 : i32 to vector<16xi32>
    %add3A_61 = arith.addi %mul3A_10, %add3A_60 : vector<16xi32>
    %gather3A_62 = tpu.vector_load_idx %arg5[%add3A_61] : memref<6400xi32, #tpu.memory_space<vmem>>[vector<16xi32>], vector<16xi32>,
    %gather3A_63 = tpu.vector_load_idx %arg6[%gather3A_62] : memref<1000xf32, #tpu.memory_space<vmem>>[vector<16xi32>], vector<16xf32>,
    %add3A_64 = arith.addf %add3A_40, %gather3A_63 : vector<16xf32>
    %add3A_65 = arith.constant 8 : i32
    %add3A_66 = vector.broadcast %add3A_65 : i32 to vector<16xi32>
    %add3A_67 = arith.addi %mul3A_10, %add3A_66 : vector<16xi32>
    %gather3A_68 = tpu.vector_load_idx %arg5[%add3A_67] : memref<6400xi32, #tpu.memory_space<vmem>>[vector<16xi32>], vector<16xi32>,
    %gather3A_69 = tpu.vector_load_idx %arg6[%gather3A_68] : memref<1000xf32, #tpu.memory_space<vmem>>[vector<16xi32>], vector<16xf32>,
    %add3A_70 = arith.addf %add3A_46, %gather3A_69 : vector<16xf32>
    %add3A_71 = arith.constant 9 : i32
    %add3A_72 = vector.broadcast %add3A_71 : i32 to vector<16xi32>
    %add3A_73 = arith.addi %mul3A_10, %add3A_72 : vector<16xi32>
    %gather3A_74 = tpu.vector_load_idx %arg5[%add3A_73] : memref<6400xi32, #tpu.memory_space<vmem>>[vector<16xi32>], vector<16xi32>,
    %gather3A_75 = tpu.vector_load_idx %arg6[%gather3A_74] : memref<1000xf32, #tpu.memory_space<vmem>>[vector<16xi32>], vector<16xf32>,
    %add3A_76 = arith.addf %add3A_52, %gather3A_75 : vector<16xf32>
    %add3A_77 = arith.constant 10 : i32
    %add3A_78 = vector.broadcast %add3A_77 : i32 to vector<16xi32>
    %add3A_79 = arith.addi %mul3A_10, %add3A_78 : vector<16xi32>
    %gather3A_80 = tpu.vector_load_idx %arg5[%add3A_79] : memref<6400xi32, #tpu.memory_space<vmem>>[vector<16xi32>], vector<16xi32>,
    %gather3A_81 = tpu.vector_load_idx %arg6[%gather3A_80] : memref<1000xf32, #tpu.memory_space<vmem>>[vector<16xi32>], vector<16xf32>,
    %add3A_82 = arith.addf %add3A_58, %gather3A_81 : vector<16xf32>
    %add3A_83 = arith.constant 11 : i32
    %add3A_84 = vector.broadcast %add3A_83 : i32 to vector<16xi32>
    %add3A_85 = arith.addi %mul3A_10, %add3A_84 : vector<16xi32>
    %gather3A_86 = tpu.vector_load_idx %arg5[%add3A_85] : memref<6400xi32, #tpu.memory_space<vmem>>[vector<16xi32>], vector<16xi32>,
    %gather3A_87 = tpu.vector_load_idx %arg6[%gather3A_86] : memref<1000xf32, #tpu.memory_space<vmem>>[vector<16xi32>], vector<16xf32>,
    %add3A_88 = arith.addf %add3A_64, %gather3A_87 : vector<16xf32>
    %add3A_89 = arith.constant 12 : i32
    %add3A_90 = vector.broadcast %add3A_89 : i32 to vector<16xi32>
    %add3A_91 = arith.addi %mul3A_10, %add3A_90 : vector<16xi32>
    %gather3A_92 = tpu.vector_load_idx %arg5[%add3A_91] : memref<6400xi32, #tpu.memory_space<vmem>>[vector<16xi32>], vector<16xi32>,
    %gather3A_93 = tpu.vector_load_idx %arg6[%gather3A_92] : memref<1000xf32, #tpu.memory_space<vmem>>[vector<16xi32>], vector<16xf32>,
    %add3A_94 = arith.addf %add3A_70, %gather3A_93 : vector<16xf32>
    %add3A_95 = arith.constant 13 : i32
    %add3A_96 = vector.broadcast %add3A_95 : i32 to vector<16xi32>
    %add3A_97 = arith.addi %mul3A_10, %add3A_96 : vector<16xi32>
    %gather3A_98 = tpu.vector_load_idx %arg5[%add3A_97] : memref<6400xi32, #tpu.memory_space<vmem>>[vector<16xi32>], vector<16xi32>,
    %gather3A_99 = tpu.vector_load_idx %arg6[%gather3A_98] : memref<1000xf32, #tpu.memory_space<vmem>>[vector<16xi32>], vector<16xf32>,
    %add3A_100 = arith.addf %add3A_76, %gather3A_99 : vector<16xf32>
    %add3A_101 = arith.constant 14 : i32
    %add3A_102 = vector.broadcast %add3A_101 : i32 to vector<16xi32>
    %add3A_103 = arith.addi %mul3A_10, %add3A_102 : vector<16xi32>
    %gather3A_104 = tpu.vector_load_idx %arg5[%add3A_103] : memref<6400xi32, #tpu.memory_space<vmem>>[vector<16xi32>], vector<16xi32>,
    %gather3A_105 = tpu.vector_load_idx %arg6[%gather3A_104] : memref<1000xf32, #tpu.memory_space<vmem>>[vector<16xi32>], vector<16xf32>,
    %add3A_106 = arith.addf %add3A_82, %gather3A_105 : vector<16xf32>
    %add3A_107 = arith.constant 15 : i32
    %add3A_108 = vector.broadcast %add3A_107 : i32 to vector<16xi32>
    %add3A_109 = arith.addi %mul3A_10, %add3A_108 : vector<16xi32>
    %gather3A_110 = tpu.vector_load_idx %arg5[%add3A_109] : memref<6400xi32, #tpu.memory_space<vmem>>[vector<16xi32>], vector<16xi32>,
    %gather3A_111 = tpu.vector_load_idx %arg6[%gather3A_110] : memref<1000xf32, #tpu.memory_space<vmem>>[vector<16xi32>], vector<16xf32>,
    %add3A_112 = arith.addf %add3A_88, %gather3A_111 : vector<16xf32>
    %add3A_113 = arith.constant 16 : i32
    %add3A_114 = vector.broadcast %add3A_113 : i32 to vector<16xi32>
    %add3A_115 = arith.addi %mul3A_10, %add3A_114 : vector<16xi32>
    %gather3A_116 = tpu.vector_load_idx %arg5[%add3A_115] : memref<6400xi32, #tpu.memory_space<vmem>>[vector<16xi32>], vector<16xi32>,
    %gather3A_117 = tpu.vector_load_idx %arg6[%gather3A_116] : memref<1000xf32, #tpu.memory_space<vmem>>[vector<16xi32>], vector<16xf32>,
    %add3A_118 = arith.addf %add3A_94, %gather3A_117 : vector<16xf32>
    %add3A_119 = arith.constant 17 : i32
    %add3A_120 = vector.broadcast %add3A_119 : i32 to vector<16xi32>
    %add3A_121 = arith.addi %mul3A_10, %add3A_120 : vector<16xi32>
    %gather3A_122 = tpu.vector_load_idx %arg5[%add3A_121] : memref<6400xi32, #tpu.memory_space<vmem>>[vector<16xi32>], vector<16xi32>,
    %gather3A_123 = tpu.vector_load_idx %arg6[%gather3A_122] : memref<1000xf32, #tpu.memory_space<vmem>>[vector<16xi32>], vector<16xf32>,
    %add3A_124 = arith.addf %add3A_100, %gather3A_123 : vector<16xf32>
    %add3A_125 = arith.constant 18 : i32
    %add3A_126 = vector.broadcast %add3A_125 : i32 to vector<16xi32>
    %add3A_127 = arith.addi %mul3A_10, %add3A_126 : vector<16xi32>
    %gather3A_128 = tpu.vector_load_idx %arg5[%add3A_127] : memref<6400xi32, #tpu.memory_space<vmem>>[vector<16xi32>], vector<16xi32>,
    %gather3A_129 = tpu.vector_load_idx %arg6[%gather3A_128] : memref<1000xf32, #tpu.memory_space<vmem>>[vector<16xi32>], vector<16xf32>,
    %add3A_130 = arith.addf %add3A_106, %gather3A_129 : vector<16xf32>
    %add3A_131 = arith.constant 19 : i32
    %add3A_132 = vector.broadcast %add3A_131 : i32 to vector<16xi32>
    %add3A_133 = arith.addi %mul3A_10, %add3A_132 : vector<16xi32>
    %gather3A_134 = tpu.vector_load_idx %arg5[%add3A_133] : memref<6400xi32, #tpu.memory_space<vmem>>[vector<16xi32>], vector<16xi32>,
    %gather3A_135 = tpu.vector_load_idx %arg6[%gather3A_134] : memref<1000xf32, #tpu.memory_space<vmem>>[vector<16xi32>], vector<16xf32>,
    %add3A_136 = arith.addf %add3A_112, %gather3A_135 : vector<16xf32>
    %add3A_137 = arith.constant 20 : i32
    %add3A_138 = vector.broadcast %add3A_137 : i32 to vector<16xi32>
    %add3A_139 = arith.addi %mul3A_10, %add3A_138 : vector<16xi32>
    %gather3A_140 = tpu.vector_load_idx %arg5[%add3A_139] : memref<6400xi32, #tpu.memory_space<vmem>>[vector<16xi32>], vector<16xi32>,
    %gather3A_141 = tpu.vector_load_idx %arg6[%gather3A_140] : memref<1000xf32, #tpu.memory_space<vmem>>[vector<16xi32>], vector<16xf32>,
    %add3A_142 = arith.addf %add3A_118, %gather3A_141 : vector<16xf32>
    %add3A_143 = arith.constant 21 : i32
    %add3A_144 = vector.broadcast %add3A_143 : i32 to vector<16xi32>
    %add3A_145 = arith.addi %mul3A_10, %add3A_144 : vector<16xi32>
    %gather3A_146 = tpu.vector_load_idx %arg5[%add3A_145] : memref<6400xi32, #tpu.memory_space<vmem>>[vector<16xi32>], vector<16xi32>,
    %gather3A_147 = tpu.vector_load_idx %arg6[%gather3A_146] : memref<1000xf32, #tpu.memory_space<vmem>>[vector<16xi32>], vector<16xf32>,
    %add3A_148 = arith.addf %add3A_124, %gather3A_147 : vector<16xf32>
    %add3A_149 = arith.constant 22 : i32
    %add3A_150 = vector.broadcast %add3A_149 : i32 to vector<16xi32>
    %add3A_151 = arith.addi %mul3A_10, %add3A_150 : vector<16xi32>
    %gather3A_152 = tpu.vector_load_idx %arg5[%add3A_151] : memref<6400xi32, #tpu.memory_space<vmem>>[vector<16xi32>], vector<16xi32>,
    %gather3A_153 = tpu.vector_load_idx %arg6[%gather3A_152] : memref<1000xf32, #tpu.memory_space<vmem>>[vector<16xi32>], vector<16xf32>,
    %add3A_154 = arith.addf %add3A_130, %gather3A_153 : vector<16xf32>
    %add3A_155 = arith.constant 23 : i32
    %add3A_156 = vector.broadcast %add3A_155 : i32 to vector<16xi32>
    %add3A_157 = arith.addi %mul3A_10, %add3A_156 : vector<16xi32>
    %gather3A_158 = tpu.vector_load_idx %arg5[%add3A_157] : memref<6400xi32, #tpu.memory_space<vmem>>[vector<16xi32>], vector<16xi32>,
    %gather3A_159 = tpu.vector_load_idx %arg6[%gather3A_158] : memref<1000xf32, #tpu.memory_space<vmem>>[vector<16xi32>], vector<16xf32>,
    %add3A_160 = arith.addf %add3A_136, %gather3A_159 : vector<16xf32>
    %add3A_161 = arith.constant 24 : i32
    %add3A_162 = vector.broadcast %add3A_161 : i32 to vector<16xi32>
    %add3A_163 = arith.addi %mul3A_10, %add3A_162 : vector<16xi32>
    %gather3A_164 = tpu.vector_load_idx %arg5[%add3A_163] : memref<6400xi32, #tpu.memory_space<vmem>>[vector<16xi32>], vector<16xi32>,
    %gather3A_165 = tpu.vector_load_idx %arg6[%gather3A_164] : memref<1000xf32, #tpu.memory_space<vmem>>[vector<16xi32>], vector<16xf32>,
    %add3A_166 = arith.addf %add3A_142, %gather3A_165 : vector<16xf32>
    %add3A_167 = arith.constant 25 : i32
    %add3A_168 = vector.broadcast %add3A_167 : i32 to vector<16xi32>
    %add3A_169 = arith.addi %mul3A_10, %add3A_168 : vector<16xi32>
    %gather3A_170 = tpu.vector_load_idx %arg5[%add3A_169] : memref<6400xi32, #tpu.memory_space<vmem>>[vector<16xi32>], vector<16xi32>,
    %gather3A_171 = tpu.vector_load_idx %arg6[%gather3A_170] : memref<1000xf32, #tpu.memory_space<vmem>>[vector<16xi32>], vector<16xf32>,
    %add3A_172 = arith.addf %add3A_148, %gather3A_171 : vector<16xf32>
    %add3A_173 = arith.constant 26 : i32
    %add3A_174 = vector.broadcast %add3A_173 : i32 to vector<16xi32>
    %add3A_175 = arith.addi %mul3A_10, %add3A_174 : vector<16xi32>
    %gather3A_176 = tpu.vector_load_idx %arg5[%add3A_175] : memref<6400xi32, #tpu.memory_space<vmem>>[vector<16xi32>], vector<16xi32>,
    %gather3A_177 = tpu.vector_load_idx %arg6[%gather3A_176] : memref<1000xf32, #tpu.memory_space<vmem>>[vector<16xi32>], vector<16xf32>,
    %add3A_178 = arith.addf %add3A_154, %gather3A_177 : vector<16xf32>
    %add3A_179 = arith.constant 27 : i32
    %add3A_180 = vector.broadcast %add3A_179 : i32 to vector<16xi32>
    %add3A_181 = arith.addi %mul3A_10, %add3A_180 : vector<16xi32>
    %gather3A_182 = tpu.vector_load_idx %arg5[%add3A_181] : memref<6400xi32, #tpu.memory_space<vmem>>[vector<16xi32>], vector<16xi32>,
    %gather3A_183 = tpu.vector_load_idx %arg6[%gather3A_182] : memref<1000xf32, #tpu.memory_space<vmem>>[vector<16xi32>], vector<16xf32>,
    %add3A_184 = arith.addf %add3A_160, %gather3A_183 : vector<16xf32>
    %add3A_185 = arith.constant 28 : i32
    %add3A_186 = vector.broadcast %add3A_185 : i32 to vector<16xi32>
    %add3A_187 = arith.addi %mul3A_10, %add3A_186 : vector<16xi32>
    %gather3A_188 = tpu.vector_load_idx %arg5[%add3A_187] : memref<6400xi32, #tpu.memory_space<vmem>>[vector<16xi32>], vector<16xi32>,
    %gather3A_189 = tpu.vector_load_idx %arg6[%gather3A_188] : memref<1000xf32, #tpu.memory_space<vmem>>[vector<16xi32>], vector<16xf32>,
    %add3A_190 = arith.addf %add3A_166, %gather3A_189 : vector<16xf32>
    %add3A_191 = arith.constant 29 : i32
    %add3A_192 = vector.broadcast %add3A_191 : i32 to vector<16xi32>
    %add3A_193 = arith.addi %mul3A_10, %add3A_192 : vector<16xi32>
    %gather3A_194 = tpu.vector_load_idx %arg5[%add3A_193] : memref<6400xi32, #tpu.memory_space<vmem>>[vector<16xi32>], vector<16xi32>,
    %gather3A_195 = tpu.vector_load_idx %arg6[%gather3A_194] : memref<1000xf32, #tpu.memory_space<vmem>>[vector<16xi32>], vector<16xf32>,
    %add3A_196 = arith.addf %add3A_172, %gather3A_195 : vector<16xf32>
    %add3A_197 = arith.constant 30 : i32
    %add3A_198 = vector.broadcast %add3A_197 : i32 to vector<16xi32>
    %add3A_199 = arith.addi %mul3A_10, %add3A_198 : vector<16xi32>
    %gather3A_200 = tpu.vector_load_idx %arg5[%add3A_199] : memref<6400xi32, #tpu.memory_space<vmem>>[vector<16xi32>], vector<16xi32>,
    %gather3A_201 = tpu.vector_load_idx %arg6[%gather3A_200] : memref<1000xf32, #tpu.memory_space<vmem>>[vector<16xi32>], vector<16xf32>,
    %add3A_202 = arith.addf %add3A_178, %gather3A_201 : vector<16xf32>
    %add3A_203 = arith.constant 31 : i32
    %add3A_204 = vector.broadcast %add3A_203 : i32 to vector<16xi32>
    %add3A_205 = arith.addi %mul3A_10, %add3A_204 : vector<16xi32>
    %gather3A_206 = tpu.vector_load_idx %arg5[%add3A_205] : memref<6400xi32, #tpu.memory_space<vmem>>[vector<16xi32>], vector<16xi32>,
    %gather3A_207 = tpu.vector_load_idx %arg6[%gather3A_206] : memref<1000xf32, #tpu.memory_space<vmem>>[vector<16xi32>], vector<16xf32>,
    %add3A_208 = arith.addf %add3A_184, %gather3A_207 : vector<16xf32>
    %add3A_209 = arith.constant 32 : i32
    %add3A_210 = vector.broadcast %add3A_209 : i32 to vector<16xi32>
    %add3A_211 = arith.addi %mul3A_10, %add3A_210 : vector<16xi32>
    %gather3A_212 = tpu.vector_load_idx %arg5[%add3A_211] : memref<6400xi32, #tpu.memory_space<vmem>>[vector<16xi32>], vector<16xi32>,
    %gather3A_213 = tpu.vector_load_idx %arg6[%gather3A_212] : memref<1000xf32, #tpu.memory_space<vmem>>[vector<16xi32>], vector<16xf32>,
    %add3A_214 = arith.addf %add3A_190, %gather3A_213 : vector<16xf32>
    %add3A_215 = arith.constant 33 : i32
    %add3A_216 = vector.broadcast %add3A_215 : i32 to vector<16xi32>
    %add3A_217 = arith.addi %mul3A_10, %add3A_216 : vector<16xi32>
    %gather3A_218 = tpu.vector_load_idx %arg5[%add3A_217] : memref<6400xi32, #tpu.memory_space<vmem>>[vector<16xi32>], vector<16xi32>,
    %gather3A_219 = tpu.vector_load_idx %arg6[%gather3A_218] : memref<1000xf32, #tpu.memory_space<vmem>>[vector<16xi32>], vector<16xf32>,
    %add3A_220 = arith.addf %add3A_196, %gather3A_219 : vector<16xf32>
    %add3A_221 = arith.constant 34 : i32
    %add3A_222 = vector.broadcast %add3A_221 : i32 to vector<16xi32>
    %add3A_223 = arith.addi %mul3A_10, %add3A_222 : vector<16xi32>
    %gather3A_224 = tpu.vector_load_idx %arg5[%add3A_223] : memref<6400xi32, #tpu.memory_space<vmem>>[vector<16xi32>], vector<16xi32>,
    %gather3A_225 = tpu.vector_load_idx %arg6[%gather3A_224] : memref<1000xf32, #tpu.memory_space<vmem>>[vector<16xi32>], vector<16xf32>,
    %add3A_226 = arith.addf %add3A_202, %gather3A_225 : vector<16xf32>
    %add3A_227 = arith.constant 35 : i32
    %add3A_228 = vector.broadcast %add3A_227 : i32 to vector<16xi32>
    %add3A_229 = arith.addi %mul3A_10, %add3A_228 : vector<16xi32>
    %gather3A_230 = tpu.vector_load_idx %arg5[%add3A_229] : memref<6400xi32, #tpu.memory_space<vmem>>[vector<16xi32>], vector<16xi32>,
    %gather3A_231 = tpu.vector_load_idx %arg6[%gather3A_230] : memref<1000xf32, #tpu.memory_space<vmem>>[vector<16xi32>], vector<16xf32>,
    %add3A_232 = arith.addf %add3A_208, %gather3A_231 : vector<16xf32>
    %add3A_233 = arith.constant 36 : i32
    %add3A_234 = vector.broadcast %add3A_233 : i32 to vector<16xi32>
    %add3A_235 = arith.addi %mul3A_10, %add3A_234 : vector<16xi32>
    %gather3A_236 = tpu.vector_load_idx %arg5[%add3A_235] : memref<6400xi32, #tpu.memory_space<vmem>>[vector<16xi32>], vector<16xi32>,
    %gather3A_237 = tpu.vector_load_idx %arg6[%gather3A_236] : memref<1000xf32, #tpu.memory_space<vmem>>[vector<16xi32>], vector<16xf32>,
    %add3A_238 = arith.addf %add3A_214, %gather3A_237 : vector<16xf32>
    %add3A_239 = arith.constant 37 : i32
    %add3A_240 = vector.broadcast %add3A_239 : i32 to vector<16xi32>
    %add3A_241 = arith.addi %mul3A_10, %add3A_240 : vector<16xi32>
    %gather3A_242 = tpu.vector_load_idx %arg5[%add3A_241] : memref<6400xi32, #tpu.memory_space<vmem>>[vector<16xi32>], vector<16xi32>,
    %gather3A_243 = tpu.vector_load_idx %arg6[%gather3A_242] : memref<1000xf32, #tpu.memory_space<vmem>>[vector<16xi32>], vector<16xf32>,
    %add3A_244 = arith.addf %add3A_220, %gather3A_243 : vector<16xf32>
    %add3A_245 = arith.constant 38 : i32
    %add3A_246 = vector.broadcast %add3A_245 : i32 to vector<16xi32>
    %add3A_247 = arith.addi %mul3A_10, %add3A_246 : vector<16xi32>
    %gather3A_248 = tpu.vector_load_idx %arg5[%add3A_247] : memref<6400xi32, #tpu.memory_space<vmem>>[vector<16xi32>], vector<16xi32>,
    %gather3A_249 = tpu.vector_load_idx %arg6[%gather3A_248] : memref<1000xf32, #tpu.memory_space<vmem>>[vector<16xi32>], vector<16xf32>,
    %add3A_250 = arith.addf %add3A_226, %gather3A_249 : vector<16xf32>
    %add3A_251 = arith.constant 39 : i32
    %add3A_252 = vector.broadcast %add3A_251 : i32 to vector<16xi32>
    %add3A_253 = arith.addi %mul3A_10, %add3A_252 : vector<16xi32>
    %gather3A_254 = tpu.vector_load_idx %arg5[%add3A_253] : memref<6400xi32, #tpu.memory_space<vmem>>[vector<16xi32>], vector<16xi32>,
    %gather3A_255 = tpu.vector_load_idx %arg6[%gather3A_254] : memref<1000xf32, #tpu.memory_space<vmem>>[vector<16xi32>], vector<16xf32>,
    %add3A_256 = arith.addf %add3A_232, %gather3A_255 : vector<16xf32>
    %add3A_257 = arith.constant 40 : i32
    %add3A_258 = vector.broadcast %add3A_257 : i32 to vector<16xi32>
    %add3A_259 = arith.addi %mul3A_10, %add3A_258 : vector<16xi32>
    %gather3A_260 = tpu.vector_load_idx %arg5[%add3A_259] : memref<6400xi32, #tpu.memory_space<vmem>>[vector<16xi32>], vector<16xi32>,
    %gather3A_261 = tpu.vector_load_idx %arg6[%gather3A_260] : memref<1000xf32, #tpu.memory_space<vmem>>[vector<16xi32>], vector<16xf32>,
    %add3A_262 = arith.addf %add3A_238, %gather3A_261 : vector<16xf32>
    %add3A_263 = arith.constant 41 : i32
    %add3A_264 = vector.broadcast %add3A_263 : i32 to vector<16xi32>
    %add3A_265 = arith.addi %mul3A_10, %add3A_264 : vector<16xi32>
    %gather3A_266 = tpu.vector_load_idx %arg5[%add3A_265] : memref<6400xi32, #tpu.memory_space<vmem>>[vector<16xi32>], vector<16xi32>,
    %gather3A_267 = tpu.vector_load_idx %arg6[%gather3A_266] : memref<1000xf32, #tpu.memory_space<vmem>>[vector<16xi32>], vector<16xf32>,
    %add3A_268 = arith.addf %add3A_244, %gather3A_267 : vector<16xf32>
    %add3A_269 = arith.constant 42 : i32
    %add3A_270 = vector.broadcast %add3A_269 : i32 to vector<16xi32>
    %add3A_271 = arith.addi %mul3A_10, %add3A_270 : vector<16xi32>
    %gather3A_272 = tpu.vector_load_idx %arg5[%add3A_271] : memref<6400xi32, #tpu.memory_space<vmem>>[vector<16xi32>], vector<16xi32>,
    %gather3A_273 = tpu.vector_load_idx %arg6[%gather3A_272] : memref<1000xf32, #tpu.memory_space<vmem>>[vector<16xi32>], vector<16xf32>,
    %add3A_274 = arith.addf %add3A_250, %gather3A_273 : vector<16xf32>
    %add3A_275 = arith.constant 43 : i32
    %add3A_276 = vector.broadcast %add3A_275 : i32 to vector<16xi32>
    %add3A_277 = arith.addi %mul3A_10, %add3A_276 : vector<16xi32>
    %gather3A_278 = tpu.vector_load_idx %arg5[%add3A_277] : memref<6400xi32, #tpu.memory_space<vmem>>[vector<16xi32>], vector<16xi32>,
    %gather3A_279 = tpu.vector_load_idx %arg6[%gather3A_278] : memref<1000xf32, #tpu.memory_space<vmem>>[vector<16xi32>], vector<16xf32>,
    %add3A_280 = arith.addf %add3A_256, %gather3A_279 : vector<16xf32>
    %add3A_281 = arith.constant 44 : i32
    %add3A_282 = vector.broadcast %add3A_281 : i32 to vector<16xi32>
    %add3A_283 = arith.addi %mul3A_10, %add3A_282 : vector<16xi32>
    %gather3A_284 = tpu.vector_load_idx %arg5[%add3A_283] : memref<6400xi32, #tpu.memory_space<vmem>>[vector<16xi32>], vector<16xi32>,
    %gather3A_285 = tpu.vector_load_idx %arg6[%gather3A_284] : memref<1000xf32, #tpu.memory_space<vmem>>[vector<16xi32>], vector<16xf32>,
    %add3A_286 = arith.addf %add3A_262, %gather3A_285 : vector<16xf32>
    %add3A_287 = arith.constant 45 : i32
    %add3A_288 = vector.broadcast %add3A_287 : i32 to vector<16xi32>
    %add3A_289 = arith.addi %mul3A_10, %add3A_288 : vector<16xi32>
    %gather3A_290 = tpu.vector_load_idx %arg5[%add3A_289] : memref<6400xi32, #tpu.memory_space<vmem>>[vector<16xi32>], vector<16xi32>,
    %gather3A_291 = tpu.vector_load_idx %arg6[%gather3A_290] : memref<1000xf32, #tpu.memory_space<vmem>>[vector<16xi32>], vector<16xf32>,
    %add3A_292 = arith.addf %add3A_268, %gather3A_291 : vector<16xf32>
    %add3A_293 = arith.constant 46 : i32
    %add3A_294 = vector.broadcast %add3A_293 : i32 to vector<16xi32>
    %add3A_295 = arith.addi %mul3A_10, %add3A_294 : vector<16xi32>
    %gather3A_296 = tpu.vector_load_idx %arg5[%add3A_295] : memref<6400xi32, #tpu.memory_space<vmem>>[vector<16xi32>], vector<16xi32>,
    %gather3A_297 = tpu.vector_load_idx %arg6[%gather3A_296] : memref<1000xf32, #tpu.memory_space<vmem>>[vector<16xi32>], vector<16xf32>,
    %add3A_298 = arith.addf %add3A_274, %gather3A_297 : vector<16xf32>
    %add3A_299 = arith.constant 47 : i32
    %add3A_300 = vector.broadcast %add3A_299 : i32 to vector<16xi32>
    %add3A_301 = arith.addi %mul3A_10, %add3A_300 : vector<16xi32>
    %gather3A_302 = tpu.vector_load_idx %arg5[%add3A_301] : memref<6400xi32, #tpu.memory_space<vmem>>[vector<16xi32>], vector<16xi32>,
    %gather3A_303 = tpu.vector_load_idx %arg6[%gather3A_302] : memref<1000xf32, #tpu.memory_space<vmem>>[vector<16xi32>], vector<16xf32>,
    %add3A_304 = arith.addf %add3A_280, %gather3A_303 : vector<16xf32>
    %add3A_305 = arith.constant 48 : i32
    %add3A_306 = vector.broadcast %add3A_305 : i32 to vector<16xi32>
    %add3A_307 = arith.addi %mul3A_10, %add3A_306 : vector<16xi32>
    %gather3A_308 = tpu.vector_load_idx %arg5[%add3A_307] : memref<6400xi32, #tpu.memory_space<vmem>>[vector<16xi32>], vector<16xi32>,
    %gather3A_309 = tpu.vector_load_idx %arg6[%gather3A_308] : memref<1000xf32, #tpu.memory_space<vmem>>[vector<16xi32>], vector<16xf32>,
    %add3A_310 = arith.addf %add3A_286, %gather3A_309 : vector<16xf32>
    %add3A_311 = arith.constant 49 : i32
    %add3A_312 = vector.broadcast %add3A_311 : i32 to vector<16xi32>
    %add3A_313 = arith.addi %mul3A_10, %add3A_312 : vector<16xi32>
    %gather3A_314 = tpu.vector_load_idx %arg5[%add3A_313] : memref<6400xi32, #tpu.memory_space<vmem>>[vector<16xi32>], vector<16xi32>,
    %gather3A_315 = tpu.vector_load_idx %arg6[%gather3A_314] : memref<1000xf32, #tpu.memory_space<vmem>>[vector<16xi32>], vector<16xf32>,
    %add3A_316 = arith.addf %add3A_292, %gather3A_315 : vector<16xf32>
    %add3A_317 = arith.addf %add3A_310, %add3A_316 : vector<16xf32>
    %add3A_318 = arith.addf %add3A_298, %add3A_304 : vector<16xf32>
    %add3A_319 = arith.addf %add3A_317, %add3A_318 : vector<16xf32>
    %neg3A = arith.constant 0.000000e+00 : f32
    %neg3A_320 = vector.broadcast %neg3A : f32 to vector<16xf32>
    %neg3A_321 = arith.subf %neg3A_320, %add3A_319 : vector<16xf32>
    %exp3A = math.exp %neg3A_321 : vector<16xf32>
    %add3A_322 = arith.constant 1.000000e+00 : f32
    %add3A_323 = vector.broadcast %add3A_322 : f32 to vector<16xf32>
    %add3A_324 = arith.addf %add3A_323, %exp3A : vector<16xf32>
    %div3A = arith.constant 1.000000e+00 : f32
    %div3A_325 = vector.broadcast %div3A : f32 to vector<16xf32>
    %div3A_326 = arith.divf %div3A_325, %add3A_324 : vector<16xf32>
    %swap3A = arith.constant 0 : index
    %swap3A_327 = tpu.vector_load %arg7[%swap3A] {strides = array<i32>} : memref<128xf32, #tpu.memory_space<vmem>>, vector<16xf32>,
    tpu.vector_store %arg7[%swap3A], %div3A_326 {strides = array<i32>} : memref<128xf32, #tpu.memory_space<vmem>>, vector<16xf32>,
    %add3A_328 = arith.constant 16 : i32
    %add3A_329 = vector.broadcast %add3A_328 : i32 to vector<16xi32>
    %add3A_330 = arith.addi %add3A_329, %iota3A : vector<16xi32>
    %mul3A_331 = arith.constant 50 : i32
    %mul3A_332 = vector.broadcast %mul3A_331 : i32 to vector<16xi32>
    %mul3A_333 = arith.muli %add3A_330, %mul3A_332 : vector<16xi32>
    %broadcast_in_dim3A_334 = arith.constant 0.000000e+00 : f32
    %broadcast_in_dim3A_335 = vector.broadcast %broadcast_in_dim3A_334 : f32 to vector<16xf32>
    %broadcast_in_dim3A_336 = arith.constant 0.000000e+00 : f32
    %broadcast_in_dim3A_337 = vector.broadcast %broadcast_in_dim3A_336 : f32 to vector<16xf32>
    %broadcast_in_dim3A_338 = arith.constant 0.000000e+00 : f32
    %broadcast_in_dim3A_339 = vector.broadcast %broadcast_in_dim3A_338 : f32 to vector<16xf32>
    %broadcast_in_dim3A_340 = arith.constant 0.000000e+00 : f32
    %broadcast_in_dim3A_341 = vector.broadcast %broadcast_in_dim3A_340 : f32 to vector<16xf32>
    %add3A_342 = arith.constant 0 : i32
    %add3A_343 = vector.broadcast %add3A_342 : i32 to vector<16xi32>
    %add3A_344 = arith.addi %mul3A_333, %add3A_343 : vector<16xi32>
    %gather3A_345 = tpu.vector_load_idx %arg5[%add3A_344] : memref<6400xi32, #tpu.memory_space<vmem>>[vector<16xi32>], vector<16xi32>,
    %gather3A_346 = tpu.vector_load_idx %arg6[%gather3A_345] : memref<1000xf32, #tpu.memory_space<vmem>>[vector<16xi32>], vector<16xf32>,
    %add3A_347 = arith.addf %broadcast_in_dim3A_335, %gather3A_346 : vector<16xf32>
    %add3A_348 = arith.constant 1 : i32
    %add3A_349 = vector.broadcast %add3A_348 : i32 to vector<16xi32>
    %add3A_350 = arith.addi %mul3A_333, %add3A_349 : vector<16xi32>
    %gather3A_351 = tpu.vector_load_idx %arg5[%add3A_350] : memref<6400xi32, #tpu.memory_space<vmem>>[vector<16xi32>], vector<16xi32>,
    %gather3A_352 = tpu.vector_load_idx %arg6[%gather3A_351] : memref<1000xf32, #tpu.memory_space<vmem>>[vector<16xi32>], vector<16xf32>,
    %add3A_353 = arith.addf %broadcast_in_dim3A_337, %gather3A_352 : vector<16xf32>
    %add3A_354 = arith.constant 2 : i32
    %add3A_355 = vector.broadcast %add3A_354 : i32 to vector<16xi32>
    %add3A_356 = arith.addi %mul3A_333, %add3A_355 : vector<16xi32>
    %gather3A_357 = tpu.vector_load_idx %arg5[%add3A_356] : memref<6400xi32, #tpu.memory_space<vmem>>[vector<16xi32>], vector<16xi32>,
    %gather3A_358 = tpu.vector_load_idx %arg6[%gather3A_357] : memref<1000xf32, #tpu.memory_space<vmem>>[vector<16xi32>], vector<16xf32>,
    %add3A_359 = arith.addf %broadcast_in_dim3A_339, %gather3A_358 : vector<16xf32>
    %add3A_360 = arith.constant 3 : i32
    %add3A_361 = vector.broadcast %add3A_360 : i32 to vector<16xi32>
    %add3A_362 = arith.addi %mul3A_333, %add3A_361 : vector<16xi32>
    %gather3A_363 = tpu.vector_load_idx %arg5[%add3A_362] : memref<6400xi32, #tpu.memory_space<vmem>>[vector<16xi32>], vector<16xi32>,
    %gather3A_364 = tpu.vector_load_idx %arg6[%gather3A_363] : memref<1000xf32, #tpu.memory_space<vmem>>[vector<16xi32>], vector<16xf32>,
    %add3A_365 = arith.addf %broadcast_in_dim3A_341, %gather3A_364 : vector<16xf32>
    %add3A_366 = arith.constant 4 : i32
    %add3A_367 = vector.broadcast %add3A_366 : i32 to vector<16xi32>
    %add3A_368 = arith.addi %mul3A_333, %add3A_367 : vector<16xi32>
    %gather3A_369 = tpu.vector_load_idx %arg5[%add3A_368] : memref<6400xi32, #tpu.memory_space<vmem>>[vector<16xi32>], vector<16xi32>,
    %gather3A_370 = tpu.vector_load_idx %arg6[%gather3A_369] : memref<1000xf32, #tpu.memory_space<vmem>>[vector<16xi32>], vector<16xf32>,
    %add3A_371 = arith.addf %add3A_347, %gather3A_370 : vector<16xf32>
    %add3A_372 = arith.constant 5 : i32
    %add3A_373 = vector.broadcast %add3A_372 : i32 to vector<16xi32>
    %add3A_374 = arith.addi %mul3A_333, %add3A_373 : vector<16xi32>
    %gather3A_375 = tpu.vector_load_idx %arg5[%add3A_374] : memref<6400xi32, #tpu.memory_space<vmem>>[vector<16xi32>], vector<16xi32>,
    %gather3A_376 = tpu.vector_load_idx %arg6[%gather3A_375] : memref<1000xf32, #tpu.memory_space<vmem>>[vector<16xi32>], vector<16xf32>,
    %add3A_377 = arith.addf %add3A_353, %gather3A_376 : vector<16xf32>
    %add3A_378 = arith.constant 6 : i32
    %add3A_379 = vector.broadcast %add3A_378 : i32 to vector<16xi32>
    %add3A_380 = arith.addi %mul3A_333, %add3A_379 : vector<16xi32>
    %gather3A_381 = tpu.vector_load_idx %arg5[%add3A_380] : memref<6400xi32, #tpu.memory_space<vmem>>[vector<16xi32>], vector<16xi32>,
    %gather3A_382 = tpu.vector_load_idx %arg6[%gather3A_381] : memref<1000xf32, #tpu.memory_space<vmem>>[vector<16xi32>], vector<16xf32>,
    %add3A_383 = arith.addf %add3A_359, %gather3A_382 : vector<16xf32>
    %add3A_384 = arith.constant 7 : i32
    %add3A_385 = vector.broadcast %add3A_384 : i32 to vector<16xi32>
    %add3A_386 = arith.addi %mul3A_333, %add3A_385 : vector<16xi32>
    %gather3A_387 = tpu.vector_load_idx %arg5[%add3A_386] : memref<6400xi32, #tpu.memory_space<vmem>>[vector<16xi32>], vector<16xi32>,
    %gather3A_388 = tpu.vector_load_idx %arg6[%gather3A_387] : memref<1000xf32, #tpu.memory_space<vmem>>[vector<16xi32>], vector<16xf32>,
    %add3A_389 = arith.addf %add3A_365, %gather3A_388 : vector<16xf32>
    %add3A_390 = arith.constant 8 : i32
    %add3A_391 = vector.broadcast %add3A_390 : i32 to vector<16xi32>
    %add3A_392 = arith.addi %mul3A_333, %add3A_391 : vector<16xi32>
    %gather3A_393 = tpu.vector_load_idx %arg5[%add3A_392] : memref<6400xi32, #tpu.memory_space<vmem>>[vector<16xi32>], vector<16xi32>,
    %gather3A_394 = tpu.vector_load_idx %arg6[%gather3A_393] : memref<1000xf32, #tpu.memory_space<vmem>>[vector<16xi32>], vector<16xf32>,
    %add3A_395 = arith.addf %add3A_371, %gather3A_394 : vector<16xf32>
    %add3A_396 = arith.constant 9 : i32
    %add3A_397 = vector.broadcast %add3A_396 : i32 to vector<16xi32>
    %add3A_398 = arith.addi %mul3A_333, %add3A_397 : vector<16xi32>
    %gather3A_399 = tpu.vector_load_idx %arg5[%add3A_398] : memref<6400xi32, #tpu.memory_space<vmem>>[vector<16xi32>], vector<16xi32>,
    %gather3A_400 = tpu.vector_load_idx %arg6[%gather3A_399] : memref<1000xf32, #tpu.memory_space<vmem>>[vector<16xi32>], vector<16xf32>,
    %add3A_401 = arith.addf %add3A_377, %gather3A_400 : vector<16xf32>
    %add3A_402 = arith.constant 10 : i32
    %add3A_403 = vector.broadcast %add3A_402 : i32 to vector<16xi32>
    %add3A_404 = arith.addi %mul3A_333, %add3A_403 : vector<16xi32>
    %gather3A_405 = tpu.vector_load_idx %arg5[%add3A_404] : memref<6400xi32, #tpu.memory_space<vmem>>[vector<16xi32>], vector<16xi32>,
    %gather3A_406 = tpu.vector_load_idx %arg6[%gather3A_405] : memref<1000xf32, #tpu.memory_space<vmem>>[vector<16xi32>], vector<16xf32>,
    %add3A_407 = arith.addf %add3A_383, %gather3A_406 : vector<16xf32>
    %add3A_408 = arith.constant 11 : i32
    %add3A_409 = vector.broadcast %add3A_408 : i32 to vector<16xi32>
    %add3A_410 = arith.addi %mul3A_333, %add3A_409 : vector<16xi32>
    %gather3A_411 = tpu.vector_load_idx %arg5[%add3A_410] : memref<6400xi32, #tpu.memory_space<vmem>>[vector<16xi32>], vector<16xi32>,
    %gather3A_412 = tpu.vector_load_idx %arg6[%gather3A_411] : memref<1000xf32, #tpu.memory_space<vmem>>[vector<16xi32>], vector<16xf32>,
    %add3A_413 = arith.addf %add3A_389, %gather3A_412 : vector<16xf32>
    %add3A_414 = arith.constant 12 : i32
    %add3A_415 = vector.broadcast %add3A_414 : i32 to vector<16xi32>
    %add3A_416 = arith.addi %mul3A_333, %add3A_415 : vector<16xi32>
    %gather3A_417 = tpu.vector_load_idx %arg5[%add3A_416] : memref<6400xi32, #tpu.memory_space<vmem>>[vector<16xi32>], vector<16xi32>,
    %gather3A_418 = tpu.vector_load_idx %arg6[%gather3A_417] : memref<1000xf32, #tpu.memory_space<vmem>>[vector<16xi32>], vector<16xf32>,
    %add3A_419 = arith.addf %add3A_395, %gather3A_418 : vector<16xf32>
    %add3A_420 = arith.constant 13 : i32
    %add3A_421 = vector.broadcast %add3A_420 : i32 to vector<16xi32>
    %add3A_422 = arith.addi %mul3A_333, %add3A_421 : vector<16xi32>
    %gather3A_423 = tpu.vector_load_idx %arg5[%add3A_422] : memref<6400xi32, #tpu.memory_space<vmem>>[vector<16xi32>], vector<16xi32>,
    %gather3A_424 = tpu.vector_load_idx %arg6[%gather3A_423] : memref<1000xf32, #tpu.memory_space<vmem>>[vector<16xi32>], vector<16xf32>,
    %add3A_425 = arith.addf %add3A_401, %gather3A_424 : vector<16xf32>
    %add3A_426 = arith.constant 14 : i32
    %add3A_427 = vector.broadcast %add3A_426 : i32 to vector<16xi32>
    %add3A_428 = arith.addi %mul3A_333, %add3A_427 : vector<16xi32>
    %gather3A_429 = tpu.vector_load_idx %arg5[%add3A_428] : memref<6400xi32, #tpu.memory_space<vmem>>[vector<16xi32>], vector<16xi32>,
    %gather3A_430 = tpu.vector_load_idx %arg6[%gather3A_429] : memref<1000xf32, #tpu.memory_space<vmem>>[vector<16xi32>], vector<16xf32>,
    %add3A_431 = arith.addf %add3A_407, %gather3A_430 : vector<16xf32>
    %add3A_432 = arith.constant 15 : i32
    %add3A_433 = vector.broadcast %add3A_432 : i32 to vector<16xi32>
    %add3A_434 = arith.addi %mul3A_333, %add3A_433 : vector<16xi32>
    %gather3A_435 = tpu.vector_load_idx %arg5[%add3A_434] : memref<6400xi32, #tpu.memory_space<vmem>>[vector<16xi32>], vector<16xi32>,
    %gather3A_436 = tpu.vector_load_idx %arg6[%gather3A_435] : memref<1000xf32, #tpu.memory_space<vmem>>[vector<16xi32>], vector<16xf32>,
    %add3A_437 = arith.addf %add3A_413, %gather3A_436 : vector<16xf32>
    %add3A_438 = arith.constant 16 : i32
    %add3A_439 = vector.broadcast %add3A_438 : i32 to vector<16xi32>
    %add3A_440 = arith.addi %mul3A_333, %add3A_439 : vector<16xi32>
    %gather3A_441 = tpu.vector_load_idx %arg5[%add3A_440] : memref<6400xi32, #tpu.memory_space<vmem>>[vector<16xi32>], vector<16xi32>,
    %gather3A_442 = tpu.vector_load_idx %arg6[%gather3A_441] : memref<1000xf32, #tpu.memory_space<vmem>>[vector<16xi32>], vector<16xf32>,
    %add3A_443 = arith.addf %add3A_419, %gather3A_442 : vector<16xf32>
    %add3A_444 = arith.constant 17 : i32
    %add3A_445 = vector.broadcast %add3A_444 : i32 to vector<16xi32>
    %add3A_446 = arith.addi %mul3A_333, %add3A_445 : vector<16xi32>
    %gather3A_447 = tpu.vector_load_idx %arg5[%add3A_446] : memref<6400xi32, #tpu.memory_space<vmem>>[vector<16xi32>], vector<16xi32>,
    %gather3A_448 = tpu.vector_load_idx %arg6[%gather3A_447] : memref<1000xf32, #tpu.memory_space<vmem>>[vector<16xi32>], vector<16xf32>,
    %add3A_449 = arith.addf %add3A_425, %gather3A_448 : vector<16xf32>
    %add3A_450 = arith.constant 18 : i32
    %add3A_451 = vector.broadcast %add3A_450 : i32 to vector<16xi32>
    %add3A_452 = arith.addi %mul3A_333, %add3A_451 : vector<16xi32>
    %gather3A_453 = tpu.vector_load_idx %arg5[%add3A_452] : memref<6400xi32, #tpu.memory_space<vmem>>[vector<16xi32>], vector<16xi32>,
    %gather3A_454 = tpu.vector_load_idx %arg6[%gather3A_453] : memref<1000xf32, #tpu.memory_space<vmem>>[vector<16xi32>], vector<16xf32>,
    %add3A_455 = arith.addf %add3A_431, %gather3A_454 : vector<16xf32>
    %add3A_456 = arith.constant 19 : i32
    %add3A_457 = vector.broadcast %add3A_456 : i32 to vector<16xi32>
    %add3A_458 = arith.addi %mul3A_333, %add3A_457 : vector<16xi32>
    %gather3A_459 = tpu.vector_load_idx %arg5[%add3A_458] : memref<6400xi32, #tpu.memory_space<vmem>>[vector<16xi32>], vector<16xi32>,
    %gather3A_460 = tpu.vector_load_idx %arg6[%gather3A_459] : memref<1000xf32, #tpu.memory_space<vmem>>[vector<16xi32>], vector<16xf32>,
    %add3A_461 = arith.addf %add3A_437, %gather3A_460 : vector<16xf32>
    %add3A_462 = arith.constant 20 : i32
    %add3A_463 = vector.broadcast %add3A_462 : i32 to vector<16xi32>
    %add3A_464 = arith.addi %mul3A_333, %add3A_463 : vector<16xi32>
    %gather3A_465 = tpu.vector_load_idx %arg5[%add3A_464] : memref<6400xi32, #tpu.memory_space<vmem>>[vector<16xi32>], vector<16xi32>,
    %gather3A_466 = tpu.vector_load_idx %arg6[%gather3A_465] : memref<1000xf32, #tpu.memory_space<vmem>>[vector<16xi32>], vector<16xf32>,
    %add3A_467 = arith.addf %add3A_443, %gather3A_466 : vector<16xf32>
    %add3A_468 = arith.constant 21 : i32
    %add3A_469 = vector.broadcast %add3A_468 : i32 to vector<16xi32>
    %add3A_470 = arith.addi %mul3A_333, %add3A_469 : vector<16xi32>
    %gather3A_471 = tpu.vector_load_idx %arg5[%add3A_470] : memref<6400xi32, #tpu.memory_space<vmem>>[vector<16xi32>], vector<16xi32>,
    %gather3A_472 = tpu.vector_load_idx %arg6[%gather3A_471] : memref<1000xf32, #tpu.memory_space<vmem>>[vector<16xi32>], vector<16xf32>,
    %add3A_473 = arith.addf %add3A_449, %gather3A_472 : vector<16xf32>
    %add3A_474 = arith.constant 22 : i32
    %add3A_475 = vector.broadcast %add3A_474 : i32 to vector<16xi32>
    %add3A_476 = arith.addi %mul3A_333, %add3A_475 : vector<16xi32>
    %gather3A_477 = tpu.vector_load_idx %arg5[%add3A_476] : memref<6400xi32, #tpu.memory_space<vmem>>[vector<16xi32>], vector<16xi32>,
    %gather3A_478 = tpu.vector_load_idx %arg6[%gather3A_477] : memref<1000xf32, #tpu.memory_space<vmem>>[vector<16xi32>], vector<16xf32>,
    %add3A_479 = arith.addf %add3A_455, %gather3A_478 : vector<16xf32>
    %add3A_480 = arith.constant 23 : i32
    %add3A_481 = vector.broadcast %add3A_480 : i32 to vector<16xi32>
    %add3A_482 = arith.addi %mul3A_333, %add3A_481 : vector<16xi32>
    %gather3A_483 = tpu.vector_load_idx %arg5[%add3A_482] : memref<6400xi32, #tpu.memory_space<vmem>>[vector<16xi32>], vector<16xi32>,
    %gather3A_484 = tpu.vector_load_idx %arg6[%gather3A_483] : memref<1000xf32, #tpu.memory_space<vmem>>[vector<16xi32>], vector<16xf32>,
    %add3A_485 = arith.addf %add3A_461, %gather3A_484 : vector<16xf32>
    %add3A_486 = arith.constant 24 : i32
    %add3A_487 = vector.broadcast %add3A_486 : i32 to vector<16xi32>
    %add3A_488 = arith.addi %mul3A_333, %add3A_487 : vector<16xi32>
    %gather3A_489 = tpu.vector_load_idx %arg5[%add3A_488] : memref<6400xi32, #tpu.memory_space<vmem>>[vector<16xi32>], vector<16xi32>,
    %gather3A_490 = tpu.vector_load_idx %arg6[%gather3A_489] : memref<1000xf32, #tpu.memory_space<vmem>>[vector<16xi32>], vector<16xf32>,
    %add3A_491 = arith.addf %add3A_467, %gather3A_490 : vector<16xf32>
    %add3A_492 = arith.constant 25 : i32
    %add3A_493 = vector.broadcast %add3A_492 : i32 to vector<16xi32>
    %add3A_494 = arith.addi %mul3A_333, %add3A_493 : vector<16xi32>
    %gather3A_495 = tpu.vector_load_idx %arg5[%add3A_494] : memref<6400xi32, #tpu.memory_space<vmem>>[vector<16xi32>], vector<16xi32>,
    %gather3A_496 = tpu.vector_load_idx %arg6[%gather3A_495] : memref<1000xf32, #tpu.memory_space<vmem>>[vector<16xi32>], vector<16xf32>,
    %add3A_497 = arith.addf %add3A_473, %gather3A_496 : vector<16xf32>
    %add3A_498 = arith.constant 26 : i32
    %add3A_499 = vector.broadcast %add3A_498 : i32 to vector<16xi32>
    %add3A_500 = arith.addi %mul3A_333, %add3A_499 : vector<16xi32>
    %gather3A_501 = tpu.vector_load_idx %arg5[%add3A_500] : memref<6400xi32, #tpu.memory_space<vmem>>[vector<16xi32>], vector<16xi32>,
    %gather3A_502 = tpu.vector_load_idx %arg6[%gather3A_501] : memref<1000xf32, #tpu.memory_space<vmem>>[vector<16xi32>], vector<16xf32>,
    %add3A_503 = arith.addf %add3A_479, %gather3A_502 : vector<16xf32>
    %add3A_504 = arith.constant 27 : i32
    %add3A_505 = vector.broadcast %add3A_504 : i32 to vector<16xi32>
    %add3A_506 = arith.addi %mul3A_333, %add3A_505 : vector<16xi32>
    %gather3A_507 = tpu.vector_load_idx %arg5[%add3A_506] : memref<6400xi32, #tpu.memory_space<vmem>>[vector<16xi32>], vector<16xi32>,
    %gather3A_508 = tpu.vector_load_idx %arg6[%gather3A_507] : memref<1000xf32, #tpu.memory_space<vmem>>[vector<16xi32>], vector<16xf32>,
    %add3A_509 = arith.addf %add3A_485, %gather3A_508 : vector<16xf32>
    %add3A_510 = arith.constant 28 : i32
    %add3A_511 = vector.broadcast %add3A_510 : i32 to vector<16xi32>
    %add3A_512 = arith.addi %mul3A_333, %add3A_511 : vector<16xi32>
    %gather3A_513 = tpu.vector_load_idx %arg5[%add3A_512] : memref<6400xi32, #tpu.memory_space<vmem>>[vector<16xi32>], vector<16xi32>,
    %gather3A_514 = tpu.vector_load_idx %arg6[%gather3A_513] : memref<1000xf32, #tpu.memory_space<vmem>>[vector<16xi32>], vector<16xf32>,
    %add3A_515 = arith.addf %add3A_491, %gather3A_514 : vector<16xf32>
    %add3A_516 = arith.constant 29 : i32
    %add3A_517 = vector.broadcast %add3A_516 : i32 to vector<16xi32>
    %add3A_518 = arith.addi %mul3A_333, %add3A_517 : vector<16xi32>
    %gather3A_519 = tpu.vector_load_idx %arg5[%add3A_518] : memref<6400xi32, #tpu.memory_space<vmem>>[vector<16xi32>], vector<16xi32>,
    %gather3A_520 = tpu.vector_load_idx %arg6[%gather3A_519] : memref<1000xf32, #tpu.memory_space<vmem>>[vector<16xi32>], vector<16xf32>,
    %add3A_521 = arith.addf %add3A_497, %gather3A_520 : vector<16xf32>
    %add3A_522 = arith.constant 30 : i32
    %add3A_523 = vector.broadcast %add3A_522 : i32 to vector<16xi32>
    %add3A_524 = arith.addi %mul3A_333, %add3A_523 : vector<16xi32>
    %gather3A_525 = tpu.vector_load_idx %arg5[%add3A_524] : memref<6400xi32, #tpu.memory_space<vmem>>[vector<16xi32>], vector<16xi32>,
    %gather3A_526 = tpu.vector_load_idx %arg6[%gather3A_525] : memref<1000xf32, #tpu.memory_space<vmem>>[vector<16xi32>], vector<16xf32>,
    %add3A_527 = arith.addf %add3A_503, %gather3A_526 : vector<16xf32>
    %add3A_528 = arith.constant 31 : i32
    %add3A_529 = vector.broadcast %add3A_528 : i32 to vector<16xi32>
    %add3A_530 = arith.addi %mul3A_333, %add3A_529 : vector<16xi32>
    %gather3A_531 = tpu.vector_load_idx %arg5[%add3A_530] : memref<6400xi32, #tpu.memory_space<vmem>>[vector<16xi32>], vector<16xi32>,
    %gather3A_532 = tpu.vector_load_idx %arg6[%gather3A_531] : memref<1000xf32, #tpu.memory_space<vmem>>[vector<16xi32>], vector<16xf32>,
    %add3A_533 = arith.addf %add3A_509, %gather3A_532 : vector<16xf32>
    %add3A_534 = arith.constant 32 : i32
    %add3A_535 = vector.broadcast %add3A_534 : i32 to vector<16xi32>
    %add3A_536 = arith.addi %mul3A_333, %add3A_535 : vector<16xi32>
    %gather3A_537 = tpu.vector_load_idx %arg5[%add3A_536] : memref<6400xi32, #tpu.memory_space<vmem>>[vector<16xi32>], vector<16xi32>,
    %gather3A_538 = tpu.vector_load_idx %arg6[%gather3A_537] : memref<1000xf32, #tpu.memory_space<vmem>>[vector<16xi32>], vector<16xf32>,
    %add3A_539 = arith.addf %add3A_515, %gather3A_538 : vector<16xf32>
    %add3A_540 = arith.constant 33 : i32
    %add3A_541 = vector.broadcast %add3A_540 : i32 to vector<16xi32>
    %add3A_542 = arith.addi %mul3A_333, %add3A_541 : vector<16xi32>
    %gather3A_543 = tpu.vector_load_idx %arg5[%add3A_542] : memref<6400xi32, #tpu.memory_space<vmem>>[vector<16xi32>], vector<16xi32>,
    %gather3A_544 = tpu.vector_load_idx %arg6[%gather3A_543] : memref<1000xf32, #tpu.memory_space<vmem>>[vector<16xi32>], vector<16xf32>,
    %add3A_545 = arith.addf %add3A_521, %gather3A_544 : vector<16xf32>
    %add3A_546 = arith.constant 34 : i32
    %add3A_547 = vector.broadcast %add3A_546 : i32 to vector<16xi32>
    %add3A_548 = arith.addi %mul3A_333, %add3A_547 : vector<16xi32>
    %gather3A_549 = tpu.vector_load_idx %arg5[%add3A_548] : memref<6400xi32, #tpu.memory_space<vmem>>[vector<16xi32>], vector<16xi32>,
    %gather3A_550 = tpu.vector_load_idx %arg6[%gather3A_549] : memref<1000xf32, #tpu.memory_space<vmem>>[vector<16xi32>], vector<16xf32>,
    %add3A_551 = arith.addf %add3A_527, %gather3A_550 : vector<16xf32>
    %add3A_552 = arith.constant 35 : i32
    %add3A_553 = vector.broadcast %add3A_552 : i32 to vector<16xi32>
    %add3A_554 = arith.addi %mul3A_333, %add3A_553 : vector<16xi32>
    %gather3A_555 = tpu.vector_load_idx %arg5[%add3A_554] : memref<6400xi32, #tpu.memory_space<vmem>>[vector<16xi32>], vector<16xi32>,
    %gather3A_556 = tpu.vector_load_idx %arg6[%gather3A_555] : memref<1000xf32, #tpu.memory_space<vmem>>[vector<16xi32>], vector<16xf32>,
    %add3A_557 = arith.addf %add3A_533, %gather3A_556 : vector<16xf32>
    %add3A_558 = arith.constant 36 : i32
    %add3A_559 = vector.broadcast %add3A_558 : i32 to vector<16xi32>
    %add3A_560 = arith.addi %mul3A_333, %add3A_559 : vector<16xi32>
    %gather3A_561 = tpu.vector_load_idx %arg5[%add3A_560] : memref<6400xi32, #tpu.memory_space<vmem>>[vector<16xi32>], vector<16xi32>,
    %gather3A_562 = tpu.vector_load_idx %arg6[%gather3A_561] : memref<1000xf32, #tpu.memory_space<vmem>>[vector<16xi32>], vector<16xf32>,
    %add3A_563 = arith.addf %add3A_539, %gather3A_562 : vector<16xf32>
    %add3A_564 = arith.constant 37 : i32
    %add3A_565 = vector.broadcast %add3A_564 : i32 to vector<16xi32>
    %add3A_566 = arith.addi %mul3A_333, %add3A_565 : vector<16xi32>
    %gather3A_567 = tpu.vector_load_idx %arg5[%add3A_566] : memref<6400xi32, #tpu.memory_space<vmem>>[vector<16xi32>], vector<16xi32>,
    %gather3A_568 = tpu.vector_load_idx %arg6[%gather3A_567] : memref<1000xf32, #tpu.memory_space<vmem>>[vector<16xi32>], vector<16xf32>,
    %add3A_569 = arith.addf %add3A_545, %gather3A_568 : vector<16xf32>
    %add3A_570 = arith.constant 38 : i32
    %add3A_571 = vector.broadcast %add3A_570 : i32 to vector<16xi32>
    %add3A_572 = arith.addi %mul3A_333, %add3A_571 : vector<16xi32>
    %gather3A_573 = tpu.vector_load_idx %arg5[%add3A_572] : memref<6400xi32, #tpu.memory_space<vmem>>[vector<16xi32>], vector<16xi32>,
    %gather3A_574 = tpu.vector_load_idx %arg6[%gather3A_573] : memref<1000xf32, #tpu.memory_space<vmem>>[vector<16xi32>], vector<16xf32>,
    %add3A_575 = arith.addf %add3A_551, %gather3A_574 : vector<16xf32>
    %add3A_576 = arith.constant 39 : i32
    %add3A_577 = vector.broadcast %add3A_576 : i32 to vector<16xi32>
    %add3A_578 = arith.addi %mul3A_333, %add3A_577 : vector<16xi32>
    %gather3A_579 = tpu.vector_load_idx %arg5[%add3A_578] : memref<6400xi32, #tpu.memory_space<vmem>>[vector<16xi32>], vector<16xi32>,
    %gather3A_580 = tpu.vector_load_idx %arg6[%gather3A_579] : memref<1000xf32, #tpu.memory_space<vmem>>[vector<16xi32>], vector<16xf32>,
    %add3A_581 = arith.addf %add3A_557, %gather3A_580 : vector<16xf32>
    %add3A_582 = arith.constant 40 : i32
    %add3A_583 = vector.broadcast %add3A_582 : i32 to vector<16xi32>
    %add3A_584 = arith.addi %mul3A_333, %add3A_583 : vector<16xi32>
    %gather3A_585 = tpu.vector_load_idx %arg5[%add3A_584] : memref<6400xi32, #tpu.memory_space<vmem>>[vector<16xi32>], vector<16xi32>,
    %gather3A_586 = tpu.vector_load_idx %arg6[%gather3A_585] : memref<1000xf32, #tpu.memory_space<vmem>>[vector<16xi32>], vector<16xf32>,
    %add3A_587 = arith.addf %add3A_563, %gather3A_586 : vector<16xf32>
    %add3A_588 = arith.constant 41 : i32
    %add3A_589 = vector.broadcast %add3A_588 : i32 to vector<16xi32>
    %add3A_590 = arith.addi %mul3A_333, %add3A_589 : vector<16xi32>
    %gather3A_591 = tpu.vector_load_idx %arg5[%add3A_590] : memref<6400xi32, #tpu.memory_space<vmem>>[vector<16xi32>], vector<16xi32>,
    %gather3A_592 = tpu.vector_load_idx %arg6[%gather3A_591] : memref<1000xf32, #tpu.memory_space<vmem>>[vector<16xi32>], vector<16xf32>,
    %add3A_593 = arith.addf %add3A_569, %gather3A_592 : vector<16xf32>
    %add3A_594 = arith.constant 42 : i32
    %add3A_595 = vector.broadcast %add3A_594 : i32 to vector<16xi32>
    %add3A_596 = arith.addi %mul3A_333, %add3A_595 : vector<16xi32>
    %gather3A_597 = tpu.vector_load_idx %arg5[%add3A_596] : memref<6400xi32, #tpu.memory_space<vmem>>[vector<16xi32>], vector<16xi32>,
    %gather3A_598 = tpu.vector_load_idx %arg6[%gather3A_597] : memref<1000xf32, #tpu.memory_space<vmem>>[vector<16xi32>], vector<16xf32>,
    %add3A_599 = arith.addf %add3A_575, %gather3A_598 : vector<16xf32>
    %add3A_600 = arith.constant 43 : i32
    %add3A_601 = vector.broadcast %add3A_600 : i32 to vector<16xi32>
    %add3A_602 = arith.addi %mul3A_333, %add3A_601 : vector<16xi32>
    %gather3A_603 = tpu.vector_load_idx %arg5[%add3A_602] : memref<6400xi32, #tpu.memory_space<vmem>>[vector<16xi32>], vector<16xi32>,
    %gather3A_604 = tpu.vector_load_idx %arg6[%gather3A_603] : memref<1000xf32, #tpu.memory_space<vmem>>[vector<16xi32>], vector<16xf32>,
    %add3A_605 = arith.addf %add3A_581, %gather3A_604 : vector<16xf32>
    %add3A_606 = arith.constant 44 : i32
    %add3A_607 = vector.broadcast %add3A_606 : i32 to vector<16xi32>
    %add3A_608 = arith.addi %mul3A_333, %add3A_607 : vector<16xi32>
    %gather3A_609 = tpu.vector_load_idx %arg5[%add3A_608] : memref<6400xi32, #tpu.memory_space<vmem>>[vector<16xi32>], vector<16xi32>,
    %gather3A_610 = tpu.vector_load_idx %arg6[%gather3A_609] : memref<1000xf32, #tpu.memory_space<vmem>>[vector<16xi32>], vector<16xf32>,
    %add3A_611 = arith.addf %add3A_587, %gather3A_610 : vector<16xf32>
    %add3A_612 = arith.constant 45 : i32
    %add3A_613 = vector.broadcast %add3A_612 : i32 to vector<16xi32>
    %add3A_614 = arith.addi %mul3A_333, %add3A_613 : vector<16xi32>
    %gather3A_615 = tpu.vector_load_idx %arg5[%add3A_614] : memref<6400xi32, #tpu.memory_space<vmem>>[vector<16xi32>], vector<16xi32>,
    %gather3A_616 = tpu.vector_load_idx %arg6[%gather3A_615] : memref<1000xf32, #tpu.memory_space<vmem>>[vector<16xi32>], vector<16xf32>,
    %add3A_617 = arith.addf %add3A_593, %gather3A_616 : vector<16xf32>
    %add3A_618 = arith.constant 46 : i32
    %add3A_619 = vector.broadcast %add3A_618 : i32 to vector<16xi32>
    %add3A_620 = arith.addi %mul3A_333, %add3A_619 : vector<16xi32>
    %gather3A_621 = tpu.vector_load_idx %arg5[%add3A_620] : memref<6400xi32, #tpu.memory_space<vmem>>[vector<16xi32>], vector<16xi32>,
    %gather3A_622 = tpu.vector_load_idx %arg6[%gather3A_621] : memref<1000xf32, #tpu.memory_space<vmem>>[vector<16xi32>], vector<16xf32>,
    %add3A_623 = arith.addf %add3A_599, %gather3A_622 : vector<16xf32>
    %add3A_624 = arith.constant 47 : i32
    %add3A_625 = vector.broadcast %add3A_624 : i32 to vector<16xi32>
    %add3A_626 = arith.addi %mul3A_333, %add3A_625 : vector<16xi32>
    %gather3A_627 = tpu.vector_load_idx %arg5[%add3A_626] : memref<6400xi32, #tpu.memory_space<vmem>>[vector<16xi32>], vector<16xi32>,
    %gather3A_628 = tpu.vector_load_idx %arg6[%gather3A_627] : memref<1000xf32, #tpu.memory_space<vmem>>[vector<16xi32>], vector<16xf32>,
    %add3A_629 = arith.addf %add3A_605, %gather3A_628 : vector<16xf32>
    %add3A_630 = arith.constant 48 : i32
    %add3A_631 = vector.broadcast %add3A_630 : i32 to vector<16xi32>
    %add3A_632 = arith.addi %mul3A_333, %add3A_631 : vector<16xi32>
    %gather3A_633 = tpu.vector_load_idx %arg5[%add3A_632] : memref<6400xi32, #tpu.memory_space<vmem>>[vector<16xi32>], vector<16xi32>,
    %gather3A_634 = tpu.vector_load_idx %arg6[%gather3A_633] : memref<1000xf32, #tpu.memory_space<vmem>>[vector<16xi32>], vector<16xf32>,
    %add3A_635 = arith.addf %add3A_611, %gather3A_634 : vector<16xf32>
    %add3A_636 = arith.constant 49 : i32
    %add3A_637 = vector.broadcast %add3A_636 : i32 to vector<16xi32>
    %add3A_638 = arith.addi %mul3A_333, %add3A_637 : vector<16xi32>
    %gather3A_639 = tpu.vector_load_idx %arg5[%add3A_638] : memref<6400xi32, #tpu.memory_space<vmem>>[vector<16xi32>], vector<16xi32>,
    %gather3A_640 = tpu.vector_load_idx %arg6[%gather3A_639] : memref<1000xf32, #tpu.memory_space<vmem>>[vector<16xi32>], vector<16xf32>,
    %add3A_641 = arith.addf %add3A_617, %gather3A_640 : vector<16xf32>
    %add3A_642 = arith.addf %add3A_635, %add3A_641 : vector<16xf32>
    %add3A_643 = arith.addf %add3A_623, %add3A_629 : vector<16xf32>
    %add3A_644 = arith.addf %add3A_642, %add3A_643 : vector<16xf32>
    %neg3A_645 = arith.constant 0.000000e+00 : f32
    %neg3A_646 = vector.broadcast %neg3A_645 : f32 to vector<16xf32>
    %neg3A_647 = arith.subf %neg3A_646, %add3A_644 : vector<16xf32>
    %exp3A_648 = math.exp %neg3A_647 : vector<16xf32>
    %add3A_649 = arith.constant 1.000000e+00 : f32
    %add3A_650 = vector.broadcast %add3A_649 : f32 to vector<16xf32>
    %add3A_651 = arith.addf %add3A_650, %exp3A_648 : vector<16xf32>
    %div3A_652 = arith.constant 1.000000e+00 : f32
    %div3A_653 = vector.broadcast %div3A_652 : f32 to vector<16xf32>
    %div3A_654 = arith.divf %div3A_653, %add3A_651 : vector<16xf32>
    %swap3A_655 = arith.constant 16 : index
    %swap3A_656 = tpu.vector_load %arg7[%swap3A_655] {strides = array<i32>} : memref<128xf32, #tpu.memory_space<vmem>>, vector<16xf32>,
    tpu.vector_store %arg7[%swap3A_655], %div3A_654 {strides = array<i32>} : memref<128xf32, #tpu.memory_space<vmem>>, vector<16xf32>,
    %add3A_657 = arith.constant 32 : i32
    %add3A_658 = vector.broadcast %add3A_657 : i32 to vector<16xi32>
    %add3A_659 = arith.addi %add3A_658, %iota3A : vector<16xi32>
    %mul3A_660 = arith.constant 50 : i32
    %mul3A_661 = vector.broadcast %mul3A_660 : i32 to vector<16xi32>
    %mul3A_662 = arith.muli %add3A_659, %mul3A_661 : vector<16xi32>
    %broadcast_in_dim3A_663 = arith.constant 0.000000e+00 : f32
    %broadcast_in_dim3A_664 = vector.broadcast %broadcast_in_dim3A_663 : f32 to vector<16xf32>
    %broadcast_in_dim3A_665 = arith.constant 0.000000e+00 : f32
    %broadcast_in_dim3A_666 = vector.broadcast %broadcast_in_dim3A_665 : f32 to vector<16xf32>
    %broadcast_in_dim3A_667 = arith.constant 0.000000e+00 : f32
    %broadcast_in_dim3A_668 = vector.broadcast %broadcast_in_dim3A_667 : f32 to vector<16xf32>
    %broadcast_in_dim3A_669 = arith.constant 0.000000e+00 : f32
    %broadcast_in_dim3A_670 = vector.broadcast %broadcast_in_dim3A_669 : f32 to vector<16xf32>
    %add3A_671 = arith.constant 0 : i32
    %add3A_672 = vector.broadcast %add3A_671 : i32 to vector<16xi32>
    %add3A_673 = arith.addi %mul3A_662, %add3A_672 : vector<16xi32>
    %gather3A_674 = tpu.vector_load_idx %arg5[%add3A_673] : memref<6400xi32, #tpu.memory_space<vmem>>[vector<16xi32>], vector<16xi32>,
    %gather3A_675 = tpu.vector_load_idx %arg6[%gather3A_674] : memref<1000xf32, #tpu.memory_space<vmem>>[vector<16xi32>], vector<16xf32>,
    %add3A_676 = arith.addf %broadcast_in_dim3A_664, %gather3A_675 : vector<16xf32>
    %add3A_677 = arith.constant 1 : i32
    %add3A_678 = vector.broadcast %add3A_677 : i32 to vector<16xi32>
    %add3A_679 = arith.addi %mul3A_662, %add3A_678 : vector<16xi32>
    %gather3A_680 = tpu.vector_load_idx %arg5[%add3A_679] : memref<6400xi32, #tpu.memory_space<vmem>>[vector<16xi32>], vector<16xi32>,
    %gather3A_681 = tpu.vector_load_idx %arg6[%gather3A_680] : memref<1000xf32, #tpu.memory_space<vmem>>[vector<16xi32>], vector<16xf32>,
    %add3A_682 = arith.addf %broadcast_in_dim3A_666, %gather3A_681 : vector<16xf32>
    %add3A_683 = arith.constant 2 : i32
    %add3A_684 = vector.broadcast %add3A_683 : i32 to vector<16xi32>
    %add3A_685 = arith.addi %mul3A_662, %add3A_684 : vector<16xi32>
    %gather3A_686 = tpu.vector_load_idx %arg5[%add3A_685] : memref<6400xi32, #tpu.memory_space<vmem>>[vector<16xi32>], vector<16xi32>,
    %gather3A_687 = tpu.vector_load_idx %arg6[%gather3A_686] : memref<1000xf32, #tpu.memory_space<vmem>>[vector<16xi32>], vector<16xf32>,
    %add3A_688 = arith.addf %broadcast_in_dim3A_668, %gather3A_687 : vector<16xf32>
    %add3A_689 = arith.constant 3 : i32
    %add3A_690 = vector.broadcast %add3A_689 : i32 to vector<16xi32>
    %add3A_691 = arith.addi %mul3A_662, %add3A_690 : vector<16xi32>
    %gather3A_692 = tpu.vector_load_idx %arg5[%add3A_691] : memref<6400xi32, #tpu.memory_space<vmem>>[vector<16xi32>], vector<16xi32>,
    %gather3A_693 = tpu.vector_load_idx %arg6[%gather3A_692] : memref<1000xf32, #tpu.memory_space<vmem>>[vector<16xi32>], vector<16xf32>,
    %add3A_694 = arith.addf %broadcast_in_dim3A_670, %gather3A_693 : vector<16xf32>
    %add3A_695 = arith.constant 4 : i32
    %add3A_696 = vector.broadcast %add3A_695 : i32 to vector<16xi32>
    %add3A_697 = arith.addi %mul3A_662, %add3A_696 : vector<16xi32>
    %gather3A_698 = tpu.vector_load_idx %arg5[%add3A_697] : memref<6400xi32, #tpu.memory_space<vmem>>[vector<16xi32>], vector<16xi32>,
    %gather3A_699 = tpu.vector_load_idx %arg6[%gather3A_698] : memref<1000xf32, #tpu.memory_space<vmem>>[vector<16xi32>], vector<16xf32>,
    %add3A_700 = arith.addf %add3A_676, %gather3A_699 : vector<16xf32>
    %add3A_701 = arith.constant 5 : i32
    %add3A_702 = vector.broadcast %add3A_701 : i32 to vector<16xi32>
    %add3A_703 = arith.addi %mul3A_662, %add3A_702 : vector<16xi32>
    %gather3A_704 = tpu.vector_load_idx %arg5[%add3A_703] : memref<6400xi32, #tpu.memory_space<vmem>>[vector<16xi32>], vector<16xi32>,
    %gather3A_705 = tpu.vector_load_idx %arg6[%gather3A_704] : memref<1000xf32, #tpu.memory_space<vmem>>[vector<16xi32>], vector<16xf32>,
    %add3A_706 = arith.addf %add3A_682, %gather3A_705 : vector<16xf32>
    %add3A_707 = arith.constant 6 : i32
    %add3A_708 = vector.broadcast %add3A_707 : i32 to vector<16xi32>
    %add3A_709 = arith.addi %mul3A_662, %add3A_708 : vector<16xi32>
    %gather3A_710 = tpu.vector_load_idx %arg5[%add3A_709] : memref<6400xi32, #tpu.memory_space<vmem>>[vector<16xi32>], vector<16xi32>,
    %gather3A_711 = tpu.vector_load_idx %arg6[%gather3A_710] : memref<1000xf32, #tpu.memory_space<vmem>>[vector<16xi32>], vector<16xf32>,
    %add3A_712 = arith.addf %add3A_688, %gather3A_711 : vector<16xf32>
    %add3A_713 = arith.constant 7 : i32
    %add3A_714 = vector.broadcast %add3A_713 : i32 to vector<16xi32>
    %add3A_715 = arith.addi %mul3A_662, %add3A_714 : vector<16xi32>
    %gather3A_716 = tpu.vector_load_idx %arg5[%add3A_715] : memref<6400xi32, #tpu.memory_space<vmem>>[vector<16xi32>], vector<16xi32>,
    %gather3A_717 = tpu.vector_load_idx %arg6[%gather3A_716] : memref<1000xf32, #tpu.memory_space<vmem>>[vector<16xi32>], vector<16xf32>,
    %add3A_718 = arith.addf %add3A_694, %gather3A_717 : vector<16xf32>
    %add3A_719 = arith.constant 8 : i32
    %add3A_720 = vector.broadcast %add3A_719 : i32 to vector<16xi32>
    %add3A_721 = arith.addi %mul3A_662, %add3A_720 : vector<16xi32>
    %gather3A_722 = tpu.vector_load_idx %arg5[%add3A_721] : memref<6400xi32, #tpu.memory_space<vmem>>[vector<16xi32>], vector<16xi32>,
    %gather3A_723 = tpu.vector_load_idx %arg6[%gather3A_722] : memref<1000xf32, #tpu.memory_space<vmem>>[vector<16xi32>], vector<16xf32>,
    %add3A_724 = arith.addf %add3A_700, %gather3A_723 : vector<16xf32>
    %add3A_725 = arith.constant 9 : i32
    %add3A_726 = vector.broadcast %add3A_725 : i32 to vector<16xi32>
    %add3A_727 = arith.addi %mul3A_662, %add3A_726 : vector<16xi32>
    %gather3A_728 = tpu.vector_load_idx %arg5[%add3A_727] : memref<6400xi32, #tpu.memory_space<vmem>>[vector<16xi32>], vector<16xi32>,
    %gather3A_729 = tpu.vector_load_idx %arg6[%gather3A_728] : memref<1000xf32, #tpu.memory_space<vmem>>[vector<16xi32>], vector<16xf32>,
    %add3A_730 = arith.addf %add3A_706, %gather3A_729 : vector<16xf32>
    %add3A_731 = arith.constant 10 : i32
    %add3A_732 = vector.broadcast %add3A_731 : i32 to vector<16xi32>
    %add3A_733 = arith.addi %mul3A_662, %add3A_732 : vector<16xi32>
    %gather3A_734 = tpu.vector_load_idx %arg5[%add3A_733] : memref<6400xi32, #tpu.memory_space<vmem>>[vector<16xi32>], vector<16xi32>,
    %gather3A_735 = tpu.vector_load_idx %arg6[%gather3A_734] : memref<1000xf32, #tpu.memory_space<vmem>>[vector<16xi32>], vector<16xf32>,
    %add3A_736 = arith.addf %add3A_712, %gather3A_735 : vector<16xf32>
    %add3A_737 = arith.constant 11 : i32
    %add3A_738 = vector.broadcast %add3A_737 : i32 to vector<16xi32>
    %add3A_739 = arith.addi %mul3A_662, %add3A_738 : vector<16xi32>
    %gather3A_740 = tpu.vector_load_idx %arg5[%add3A_739] : memref<6400xi32, #tpu.memory_space<vmem>>[vector<16xi32>], vector<16xi32>,
    %gather3A_741 = tpu.vector_load_idx %arg6[%gather3A_740] : memref<1000xf32, #tpu.memory_space<vmem>>[vector<16xi32>], vector<16xf32>,
    %add3A_742 = arith.addf %add3A_718, %gather3A_741 : vector<16xf32>
    %add3A_743 = arith.constant 12 : i32
    %add3A_744 = vector.broadcast %add3A_743 : i32 to vector<16xi32>
    %add3A_745 = arith.addi %mul3A_662, %add3A_744 : vector<16xi32>
    %gather3A_746 = tpu.vector_load_idx %arg5[%add3A_745] : memref<6400xi32, #tpu.memory_space<vmem>>[vector<16xi32>], vector<16xi32>,
    %gather3A_747 = tpu.vector_load_idx %arg6[%gather3A_746] : memref<1000xf32, #tpu.memory_space<vmem>>[vector<16xi32>], vector<16xf32>,
    %add3A_748 = arith.addf %add3A_724, %gather3A_747 : vector<16xf32>
    %add3A_749 = arith.constant 13 : i32
    %add3A_750 = vector.broadcast %add3A_749 : i32 to vector<16xi32>
    %add3A_751 = arith.addi %mul3A_662, %add3A_750 : vector<16xi32>
    %gather3A_752 = tpu.vector_load_idx %arg5[%add3A_751] : memref<6400xi32, #tpu.memory_space<vmem>>[vector<16xi32>], vector<16xi32>,
    %gather3A_753 = tpu.vector_load_idx %arg6[%gather3A_752] : memref<1000xf32, #tpu.memory_space<vmem>>[vector<16xi32>], vector<16xf32>,
    %add3A_754 = arith.addf %add3A_730, %gather3A_753 : vector<16xf32>
    %add3A_755 = arith.constant 14 : i32
    %add3A_756 = vector.broadcast %add3A_755 : i32 to vector<16xi32>
    %add3A_757 = arith.addi %mul3A_662, %add3A_756 : vector<16xi32>
    %gather3A_758 = tpu.vector_load_idx %arg5[%add3A_757] : memref<6400xi32, #tpu.memory_space<vmem>>[vector<16xi32>], vector<16xi32>,
    %gather3A_759 = tpu.vector_load_idx %arg6[%gather3A_758] : memref<1000xf32, #tpu.memory_space<vmem>>[vector<16xi32>], vector<16xf32>,
    %add3A_760 = arith.addf %add3A_736, %gather3A_759 : vector<16xf32>
    %add3A_761 = arith.constant 15 : i32
    %add3A_762 = vector.broadcast %add3A_761 : i32 to vector<16xi32>
    %add3A_763 = arith.addi %mul3A_662, %add3A_762 : vector<16xi32>
    %gather3A_764 = tpu.vector_load_idx %arg5[%add3A_763] : memref<6400xi32, #tpu.memory_space<vmem>>[vector<16xi32>], vector<16xi32>,
    %gather3A_765 = tpu.vector_load_idx %arg6[%gather3A_764] : memref<1000xf32, #tpu.memory_space<vmem>>[vector<16xi32>], vector<16xf32>,
    %add3A_766 = arith.addf %add3A_742, %gather3A_765 : vector<16xf32>
    %add3A_767 = arith.constant 16 : i32
    %add3A_768 = vector.broadcast %add3A_767 : i32 to vector<16xi32>
    %add3A_769 = arith.addi %mul3A_662, %add3A_768 : vector<16xi32>
    %gather3A_770 = tpu.vector_load_idx %arg5[%add3A_769] : memref<6400xi32, #tpu.memory_space<vmem>>[vector<16xi32>], vector<16xi32>,
    %gather3A_771 = tpu.vector_load_idx %arg6[%gather3A_770] : memref<1000xf32, #tpu.memory_space<vmem>>[vector<16xi32>], vector<16xf32>,
    %add3A_772 = arith.addf %add3A_748, %gather3A_771 : vector<16xf32>
    %add3A_773 = arith.constant 17 : i32
    %add3A_774 = vector.broadcast %add3A_773 : i32 to vector<16xi32>
    %add3A_775 = arith.addi %mul3A_662, %add3A_774 : vector<16xi32>
    %gather3A_776 = tpu.vector_load_idx %arg5[%add3A_775] : memref<6400xi32, #tpu.memory_space<vmem>>[vector<16xi32>], vector<16xi32>,
    %gather3A_777 = tpu.vector_load_idx %arg6[%gather3A_776] : memref<1000xf32, #tpu.memory_space<vmem>>[vector<16xi32>], vector<16xf32>,
    %add3A_778 = arith.addf %add3A_754, %gather3A_777 : vector<16xf32>
    %add3A_779 = arith.constant 18 : i32
    %add3A_780 = vector.broadcast %add3A_779 : i32 to vector<16xi32>
    %add3A_781 = arith.addi %mul3A_662, %add3A_780 : vector<16xi32>
    %gather3A_782 = tpu.vector_load_idx %arg5[%add3A_781] : memref<6400xi32, #tpu.memory_space<vmem>>[vector<16xi32>], vector<16xi32>,
    %gather3A_783 = tpu.vector_load_idx %arg6[%gather3A_782] : memref<1000xf32, #tpu.memory_space<vmem>>[vector<16xi32>], vector<16xf32>,
    %add3A_784 = arith.addf %add3A_760, %gather3A_783 : vector<16xf32>
    %add3A_785 = arith.constant 19 : i32
    %add3A_786 = vector.broadcast %add3A_785 : i32 to vector<16xi32>
    %add3A_787 = arith.addi %mul3A_662, %add3A_786 : vector<16xi32>
    %gather3A_788 = tpu.vector_load_idx %arg5[%add3A_787] : memref<6400xi32, #tpu.memory_space<vmem>>[vector<16xi32>], vector<16xi32>,
    %gather3A_789 = tpu.vector_load_idx %arg6[%gather3A_788] : memref<1000xf32, #tpu.memory_space<vmem>>[vector<16xi32>], vector<16xf32>,
    %add3A_790 = arith.addf %add3A_766, %gather3A_789 : vector<16xf32>
    %add3A_791 = arith.constant 20 : i32
    %add3A_792 = vector.broadcast %add3A_791 : i32 to vector<16xi32>
    %add3A_793 = arith.addi %mul3A_662, %add3A_792 : vector<16xi32>
    %gather3A_794 = tpu.vector_load_idx %arg5[%add3A_793] : memref<6400xi32, #tpu.memory_space<vmem>>[vector<16xi32>], vector<16xi32>,
    %gather3A_795 = tpu.vector_load_idx %arg6[%gather3A_794] : memref<1000xf32, #tpu.memory_space<vmem>>[vector<16xi32>], vector<16xf32>,
    %add3A_796 = arith.addf %add3A_772, %gather3A_795 : vector<16xf32>
    %add3A_797 = arith.constant 21 : i32
    %add3A_798 = vector.broadcast %add3A_797 : i32 to vector<16xi32>
    %add3A_799 = arith.addi %mul3A_662, %add3A_798 : vector<16xi32>
    %gather3A_800 = tpu.vector_load_idx %arg5[%add3A_799] : memref<6400xi32, #tpu.memory_space<vmem>>[vector<16xi32>], vector<16xi32>,
    %gather3A_801 = tpu.vector_load_idx %arg6[%gather3A_800] : memref<1000xf32, #tpu.memory_space<vmem>>[vector<16xi32>], vector<16xf32>,
    %add3A_802 = arith.addf %add3A_778, %gather3A_801 : vector<16xf32>
    %add3A_803 = arith.constant 22 : i32
    %add3A_804 = vector.broadcast %add3A_803 : i32 to vector<16xi32>
    %add3A_805 = arith.addi %mul3A_662, %add3A_804 : vector<16xi32>
    %gather3A_806 = tpu.vector_load_idx %arg5[%add3A_805] : memref<6400xi32, #tpu.memory_space<vmem>>[vector<16xi32>], vector<16xi32>,
    %gather3A_807 = tpu.vector_load_idx %arg6[%gather3A_806] : memref<1000xf32, #tpu.memory_space<vmem>>[vector<16xi32>], vector<16xf32>,
    %add3A_808 = arith.addf %add3A_784, %gather3A_807 : vector<16xf32>
    %add3A_809 = arith.constant 23 : i32
    %add3A_810 = vector.broadcast %add3A_809 : i32 to vector<16xi32>
    %add3A_811 = arith.addi %mul3A_662, %add3A_810 : vector<16xi32>
    %gather3A_812 = tpu.vector_load_idx %arg5[%add3A_811] : memref<6400xi32, #tpu.memory_space<vmem>>[vector<16xi32>], vector<16xi32>,
    %gather3A_813 = tpu.vector_load_idx %arg6[%gather3A_812] : memref<1000xf32, #tpu.memory_space<vmem>>[vector<16xi32>], vector<16xf32>,
    %add3A_814 = arith.addf %add3A_790, %gather3A_813 : vector<16xf32>
    %add3A_815 = arith.constant 24 : i32
    %add3A_816 = vector.broadcast %add3A_815 : i32 to vector<16xi32>
    %add3A_817 = arith.addi %mul3A_662, %add3A_816 : vector<16xi32>
    %gather3A_818 = tpu.vector_load_idx %arg5[%add3A_817] : memref<6400xi32, #tpu.memory_space<vmem>>[vector<16xi32>], vector<16xi32>,
    %gather3A_819 = tpu.vector_load_idx %arg6[%gather3A_818] : memref<1000xf32, #tpu.memory_space<vmem>>[vector<16xi32>], vector<16xf32>,
    %add3A_820 = arith.addf %add3A_796, %gather3A_819 : vector<16xf32>
    %add3A_821 = arith.constant 25 : i32
    %add3A_822 = vector.broadcast %add3A_821 : i32 to vector<16xi32>
    %add3A_823 = arith.addi %mul3A_662, %add3A_822 : vector<16xi32>
    %gather3A_824 = tpu.vector_load_idx %arg5[%add3A_823] : memref<6400xi32, #tpu.memory_space<vmem>>[vector<16xi32>], vector<16xi32>,
    %gather3A_825 = tpu.vector_load_idx %arg6[%gather3A_824] : memref<1000xf32, #tpu.memory_space<vmem>>[vector<16xi32>], vector<16xf32>,
    %add3A_826 = arith.addf %add3A_802, %gather3A_825 : vector<16xf32>
    %add3A_827 = arith.constant 26 : i32
    %add3A_828 = vector.broadcast %add3A_827 : i32 to vector<16xi32>
    %add3A_829 = arith.addi %mul3A_662, %add3A_828 : vector<16xi32>
    %gather3A_830 = tpu.vector_load_idx %arg5[%add3A_829] : memref<6400xi32, #tpu.memory_space<vmem>>[vector<16xi32>], vector<16xi32>,
    %gather3A_831 = tpu.vector_load_idx %arg6[%gather3A_830] : memref<1000xf32, #tpu.memory_space<vmem>>[vector<16xi32>], vector<16xf32>,
    %add3A_832 = arith.addf %add3A_808, %gather3A_831 : vector<16xf32>
    %add3A_833 = arith.constant 27 : i32
    %add3A_834 = vector.broadcast %add3A_833 : i32 to vector<16xi32>
    %add3A_835 = arith.addi %mul3A_662, %add3A_834 : vector<16xi32>
    %gather3A_836 = tpu.vector_load_idx %arg5[%add3A_835] : memref<6400xi32, #tpu.memory_space<vmem>>[vector<16xi32>], vector<16xi32>,
    %gather3A_837 = tpu.vector_load_idx %arg6[%gather3A_836] : memref<1000xf32, #tpu.memory_space<vmem>>[vector<16xi32>], vector<16xf32>,
    %add3A_838 = arith.addf %add3A_814, %gather3A_837 : vector<16xf32>
    %add3A_839 = arith.constant 28 : i32
    %add3A_840 = vector.broadcast %add3A_839 : i32 to vector<16xi32>
    %add3A_841 = arith.addi %mul3A_662, %add3A_840 : vector<16xi32>
    %gather3A_842 = tpu.vector_load_idx %arg5[%add3A_841] : memref<6400xi32, #tpu.memory_space<vmem>>[vector<16xi32>], vector<16xi32>,
    %gather3A_843 = tpu.vector_load_idx %arg6[%gather3A_842] : memref<1000xf32, #tpu.memory_space<vmem>>[vector<16xi32>], vector<16xf32>,
    %add3A_844 = arith.addf %add3A_820, %gather3A_843 : vector<16xf32>
    %add3A_845 = arith.constant 29 : i32
    %add3A_846 = vector.broadcast %add3A_845 : i32 to vector<16xi32>
    %add3A_847 = arith.addi %mul3A_662, %add3A_846 : vector<16xi32>
    %gather3A_848 = tpu.vector_load_idx %arg5[%add3A_847] : memref<6400xi32, #tpu.memory_space<vmem>>[vector<16xi32>], vector<16xi32>,
    %gather3A_849 = tpu.vector_load_idx %arg6[%gather3A_848] : memref<1000xf32, #tpu.memory_space<vmem>>[vector<16xi32>], vector<16xf32>,
    %add3A_850 = arith.addf %add3A_826, %gather3A_849 : vector<16xf32>
    %add3A_851 = arith.constant 30 : i32
    %add3A_852 = vector.broadcast %add3A_851 : i32 to vector<16xi32>
    %add3A_853 = arith.addi %mul3A_662, %add3A_852 : vector<16xi32>
    %gather3A_854 = tpu.vector_load_idx %arg5[%add3A_853] : memref<6400xi32, #tpu.memory_space<vmem>>[vector<16xi32>], vector<16xi32>,
    %gather3A_855 = tpu.vector_load_idx %arg6[%gather3A_854] : memref<1000xf32, #tpu.memory_space<vmem>>[vector<16xi32>], vector<16xf32>,
    %add3A_856 = arith.addf %add3A_832, %gather3A_855 : vector<16xf32>
    %add3A_857 = arith.constant 31 : i32
    %add3A_858 = vector.broadcast %add3A_857 : i32 to vector<16xi32>
    %add3A_859 = arith.addi %mul3A_662, %add3A_858 : vector<16xi32>
    %gather3A_860 = tpu.vector_load_idx %arg5[%add3A_859] : memref<6400xi32, #tpu.memory_space<vmem>>[vector<16xi32>], vector<16xi32>,
    %gather3A_861 = tpu.vector_load_idx %arg6[%gather3A_860] : memref<1000xf32, #tpu.memory_space<vmem>>[vector<16xi32>], vector<16xf32>,
    %add3A_862 = arith.addf %add3A_838, %gather3A_861 : vector<16xf32>
    %add3A_863 = arith.constant 32 : i32
    %add3A_864 = vector.broadcast %add3A_863 : i32 to vector<16xi32>
    %add3A_865 = arith.addi %mul3A_662, %add3A_864 : vector<16xi32>
    %gather3A_866 = tpu.vector_load_idx %arg5[%add3A_865] : memref<6400xi32, #tpu.memory_space<vmem>>[vector<16xi32>], vector<16xi32>,
    %gather3A_867 = tpu.vector_load_idx %arg6[%gather3A_866] : memref<1000xf32, #tpu.memory_space<vmem>>[vector<16xi32>], vector<16xf32>,
    %add3A_868 = arith.addf %add3A_844, %gather3A_867 : vector<16xf32>
    %add3A_869 = arith.constant 33 : i32
    %add3A_870 = vector.broadcast %add3A_869 : i32 to vector<16xi32>
    %add3A_871 = arith.addi %mul3A_662, %add3A_870 : vector<16xi32>
    %gather3A_872 = tpu.vector_load_idx %arg5[%add3A_871] : memref<6400xi32, #tpu.memory_space<vmem>>[vector<16xi32>], vector<16xi32>,
    %gather3A_873 = tpu.vector_load_idx %arg6[%gather3A_872] : memref<1000xf32, #tpu.memory_space<vmem>>[vector<16xi32>], vector<16xf32>,
    %add3A_874 = arith.addf %add3A_850, %gather3A_873 : vector<16xf32>
    %add3A_875 = arith.constant 34 : i32
    %add3A_876 = vector.broadcast %add3A_875 : i32 to vector<16xi32>
    %add3A_877 = arith.addi %mul3A_662, %add3A_876 : vector<16xi32>
    %gather3A_878 = tpu.vector_load_idx %arg5[%add3A_877] : memref<6400xi32, #tpu.memory_space<vmem>>[vector<16xi32>], vector<16xi32>,
    %gather3A_879 = tpu.vector_load_idx %arg6[%gather3A_878] : memref<1000xf32, #tpu.memory_space<vmem>>[vector<16xi32>], vector<16xf32>,
    %add3A_880 = arith.addf %add3A_856, %gather3A_879 : vector<16xf32>
    %add3A_881 = arith.constant 35 : i32
    %add3A_882 = vector.broadcast %add3A_881 : i32 to vector<16xi32>
    %add3A_883 = arith.addi %mul3A_662, %add3A_882 : vector<16xi32>
    %gather3A_884 = tpu.vector_load_idx %arg5[%add3A_883] : memref<6400xi32, #tpu.memory_space<vmem>>[vector<16xi32>], vector<16xi32>,
    %gather3A_885 = tpu.vector_load_idx %arg6[%gather3A_884] : memref<1000xf32, #tpu.memory_space<vmem>>[vector<16xi32>], vector<16xf32>,
    %add3A_886 = arith.addf %add3A_862, %gather3A_885 : vector<16xf32>
    %add3A_887 = arith.constant 36 : i32
    %add3A_888 = vector.broadcast %add3A_887 : i32 to vector<16xi32>
    %add3A_889 = arith.addi %mul3A_662, %add3A_888 : vector<16xi32>
    %gather3A_890 = tpu.vector_load_idx %arg5[%add3A_889] : memref<6400xi32, #tpu.memory_space<vmem>>[vector<16xi32>], vector<16xi32>,
    %gather3A_891 = tpu.vector_load_idx %arg6[%gather3A_890] : memref<1000xf32, #tpu.memory_space<vmem>>[vector<16xi32>], vector<16xf32>,
    %add3A_892 = arith.addf %add3A_868, %gather3A_891 : vector<16xf32>
    %add3A_893 = arith.constant 37 : i32
    %add3A_894 = vector.broadcast %add3A_893 : i32 to vector<16xi32>
    %add3A_895 = arith.addi %mul3A_662, %add3A_894 : vector<16xi32>
    %gather3A_896 = tpu.vector_load_idx %arg5[%add3A_895] : memref<6400xi32, #tpu.memory_space<vmem>>[vector<16xi32>], vector<16xi32>,
    %gather3A_897 = tpu.vector_load_idx %arg6[%gather3A_896] : memref<1000xf32, #tpu.memory_space<vmem>>[vector<16xi32>], vector<16xf32>,
    %add3A_898 = arith.addf %add3A_874, %gather3A_897 : vector<16xf32>
    %add3A_899 = arith.constant 38 : i32
    %add3A_900 = vector.broadcast %add3A_899 : i32 to vector<16xi32>
    %add3A_901 = arith.addi %mul3A_662, %add3A_900 : vector<16xi32>
    %gather3A_902 = tpu.vector_load_idx %arg5[%add3A_901] : memref<6400xi32, #tpu.memory_space<vmem>>[vector<16xi32>], vector<16xi32>,
    %gather3A_903 = tpu.vector_load_idx %arg6[%gather3A_902] : memref<1000xf32, #tpu.memory_space<vmem>>[vector<16xi32>], vector<16xf32>,
    %add3A_904 = arith.addf %add3A_880, %gather3A_903 : vector<16xf32>
    %add3A_905 = arith.constant 39 : i32
    %add3A_906 = vector.broadcast %add3A_905 : i32 to vector<16xi32>
    %add3A_907 = arith.addi %mul3A_662, %add3A_906 : vector<16xi32>
    %gather3A_908 = tpu.vector_load_idx %arg5[%add3A_907] : memref<6400xi32, #tpu.memory_space<vmem>>[vector<16xi32>], vector<16xi32>,
    %gather3A_909 = tpu.vector_load_idx %arg6[%gather3A_908] : memref<1000xf32, #tpu.memory_space<vmem>>[vector<16xi32>], vector<16xf32>,
    %add3A_910 = arith.addf %add3A_886, %gather3A_909 : vector<16xf32>
    %add3A_911 = arith.constant 40 : i32
    %add3A_912 = vector.broadcast %add3A_911 : i32 to vector<16xi32>
    %add3A_913 = arith.addi %mul3A_662, %add3A_912 : vector<16xi32>
    %gather3A_914 = tpu.vector_load_idx %arg5[%add3A_913] : memref<6400xi32, #tpu.memory_space<vmem>>[vector<16xi32>], vector<16xi32>,
    %gather3A_915 = tpu.vector_load_idx %arg6[%gather3A_914] : memref<1000xf32, #tpu.memory_space<vmem>>[vector<16xi32>], vector<16xf32>,
    %add3A_916 = arith.addf %add3A_892, %gather3A_915 : vector<16xf32>
    %add3A_917 = arith.constant 41 : i32
    %add3A_918 = vector.broadcast %add3A_917 : i32 to vector<16xi32>
    %add3A_919 = arith.addi %mul3A_662, %add3A_918 : vector<16xi32>
    %gather3A_920 = tpu.vector_load_idx %arg5[%add3A_919] : memref<6400xi32, #tpu.memory_space<vmem>>[vector<16xi32>], vector<16xi32>,
    %gather3A_921 = tpu.vector_load_idx %arg6[%gather3A_920] : memref<1000xf32, #tpu.memory_space<vmem>>[vector<16xi32>], vector<16xf32>,
    %add3A_922 = arith.addf %add3A_898, %gather3A_921 : vector<16xf32>
    %add3A_923 = arith.constant 42 : i32
    %add3A_924 = vector.broadcast %add3A_923 : i32 to vector<16xi32>
    %add3A_925 = arith.addi %mul3A_662, %add3A_924 : vector<16xi32>
    %gather3A_926 = tpu.vector_load_idx %arg5[%add3A_925] : memref<6400xi32, #tpu.memory_space<vmem>>[vector<16xi32>], vector<16xi32>,
    %gather3A_927 = tpu.vector_load_idx %arg6[%gather3A_926] : memref<1000xf32, #tpu.memory_space<vmem>>[vector<16xi32>], vector<16xf32>,
    %add3A_928 = arith.addf %add3A_904, %gather3A_927 : vector<16xf32>
    %add3A_929 = arith.constant 43 : i32
    %add3A_930 = vector.broadcast %add3A_929 : i32 to vector<16xi32>
    %add3A_931 = arith.addi %mul3A_662, %add3A_930 : vector<16xi32>
    %gather3A_932 = tpu.vector_load_idx %arg5[%add3A_931] : memref<6400xi32, #tpu.memory_space<vmem>>[vector<16xi32>], vector<16xi32>,
    %gather3A_933 = tpu.vector_load_idx %arg6[%gather3A_932] : memref<1000xf32, #tpu.memory_space<vmem>>[vector<16xi32>], vector<16xf32>,
    %add3A_934 = arith.addf %add3A_910, %gather3A_933 : vector<16xf32>
    %add3A_935 = arith.constant 44 : i32
    %add3A_936 = vector.broadcast %add3A_935 : i32 to vector<16xi32>
    %add3A_937 = arith.addi %mul3A_662, %add3A_936 : vector<16xi32>
    %gather3A_938 = tpu.vector_load_idx %arg5[%add3A_937] : memref<6400xi32, #tpu.memory_space<vmem>>[vector<16xi32>], vector<16xi32>,
    %gather3A_939 = tpu.vector_load_idx %arg6[%gather3A_938] : memref<1000xf32, #tpu.memory_space<vmem>>[vector<16xi32>], vector<16xf32>,
    %add3A_940 = arith.addf %add3A_916, %gather3A_939 : vector<16xf32>
    %add3A_941 = arith.constant 45 : i32
    %add3A_942 = vector.broadcast %add3A_941 : i32 to vector<16xi32>
    %add3A_943 = arith.addi %mul3A_662, %add3A_942 : vector<16xi32>
    %gather3A_944 = tpu.vector_load_idx %arg5[%add3A_943] : memref<6400xi32, #tpu.memory_space<vmem>>[vector<16xi32>], vector<16xi32>,
    %gather3A_945 = tpu.vector_load_idx %arg6[%gather3A_944] : memref<1000xf32, #tpu.memory_space<vmem>>[vector<16xi32>], vector<16xf32>,
    %add3A_946 = arith.addf %add3A_922, %gather3A_945 : vector<16xf32>
    %add3A_947 = arith.constant 46 : i32
    %add3A_948 = vector.broadcast %add3A_947 : i32 to vector<16xi32>
    %add3A_949 = arith.addi %mul3A_662, %add3A_948 : vector<16xi32>
    %gather3A_950 = tpu.vector_load_idx %arg5[%add3A_949] : memref<6400xi32, #tpu.memory_space<vmem>>[vector<16xi32>], vector<16xi32>,
    %gather3A_951 = tpu.vector_load_idx %arg6[%gather3A_950] : memref<1000xf32, #tpu.memory_space<vmem>>[vector<16xi32>], vector<16xf32>,
    %add3A_952 = arith.addf %add3A_928, %gather3A_951 : vector<16xf32>
    %add3A_953 = arith.constant 47 : i32
    %add3A_954 = vector.broadcast %add3A_953 : i32 to vector<16xi32>
    %add3A_955 = arith.addi %mul3A_662, %add3A_954 : vector<16xi32>
    %gather3A_956 = tpu.vector_load_idx %arg5[%add3A_955] : memref<6400xi32, #tpu.memory_space<vmem>>[vector<16xi32>], vector<16xi32>,
    %gather3A_957 = tpu.vector_load_idx %arg6[%gather3A_956] : memref<1000xf32, #tpu.memory_space<vmem>>[vector<16xi32>], vector<16xf32>,
    %add3A_958 = arith.addf %add3A_934, %gather3A_957 : vector<16xf32>
    %add3A_959 = arith.constant 48 : i32
    %add3A_960 = vector.broadcast %add3A_959 : i32 to vector<16xi32>
    %add3A_961 = arith.addi %mul3A_662, %add3A_960 : vector<16xi32>
    %gather3A_962 = tpu.vector_load_idx %arg5[%add3A_961] : memref<6400xi32, #tpu.memory_space<vmem>>[vector<16xi32>], vector<16xi32>,
    %gather3A_963 = tpu.vector_load_idx %arg6[%gather3A_962] : memref<1000xf32, #tpu.memory_space<vmem>>[vector<16xi32>], vector<16xf32>,
    %add3A_964 = arith.addf %add3A_940, %gather3A_963 : vector<16xf32>
    %add3A_965 = arith.constant 49 : i32
    %add3A_966 = vector.broadcast %add3A_965 : i32 to vector<16xi32>
    %add3A_967 = arith.addi %mul3A_662, %add3A_966 : vector<16xi32>
    %gather3A_968 = tpu.vector_load_idx %arg5[%add3A_967] : memref<6400xi32, #tpu.memory_space<vmem>>[vector<16xi32>], vector<16xi32>,
    %gather3A_969 = tpu.vector_load_idx %arg6[%gather3A_968] : memref<1000xf32, #tpu.memory_space<vmem>>[vector<16xi32>], vector<16xf32>,
    %add3A_970 = arith.addf %add3A_946, %gather3A_969 : vector<16xf32>
    %add3A_971 = arith.addf %add3A_964, %add3A_970 : vector<16xf32>
    %add3A_972 = arith.addf %add3A_952, %add3A_958 : vector<16xf32>
    %add3A_973 = arith.addf %add3A_971, %add3A_972 : vector<16xf32>
    %neg3A_974 = arith.constant 0.000000e+00 : f32
    %neg3A_975 = vector.broadcast %neg3A_974 : f32 to vector<16xf32>
    %neg3A_976 = arith.subf %neg3A_975, %add3A_973 : vector<16xf32>
    %exp3A_977 = math.exp %neg3A_976 : vector<16xf32>
    %add3A_978 = arith.constant 1.000000e+00 : f32
    %add3A_979 = vector.broadcast %add3A_978 : f32 to vector<16xf32>
    %add3A_980 = arith.addf %add3A_979, %exp3A_977 : vector<16xf32>
    %div3A_981 = arith.constant 1.000000e+00 : f32
    %div3A_982 = vector.broadcast %div3A_981 : f32 to vector<16xf32>
    %div3A_983 = arith.divf %div3A_982, %add3A_980 : vector<16xf32>
    %swap3A_984 = arith.constant 32 : index
    %swap3A_985 = tpu.vector_load %arg7[%swap3A_984] {strides = array<i32>} : memref<128xf32, #tpu.memory_space<vmem>>, vector<16xf32>,
    tpu.vector_store %arg7[%swap3A_984], %div3A_983 {strides = array<i32>} : memref<128xf32, #tpu.memory_space<vmem>>, vector<16xf32>,
    %add3A_986 = arith.constant 48 : i32
    %add3A_987 = vector.broadcast %add3A_986 : i32 to vector<16xi32>
    %add3A_988 = arith.addi %add3A_987, %iota3A : vector<16xi32>
    %mul3A_989 = arith.constant 50 : i32
    %mul3A_990 = vector.broadcast %mul3A_989 : i32 to vector<16xi32>
    %mul3A_991 = arith.muli %add3A_988, %mul3A_990 : vector<16xi32>
    %broadcast_in_dim3A_992 = arith.constant 0.000000e+00 : f32
    %broadcast_in_dim3A_993 = vector.broadcast %broadcast_in_dim3A_992 : f32 to vector<16xf32>
    %broadcast_in_dim3A_994 = arith.constant 0.000000e+00 : f32
    %broadcast_in_dim3A_995 = vector.broadcast %broadcast_in_dim3A_994 : f32 to vector<16xf32>
    %broadcast_in_dim3A_996 = arith.constant 0.000000e+00 : f32
    %broadcast_in_dim3A_997 = vector.broadcast %broadcast_in_dim3A_996 : f32 to vector<16xf32>
    %broadcast_in_dim3A_998 = arith.constant 0.000000e+00 : f32
    %broadcast_in_dim3A_999 = vector.broadcast %broadcast_in_dim3A_998 : f32 to vector<16xf32>
    %add3A_1000 = arith.constant 0 : i32
    %add3A_1001 = vector.broadcast %add3A_1000 : i32 to vector<16xi32>
    %add3A_1002 = arith.addi %mul3A_991, %add3A_1001 : vector<16xi32>
    %gather3A_1003 = tpu.vector_load_idx %arg5[%add3A_1002] : memref<6400xi32, #tpu.memory_space<vmem>>[vector<16xi32>], vector<16xi32>,
    %gather3A_1004 = tpu.vector_load_idx %arg6[%gather3A_1003] : memref<1000xf32, #tpu.memory_space<vmem>>[vector<16xi32>], vector<16xf32>,
    %add3A_1005 = arith.addf %broadcast_in_dim3A_993, %gather3A_1004 : vector<16xf32>
    %add3A_1006 = arith.constant 1 : i32
    %add3A_1007 = vector.broadcast %add3A_1006 : i32 to vector<16xi32>
    %add3A_1008 = arith.addi %mul3A_991, %add3A_1007 : vector<16xi32>
    %gather3A_1009 = tpu.vector_load_idx %arg5[%add3A_1008] : memref<6400xi32, #tpu.memory_space<vmem>>[vector<16xi32>], vector<16xi32>,
    %gather3A_1010 = tpu.vector_load_idx %arg6[%gather3A_1009] : memref<1000xf32, #tpu.memory_space<vmem>>[vector<16xi32>], vector<16xf32>,
    %add3A_1011 = arith.addf %broadcast_in_dim3A_995, %gather3A_1010 : vector<16xf32>
    %add3A_1012 = arith.constant 2 : i32
    %add3A_1013 = vector.broadcast %add3A_1012 : i32 to vector<16xi32>
    %add3A_1014 = arith.addi %mul3A_991, %add3A_1013 : vector<16xi32>
    %gather3A_1015 = tpu.vector_load_idx %arg5[%add3A_1014] : memref<6400xi32, #tpu.memory_space<vmem>>[vector<16xi32>], vector<16xi32>,
    %gather3A_1016 = tpu.vector_load_idx %arg6[%gather3A_1015] : memref<1000xf32, #tpu.memory_space<vmem>>[vector<16xi32>], vector<16xf32>,
    %add3A_1017 = arith.addf %broadcast_in_dim3A_997, %gather3A_1016 : vector<16xf32>
    %add3A_1018 = arith.constant 3 : i32
    %add3A_1019 = vector.broadcast %add3A_1018 : i32 to vector<16xi32>
    %add3A_1020 = arith.addi %mul3A_991, %add3A_1019 : vector<16xi32>
    %gather3A_1021 = tpu.vector_load_idx %arg5[%add3A_1020] : memref<6400xi32, #tpu.memory_space<vmem>>[vector<16xi32>], vector<16xi32>,
    %gather3A_1022 = tpu.vector_load_idx %arg6[%gather3A_1021] : memref<1000xf32, #tpu.memory_space<vmem>>[vector<16xi32>], vector<16xf32>,
    %add3A_1023 = arith.addf %broadcast_in_dim3A_999, %gather3A_1022 : vector<16xf32>
    %add3A_1024 = arith.constant 4 : i32
    %add3A_1025 = vector.broadcast %add3A_1024 : i32 to vector<16xi32>
    %add3A_1026 = arith.addi %mul3A_991, %add3A_1025 : vector<16xi32>
    %gather3A_1027 = tpu.vector_load_idx %arg5[%add3A_1026] : memref<6400xi32, #tpu.memory_space<vmem>>[vector<16xi32>], vector<16xi32>,
    %gather3A_1028 = tpu.vector_load_idx %arg6[%gather3A_1027] : memref<1000xf32, #tpu.memory_space<vmem>>[vector<16xi32>], vector<16xf32>,
    %add3A_1029 = arith.addf %add3A_1005, %gather3A_1028 : vector<16xf32>
    %add3A_1030 = arith.constant 5 : i32
    %add3A_1031 = vector.broadcast %add3A_1030 : i32 to vector<16xi32>
    %add3A_1032 = arith.addi %mul3A_991, %add3A_1031 : vector<16xi32>
    %gather3A_1033 = tpu.vector_load_idx %arg5[%add3A_1032] : memref<6400xi32, #tpu.memory_space<vmem>>[vector<16xi32>], vector<16xi32>,
    %gather3A_1034 = tpu.vector_load_idx %arg6[%gather3A_1033] : memref<1000xf32, #tpu.memory_space<vmem>>[vector<16xi32>], vector<16xf32>,
    %add3A_1035 = arith.addf %add3A_1011, %gather3A_1034 : vector<16xf32>
    %add3A_1036 = arith.constant 6 : i32
    %add3A_1037 = vector.broadcast %add3A_1036 : i32 to vector<16xi32>
    %add3A_1038 = arith.addi %mul3A_991, %add3A_1037 : vector<16xi32>
    %gather3A_1039 = tpu.vector_load_idx %arg5[%add3A_1038] : memref<6400xi32, #tpu.memory_space<vmem>>[vector<16xi32>], vector<16xi32>,
    %gather3A_1040 = tpu.vector_load_idx %arg6[%gather3A_1039] : memref<1000xf32, #tpu.memory_space<vmem>>[vector<16xi32>], vector<16xf32>,
    %add3A_1041 = arith.addf %add3A_1017, %gather3A_1040 : vector<16xf32>
    %add3A_1042 = arith.constant 7 : i32
    %add3A_1043 = vector.broadcast %add3A_1042 : i32 to vector<16xi32>
    %add3A_1044 = arith.addi %mul3A_991, %add3A_1043 : vector<16xi32>
    %gather3A_1045 = tpu.vector_load_idx %arg5[%add3A_1044] : memref<6400xi32, #tpu.memory_space<vmem>>[vector<16xi32>], vector<16xi32>,
    %gather3A_1046 = tpu.vector_load_idx %arg6[%gather3A_1045] : memref<1000xf32, #tpu.memory_space<vmem>>[vector<16xi32>], vector<16xf32>,
    %add3A_1047 = arith.addf %add3A_1023, %gather3A_1046 : vector<16xf32>
    %add3A_1048 = arith.constant 8 : i32
    %add3A_1049 = vector.broadcast %add3A_1048 : i32 to vector<16xi32>
    %add3A_1050 = arith.addi %mul3A_991, %add3A_1049 : vector<16xi32>
    %gather3A_1051 = tpu.vector_load_idx %arg5[%add3A_1050] : memref<6400xi32, #tpu.memory_space<vmem>>[vector<16xi32>], vector<16xi32>,
    %gather3A_1052 = tpu.vector_load_idx %arg6[%gather3A_1051] : memref<1000xf32, #tpu.memory_space<vmem>>[vector<16xi32>], vector<16xf32>,
    %add3A_1053 = arith.addf %add3A_1029, %gather3A_1052 : vector<16xf32>
    %add3A_1054 = arith.constant 9 : i32
    %add3A_1055 = vector.broadcast %add3A_1054 : i32 to vector<16xi32>
    %add3A_1056 = arith.addi %mul3A_991, %add3A_1055 : vector<16xi32>
    %gather3A_1057 = tpu.vector_load_idx %arg5[%add3A_1056] : memref<6400xi32, #tpu.memory_space<vmem>>[vector<16xi32>], vector<16xi32>,
    %gather3A_1058 = tpu.vector_load_idx %arg6[%gather3A_1057] : memref<1000xf32, #tpu.memory_space<vmem>>[vector<16xi32>], vector<16xf32>,
    %add3A_1059 = arith.addf %add3A_1035, %gather3A_1058 : vector<16xf32>
    %add3A_1060 = arith.constant 10 : i32
    %add3A_1061 = vector.broadcast %add3A_1060 : i32 to vector<16xi32>
    %add3A_1062 = arith.addi %mul3A_991, %add3A_1061 : vector<16xi32>
    %gather3A_1063 = tpu.vector_load_idx %arg5[%add3A_1062] : memref<6400xi32, #tpu.memory_space<vmem>>[vector<16xi32>], vector<16xi32>,
    %gather3A_1064 = tpu.vector_load_idx %arg6[%gather3A_1063] : memref<1000xf32, #tpu.memory_space<vmem>>[vector<16xi32>], vector<16xf32>,
    %add3A_1065 = arith.addf %add3A_1041, %gather3A_1064 : vector<16xf32>
    %add3A_1066 = arith.constant 11 : i32
    %add3A_1067 = vector.broadcast %add3A_1066 : i32 to vector<16xi32>
    %add3A_1068 = arith.addi %mul3A_991, %add3A_1067 : vector<16xi32>
    %gather3A_1069 = tpu.vector_load_idx %arg5[%add3A_1068] : memref<6400xi32, #tpu.memory_space<vmem>>[vector<16xi32>], vector<16xi32>,
    %gather3A_1070 = tpu.vector_load_idx %arg6[%gather3A_1069] : memref<1000xf32, #tpu.memory_space<vmem>>[vector<16xi32>], vector<16xf32>,
    %add3A_1071 = arith.addf %add3A_1047, %gather3A_1070 : vector<16xf32>
    %add3A_1072 = arith.constant 12 : i32
    %add3A_1073 = vector.broadcast %add3A_1072 : i32 to vector<16xi32>
    %add3A_1074 = arith.addi %mul3A_991, %add3A_1073 : vector<16xi32>
    %gather3A_1075 = tpu.vector_load_idx %arg5[%add3A_1074] : memref<6400xi32, #tpu.memory_space<vmem>>[vector<16xi32>], vector<16xi32>,
    %gather3A_1076 = tpu.vector_load_idx %arg6[%gather3A_1075] : memref<1000xf32, #tpu.memory_space<vmem>>[vector<16xi32>], vector<16xf32>,
    %add3A_1077 = arith.addf %add3A_1053, %gather3A_1076 : vector<16xf32>
    %add3A_1078 = arith.constant 13 : i32
    %add3A_1079 = vector.broadcast %add3A_1078 : i32 to vector<16xi32>
    %add3A_1080 = arith.addi %mul3A_991, %add3A_1079 : vector<16xi32>
    %gather3A_1081 = tpu.vector_load_idx %arg5[%add3A_1080] : memref<6400xi32, #tpu.memory_space<vmem>>[vector<16xi32>], vector<16xi32>,
    %gather3A_1082 = tpu.vector_load_idx %arg6[%gather3A_1081] : memref<1000xf32, #tpu.memory_space<vmem>>[vector<16xi32>], vector<16xf32>,
    %add3A_1083 = arith.addf %add3A_1059, %gather3A_1082 : vector<16xf32>
    %add3A_1084 = arith.constant 14 : i32
    %add3A_1085 = vector.broadcast %add3A_1084 : i32 to vector<16xi32>
    %add3A_1086 = arith.addi %mul3A_991, %add3A_1085 : vector<16xi32>
    %gather3A_1087 = tpu.vector_load_idx %arg5[%add3A_1086] : memref<6400xi32, #tpu.memory_space<vmem>>[vector<16xi32>], vector<16xi32>,
    %gather3A_1088 = tpu.vector_load_idx %arg6[%gather3A_1087] : memref<1000xf32, #tpu.memory_space<vmem>>[vector<16xi32>], vector<16xf32>,
    %add3A_1089 = arith.addf %add3A_1065, %gather3A_1088 : vector<16xf32>
    %add3A_1090 = arith.constant 15 : i32
    %add3A_1091 = vector.broadcast %add3A_1090 : i32 to vector<16xi32>
    %add3A_1092 = arith.addi %mul3A_991, %add3A_1091 : vector<16xi32>
    %gather3A_1093 = tpu.vector_load_idx %arg5[%add3A_1092] : memref<6400xi32, #tpu.memory_space<vmem>>[vector<16xi32>], vector<16xi32>,
    %gather3A_1094 = tpu.vector_load_idx %arg6[%gather3A_1093] : memref<1000xf32, #tpu.memory_space<vmem>>[vector<16xi32>], vector<16xf32>,
    %add3A_1095 = arith.addf %add3A_1071, %gather3A_1094 : vector<16xf32>
    %add3A_1096 = arith.constant 16 : i32
    %add3A_1097 = vector.broadcast %add3A_1096 : i32 to vector<16xi32>
    %add3A_1098 = arith.addi %mul3A_991, %add3A_1097 : vector<16xi32>
    %gather3A_1099 = tpu.vector_load_idx %arg5[%add3A_1098] : memref<6400xi32, #tpu.memory_space<vmem>>[vector<16xi32>], vector<16xi32>,
    %gather3A_1100 = tpu.vector_load_idx %arg6[%gather3A_1099] : memref<1000xf32, #tpu.memory_space<vmem>>[vector<16xi32>], vector<16xf32>,
    %add3A_1101 = arith.addf %add3A_1077, %gather3A_1100 : vector<16xf32>
    %add3A_1102 = arith.constant 17 : i32
    %add3A_1103 = vector.broadcast %add3A_1102 : i32 to vector<16xi32>
    %add3A_1104 = arith.addi %mul3A_991, %add3A_1103 : vector<16xi32>
    %gather3A_1105 = tpu.vector_load_idx %arg5[%add3A_1104] : memref<6400xi32, #tpu.memory_space<vmem>>[vector<16xi32>], vector<16xi32>,
    %gather3A_1106 = tpu.vector_load_idx %arg6[%gather3A_1105] : memref<1000xf32, #tpu.memory_space<vmem>>[vector<16xi32>], vector<16xf32>,
    %add3A_1107 = arith.addf %add3A_1083, %gather3A_1106 : vector<16xf32>
    %add3A_1108 = arith.constant 18 : i32
    %add3A_1109 = vector.broadcast %add3A_1108 : i32 to vector<16xi32>
    %add3A_1110 = arith.addi %mul3A_991, %add3A_1109 : vector<16xi32>
    %gather3A_1111 = tpu.vector_load_idx %arg5[%add3A_1110] : memref<6400xi32, #tpu.memory_space<vmem>>[vector<16xi32>], vector<16xi32>,
    %gather3A_1112 = tpu.vector_load_idx %arg6[%gather3A_1111] : memref<1000xf32, #tpu.memory_space<vmem>>[vector<16xi32>], vector<16xf32>,
    %add3A_1113 = arith.addf %add3A_1089, %gather3A_1112 : vector<16xf32>
    %add3A_1114 = arith.constant 19 : i32
    %add3A_1115 = vector.broadcast %add3A_1114 : i32 to vector<16xi32>
    %add3A_1116 = arith.addi %mul3A_991, %add3A_1115 : vector<16xi32>
    %gather3A_1117 = tpu.vector_load_idx %arg5[%add3A_1116] : memref<6400xi32, #tpu.memory_space<vmem>>[vector<16xi32>], vector<16xi32>,
    %gather3A_1118 = tpu.vector_load_idx %arg6[%gather3A_1117] : memref<1000xf32, #tpu.memory_space<vmem>>[vector<16xi32>], vector<16xf32>,
    %add3A_1119 = arith.addf %add3A_1095, %gather3A_1118 : vector<16xf32>
    %add3A_1120 = arith.constant 20 : i32
    %add3A_1121 = vector.broadcast %add3A_1120 : i32 to vector<16xi32>
    %add3A_1122 = arith.addi %mul3A_991, %add3A_1121 : vector<16xi32>
    %gather3A_1123 = tpu.vector_load_idx %arg5[%add3A_1122] : memref<6400xi32, #tpu.memory_space<vmem>>[vector<16xi32>], vector<16xi32>,
    %gather3A_1124 = tpu.vector_load_idx %arg6[%gather3A_1123] : memref<1000xf32, #tpu.memory_space<vmem>>[vector<16xi32>], vector<16xf32>,
    %add3A_1125 = arith.addf %add3A_1101, %gather3A_1124 : vector<16xf32>
    %add3A_1126 = arith.constant 21 : i32
    %add3A_1127 = vector.broadcast %add3A_1126 : i32 to vector<16xi32>
    %add3A_1128 = arith.addi %mul3A_991, %add3A_1127 : vector<16xi32>
    %gather3A_1129 = tpu.vector_load_idx %arg5[%add3A_1128] : memref<6400xi32, #tpu.memory_space<vmem>>[vector<16xi32>], vector<16xi32>,
    %gather3A_1130 = tpu.vector_load_idx %arg6[%gather3A_1129] : memref<1000xf32, #tpu.memory_space<vmem>>[vector<16xi32>], vector<16xf32>,
    %add3A_1131 = arith.addf %add3A_1107, %gather3A_1130 : vector<16xf32>
    %add3A_1132 = arith.constant 22 : i32
    %add3A_1133 = vector.broadcast %add3A_1132 : i32 to vector<16xi32>
    %add3A_1134 = arith.addi %mul3A_991, %add3A_1133 : vector<16xi32>
    %gather3A_1135 = tpu.vector_load_idx %arg5[%add3A_1134] : memref<6400xi32, #tpu.memory_space<vmem>>[vector<16xi32>], vector<16xi32>,
    %gather3A_1136 = tpu.vector_load_idx %arg6[%gather3A_1135] : memref<1000xf32, #tpu.memory_space<vmem>>[vector<16xi32>], vector<16xf32>,
    %add3A_1137 = arith.addf %add3A_1113, %gather3A_1136 : vector<16xf32>
    %add3A_1138 = arith.constant 23 : i32
    %add3A_1139 = vector.broadcast %add3A_1138 : i32 to vector<16xi32>
    %add3A_1140 = arith.addi %mul3A_991, %add3A_1139 : vector<16xi32>
    %gather3A_1141 = tpu.vector_load_idx %arg5[%add3A_1140] : memref<6400xi32, #tpu.memory_space<vmem>>[vector<16xi32>], vector<16xi32>,
    %gather3A_1142 = tpu.vector_load_idx %arg6[%gather3A_1141] : memref<1000xf32, #tpu.memory_space<vmem>>[vector<16xi32>], vector<16xf32>,
    %add3A_1143 = arith.addf %add3A_1119, %gather3A_1142 : vector<16xf32>
    %add3A_1144 = arith.constant 24 : i32
    %add3A_1145 = vector.broadcast %add3A_1144 : i32 to vector<16xi32>
    %add3A_1146 = arith.addi %mul3A_991, %add3A_1145 : vector<16xi32>
    %gather3A_1147 = tpu.vector_load_idx %arg5[%add3A_1146] : memref<6400xi32, #tpu.memory_space<vmem>>[vector<16xi32>], vector<16xi32>,
    %gather3A_1148 = tpu.vector_load_idx %arg6[%gather3A_1147] : memref<1000xf32, #tpu.memory_space<vmem>>[vector<16xi32>], vector<16xf32>,
    %add3A_1149 = arith.addf %add3A_1125, %gather3A_1148 : vector<16xf32>
    %add3A_1150 = arith.constant 25 : i32
    %add3A_1151 = vector.broadcast %add3A_1150 : i32 to vector<16xi32>
    %add3A_1152 = arith.addi %mul3A_991, %add3A_1151 : vector<16xi32>
    %gather3A_1153 = tpu.vector_load_idx %arg5[%add3A_1152] : memref<6400xi32, #tpu.memory_space<vmem>>[vector<16xi32>], vector<16xi32>,
    %gather3A_1154 = tpu.vector_load_idx %arg6[%gather3A_1153] : memref<1000xf32, #tpu.memory_space<vmem>>[vector<16xi32>], vector<16xf32>,
    %add3A_1155 = arith.addf %add3A_1131, %gather3A_1154 : vector<16xf32>
    %add3A_1156 = arith.constant 26 : i32
    %add3A_1157 = vector.broadcast %add3A_1156 : i32 to vector<16xi32>
    %add3A_1158 = arith.addi %mul3A_991, %add3A_1157 : vector<16xi32>
    %gather3A_1159 = tpu.vector_load_idx %arg5[%add3A_1158] : memref<6400xi32, #tpu.memory_space<vmem>>[vector<16xi32>], vector<16xi32>,
    %gather3A_1160 = tpu.vector_load_idx %arg6[%gather3A_1159] : memref<1000xf32, #tpu.memory_space<vmem>>[vector<16xi32>], vector<16xf32>,
    %add3A_1161 = arith.addf %add3A_1137, %gather3A_1160 : vector<16xf32>
    %add3A_1162 = arith.constant 27 : i32
    %add3A_1163 = vector.broadcast %add3A_1162 : i32 to vector<16xi32>
    %add3A_1164 = arith.addi %mul3A_991, %add3A_1163 : vector<16xi32>
    %gather3A_1165 = tpu.vector_load_idx %arg5[%add3A_1164] : memref<6400xi32, #tpu.memory_space<vmem>>[vector<16xi32>], vector<16xi32>,
    %gather3A_1166 = tpu.vector_load_idx %arg6[%gather3A_1165] : memref<1000xf32, #tpu.memory_space<vmem>>[vector<16xi32>], vector<16xf32>,
    %add3A_1167 = arith.addf %add3A_1143, %gather3A_1166 : vector<16xf32>
    %add3A_1168 = arith.constant 28 : i32
    %add3A_1169 = vector.broadcast %add3A_1168 : i32 to vector<16xi32>
    %add3A_1170 = arith.addi %mul3A_991, %add3A_1169 : vector<16xi32>
    %gather3A_1171 = tpu.vector_load_idx %arg5[%add3A_1170] : memref<6400xi32, #tpu.memory_space<vmem>>[vector<16xi32>], vector<16xi32>,
    %gather3A_1172 = tpu.vector_load_idx %arg6[%gather3A_1171] : memref<1000xf32, #tpu.memory_space<vmem>>[vector<16xi32>], vector<16xf32>,
    %add3A_1173 = arith.addf %add3A_1149, %gather3A_1172 : vector<16xf32>
    %add3A_1174 = arith.constant 29 : i32
    %add3A_1175 = vector.broadcast %add3A_1174 : i32 to vector<16xi32>
    %add3A_1176 = arith.addi %mul3A_991, %add3A_1175 : vector<16xi32>
    %gather3A_1177 = tpu.vector_load_idx %arg5[%add3A_1176] : memref<6400xi32, #tpu.memory_space<vmem>>[vector<16xi32>], vector<16xi32>,
    %gather3A_1178 = tpu.vector_load_idx %arg6[%gather3A_1177] : memref<1000xf32, #tpu.memory_space<vmem>>[vector<16xi32>], vector<16xf32>,
    %add3A_1179 = arith.addf %add3A_1155, %gather3A_1178 : vector<16xf32>
    %add3A_1180 = arith.constant 30 : i32
    %add3A_1181 = vector.broadcast %add3A_1180 : i32 to vector<16xi32>
    %add3A_1182 = arith.addi %mul3A_991, %add3A_1181 : vector<16xi32>
    %gather3A_1183 = tpu.vector_load_idx %arg5[%add3A_1182] : memref<6400xi32, #tpu.memory_space<vmem>>[vector<16xi32>], vector<16xi32>,
    %gather3A_1184 = tpu.vector_load_idx %arg6[%gather3A_1183] : memref<1000xf32, #tpu.memory_space<vmem>>[vector<16xi32>], vector<16xf32>,
    %add3A_1185 = arith.addf %add3A_1161, %gather3A_1184 : vector<16xf32>
    %add3A_1186 = arith.constant 31 : i32
    %add3A_1187 = vector.broadcast %add3A_1186 : i32 to vector<16xi32>
    %add3A_1188 = arith.addi %mul3A_991, %add3A_1187 : vector<16xi32>
    %gather3A_1189 = tpu.vector_load_idx %arg5[%add3A_1188] : memref<6400xi32, #tpu.memory_space<vmem>>[vector<16xi32>], vector<16xi32>,
    %gather3A_1190 = tpu.vector_load_idx %arg6[%gather3A_1189] : memref<1000xf32, #tpu.memory_space<vmem>>[vector<16xi32>], vector<16xf32>,
    %add3A_1191 = arith.addf %add3A_1167, %gather3A_1190 : vector<16xf32>
    %add3A_1192 = arith.constant 32 : i32
    %add3A_1193 = vector.broadcast %add3A_1192 : i32 to vector<16xi32>
    %add3A_1194 = arith.addi %mul3A_991, %add3A_1193 : vector<16xi32>
    %gather3A_1195 = tpu.vector_load_idx %arg5[%add3A_1194] : memref<6400xi32, #tpu.memory_space<vmem>>[vector<16xi32>], vector<16xi32>,
    %gather3A_1196 = tpu.vector_load_idx %arg6[%gather3A_1195] : memref<1000xf32, #tpu.memory_space<vmem>>[vector<16xi32>], vector<16xf32>,
    %add3A_1197 = arith.addf %add3A_1173, %gather3A_1196 : vector<16xf32>
    %add3A_1198 = arith.constant 33 : i32
    %add3A_1199 = vector.broadcast %add3A_1198 : i32 to vector<16xi32>
    %add3A_1200 = arith.addi %mul3A_991, %add3A_1199 : vector<16xi32>
    %gather3A_1201 = tpu.vector_load_idx %arg5[%add3A_1200] : memref<6400xi32, #tpu.memory_space<vmem>>[vector<16xi32>], vector<16xi32>,
    %gather3A_1202 = tpu.vector_load_idx %arg6[%gather3A_1201] : memref<1000xf32, #tpu.memory_space<vmem>>[vector<16xi32>], vector<16xf32>,
    %add3A_1203 = arith.addf %add3A_1179, %gather3A_1202 : vector<16xf32>
    %add3A_1204 = arith.constant 34 : i32
    %add3A_1205 = vector.broadcast %add3A_1204 : i32 to vector<16xi32>
    %add3A_1206 = arith.addi %mul3A_991, %add3A_1205 : vector<16xi32>
    %gather3A_1207 = tpu.vector_load_idx %arg5[%add3A_1206] : memref<6400xi32, #tpu.memory_space<vmem>>[vector<16xi32>], vector<16xi32>,
    %gather3A_1208 = tpu.vector_load_idx %arg6[%gather3A_1207] : memref<1000xf32, #tpu.memory_space<vmem>>[vector<16xi32>], vector<16xf32>,
    %add3A_1209 = arith.addf %add3A_1185, %gather3A_1208 : vector<16xf32>
    %add3A_1210 = arith.constant 35 : i32
    %add3A_1211 = vector.broadcast %add3A_1210 : i32 to vector<16xi32>
    %add3A_1212 = arith.addi %mul3A_991, %add3A_1211 : vector<16xi32>
    %gather3A_1213 = tpu.vector_load_idx %arg5[%add3A_1212] : memref<6400xi32, #tpu.memory_space<vmem>>[vector<16xi32>], vector<16xi32>,
    %gather3A_1214 = tpu.vector_load_idx %arg6[%gather3A_1213] : memref<1000xf32, #tpu.memory_space<vmem>>[vector<16xi32>], vector<16xf32>,
    %add3A_1215 = arith.addf %add3A_1191, %gather3A_1214 : vector<16xf32>
    %add3A_1216 = arith.constant 36 : i32
    %add3A_1217 = vector.broadcast %add3A_1216 : i32 to vector<16xi32>
    %add3A_1218 = arith.addi %mul3A_991, %add3A_1217 : vector<16xi32>
    %gather3A_1219 = tpu.vector_load_idx %arg5[%add3A_1218] : memref<6400xi32, #tpu.memory_space<vmem>>[vector<16xi32>], vector<16xi32>,
    %gather3A_1220 = tpu.vector_load_idx %arg6[%gather3A_1219] : memref<1000xf32, #tpu.memory_space<vmem>>[vector<16xi32>], vector<16xf32>,
    %add3A_1221 = arith.addf %add3A_1197, %gather3A_1220 : vector<16xf32>
    %add3A_1222 = arith.constant 37 : i32
    %add3A_1223 = vector.broadcast %add3A_1222 : i32 to vector<16xi32>
    %add3A_1224 = arith.addi %mul3A_991, %add3A_1223 : vector<16xi32>
    %gather3A_1225 = tpu.vector_load_idx %arg5[%add3A_1224] : memref<6400xi32, #tpu.memory_space<vmem>>[vector<16xi32>], vector<16xi32>,
    %gather3A_1226 = tpu.vector_load_idx %arg6[%gather3A_1225] : memref<1000xf32, #tpu.memory_space<vmem>>[vector<16xi32>], vector<16xf32>,
    %add3A_1227 = arith.addf %add3A_1203, %gather3A_1226 : vector<16xf32>
    %add3A_1228 = arith.constant 38 : i32
    %add3A_1229 = vector.broadcast %add3A_1228 : i32 to vector<16xi32>
    %add3A_1230 = arith.addi %mul3A_991, %add3A_1229 : vector<16xi32>
    %gather3A_1231 = tpu.vector_load_idx %arg5[%add3A_1230] : memref<6400xi32, #tpu.memory_space<vmem>>[vector<16xi32>], vector<16xi32>,
    %gather3A_1232 = tpu.vector_load_idx %arg6[%gather3A_1231] : memref<1000xf32, #tpu.memory_space<vmem>>[vector<16xi32>], vector<16xf32>,
    %add3A_1233 = arith.addf %add3A_1209, %gather3A_1232 : vector<16xf32>
    %add3A_1234 = arith.constant 39 : i32
    %add3A_1235 = vector.broadcast %add3A_1234 : i32 to vector<16xi32>
    %add3A_1236 = arith.addi %mul3A_991, %add3A_1235 : vector<16xi32>
    %gather3A_1237 = tpu.vector_load_idx %arg5[%add3A_1236] : memref<6400xi32, #tpu.memory_space<vmem>>[vector<16xi32>], vector<16xi32>,
    %gather3A_1238 = tpu.vector_load_idx %arg6[%gather3A_1237] : memref<1000xf32, #tpu.memory_space<vmem>>[vector<16xi32>], vector<16xf32>,
    %add3A_1239 = arith.addf %add3A_1215, %gather3A_1238 : vector<16xf32>
    %add3A_1240 = arith.constant 40 : i32
    %add3A_1241 = vector.broadcast %add3A_1240 : i32 to vector<16xi32>
    %add3A_1242 = arith.addi %mul3A_991, %add3A_1241 : vector<16xi32>
    %gather3A_1243 = tpu.vector_load_idx %arg5[%add3A_1242] : memref<6400xi32, #tpu.memory_space<vmem>>[vector<16xi32>], vector<16xi32>,
    %gather3A_1244 = tpu.vector_load_idx %arg6[%gather3A_1243] : memref<1000xf32, #tpu.memory_space<vmem>>[vector<16xi32>], vector<16xf32>,
    %add3A_1245 = arith.addf %add3A_1221, %gather3A_1244 : vector<16xf32>
    %add3A_1246 = arith.constant 41 : i32
    %add3A_1247 = vector.broadcast %add3A_1246 : i32 to vector<16xi32>
    %add3A_1248 = arith.addi %mul3A_991, %add3A_1247 : vector<16xi32>
    %gather3A_1249 = tpu.vector_load_idx %arg5[%add3A_1248] : memref<6400xi32, #tpu.memory_space<vmem>>[vector<16xi32>], vector<16xi32>,
    %gather3A_1250 = tpu.vector_load_idx %arg6[%gather3A_1249] : memref<1000xf32, #tpu.memory_space<vmem>>[vector<16xi32>], vector<16xf32>,
    %add3A_1251 = arith.addf %add3A_1227, %gather3A_1250 : vector<16xf32>
    %add3A_1252 = arith.constant 42 : i32
    %add3A_1253 = vector.broadcast %add3A_1252 : i32 to vector<16xi32>
    %add3A_1254 = arith.addi %mul3A_991, %add3A_1253 : vector<16xi32>
    %gather3A_1255 = tpu.vector_load_idx %arg5[%add3A_1254] : memref<6400xi32, #tpu.memory_space<vmem>>[vector<16xi32>], vector<16xi32>,
    %gather3A_1256 = tpu.vector_load_idx %arg6[%gather3A_1255] : memref<1000xf32, #tpu.memory_space<vmem>>[vector<16xi32>], vector<16xf32>,
    %add3A_1257 = arith.addf %add3A_1233, %gather3A_1256 : vector<16xf32>
    %add3A_1258 = arith.constant 43 : i32
    %add3A_1259 = vector.broadcast %add3A_1258 : i32 to vector<16xi32>
    %add3A_1260 = arith.addi %mul3A_991, %add3A_1259 : vector<16xi32>
    %gather3A_1261 = tpu.vector_load_idx %arg5[%add3A_1260] : memref<6400xi32, #tpu.memory_space<vmem>>[vector<16xi32>], vector<16xi32>,
    %gather3A_1262 = tpu.vector_load_idx %arg6[%gather3A_1261] : memref<1000xf32, #tpu.memory_space<vmem>>[vector<16xi32>], vector<16xf32>,
    %add3A_1263 = arith.addf %add3A_1239, %gather3A_1262 : vector<16xf32>
    %add3A_1264 = arith.constant 44 : i32
    %add3A_1265 = vector.broadcast %add3A_1264 : i32 to vector<16xi32>
    %add3A_1266 = arith.addi %mul3A_991, %add3A_1265 : vector<16xi32>
    %gather3A_1267 = tpu.vector_load_idx %arg5[%add3A_1266] : memref<6400xi32, #tpu.memory_space<vmem>>[vector<16xi32>], vector<16xi32>,
    %gather3A_1268 = tpu.vector_load_idx %arg6[%gather3A_1267] : memref<1000xf32, #tpu.memory_space<vmem>>[vector<16xi32>], vector<16xf32>,
    %add3A_1269 = arith.addf %add3A_1245, %gather3A_1268 : vector<16xf32>
    %add3A_1270 = arith.constant 45 : i32
    %add3A_1271 = vector.broadcast %add3A_1270 : i32 to vector<16xi32>
    %add3A_1272 = arith.addi %mul3A_991, %add3A_1271 : vector<16xi32>
    %gather3A_1273 = tpu.vector_load_idx %arg5[%add3A_1272] : memref<6400xi32, #tpu.memory_space<vmem>>[vector<16xi32>], vector<16xi32>,
    %gather3A_1274 = tpu.vector_load_idx %arg6[%gather3A_1273] : memref<1000xf32, #tpu.memory_space<vmem>>[vector<16xi32>], vector<16xf32>,
    %add3A_1275 = arith.addf %add3A_1251, %gather3A_1274 : vector<16xf32>
    %add3A_1276 = arith.constant 46 : i32
    %add3A_1277 = vector.broadcast %add3A_1276 : i32 to vector<16xi32>
    %add3A_1278 = arith.addi %mul3A_991, %add3A_1277 : vector<16xi32>
    %gather3A_1279 = tpu.vector_load_idx %arg5[%add3A_1278] : memref<6400xi32, #tpu.memory_space<vmem>>[vector<16xi32>], vector<16xi32>,
    %gather3A_1280 = tpu.vector_load_idx %arg6[%gather3A_1279] : memref<1000xf32, #tpu.memory_space<vmem>>[vector<16xi32>], vector<16xf32>,
    %add3A_1281 = arith.addf %add3A_1257, %gather3A_1280 : vector<16xf32>
    %add3A_1282 = arith.constant 47 : i32
    %add3A_1283 = vector.broadcast %add3A_1282 : i32 to vector<16xi32>
    %add3A_1284 = arith.addi %mul3A_991, %add3A_1283 : vector<16xi32>
    %gather3A_1285 = tpu.vector_load_idx %arg5[%add3A_1284] : memref<6400xi32, #tpu.memory_space<vmem>>[vector<16xi32>], vector<16xi32>,
    %gather3A_1286 = tpu.vector_load_idx %arg6[%gather3A_1285] : memref<1000xf32, #tpu.memory_space<vmem>>[vector<16xi32>], vector<16xf32>,
    %add3A_1287 = arith.addf %add3A_1263, %gather3A_1286 : vector<16xf32>
    %add3A_1288 = arith.constant 48 : i32
    %add3A_1289 = vector.broadcast %add3A_1288 : i32 to vector<16xi32>
    %add3A_1290 = arith.addi %mul3A_991, %add3A_1289 : vector<16xi32>
    %gather3A_1291 = tpu.vector_load_idx %arg5[%add3A_1290] : memref<6400xi32, #tpu.memory_space<vmem>>[vector<16xi32>], vector<16xi32>,
    %gather3A_1292 = tpu.vector_load_idx %arg6[%gather3A_1291] : memref<1000xf32, #tpu.memory_space<vmem>>[vector<16xi32>], vector<16xf32>,
    %add3A_1293 = arith.addf %add3A_1269, %gather3A_1292 : vector<16xf32>
    %add3A_1294 = arith.constant 49 : i32
    %add3A_1295 = vector.broadcast %add3A_1294 : i32 to vector<16xi32>
    %add3A_1296 = arith.addi %mul3A_991, %add3A_1295 : vector<16xi32>
    %gather3A_1297 = tpu.vector_load_idx %arg5[%add3A_1296] : memref<6400xi32, #tpu.memory_space<vmem>>[vector<16xi32>], vector<16xi32>,
    %gather3A_1298 = tpu.vector_load_idx %arg6[%gather3A_1297] : memref<1000xf32, #tpu.memory_space<vmem>>[vector<16xi32>], vector<16xf32>,
    %add3A_1299 = arith.addf %add3A_1275, %gather3A_1298 : vector<16xf32>
    %add3A_1300 = arith.addf %add3A_1293, %add3A_1299 : vector<16xf32>
    %add3A_1301 = arith.addf %add3A_1281, %add3A_1287 : vector<16xf32>
    %add3A_1302 = arith.addf %add3A_1300, %add3A_1301 : vector<16xf32>
    %neg3A_1303 = arith.constant 0.000000e+00 : f32
    %neg3A_1304 = vector.broadcast %neg3A_1303 : f32 to vector<16xf32>
    %neg3A_1305 = arith.subf %neg3A_1304, %add3A_1302 : vector<16xf32>
    %exp3A_1306 = math.exp %neg3A_1305 : vector<16xf32>
    %add3A_1307 = arith.constant 1.000000e+00 : f32
    %add3A_1308 = vector.broadcast %add3A_1307 : f32 to vector<16xf32>
    %add3A_1309 = arith.addf %add3A_1308, %exp3A_1306 : vector<16xf32>
    %div3A_1310 = arith.constant 1.000000e+00 : f32
    %div3A_1311 = vector.broadcast %div3A_1310 : f32 to vector<16xf32>
    %div3A_1312 = arith.divf %div3A_1311, %add3A_1309 : vector<16xf32>
    %swap3A_1313 = arith.constant 48 : index
    %swap3A_1314 = tpu.vector_load %arg7[%swap3A_1313] {strides = array<i32>} : memref<128xf32, #tpu.memory_space<vmem>>, vector<16xf32>,
    tpu.vector_store %arg7[%swap3A_1313], %div3A_1312 {strides = array<i32>} : memref<128xf32, #tpu.memory_space<vmem>>, vector<16xf32>,
    %add3A_1315 = arith.constant 64 : i32
    %add3A_1316 = vector.broadcast %add3A_1315 : i32 to vector<16xi32>
    %add3A_1317 = arith.addi %add3A_1316, %iota3A : vector<16xi32>
    %mul3A_1318 = arith.constant 50 : i32
    %mul3A_1319 = vector.broadcast %mul3A_1318 : i32 to vector<16xi32>
    %mul3A_1320 = arith.muli %add3A_1317, %mul3A_1319 : vector<16xi32>
    %broadcast_in_dim3A_1321 = arith.constant 0.000000e+00 : f32
    %broadcast_in_dim3A_1322 = vector.broadcast %broadcast_in_dim3A_1321 : f32 to vector<16xf32>
    %broadcast_in_dim3A_1323 = arith.constant 0.000000e+00 : f32
    %broadcast_in_dim3A_1324 = vector.broadcast %broadcast_in_dim3A_1323 : f32 to vector<16xf32>
    %broadcast_in_dim3A_1325 = arith.constant 0.000000e+00 : f32
    %broadcast_in_dim3A_1326 = vector.broadcast %broadcast_in_dim3A_1325 : f32 to vector<16xf32>
    %broadcast_in_dim3A_1327 = arith.constant 0.000000e+00 : f32
    %broadcast_in_dim3A_1328 = vector.broadcast %broadcast_in_dim3A_1327 : f32 to vector<16xf32>
    %add3A_1329 = arith.constant 0 : i32
    %add3A_1330 = vector.broadcast %add3A_1329 : i32 to vector<16xi32>
    %add3A_1331 = arith.addi %mul3A_1320, %add3A_1330 : vector<16xi32>
    %gather3A_1332 = tpu.vector_load_idx %arg5[%add3A_1331] : memref<6400xi32, #tpu.memory_space<vmem>>[vector<16xi32>], vector<16xi32>,
    %gather3A_1333 = tpu.vector_load_idx %arg6[%gather3A_1332] : memref<1000xf32, #tpu.memory_space<vmem>>[vector<16xi32>], vector<16xf32>,
    %add3A_1334 = arith.addf %broadcast_in_dim3A_1322, %gather3A_1333 : vector<16xf32>
    %add3A_1335 = arith.constant 1 : i32
    %add3A_1336 = vector.broadcast %add3A_1335 : i32 to vector<16xi32>
    %add3A_1337 = arith.addi %mul3A_1320, %add3A_1336 : vector<16xi32>
    %gather3A_1338 = tpu.vector_load_idx %arg5[%add3A_1337] : memref<6400xi32, #tpu.memory_space<vmem>>[vector<16xi32>], vector<16xi32>,
    %gather3A_1339 = tpu.vector_load_idx %arg6[%gather3A_1338] : memref<1000xf32, #tpu.memory_space<vmem>>[vector<16xi32>], vector<16xf32>,
    %add3A_1340 = arith.addf %broadcast_in_dim3A_1324, %gather3A_1339 : vector<16xf32>
    %add3A_1341 = arith.constant 2 : i32
    %add3A_1342 = vector.broadcast %add3A_1341 : i32 to vector<16xi32>
    %add3A_1343 = arith.addi %mul3A_1320, %add3A_1342 : vector<16xi32>
    %gather3A_1344 = tpu.vector_load_idx %arg5[%add3A_1343] : memref<6400xi32, #tpu.memory_space<vmem>>[vector<16xi32>], vector<16xi32>,
    %gather3A_1345 = tpu.vector_load_idx %arg6[%gather3A_1344] : memref<1000xf32, #tpu.memory_space<vmem>>[vector<16xi32>], vector<16xf32>,
    %add3A_1346 = arith.addf %broadcast_in_dim3A_1326, %gather3A_1345 : vector<16xf32>
    %add3A_1347 = arith.constant 3 : i32
    %add3A_1348 = vector.broadcast %add3A_1347 : i32 to vector<16xi32>
    %add3A_1349 = arith.addi %mul3A_1320, %add3A_1348 : vector<16xi32>
    %gather3A_1350 = tpu.vector_load_idx %arg5[%add3A_1349] : memref<6400xi32, #tpu.memory_space<vmem>>[vector<16xi32>], vector<16xi32>,
    %gather3A_1351 = tpu.vector_load_idx %arg6[%gather3A_1350] : memref<1000xf32, #tpu.memory_space<vmem>>[vector<16xi32>], vector<16xf32>,
    %add3A_1352 = arith.addf %broadcast_in_dim3A_1328, %gather3A_1351 : vector<16xf32>
    %add3A_1353 = arith.constant 4 : i32
    %add3A_1354 = vector.broadcast %add3A_1353 : i32 to vector<16xi32>
    %add3A_1355 = arith.addi %mul3A_1320, %add3A_1354 : vector<16xi32>
    %gather3A_1356 = tpu.vector_load_idx %arg5[%add3A_1355] : memref<6400xi32, #tpu.memory_space<vmem>>[vector<16xi32>], vector<16xi32>,
    %gather3A_1357 = tpu.vector_load_idx %arg6[%gather3A_1356] : memref<1000xf32, #tpu.memory_space<vmem>>[vector<16xi32>], vector<16xf32>,
    %add3A_1358 = arith.addf %add3A_1334, %gather3A_1357 : vector<16xf32>
    %add3A_1359 = arith.constant 5 : i32
    %add3A_1360 = vector.broadcast %add3A_1359 : i32 to vector<16xi32>
    %add3A_1361 = arith.addi %mul3A_1320, %add3A_1360 : vector<16xi32>
    %gather3A_1362 = tpu.vector_load_idx %arg5[%add3A_1361] : memref<6400xi32, #tpu.memory_space<vmem>>[vector<16xi32>], vector<16xi32>,
    %gather3A_1363 = tpu.vector_load_idx %arg6[%gather3A_1362] : memref<1000xf32, #tpu.memory_space<vmem>>[vector<16xi32>], vector<16xf32>,
    %add3A_1364 = arith.addf %add3A_1340, %gather3A_1363 : vector<16xf32>
    %add3A_1365 = arith.constant 6 : i32
    %add3A_1366 = vector.broadcast %add3A_1365 : i32 to vector<16xi32>
    %add3A_1367 = arith.addi %mul3A_1320, %add3A_1366 : vector<16xi32>
    %gather3A_1368 = tpu.vector_load_idx %arg5[%add3A_1367] : memref<6400xi32, #tpu.memory_space<vmem>>[vector<16xi32>], vector<16xi32>,
    %gather3A_1369 = tpu.vector_load_idx %arg6[%gather3A_1368] : memref<1000xf32, #tpu.memory_space<vmem>>[vector<16xi32>], vector<16xf32>,
    %add3A_1370 = arith.addf %add3A_1346, %gather3A_1369 : vector<16xf32>
    %add3A_1371 = arith.constant 7 : i32
    %add3A_1372 = vector.broadcast %add3A_1371 : i32 to vector<16xi32>
    %add3A_1373 = arith.addi %mul3A_1320, %add3A_1372 : vector<16xi32>
    %gather3A_1374 = tpu.vector_load_idx %arg5[%add3A_1373] : memref<6400xi32, #tpu.memory_space<vmem>>[vector<16xi32>], vector<16xi32>,
    %gather3A_1375 = tpu.vector_load_idx %arg6[%gather3A_1374] : memref<1000xf32, #tpu.memory_space<vmem>>[vector<16xi32>], vector<16xf32>,
    %add3A_1376 = arith.addf %add3A_1352, %gather3A_1375 : vector<16xf32>
    %add3A_1377 = arith.constant 8 : i32
    %add3A_1378 = vector.broadcast %add3A_1377 : i32 to vector<16xi32>
    %add3A_1379 = arith.addi %mul3A_1320, %add3A_1378 : vector<16xi32>
    %gather3A_1380 = tpu.vector_load_idx %arg5[%add3A_1379] : memref<6400xi32, #tpu.memory_space<vmem>>[vector<16xi32>], vector<16xi32>,
    %gather3A_1381 = tpu.vector_load_idx %arg6[%gather3A_1380] : memref<1000xf32, #tpu.memory_space<vmem>>[vector<16xi32>], vector<16xf32>,
    %add3A_1382 = arith.addf %add3A_1358, %gather3A_1381 : vector<16xf32>
    %add3A_1383 = arith.constant 9 : i32
    %add3A_1384 = vector.broadcast %add3A_1383 : i32 to vector<16xi32>
    %add3A_1385 = arith.addi %mul3A_1320, %add3A_1384 : vector<16xi32>
    %gather3A_1386 = tpu.vector_load_idx %arg5[%add3A_1385] : memref<6400xi32, #tpu.memory_space<vmem>>[vector<16xi32>], vector<16xi32>,
    %gather3A_1387 = tpu.vector_load_idx %arg6[%gather3A_1386] : memref<1000xf32, #tpu.memory_space<vmem>>[vector<16xi32>], vector<16xf32>,
    %add3A_1388 = arith.addf %add3A_1364, %gather3A_1387 : vector<16xf32>
    %add3A_1389 = arith.constant 10 : i32
    %add3A_1390 = vector.broadcast %add3A_1389 : i32 to vector<16xi32>
    %add3A_1391 = arith.addi %mul3A_1320, %add3A_1390 : vector<16xi32>
    %gather3A_1392 = tpu.vector_load_idx %arg5[%add3A_1391] : memref<6400xi32, #tpu.memory_space<vmem>>[vector<16xi32>], vector<16xi32>,
    %gather3A_1393 = tpu.vector_load_idx %arg6[%gather3A_1392] : memref<1000xf32, #tpu.memory_space<vmem>>[vector<16xi32>], vector<16xf32>,
    %add3A_1394 = arith.addf %add3A_1370, %gather3A_1393 : vector<16xf32>
    %add3A_1395 = arith.constant 11 : i32
    %add3A_1396 = vector.broadcast %add3A_1395 : i32 to vector<16xi32>
    %add3A_1397 = arith.addi %mul3A_1320, %add3A_1396 : vector<16xi32>
    %gather3A_1398 = tpu.vector_load_idx %arg5[%add3A_1397] : memref<6400xi32, #tpu.memory_space<vmem>>[vector<16xi32>], vector<16xi32>,
    %gather3A_1399 = tpu.vector_load_idx %arg6[%gather3A_1398] : memref<1000xf32, #tpu.memory_space<vmem>>[vector<16xi32>], vector<16xf32>,
    %add3A_1400 = arith.addf %add3A_1376, %gather3A_1399 : vector<16xf32>
    %add3A_1401 = arith.constant 12 : i32
    %add3A_1402 = vector.broadcast %add3A_1401 : i32 to vector<16xi32>
    %add3A_1403 = arith.addi %mul3A_1320, %add3A_1402 : vector<16xi32>
    %gather3A_1404 = tpu.vector_load_idx %arg5[%add3A_1403] : memref<6400xi32, #tpu.memory_space<vmem>>[vector<16xi32>], vector<16xi32>,
    %gather3A_1405 = tpu.vector_load_idx %arg6[%gather3A_1404] : memref<1000xf32, #tpu.memory_space<vmem>>[vector<16xi32>], vector<16xf32>,
    %add3A_1406 = arith.addf %add3A_1382, %gather3A_1405 : vector<16xf32>
    %add3A_1407 = arith.constant 13 : i32
    %add3A_1408 = vector.broadcast %add3A_1407 : i32 to vector<16xi32>
    %add3A_1409 = arith.addi %mul3A_1320, %add3A_1408 : vector<16xi32>
    %gather3A_1410 = tpu.vector_load_idx %arg5[%add3A_1409] : memref<6400xi32, #tpu.memory_space<vmem>>[vector<16xi32>], vector<16xi32>,
    %gather3A_1411 = tpu.vector_load_idx %arg6[%gather3A_1410] : memref<1000xf32, #tpu.memory_space<vmem>>[vector<16xi32>], vector<16xf32>,
    %add3A_1412 = arith.addf %add3A_1388, %gather3A_1411 : vector<16xf32>
    %add3A_1413 = arith.constant 14 : i32
    %add3A_1414 = vector.broadcast %add3A_1413 : i32 to vector<16xi32>
    %add3A_1415 = arith.addi %mul3A_1320, %add3A_1414 : vector<16xi32>
    %gather3A_1416 = tpu.vector_load_idx %arg5[%add3A_1415] : memref<6400xi32, #tpu.memory_space<vmem>>[vector<16xi32>], vector<16xi32>,
    %gather3A_1417 = tpu.vector_load_idx %arg6[%gather3A_1416] : memref<1000xf32, #tpu.memory_space<vmem>>[vector<16xi32>], vector<16xf32>,
    %add3A_1418 = arith.addf %add3A_1394, %gather3A_1417 : vector<16xf32>
    %add3A_1419 = arith.constant 15 : i32
    %add3A_1420 = vector.broadcast %add3A_1419 : i32 to vector<16xi32>
    %add3A_1421 = arith.addi %mul3A_1320, %add3A_1420 : vector<16xi32>
    %gather3A_1422 = tpu.vector_load_idx %arg5[%add3A_1421] : memref<6400xi32, #tpu.memory_space<vmem>>[vector<16xi32>], vector<16xi32>,
    %gather3A_1423 = tpu.vector_load_idx %arg6[%gather3A_1422] : memref<1000xf32, #tpu.memory_space<vmem>>[vector<16xi32>], vector<16xf32>,
    %add3A_1424 = arith.addf %add3A_1400, %gather3A_1423 : vector<16xf32>
    %add3A_1425 = arith.constant 16 : i32
    %add3A_1426 = vector.broadcast %add3A_1425 : i32 to vector<16xi32>
    %add3A_1427 = arith.addi %mul3A_1320, %add3A_1426 : vector<16xi32>
    %gather3A_1428 = tpu.vector_load_idx %arg5[%add3A_1427] : memref<6400xi32, #tpu.memory_space<vmem>>[vector<16xi32>], vector<16xi32>,
    %gather3A_1429 = tpu.vector_load_idx %arg6[%gather3A_1428] : memref<1000xf32, #tpu.memory_space<vmem>>[vector<16xi32>], vector<16xf32>,
    %add3A_1430 = arith.addf %add3A_1406, %gather3A_1429 : vector<16xf32>
    %add3A_1431 = arith.constant 17 : i32
    %add3A_1432 = vector.broadcast %add3A_1431 : i32 to vector<16xi32>
    %add3A_1433 = arith.addi %mul3A_1320, %add3A_1432 : vector<16xi32>
    %gather3A_1434 = tpu.vector_load_idx %arg5[%add3A_1433] : memref<6400xi32, #tpu.memory_space<vmem>>[vector<16xi32>], vector<16xi32>,
    %gather3A_1435 = tpu.vector_load_idx %arg6[%gather3A_1434] : memref<1000xf32, #tpu.memory_space<vmem>>[vector<16xi32>], vector<16xf32>,
    %add3A_1436 = arith.addf %add3A_1412, %gather3A_1435 : vector<16xf32>
    %add3A_1437 = arith.constant 18 : i32
    %add3A_1438 = vector.broadcast %add3A_1437 : i32 to vector<16xi32>
    %add3A_1439 = arith.addi %mul3A_1320, %add3A_1438 : vector<16xi32>
    %gather3A_1440 = tpu.vector_load_idx %arg5[%add3A_1439] : memref<6400xi32, #tpu.memory_space<vmem>>[vector<16xi32>], vector<16xi32>,
    %gather3A_1441 = tpu.vector_load_idx %arg6[%gather3A_1440] : memref<1000xf32, #tpu.memory_space<vmem>>[vector<16xi32>], vector<16xf32>,
    %add3A_1442 = arith.addf %add3A_1418, %gather3A_1441 : vector<16xf32>
    %add3A_1443 = arith.constant 19 : i32
    %add3A_1444 = vector.broadcast %add3A_1443 : i32 to vector<16xi32>
    %add3A_1445 = arith.addi %mul3A_1320, %add3A_1444 : vector<16xi32>
    %gather3A_1446 = tpu.vector_load_idx %arg5[%add3A_1445] : memref<6400xi32, #tpu.memory_space<vmem>>[vector<16xi32>], vector<16xi32>,
    %gather3A_1447 = tpu.vector_load_idx %arg6[%gather3A_1446] : memref<1000xf32, #tpu.memory_space<vmem>>[vector<16xi32>], vector<16xf32>,
    %add3A_1448 = arith.addf %add3A_1424, %gather3A_1447 : vector<16xf32>
    %add3A_1449 = arith.constant 20 : i32
    %add3A_1450 = vector.broadcast %add3A_1449 : i32 to vector<16xi32>
    %add3A_1451 = arith.addi %mul3A_1320, %add3A_1450 : vector<16xi32>
    %gather3A_1452 = tpu.vector_load_idx %arg5[%add3A_1451] : memref<6400xi32, #tpu.memory_space<vmem>>[vector<16xi32>], vector<16xi32>,
    %gather3A_1453 = tpu.vector_load_idx %arg6[%gather3A_1452] : memref<1000xf32, #tpu.memory_space<vmem>>[vector<16xi32>], vector<16xf32>,
    %add3A_1454 = arith.addf %add3A_1430, %gather3A_1453 : vector<16xf32>
    %add3A_1455 = arith.constant 21 : i32
    %add3A_1456 = vector.broadcast %add3A_1455 : i32 to vector<16xi32>
    %add3A_1457 = arith.addi %mul3A_1320, %add3A_1456 : vector<16xi32>
    %gather3A_1458 = tpu.vector_load_idx %arg5[%add3A_1457] : memref<6400xi32, #tpu.memory_space<vmem>>[vector<16xi32>], vector<16xi32>,
    %gather3A_1459 = tpu.vector_load_idx %arg6[%gather3A_1458] : memref<1000xf32, #tpu.memory_space<vmem>>[vector<16xi32>], vector<16xf32>,
    %add3A_1460 = arith.addf %add3A_1436, %gather3A_1459 : vector<16xf32>
    %add3A_1461 = arith.constant 22 : i32
    %add3A_1462 = vector.broadcast %add3A_1461 : i32 to vector<16xi32>
    %add3A_1463 = arith.addi %mul3A_1320, %add3A_1462 : vector<16xi32>
    %gather3A_1464 = tpu.vector_load_idx %arg5[%add3A_1463] : memref<6400xi32, #tpu.memory_space<vmem>>[vector<16xi32>], vector<16xi32>,
    %gather3A_1465 = tpu.vector_load_idx %arg6[%gather3A_1464] : memref<1000xf32, #tpu.memory_space<vmem>>[vector<16xi32>], vector<16xf32>,
    %add3A_1466 = arith.addf %add3A_1442, %gather3A_1465 : vector<16xf32>
    %add3A_1467 = arith.constant 23 : i32
    %add3A_1468 = vector.broadcast %add3A_1467 : i32 to vector<16xi32>
    %add3A_1469 = arith.addi %mul3A_1320, %add3A_1468 : vector<16xi32>
    %gather3A_1470 = tpu.vector_load_idx %arg5[%add3A_1469] : memref<6400xi32, #tpu.memory_space<vmem>>[vector<16xi32>], vector<16xi32>,
    %gather3A_1471 = tpu.vector_load_idx %arg6[%gather3A_1470] : memref<1000xf32, #tpu.memory_space<vmem>>[vector<16xi32>], vector<16xf32>,
    %add3A_1472 = arith.addf %add3A_1448, %gather3A_1471 : vector<16xf32>
    %add3A_1473 = arith.constant 24 : i32
    %add3A_1474 = vector.broadcast %add3A_1473 : i32 to vector<16xi32>
    %add3A_1475 = arith.addi %mul3A_1320, %add3A_1474 : vector<16xi32>
    %gather3A_1476 = tpu.vector_load_idx %arg5[%add3A_1475] : memref<6400xi32, #tpu.memory_space<vmem>>[vector<16xi32>], vector<16xi32>,
    %gather3A_1477 = tpu.vector_load_idx %arg6[%gather3A_1476] : memref<1000xf32, #tpu.memory_space<vmem>>[vector<16xi32>], vector<16xf32>,
    %add3A_1478 = arith.addf %add3A_1454, %gather3A_1477 : vector<16xf32>
    %add3A_1479 = arith.constant 25 : i32
    %add3A_1480 = vector.broadcast %add3A_1479 : i32 to vector<16xi32>
    %add3A_1481 = arith.addi %mul3A_1320, %add3A_1480 : vector<16xi32>
    %gather3A_1482 = tpu.vector_load_idx %arg5[%add3A_1481] : memref<6400xi32, #tpu.memory_space<vmem>>[vector<16xi32>], vector<16xi32>,
    %gather3A_1483 = tpu.vector_load_idx %arg6[%gather3A_1482] : memref<1000xf32, #tpu.memory_space<vmem>>[vector<16xi32>], vector<16xf32>,
    %add3A_1484 = arith.addf %add3A_1460, %gather3A_1483 : vector<16xf32>
    %add3A_1485 = arith.constant 26 : i32
    %add3A_1486 = vector.broadcast %add3A_1485 : i32 to vector<16xi32>
    %add3A_1487 = arith.addi %mul3A_1320, %add3A_1486 : vector<16xi32>
    %gather3A_1488 = tpu.vector_load_idx %arg5[%add3A_1487] : memref<6400xi32, #tpu.memory_space<vmem>>[vector<16xi32>], vector<16xi32>,
    %gather3A_1489 = tpu.vector_load_idx %arg6[%gather3A_1488] : memref<1000xf32, #tpu.memory_space<vmem>>[vector<16xi32>], vector<16xf32>,
    %add3A_1490 = arith.addf %add3A_1466, %gather3A_1489 : vector<16xf32>
    %add3A_1491 = arith.constant 27 : i32
    %add3A_1492 = vector.broadcast %add3A_1491 : i32 to vector<16xi32>
    %add3A_1493 = arith.addi %mul3A_1320, %add3A_1492 : vector<16xi32>
    %gather3A_1494 = tpu.vector_load_idx %arg5[%add3A_1493] : memref<6400xi32, #tpu.memory_space<vmem>>[vector<16xi32>], vector<16xi32>,
    %gather3A_1495 = tpu.vector_load_idx %arg6[%gather3A_1494] : memref<1000xf32, #tpu.memory_space<vmem>>[vector<16xi32>], vector<16xf32>,
    %add3A_1496 = arith.addf %add3A_1472, %gather3A_1495 : vector<16xf32>
    %add3A_1497 = arith.constant 28 : i32
    %add3A_1498 = vector.broadcast %add3A_1497 : i32 to vector<16xi32>
    %add3A_1499 = arith.addi %mul3A_1320, %add3A_1498 : vector<16xi32>
    %gather3A_1500 = tpu.vector_load_idx %arg5[%add3A_1499] : memref<6400xi32, #tpu.memory_space<vmem>>[vector<16xi32>], vector<16xi32>,
    %gather3A_1501 = tpu.vector_load_idx %arg6[%gather3A_1500] : memref<1000xf32, #tpu.memory_space<vmem>>[vector<16xi32>], vector<16xf32>,
    %add3A_1502 = arith.addf %add3A_1478, %gather3A_1501 : vector<16xf32>
    %add3A_1503 = arith.constant 29 : i32
    %add3A_1504 = vector.broadcast %add3A_1503 : i32 to vector<16xi32>
    %add3A_1505 = arith.addi %mul3A_1320, %add3A_1504 : vector<16xi32>
    %gather3A_1506 = tpu.vector_load_idx %arg5[%add3A_1505] : memref<6400xi32, #tpu.memory_space<vmem>>[vector<16xi32>], vector<16xi32>,
    %gather3A_1507 = tpu.vector_load_idx %arg6[%gather3A_1506] : memref<1000xf32, #tpu.memory_space<vmem>>[vector<16xi32>], vector<16xf32>,
    %add3A_1508 = arith.addf %add3A_1484, %gather3A_1507 : vector<16xf32>
    %add3A_1509 = arith.constant 30 : i32
    %add3A_1510 = vector.broadcast %add3A_1509 : i32 to vector<16xi32>
    %add3A_1511 = arith.addi %mul3A_1320, %add3A_1510 : vector<16xi32>
    %gather3A_1512 = tpu.vector_load_idx %arg5[%add3A_1511] : memref<6400xi32, #tpu.memory_space<vmem>>[vector<16xi32>], vector<16xi32>,
    %gather3A_1513 = tpu.vector_load_idx %arg6[%gather3A_1512] : memref<1000xf32, #tpu.memory_space<vmem>>[vector<16xi32>], vector<16xf32>,
    %add3A_1514 = arith.addf %add3A_1490, %gather3A_1513 : vector<16xf32>
    %add3A_1515 = arith.constant 31 : i32
    %add3A_1516 = vector.broadcast %add3A_1515 : i32 to vector<16xi32>
    %add3A_1517 = arith.addi %mul3A_1320, %add3A_1516 : vector<16xi32>
    %gather3A_1518 = tpu.vector_load_idx %arg5[%add3A_1517] : memref<6400xi32, #tpu.memory_space<vmem>>[vector<16xi32>], vector<16xi32>,
    %gather3A_1519 = tpu.vector_load_idx %arg6[%gather3A_1518] : memref<1000xf32, #tpu.memory_space<vmem>>[vector<16xi32>], vector<16xf32>,
    %add3A_1520 = arith.addf %add3A_1496, %gather3A_1519 : vector<16xf32>
    %add3A_1521 = arith.constant 32 : i32
    %add3A_1522 = vector.broadcast %add3A_1521 : i32 to vector<16xi32>
    %add3A_1523 = arith.addi %mul3A_1320, %add3A_1522 : vector<16xi32>
    %gather3A_1524 = tpu.vector_load_idx %arg5[%add3A_1523] : memref<6400xi32, #tpu.memory_space<vmem>>[vector<16xi32>], vector<16xi32>,
    %gather3A_1525 = tpu.vector_load_idx %arg6[%gather3A_1524] : memref<1000xf32, #tpu.memory_space<vmem>>[vector<16xi32>], vector<16xf32>,
    %add3A_1526 = arith.addf %add3A_1502, %gather3A_1525 : vector<16xf32>
    %add3A_1527 = arith.constant 33 : i32
    %add3A_1528 = vector.broadcast %add3A_1527 : i32 to vector<16xi32>
    %add3A_1529 = arith.addi %mul3A_1320, %add3A_1528 : vector<16xi32>
    %gather3A_1530 = tpu.vector_load_idx %arg5[%add3A_1529] : memref<6400xi32, #tpu.memory_space<vmem>>[vector<16xi32>], vector<16xi32>,
    %gather3A_1531 = tpu.vector_load_idx %arg6[%gather3A_1530] : memref<1000xf32, #tpu.memory_space<vmem>>[vector<16xi32>], vector<16xf32>,
    %add3A_1532 = arith.addf %add3A_1508, %gather3A_1531 : vector<16xf32>
    %add3A_1533 = arith.constant 34 : i32
    %add3A_1534 = vector.broadcast %add3A_1533 : i32 to vector<16xi32>
    %add3A_1535 = arith.addi %mul3A_1320, %add3A_1534 : vector<16xi32>
    %gather3A_1536 = tpu.vector_load_idx %arg5[%add3A_1535] : memref<6400xi32, #tpu.memory_space<vmem>>[vector<16xi32>], vector<16xi32>,
    %gather3A_1537 = tpu.vector_load_idx %arg6[%gather3A_1536] : memref<1000xf32, #tpu.memory_space<vmem>>[vector<16xi32>], vector<16xf32>,
    %add3A_1538 = arith.addf %add3A_1514, %gather3A_1537 : vector<16xf32>
    %add3A_1539 = arith.constant 35 : i32
    %add3A_1540 = vector.broadcast %add3A_1539 : i32 to vector<16xi32>
    %add3A_1541 = arith.addi %mul3A_1320, %add3A_1540 : vector<16xi32>
    %gather3A_1542 = tpu.vector_load_idx %arg5[%add3A_1541] : memref<6400xi32, #tpu.memory_space<vmem>>[vector<16xi32>], vector<16xi32>,
    %gather3A_1543 = tpu.vector_load_idx %arg6[%gather3A_1542] : memref<1000xf32, #tpu.memory_space<vmem>>[vector<16xi32>], vector<16xf32>,
    %add3A_1544 = arith.addf %add3A_1520, %gather3A_1543 : vector<16xf32>
    %add3A_1545 = arith.constant 36 : i32
    %add3A_1546 = vector.broadcast %add3A_1545 : i32 to vector<16xi32>
    %add3A_1547 = arith.addi %mul3A_1320, %add3A_1546 : vector<16xi32>
    %gather3A_1548 = tpu.vector_load_idx %arg5[%add3A_1547] : memref<6400xi32, #tpu.memory_space<vmem>>[vector<16xi32>], vector<16xi32>,
    %gather3A_1549 = tpu.vector_load_idx %arg6[%gather3A_1548] : memref<1000xf32, #tpu.memory_space<vmem>>[vector<16xi32>], vector<16xf32>,
    %add3A_1550 = arith.addf %add3A_1526, %gather3A_1549 : vector<16xf32>
    %add3A_1551 = arith.constant 37 : i32
    %add3A_1552 = vector.broadcast %add3A_1551 : i32 to vector<16xi32>
    %add3A_1553 = arith.addi %mul3A_1320, %add3A_1552 : vector<16xi32>
    %gather3A_1554 = tpu.vector_load_idx %arg5[%add3A_1553] : memref<6400xi32, #tpu.memory_space<vmem>>[vector<16xi32>], vector<16xi32>,
    %gather3A_1555 = tpu.vector_load_idx %arg6[%gather3A_1554] : memref<1000xf32, #tpu.memory_space<vmem>>[vector<16xi32>], vector<16xf32>,
    %add3A_1556 = arith.addf %add3A_1532, %gather3A_1555 : vector<16xf32>
    %add3A_1557 = arith.constant 38 : i32
    %add3A_1558 = vector.broadcast %add3A_1557 : i32 to vector<16xi32>
    %add3A_1559 = arith.addi %mul3A_1320, %add3A_1558 : vector<16xi32>
    %gather3A_1560 = tpu.vector_load_idx %arg5[%add3A_1559] : memref<6400xi32, #tpu.memory_space<vmem>>[vector<16xi32>], vector<16xi32>,
    %gather3A_1561 = tpu.vector_load_idx %arg6[%gather3A_1560] : memref<1000xf32, #tpu.memory_space<vmem>>[vector<16xi32>], vector<16xf32>,
    %add3A_1562 = arith.addf %add3A_1538, %gather3A_1561 : vector<16xf32>
    %add3A_1563 = arith.constant 39 : i32
    %add3A_1564 = vector.broadcast %add3A_1563 : i32 to vector<16xi32>
    %add3A_1565 = arith.addi %mul3A_1320, %add3A_1564 : vector<16xi32>
    %gather3A_1566 = tpu.vector_load_idx %arg5[%add3A_1565] : memref<6400xi32, #tpu.memory_space<vmem>>[vector<16xi32>], vector<16xi32>,
    %gather3A_1567 = tpu.vector_load_idx %arg6[%gather3A_1566] : memref<1000xf32, #tpu.memory_space<vmem>>[vector<16xi32>], vector<16xf32>,
    %add3A_1568 = arith.addf %add3A_1544, %gather3A_1567 : vector<16xf32>
    %add3A_1569 = arith.constant 40 : i32
    %add3A_1570 = vector.broadcast %add3A_1569 : i32 to vector<16xi32>
    %add3A_1571 = arith.addi %mul3A_1320, %add3A_1570 : vector<16xi32>
    %gather3A_1572 = tpu.vector_load_idx %arg5[%add3A_1571] : memref<6400xi32, #tpu.memory_space<vmem>>[vector<16xi32>], vector<16xi32>,
    %gather3A_1573 = tpu.vector_load_idx %arg6[%gather3A_1572] : memref<1000xf32, #tpu.memory_space<vmem>>[vector<16xi32>], vector<16xf32>,
    %add3A_1574 = arith.addf %add3A_1550, %gather3A_1573 : vector<16xf32>
    %add3A_1575 = arith.constant 41 : i32
    %add3A_1576 = vector.broadcast %add3A_1575 : i32 to vector<16xi32>
    %add3A_1577 = arith.addi %mul3A_1320, %add3A_1576 : vector<16xi32>
    %gather3A_1578 = tpu.vector_load_idx %arg5[%add3A_1577] : memref<6400xi32, #tpu.memory_space<vmem>>[vector<16xi32>], vector<16xi32>,
    %gather3A_1579 = tpu.vector_load_idx %arg6[%gather3A_1578] : memref<1000xf32, #tpu.memory_space<vmem>>[vector<16xi32>], vector<16xf32>,
    %add3A_1580 = arith.addf %add3A_1556, %gather3A_1579 : vector<16xf32>
    %add3A_1581 = arith.constant 42 : i32
    %add3A_1582 = vector.broadcast %add3A_1581 : i32 to vector<16xi32>
    %add3A_1583 = arith.addi %mul3A_1320, %add3A_1582 : vector<16xi32>
    %gather3A_1584 = tpu.vector_load_idx %arg5[%add3A_1583] : memref<6400xi32, #tpu.memory_space<vmem>>[vector<16xi32>], vector<16xi32>,
    %gather3A_1585 = tpu.vector_load_idx %arg6[%gather3A_1584] : memref<1000xf32, #tpu.memory_space<vmem>>[vector<16xi32>], vector<16xf32>,
    %add3A_1586 = arith.addf %add3A_1562, %gather3A_1585 : vector<16xf32>
    %add3A_1587 = arith.constant 43 : i32
    %add3A_1588 = vector.broadcast %add3A_1587 : i32 to vector<16xi32>
    %add3A_1589 = arith.addi %mul3A_1320, %add3A_1588 : vector<16xi32>
    %gather3A_1590 = tpu.vector_load_idx %arg5[%add3A_1589] : memref<6400xi32, #tpu.memory_space<vmem>>[vector<16xi32>], vector<16xi32>,
    %gather3A_1591 = tpu.vector_load_idx %arg6[%gather3A_1590] : memref<1000xf32, #tpu.memory_space<vmem>>[vector<16xi32>], vector<16xf32>,
    %add3A_1592 = arith.addf %add3A_1568, %gather3A_1591 : vector<16xf32>
    %add3A_1593 = arith.constant 44 : i32
    %add3A_1594 = vector.broadcast %add3A_1593 : i32 to vector<16xi32>
    %add3A_1595 = arith.addi %mul3A_1320, %add3A_1594 : vector<16xi32>
    %gather3A_1596 = tpu.vector_load_idx %arg5[%add3A_1595] : memref<6400xi32, #tpu.memory_space<vmem>>[vector<16xi32>], vector<16xi32>,
    %gather3A_1597 = tpu.vector_load_idx %arg6[%gather3A_1596] : memref<1000xf32, #tpu.memory_space<vmem>>[vector<16xi32>], vector<16xf32>,
    %add3A_1598 = arith.addf %add3A_1574, %gather3A_1597 : vector<16xf32>
    %add3A_1599 = arith.constant 45 : i32
    %add3A_1600 = vector.broadcast %add3A_1599 : i32 to vector<16xi32>
    %add3A_1601 = arith.addi %mul3A_1320, %add3A_1600 : vector<16xi32>
    %gather3A_1602 = tpu.vector_load_idx %arg5[%add3A_1601] : memref<6400xi32, #tpu.memory_space<vmem>>[vector<16xi32>], vector<16xi32>,
    %gather3A_1603 = tpu.vector_load_idx %arg6[%gather3A_1602] : memref<1000xf32, #tpu.memory_space<vmem>>[vector<16xi32>], vector<16xf32>,
    %add3A_1604 = arith.addf %add3A_1580, %gather3A_1603 : vector<16xf32>
    %add3A_1605 = arith.constant 46 : i32
    %add3A_1606 = vector.broadcast %add3A_1605 : i32 to vector<16xi32>
    %add3A_1607 = arith.addi %mul3A_1320, %add3A_1606 : vector<16xi32>
    %gather3A_1608 = tpu.vector_load_idx %arg5[%add3A_1607] : memref<6400xi32, #tpu.memory_space<vmem>>[vector<16xi32>], vector<16xi32>,
    %gather3A_1609 = tpu.vector_load_idx %arg6[%gather3A_1608] : memref<1000xf32, #tpu.memory_space<vmem>>[vector<16xi32>], vector<16xf32>,
    %add3A_1610 = arith.addf %add3A_1586, %gather3A_1609 : vector<16xf32>
    %add3A_1611 = arith.constant 47 : i32
    %add3A_1612 = vector.broadcast %add3A_1611 : i32 to vector<16xi32>
    %add3A_1613 = arith.addi %mul3A_1320, %add3A_1612 : vector<16xi32>
    %gather3A_1614 = tpu.vector_load_idx %arg5[%add3A_1613] : memref<6400xi32, #tpu.memory_space<vmem>>[vector<16xi32>], vector<16xi32>,
    %gather3A_1615 = tpu.vector_load_idx %arg6[%gather3A_1614] : memref<1000xf32, #tpu.memory_space<vmem>>[vector<16xi32>], vector<16xf32>,
    %add3A_1616 = arith.addf %add3A_1592, %gather3A_1615 : vector<16xf32>
    %add3A_1617 = arith.constant 48 : i32
    %add3A_1618 = vector.broadcast %add3A_1617 : i32 to vector<16xi32>
    %add3A_1619 = arith.addi %mul3A_1320, %add3A_1618 : vector<16xi32>
    %gather3A_1620 = tpu.vector_load_idx %arg5[%add3A_1619] : memref<6400xi32, #tpu.memory_space<vmem>>[vector<16xi32>], vector<16xi32>,
    %gather3A_1621 = tpu.vector_load_idx %arg6[%gather3A_1620] : memref<1000xf32, #tpu.memory_space<vmem>>[vector<16xi32>], vector<16xf32>,
    %add3A_1622 = arith.addf %add3A_1598, %gather3A_1621 : vector<16xf32>
    %add3A_1623 = arith.constant 49 : i32
    %add3A_1624 = vector.broadcast %add3A_1623 : i32 to vector<16xi32>
    %add3A_1625 = arith.addi %mul3A_1320, %add3A_1624 : vector<16xi32>
    %gather3A_1626 = tpu.vector_load_idx %arg5[%add3A_1625] : memref<6400xi32, #tpu.memory_space<vmem>>[vector<16xi32>], vector<16xi32>,
    %gather3A_1627 = tpu.vector_load_idx %arg6[%gather3A_1626] : memref<1000xf32, #tpu.memory_space<vmem>>[vector<16xi32>], vector<16xf32>,
    %add3A_1628 = arith.addf %add3A_1604, %gather3A_1627 : vector<16xf32>
    %add3A_1629 = arith.addf %add3A_1622, %add3A_1628 : vector<16xf32>
    %add3A_1630 = arith.addf %add3A_1610, %add3A_1616 : vector<16xf32>
    %add3A_1631 = arith.addf %add3A_1629, %add3A_1630 : vector<16xf32>
    %neg3A_1632 = arith.constant 0.000000e+00 : f32
    %neg3A_1633 = vector.broadcast %neg3A_1632 : f32 to vector<16xf32>
    %neg3A_1634 = arith.subf %neg3A_1633, %add3A_1631 : vector<16xf32>
    %exp3A_1635 = math.exp %neg3A_1634 : vector<16xf32>
    %add3A_1636 = arith.constant 1.000000e+00 : f32
    %add3A_1637 = vector.broadcast %add3A_1636 : f32 to vector<16xf32>
    %add3A_1638 = arith.addf %add3A_1637, %exp3A_1635 : vector<16xf32>
    %div3A_1639 = arith.constant 1.000000e+00 : f32
    %div3A_1640 = vector.broadcast %div3A_1639 : f32 to vector<16xf32>
    %div3A_1641 = arith.divf %div3A_1640, %add3A_1638 : vector<16xf32>
    %swap3A_1642 = arith.constant 64 : index
    %swap3A_1643 = tpu.vector_load %arg7[%swap3A_1642] {strides = array<i32>} : memref<128xf32, #tpu.memory_space<vmem>>, vector<16xf32>,
    tpu.vector_store %arg7[%swap3A_1642], %div3A_1641 {strides = array<i32>} : memref<128xf32, #tpu.memory_space<vmem>>, vector<16xf32>,
    %add3A_1644 = arith.constant 80 : i32
    %add3A_1645 = vector.broadcast %add3A_1644 : i32 to vector<16xi32>
    %add3A_1646 = arith.addi %add3A_1645, %iota3A : vector<16xi32>
    %mul3A_1647 = arith.constant 50 : i32
    %mul3A_1648 = vector.broadcast %mul3A_1647 : i32 to vector<16xi32>
    %mul3A_1649 = arith.muli %add3A_1646, %mul3A_1648 : vector<16xi32>
    %broadcast_in_dim3A_1650 = arith.constant 0.000000e+00 : f32
    %broadcast_in_dim3A_1651 = vector.broadcast %broadcast_in_dim3A_1650 : f32 to vector<16xf32>
    %broadcast_in_dim3A_1652 = arith.constant 0.000000e+00 : f32
    %broadcast_in_dim3A_1653 = vector.broadcast %broadcast_in_dim3A_1652 : f32 to vector<16xf32>
    %broadcast_in_dim3A_1654 = arith.constant 0.000000e+00 : f32
    %broadcast_in_dim3A_1655 = vector.broadcast %broadcast_in_dim3A_1654 : f32 to vector<16xf32>
    %broadcast_in_dim3A_1656 = arith.constant 0.000000e+00 : f32
    %broadcast_in_dim3A_1657 = vector.broadcast %broadcast_in_dim3A_1656 : f32 to vector<16xf32>
    %add3A_1658 = arith.constant 0 : i32
    %add3A_1659 = vector.broadcast %add3A_1658 : i32 to vector<16xi32>
    %add3A_1660 = arith.addi %mul3A_1649, %add3A_1659 : vector<16xi32>
    %gather3A_1661 = tpu.vector_load_idx %arg5[%add3A_1660] : memref<6400xi32, #tpu.memory_space<vmem>>[vector<16xi32>], vector<16xi32>,
    %gather3A_1662 = tpu.vector_load_idx %arg6[%gather3A_1661] : memref<1000xf32, #tpu.memory_space<vmem>>[vector<16xi32>], vector<16xf32>,
    %add3A_1663 = arith.addf %broadcast_in_dim3A_1651, %gather3A_1662 : vector<16xf32>
    %add3A_1664 = arith.constant 1 : i32
    %add3A_1665 = vector.broadcast %add3A_1664 : i32 to vector<16xi32>
    %add3A_1666 = arith.addi %mul3A_1649, %add3A_1665 : vector<16xi32>
    %gather3A_1667 = tpu.vector_load_idx %arg5[%add3A_1666] : memref<6400xi32, #tpu.memory_space<vmem>>[vector<16xi32>], vector<16xi32>,
    %gather3A_1668 = tpu.vector_load_idx %arg6[%gather3A_1667] : memref<1000xf32, #tpu.memory_space<vmem>>[vector<16xi32>], vector<16xf32>,
    %add3A_1669 = arith.addf %broadcast_in_dim3A_1653, %gather3A_1668 : vector<16xf32>
    %add3A_1670 = arith.constant 2 : i32
    %add3A_1671 = vector.broadcast %add3A_1670 : i32 to vector<16xi32>
    %add3A_1672 = arith.addi %mul3A_1649, %add3A_1671 : vector<16xi32>
    %gather3A_1673 = tpu.vector_load_idx %arg5[%add3A_1672] : memref<6400xi32, #tpu.memory_space<vmem>>[vector<16xi32>], vector<16xi32>,
    %gather3A_1674 = tpu.vector_load_idx %arg6[%gather3A_1673] : memref<1000xf32, #tpu.memory_space<vmem>>[vector<16xi32>], vector<16xf32>,
    %add3A_1675 = arith.addf %broadcast_in_dim3A_1655, %gather3A_1674 : vector<16xf32>
    %add3A_1676 = arith.constant 3 : i32
    %add3A_1677 = vector.broadcast %add3A_1676 : i32 to vector<16xi32>
    %add3A_1678 = arith.addi %mul3A_1649, %add3A_1677 : vector<16xi32>
    %gather3A_1679 = tpu.vector_load_idx %arg5[%add3A_1678] : memref<6400xi32, #tpu.memory_space<vmem>>[vector<16xi32>], vector<16xi32>,
    %gather3A_1680 = tpu.vector_load_idx %arg6[%gather3A_1679] : memref<1000xf32, #tpu.memory_space<vmem>>[vector<16xi32>], vector<16xf32>,
    %add3A_1681 = arith.addf %broadcast_in_dim3A_1657, %gather3A_1680 : vector<16xf32>
    %add3A_1682 = arith.constant 4 : i32
    %add3A_1683 = vector.broadcast %add3A_1682 : i32 to vector<16xi32>
    %add3A_1684 = arith.addi %mul3A_1649, %add3A_1683 : vector<16xi32>
    %gather3A_1685 = tpu.vector_load_idx %arg5[%add3A_1684] : memref<6400xi32, #tpu.memory_space<vmem>>[vector<16xi32>], vector<16xi32>,
    %gather3A_1686 = tpu.vector_load_idx %arg6[%gather3A_1685] : memref<1000xf32, #tpu.memory_space<vmem>>[vector<16xi32>], vector<16xf32>,
    %add3A_1687 = arith.addf %add3A_1663, %gather3A_1686 : vector<16xf32>
    %add3A_1688 = arith.constant 5 : i32
    %add3A_1689 = vector.broadcast %add3A_1688 : i32 to vector<16xi32>
    %add3A_1690 = arith.addi %mul3A_1649, %add3A_1689 : vector<16xi32>
    %gather3A_1691 = tpu.vector_load_idx %arg5[%add3A_1690] : memref<6400xi32, #tpu.memory_space<vmem>>[vector<16xi32>], vector<16xi32>,
    %gather3A_1692 = tpu.vector_load_idx %arg6[%gather3A_1691] : memref<1000xf32, #tpu.memory_space<vmem>>[vector<16xi32>], vector<16xf32>,
    %add3A_1693 = arith.addf %add3A_1669, %gather3A_1692 : vector<16xf32>
    %add3A_1694 = arith.constant 6 : i32
    %add3A_1695 = vector.broadcast %add3A_1694 : i32 to vector<16xi32>
    %add3A_1696 = arith.addi %mul3A_1649, %add3A_1695 : vector<16xi32>
    %gather3A_1697 = tpu.vector_load_idx %arg5[%add3A_1696] : memref<6400xi32, #tpu.memory_space<vmem>>[vector<16xi32>], vector<16xi32>,
    %gather3A_1698 = tpu.vector_load_idx %arg6[%gather3A_1697] : memref<1000xf32, #tpu.memory_space<vmem>>[vector<16xi32>], vector<16xf32>,
    %add3A_1699 = arith.addf %add3A_1675, %gather3A_1698 : vector<16xf32>
    %add3A_1700 = arith.constant 7 : i32
    %add3A_1701 = vector.broadcast %add3A_1700 : i32 to vector<16xi32>
    %add3A_1702 = arith.addi %mul3A_1649, %add3A_1701 : vector<16xi32>
    %gather3A_1703 = tpu.vector_load_idx %arg5[%add3A_1702] : memref<6400xi32, #tpu.memory_space<vmem>>[vector<16xi32>], vector<16xi32>,
    %gather3A_1704 = tpu.vector_load_idx %arg6[%gather3A_1703] : memref<1000xf32, #tpu.memory_space<vmem>>[vector<16xi32>], vector<16xf32>,
    %add3A_1705 = arith.addf %add3A_1681, %gather3A_1704 : vector<16xf32>
    %add3A_1706 = arith.constant 8 : i32
    %add3A_1707 = vector.broadcast %add3A_1706 : i32 to vector<16xi32>
    %add3A_1708 = arith.addi %mul3A_1649, %add3A_1707 : vector<16xi32>
    %gather3A_1709 = tpu.vector_load_idx %arg5[%add3A_1708] : memref<6400xi32, #tpu.memory_space<vmem>>[vector<16xi32>], vector<16xi32>,
    %gather3A_1710 = tpu.vector_load_idx %arg6[%gather3A_1709] : memref<1000xf32, #tpu.memory_space<vmem>>[vector<16xi32>], vector<16xf32>,
    %add3A_1711 = arith.addf %add3A_1687, %gather3A_1710 : vector<16xf32>
    %add3A_1712 = arith.constant 9 : i32
    %add3A_1713 = vector.broadcast %add3A_1712 : i32 to vector<16xi32>
    %add3A_1714 = arith.addi %mul3A_1649, %add3A_1713 : vector<16xi32>
    %gather3A_1715 = tpu.vector_load_idx %arg5[%add3A_1714] : memref<6400xi32, #tpu.memory_space<vmem>>[vector<16xi32>], vector<16xi32>,
    %gather3A_1716 = tpu.vector_load_idx %arg6[%gather3A_1715] : memref<1000xf32, #tpu.memory_space<vmem>>[vector<16xi32>], vector<16xf32>,
    %add3A_1717 = arith.addf %add3A_1693, %gather3A_1716 : vector<16xf32>
    %add3A_1718 = arith.constant 10 : i32
    %add3A_1719 = vector.broadcast %add3A_1718 : i32 to vector<16xi32>
    %add3A_1720 = arith.addi %mul3A_1649, %add3A_1719 : vector<16xi32>
    %gather3A_1721 = tpu.vector_load_idx %arg5[%add3A_1720] : memref<6400xi32, #tpu.memory_space<vmem>>[vector<16xi32>], vector<16xi32>,
    %gather3A_1722 = tpu.vector_load_idx %arg6[%gather3A_1721] : memref<1000xf32, #tpu.memory_space<vmem>>[vector<16xi32>], vector<16xf32>,
    %add3A_1723 = arith.addf %add3A_1699, %gather3A_1722 : vector<16xf32>
    %add3A_1724 = arith.constant 11 : i32
    %add3A_1725 = vector.broadcast %add3A_1724 : i32 to vector<16xi32>
    %add3A_1726 = arith.addi %mul3A_1649, %add3A_1725 : vector<16xi32>
    %gather3A_1727 = tpu.vector_load_idx %arg5[%add3A_1726] : memref<6400xi32, #tpu.memory_space<vmem>>[vector<16xi32>], vector<16xi32>,
    %gather3A_1728 = tpu.vector_load_idx %arg6[%gather3A_1727] : memref<1000xf32, #tpu.memory_space<vmem>>[vector<16xi32>], vector<16xf32>,
    %add3A_1729 = arith.addf %add3A_1705, %gather3A_1728 : vector<16xf32>
    %add3A_1730 = arith.constant 12 : i32
    %add3A_1731 = vector.broadcast %add3A_1730 : i32 to vector<16xi32>
    %add3A_1732 = arith.addi %mul3A_1649, %add3A_1731 : vector<16xi32>
    %gather3A_1733 = tpu.vector_load_idx %arg5[%add3A_1732] : memref<6400xi32, #tpu.memory_space<vmem>>[vector<16xi32>], vector<16xi32>,
    %gather3A_1734 = tpu.vector_load_idx %arg6[%gather3A_1733] : memref<1000xf32, #tpu.memory_space<vmem>>[vector<16xi32>], vector<16xf32>,
    %add3A_1735 = arith.addf %add3A_1711, %gather3A_1734 : vector<16xf32>
    %add3A_1736 = arith.constant 13 : i32
    %add3A_1737 = vector.broadcast %add3A_1736 : i32 to vector<16xi32>
    %add3A_1738 = arith.addi %mul3A_1649, %add3A_1737 : vector<16xi32>
    %gather3A_1739 = tpu.vector_load_idx %arg5[%add3A_1738] : memref<6400xi32, #tpu.memory_space<vmem>>[vector<16xi32>], vector<16xi32>,
    %gather3A_1740 = tpu.vector_load_idx %arg6[%gather3A_1739] : memref<1000xf32, #tpu.memory_space<vmem>>[vector<16xi32>], vector<16xf32>,
    %add3A_1741 = arith.addf %add3A_1717, %gather3A_1740 : vector<16xf32>
    %add3A_1742 = arith.constant 14 : i32
    %add3A_1743 = vector.broadcast %add3A_1742 : i32 to vector<16xi32>
    %add3A_1744 = arith.addi %mul3A_1649, %add3A_1743 : vector<16xi32>
    %gather3A_1745 = tpu.vector_load_idx %arg5[%add3A_1744] : memref<6400xi32, #tpu.memory_space<vmem>>[vector<16xi32>], vector<16xi32>,
    %gather3A_1746 = tpu.vector_load_idx %arg6[%gather3A_1745] : memref<1000xf32, #tpu.memory_space<vmem>>[vector<16xi32>], vector<16xf32>,
    %add3A_1747 = arith.addf %add3A_1723, %gather3A_1746 : vector<16xf32>
    %add3A_1748 = arith.constant 15 : i32
    %add3A_1749 = vector.broadcast %add3A_1748 : i32 to vector<16xi32>
    %add3A_1750 = arith.addi %mul3A_1649, %add3A_1749 : vector<16xi32>
    %gather3A_1751 = tpu.vector_load_idx %arg5[%add3A_1750] : memref<6400xi32, #tpu.memory_space<vmem>>[vector<16xi32>], vector<16xi32>,
    %gather3A_1752 = tpu.vector_load_idx %arg6[%gather3A_1751] : memref<1000xf32, #tpu.memory_space<vmem>>[vector<16xi32>], vector<16xf32>,
    %add3A_1753 = arith.addf %add3A_1729, %gather3A_1752 : vector<16xf32>
    %add3A_1754 = arith.constant 16 : i32
    %add3A_1755 = vector.broadcast %add3A_1754 : i32 to vector<16xi32>
    %add3A_1756 = arith.addi %mul3A_1649, %add3A_1755 : vector<16xi32>
    %gather3A_1757 = tpu.vector_load_idx %arg5[%add3A_1756] : memref<6400xi32, #tpu.memory_space<vmem>>[vector<16xi32>], vector<16xi32>,
    %gather3A_1758 = tpu.vector_load_idx %arg6[%gather3A_1757] : memref<1000xf32, #tpu.memory_space<vmem>>[vector<16xi32>], vector<16xf32>,
    %add3A_1759 = arith.addf %add3A_1735, %gather3A_1758 : vector<16xf32>
    %add3A_1760 = arith.constant 17 : i32
    %add3A_1761 = vector.broadcast %add3A_1760 : i32 to vector<16xi32>
    %add3A_1762 = arith.addi %mul3A_1649, %add3A_1761 : vector<16xi32>
    %gather3A_1763 = tpu.vector_load_idx %arg5[%add3A_1762] : memref<6400xi32, #tpu.memory_space<vmem>>[vector<16xi32>], vector<16xi32>,
    %gather3A_1764 = tpu.vector_load_idx %arg6[%gather3A_1763] : memref<1000xf32, #tpu.memory_space<vmem>>[vector<16xi32>], vector<16xf32>,
    %add3A_1765 = arith.addf %add3A_1741, %gather3A_1764 : vector<16xf32>
    %add3A_1766 = arith.constant 18 : i32
    %add3A_1767 = vector.broadcast %add3A_1766 : i32 to vector<16xi32>
    %add3A_1768 = arith.addi %mul3A_1649, %add3A_1767 : vector<16xi32>
    %gather3A_1769 = tpu.vector_load_idx %arg5[%add3A_1768] : memref<6400xi32, #tpu.memory_space<vmem>>[vector<16xi32>], vector<16xi32>,
    %gather3A_1770 = tpu.vector_load_idx %arg6[%gather3A_1769] : memref<1000xf32, #tpu.memory_space<vmem>>[vector<16xi32>], vector<16xf32>,
    %add3A_1771 = arith.addf %add3A_1747, %gather3A_1770 : vector<16xf32>
    %add3A_1772 = arith.constant 19 : i32
    %add3A_1773 = vector.broadcast %add3A_1772 : i32 to vector<16xi32>
    %add3A_1774 = arith.addi %mul3A_1649, %add3A_1773 : vector<16xi32>
    %gather3A_1775 = tpu.vector_load_idx %arg5[%add3A_1774] : memref<6400xi32, #tpu.memory_space<vmem>>[vector<16xi32>], vector<16xi32>,
    %gather3A_1776 = tpu.vector_load_idx %arg6[%gather3A_1775] : memref<1000xf32, #tpu.memory_space<vmem>>[vector<16xi32>], vector<16xf32>,
    %add3A_1777 = arith.addf %add3A_1753, %gather3A_1776 : vector<16xf32>
    %add3A_1778 = arith.constant 20 : i32
    %add3A_1779 = vector.broadcast %add3A_1778 : i32 to vector<16xi32>
    %add3A_1780 = arith.addi %mul3A_1649, %add3A_1779 : vector<16xi32>
    %gather3A_1781 = tpu.vector_load_idx %arg5[%add3A_1780] : memref<6400xi32, #tpu.memory_space<vmem>>[vector<16xi32>], vector<16xi32>,
    %gather3A_1782 = tpu.vector_load_idx %arg6[%gather3A_1781] : memref<1000xf32, #tpu.memory_space<vmem>>[vector<16xi32>], vector<16xf32>,
    %add3A_1783 = arith.addf %add3A_1759, %gather3A_1782 : vector<16xf32>
    %add3A_1784 = arith.constant 21 : i32
    %add3A_1785 = vector.broadcast %add3A_1784 : i32 to vector<16xi32>
    %add3A_1786 = arith.addi %mul3A_1649, %add3A_1785 : vector<16xi32>
    %gather3A_1787 = tpu.vector_load_idx %arg5[%add3A_1786] : memref<6400xi32, #tpu.memory_space<vmem>>[vector<16xi32>], vector<16xi32>,
    %gather3A_1788 = tpu.vector_load_idx %arg6[%gather3A_1787] : memref<1000xf32, #tpu.memory_space<vmem>>[vector<16xi32>], vector<16xf32>,
    %add3A_1789 = arith.addf %add3A_1765, %gather3A_1788 : vector<16xf32>
    %add3A_1790 = arith.constant 22 : i32
    %add3A_1791 = vector.broadcast %add3A_1790 : i32 to vector<16xi32>
    %add3A_1792 = arith.addi %mul3A_1649, %add3A_1791 : vector<16xi32>
    %gather3A_1793 = tpu.vector_load_idx %arg5[%add3A_1792] : memref<6400xi32, #tpu.memory_space<vmem>>[vector<16xi32>], vector<16xi32>,
    %gather3A_1794 = tpu.vector_load_idx %arg6[%gather3A_1793] : memref<1000xf32, #tpu.memory_space<vmem>>[vector<16xi32>], vector<16xf32>,
    %add3A_1795 = arith.addf %add3A_1771, %gather3A_1794 : vector<16xf32>
    %add3A_1796 = arith.constant 23 : i32
    %add3A_1797 = vector.broadcast %add3A_1796 : i32 to vector<16xi32>
    %add3A_1798 = arith.addi %mul3A_1649, %add3A_1797 : vector<16xi32>
    %gather3A_1799 = tpu.vector_load_idx %arg5[%add3A_1798] : memref<6400xi32, #tpu.memory_space<vmem>>[vector<16xi32>], vector<16xi32>,
    %gather3A_1800 = tpu.vector_load_idx %arg6[%gather3A_1799] : memref<1000xf32, #tpu.memory_space<vmem>>[vector<16xi32>], vector<16xf32>,
    %add3A_1801 = arith.addf %add3A_1777, %gather3A_1800 : vector<16xf32>
    %add3A_1802 = arith.constant 24 : i32
    %add3A_1803 = vector.broadcast %add3A_1802 : i32 to vector<16xi32>
    %add3A_1804 = arith.addi %mul3A_1649, %add3A_1803 : vector<16xi32>
    %gather3A_1805 = tpu.vector_load_idx %arg5[%add3A_1804] : memref<6400xi32, #tpu.memory_space<vmem>>[vector<16xi32>], vector<16xi32>,
    %gather3A_1806 = tpu.vector_load_idx %arg6[%gather3A_1805] : memref<1000xf32, #tpu.memory_space<vmem>>[vector<16xi32>], vector<16xf32>,
    %add3A_1807 = arith.addf %add3A_1783, %gather3A_1806 : vector<16xf32>
    %add3A_1808 = arith.constant 25 : i32
    %add3A_1809 = vector.broadcast %add3A_1808 : i32 to vector<16xi32>
    %add3A_1810 = arith.addi %mul3A_1649, %add3A_1809 : vector<16xi32>
    %gather3A_1811 = tpu.vector_load_idx %arg5[%add3A_1810] : memref<6400xi32, #tpu.memory_space<vmem>>[vector<16xi32>], vector<16xi32>,
    %gather3A_1812 = tpu.vector_load_idx %arg6[%gather3A_1811] : memref<1000xf32, #tpu.memory_space<vmem>>[vector<16xi32>], vector<16xf32>,
    %add3A_1813 = arith.addf %add3A_1789, %gather3A_1812 : vector<16xf32>
    %add3A_1814 = arith.constant 26 : i32
    %add3A_1815 = vector.broadcast %add3A_1814 : i32 to vector<16xi32>
    %add3A_1816 = arith.addi %mul3A_1649, %add3A_1815 : vector<16xi32>
    %gather3A_1817 = tpu.vector_load_idx %arg5[%add3A_1816] : memref<6400xi32, #tpu.memory_space<vmem>>[vector<16xi32>], vector<16xi32>,
    %gather3A_1818 = tpu.vector_load_idx %arg6[%gather3A_1817] : memref<1000xf32, #tpu.memory_space<vmem>>[vector<16xi32>], vector<16xf32>,
    %add3A_1819 = arith.addf %add3A_1795, %gather3A_1818 : vector<16xf32>
    %add3A_1820 = arith.constant 27 : i32
    %add3A_1821 = vector.broadcast %add3A_1820 : i32 to vector<16xi32>
    %add3A_1822 = arith.addi %mul3A_1649, %add3A_1821 : vector<16xi32>
    %gather3A_1823 = tpu.vector_load_idx %arg5[%add3A_1822] : memref<6400xi32, #tpu.memory_space<vmem>>[vector<16xi32>], vector<16xi32>,
    %gather3A_1824 = tpu.vector_load_idx %arg6[%gather3A_1823] : memref<1000xf32, #tpu.memory_space<vmem>>[vector<16xi32>], vector<16xf32>,
    %add3A_1825 = arith.addf %add3A_1801, %gather3A_1824 : vector<16xf32>
    %add3A_1826 = arith.constant 28 : i32
    %add3A_1827 = vector.broadcast %add3A_1826 : i32 to vector<16xi32>
    %add3A_1828 = arith.addi %mul3A_1649, %add3A_1827 : vector<16xi32>
    %gather3A_1829 = tpu.vector_load_idx %arg5[%add3A_1828] : memref<6400xi32, #tpu.memory_space<vmem>>[vector<16xi32>], vector<16xi32>,
    %gather3A_1830 = tpu.vector_load_idx %arg6[%gather3A_1829] : memref<1000xf32, #tpu.memory_space<vmem>>[vector<16xi32>], vector<16xf32>,
    %add3A_1831 = arith.addf %add3A_1807, %gather3A_1830 : vector<16xf32>
    %add3A_1832 = arith.constant 29 : i32
    %add3A_1833 = vector.broadcast %add3A_1832 : i32 to vector<16xi32>
    %add3A_1834 = arith.addi %mul3A_1649, %add3A_1833 : vector<16xi32>
    %gather3A_1835 = tpu.vector_load_idx %arg5[%add3A_1834] : memref<6400xi32, #tpu.memory_space<vmem>>[vector<16xi32>], vector<16xi32>,
    %gather3A_1836 = tpu.vector_load_idx %arg6[%gather3A_1835] : memref<1000xf32, #tpu.memory_space<vmem>>[vector<16xi32>], vector<16xf32>,
    %add3A_1837 = arith.addf %add3A_1813, %gather3A_1836 : vector<16xf32>
    %add3A_1838 = arith.constant 30 : i32
    %add3A_1839 = vector.broadcast %add3A_1838 : i32 to vector<16xi32>
    %add3A_1840 = arith.addi %mul3A_1649, %add3A_1839 : vector<16xi32>
    %gather3A_1841 = tpu.vector_load_idx %arg5[%add3A_1840] : memref<6400xi32, #tpu.memory_space<vmem>>[vector<16xi32>], vector<16xi32>,
    %gather3A_1842 = tpu.vector_load_idx %arg6[%gather3A_1841] : memref<1000xf32, #tpu.memory_space<vmem>>[vector<16xi32>], vector<16xf32>,
    %add3A_1843 = arith.addf %add3A_1819, %gather3A_1842 : vector<16xf32>
    %add3A_1844 = arith.constant 31 : i32
    %add3A_1845 = vector.broadcast %add3A_1844 : i32 to vector<16xi32>
    %add3A_1846 = arith.addi %mul3A_1649, %add3A_1845 : vector<16xi32>
    %gather3A_1847 = tpu.vector_load_idx %arg5[%add3A_1846] : memref<6400xi32, #tpu.memory_space<vmem>>[vector<16xi32>], vector<16xi32>,
    %gather3A_1848 = tpu.vector_load_idx %arg6[%gather3A_1847] : memref<1000xf32, #tpu.memory_space<vmem>>[vector<16xi32>], vector<16xf32>,
    %add3A_1849 = arith.addf %add3A_1825, %gather3A_1848 : vector<16xf32>
    %add3A_1850 = arith.constant 32 : i32
    %add3A_1851 = vector.broadcast %add3A_1850 : i32 to vector<16xi32>
    %add3A_1852 = arith.addi %mul3A_1649, %add3A_1851 : vector<16xi32>
    %gather3A_1853 = tpu.vector_load_idx %arg5[%add3A_1852] : memref<6400xi32, #tpu.memory_space<vmem>>[vector<16xi32>], vector<16xi32>,
    %gather3A_1854 = tpu.vector_load_idx %arg6[%gather3A_1853] : memref<1000xf32, #tpu.memory_space<vmem>>[vector<16xi32>], vector<16xf32>,
    %add3A_1855 = arith.addf %add3A_1831, %gather3A_1854 : vector<16xf32>
    %add3A_1856 = arith.constant 33 : i32
    %add3A_1857 = vector.broadcast %add3A_1856 : i32 to vector<16xi32>
    %add3A_1858 = arith.addi %mul3A_1649, %add3A_1857 : vector<16xi32>
    %gather3A_1859 = tpu.vector_load_idx %arg5[%add3A_1858] : memref<6400xi32, #tpu.memory_space<vmem>>[vector<16xi32>], vector<16xi32>,
    %gather3A_1860 = tpu.vector_load_idx %arg6[%gather3A_1859] : memref<1000xf32, #tpu.memory_space<vmem>>[vector<16xi32>], vector<16xf32>,
    %add3A_1861 = arith.addf %add3A_1837, %gather3A_1860 : vector<16xf32>
    %add3A_1862 = arith.constant 34 : i32
    %add3A_1863 = vector.broadcast %add3A_1862 : i32 to vector<16xi32>
    %add3A_1864 = arith.addi %mul3A_1649, %add3A_1863 : vector<16xi32>
    %gather3A_1865 = tpu.vector_load_idx %arg5[%add3A_1864] : memref<6400xi32, #tpu.memory_space<vmem>>[vector<16xi32>], vector<16xi32>,
    %gather3A_1866 = tpu.vector_load_idx %arg6[%gather3A_1865] : memref<1000xf32, #tpu.memory_space<vmem>>[vector<16xi32>], vector<16xf32>,
    %add3A_1867 = arith.addf %add3A_1843, %gather3A_1866 : vector<16xf32>
    %add3A_1868 = arith.constant 35 : i32
    %add3A_1869 = vector.broadcast %add3A_1868 : i32 to vector<16xi32>
    %add3A_1870 = arith.addi %mul3A_1649, %add3A_1869 : vector<16xi32>
    %gather3A_1871 = tpu.vector_load_idx %arg5[%add3A_1870] : memref<6400xi32, #tpu.memory_space<vmem>>[vector<16xi32>], vector<16xi32>,
    %gather3A_1872 = tpu.vector_load_idx %arg6[%gather3A_1871] : memref<1000xf32, #tpu.memory_space<vmem>>[vector<16xi32>], vector<16xf32>,
    %add3A_1873 = arith.addf %add3A_1849, %gather3A_1872 : vector<16xf32>
    %add3A_1874 = arith.constant 36 : i32
    %add3A_1875 = vector.broadcast %add3A_1874 : i32 to vector<16xi32>
    %add3A_1876 = arith.addi %mul3A_1649, %add3A_1875 : vector<16xi32>
    %gather3A_1877 = tpu.vector_load_idx %arg5[%add3A_1876] : memref<6400xi32, #tpu.memory_space<vmem>>[vector<16xi32>], vector<16xi32>,
    %gather3A_1878 = tpu.vector_load_idx %arg6[%gather3A_1877] : memref<1000xf32, #tpu.memory_space<vmem>>[vector<16xi32>], vector<16xf32>,
    %add3A_1879 = arith.addf %add3A_1855, %gather3A_1878 : vector<16xf32>
    %add3A_1880 = arith.constant 37 : i32
    %add3A_1881 = vector.broadcast %add3A_1880 : i32 to vector<16xi32>
    %add3A_1882 = arith.addi %mul3A_1649, %add3A_1881 : vector<16xi32>
    %gather3A_1883 = tpu.vector_load_idx %arg5[%add3A_1882] : memref<6400xi32, #tpu.memory_space<vmem>>[vector<16xi32>], vector<16xi32>,
    %gather3A_1884 = tpu.vector_load_idx %arg6[%gather3A_1883] : memref<1000xf32, #tpu.memory_space<vmem>>[vector<16xi32>], vector<16xf32>,
    %add3A_1885 = arith.addf %add3A_1861, %gather3A_1884 : vector<16xf32>
    %add3A_1886 = arith.constant 38 : i32
    %add3A_1887 = vector.broadcast %add3A_1886 : i32 to vector<16xi32>
    %add3A_1888 = arith.addi %mul3A_1649, %add3A_1887 : vector<16xi32>
    %gather3A_1889 = tpu.vector_load_idx %arg5[%add3A_1888] : memref<6400xi32, #tpu.memory_space<vmem>>[vector<16xi32>], vector<16xi32>,
    %gather3A_1890 = tpu.vector_load_idx %arg6[%gather3A_1889] : memref<1000xf32, #tpu.memory_space<vmem>>[vector<16xi32>], vector<16xf32>,
    %add3A_1891 = arith.addf %add3A_1867, %gather3A_1890 : vector<16xf32>
    %add3A_1892 = arith.constant 39 : i32
    %add3A_1893 = vector.broadcast %add3A_1892 : i32 to vector<16xi32>
    %add3A_1894 = arith.addi %mul3A_1649, %add3A_1893 : vector<16xi32>
    %gather3A_1895 = tpu.vector_load_idx %arg5[%add3A_1894] : memref<6400xi32, #tpu.memory_space<vmem>>[vector<16xi32>], vector<16xi32>,
    %gather3A_1896 = tpu.vector_load_idx %arg6[%gather3A_1895] : memref<1000xf32, #tpu.memory_space<vmem>>[vector<16xi32>], vector<16xf32>,
    %add3A_1897 = arith.addf %add3A_1873, %gather3A_1896 : vector<16xf32>
    %add3A_1898 = arith.constant 40 : i32
    %add3A_1899 = vector.broadcast %add3A_1898 : i32 to vector<16xi32>
    %add3A_1900 = arith.addi %mul3A_1649, %add3A_1899 : vector<16xi32>
    %gather3A_1901 = tpu.vector_load_idx %arg5[%add3A_1900] : memref<6400xi32, #tpu.memory_space<vmem>>[vector<16xi32>], vector<16xi32>,
    %gather3A_1902 = tpu.vector_load_idx %arg6[%gather3A_1901] : memref<1000xf32, #tpu.memory_space<vmem>>[vector<16xi32>], vector<16xf32>,
    %add3A_1903 = arith.addf %add3A_1879, %gather3A_1902 : vector<16xf32>
    %add3A_1904 = arith.constant 41 : i32
    %add3A_1905 = vector.broadcast %add3A_1904 : i32 to vector<16xi32>
    %add3A_1906 = arith.addi %mul3A_1649, %add3A_1905 : vector<16xi32>
    %gather3A_1907 = tpu.vector_load_idx %arg5[%add3A_1906] : memref<6400xi32, #tpu.memory_space<vmem>>[vector<16xi32>], vector<16xi32>,
    %gather3A_1908 = tpu.vector_load_idx %arg6[%gather3A_1907] : memref<1000xf32, #tpu.memory_space<vmem>>[vector<16xi32>], vector<16xf32>,
    %add3A_1909 = arith.addf %add3A_1885, %gather3A_1908 : vector<16xf32>
    %add3A_1910 = arith.constant 42 : i32
    %add3A_1911 = vector.broadcast %add3A_1910 : i32 to vector<16xi32>
    %add3A_1912 = arith.addi %mul3A_1649, %add3A_1911 : vector<16xi32>
    %gather3A_1913 = tpu.vector_load_idx %arg5[%add3A_1912] : memref<6400xi32, #tpu.memory_space<vmem>>[vector<16xi32>], vector<16xi32>,
    %gather3A_1914 = tpu.vector_load_idx %arg6[%gather3A_1913] : memref<1000xf32, #tpu.memory_space<vmem>>[vector<16xi32>], vector<16xf32>,
    %add3A_1915 = arith.addf %add3A_1891, %gather3A_1914 : vector<16xf32>
    %add3A_1916 = arith.constant 43 : i32
    %add3A_1917 = vector.broadcast %add3A_1916 : i32 to vector<16xi32>
    %add3A_1918 = arith.addi %mul3A_1649, %add3A_1917 : vector<16xi32>
    %gather3A_1919 = tpu.vector_load_idx %arg5[%add3A_1918] : memref<6400xi32, #tpu.memory_space<vmem>>[vector<16xi32>], vector<16xi32>,
    %gather3A_1920 = tpu.vector_load_idx %arg6[%gather3A_1919] : memref<1000xf32, #tpu.memory_space<vmem>>[vector<16xi32>], vector<16xf32>,
    %add3A_1921 = arith.addf %add3A_1897, %gather3A_1920 : vector<16xf32>
    %add3A_1922 = arith.constant 44 : i32
    %add3A_1923 = vector.broadcast %add3A_1922 : i32 to vector<16xi32>
    %add3A_1924 = arith.addi %mul3A_1649, %add3A_1923 : vector<16xi32>
    %gather3A_1925 = tpu.vector_load_idx %arg5[%add3A_1924] : memref<6400xi32, #tpu.memory_space<vmem>>[vector<16xi32>], vector<16xi32>,
    %gather3A_1926 = tpu.vector_load_idx %arg6[%gather3A_1925] : memref<1000xf32, #tpu.memory_space<vmem>>[vector<16xi32>], vector<16xf32>,
    %add3A_1927 = arith.addf %add3A_1903, %gather3A_1926 : vector<16xf32>
    %add3A_1928 = arith.constant 45 : i32
    %add3A_1929 = vector.broadcast %add3A_1928 : i32 to vector<16xi32>
    %add3A_1930 = arith.addi %mul3A_1649, %add3A_1929 : vector<16xi32>
    %gather3A_1931 = tpu.vector_load_idx %arg5[%add3A_1930] : memref<6400xi32, #tpu.memory_space<vmem>>[vector<16xi32>], vector<16xi32>,
    %gather3A_1932 = tpu.vector_load_idx %arg6[%gather3A_1931] : memref<1000xf32, #tpu.memory_space<vmem>>[vector<16xi32>], vector<16xf32>,
    %add3A_1933 = arith.addf %add3A_1909, %gather3A_1932 : vector<16xf32>
    %add3A_1934 = arith.constant 46 : i32
    %add3A_1935 = vector.broadcast %add3A_1934 : i32 to vector<16xi32>
    %add3A_1936 = arith.addi %mul3A_1649, %add3A_1935 : vector<16xi32>
    %gather3A_1937 = tpu.vector_load_idx %arg5[%add3A_1936] : memref<6400xi32, #tpu.memory_space<vmem>>[vector<16xi32>], vector<16xi32>,
    %gather3A_1938 = tpu.vector_load_idx %arg6[%gather3A_1937] : memref<1000xf32, #tpu.memory_space<vmem>>[vector<16xi32>], vector<16xf32>,
    %add3A_1939 = arith.addf %add3A_1915, %gather3A_1938 : vector<16xf32>
    %add3A_1940 = arith.constant 47 : i32
    %add3A_1941 = vector.broadcast %add3A_1940 : i32 to vector<16xi32>
    %add3A_1942 = arith.addi %mul3A_1649, %add3A_1941 : vector<16xi32>
    %gather3A_1943 = tpu.vector_load_idx %arg5[%add3A_1942] : memref<6400xi32, #tpu.memory_space<vmem>>[vector<16xi32>], vector<16xi32>,
    %gather3A_1944 = tpu.vector_load_idx %arg6[%gather3A_1943] : memref<1000xf32, #tpu.memory_space<vmem>>[vector<16xi32>], vector<16xf32>,
    %add3A_1945 = arith.addf %add3A_1921, %gather3A_1944 : vector<16xf32>
    %add3A_1946 = arith.constant 48 : i32
    %add3A_1947 = vector.broadcast %add3A_1946 : i32 to vector<16xi32>
    %add3A_1948 = arith.addi %mul3A_1649, %add3A_1947 : vector<16xi32>
    %gather3A_1949 = tpu.vector_load_idx %arg5[%add3A_1948] : memref<6400xi32, #tpu.memory_space<vmem>>[vector<16xi32>], vector<16xi32>,
    %gather3A_1950 = tpu.vector_load_idx %arg6[%gather3A_1949] : memref<1000xf32, #tpu.memory_space<vmem>>[vector<16xi32>], vector<16xf32>,
    %add3A_1951 = arith.addf %add3A_1927, %gather3A_1950 : vector<16xf32>
    %add3A_1952 = arith.constant 49 : i32
    %add3A_1953 = vector.broadcast %add3A_1952 : i32 to vector<16xi32>
    %add3A_1954 = arith.addi %mul3A_1649, %add3A_1953 : vector<16xi32>
    %gather3A_1955 = tpu.vector_load_idx %arg5[%add3A_1954] : memref<6400xi32, #tpu.memory_space<vmem>>[vector<16xi32>], vector<16xi32>,
    %gather3A_1956 = tpu.vector_load_idx %arg6[%gather3A_1955] : memref<1000xf32, #tpu.memory_space<vmem>>[vector<16xi32>], vector<16xf32>,
    %add3A_1957 = arith.addf %add3A_1933, %gather3A_1956 : vector<16xf32>
    %add3A_1958 = arith.addf %add3A_1951, %add3A_1957 : vector<16xf32>
    %add3A_1959 = arith.addf %add3A_1939, %add3A_1945 : vector<16xf32>
    %add3A_1960 = arith.addf %add3A_1958, %add3A_1959 : vector<16xf32>
    %neg3A_1961 = arith.constant 0.000000e+00 : f32
    %neg3A_1962 = vector.broadcast %neg3A_1961 : f32 to vector<16xf32>
    %neg3A_1963 = arith.subf %neg3A_1962, %add3A_1960 : vector<16xf32>
    %exp3A_1964 = math.exp %neg3A_1963 : vector<16xf32>
    %add3A_1965 = arith.constant 1.000000e+00 : f32
    %add3A_1966 = vector.broadcast %add3A_1965 : f32 to vector<16xf32>
    %add3A_1967 = arith.addf %add3A_1966, %exp3A_1964 : vector<16xf32>
    %div3A_1968 = arith.constant 1.000000e+00 : f32
    %div3A_1969 = vector.broadcast %div3A_1968 : f32 to vector<16xf32>
    %div3A_1970 = arith.divf %div3A_1969, %add3A_1967 : vector<16xf32>
    %swap3A_1971 = arith.constant 80 : index
    %swap3A_1972 = tpu.vector_load %arg7[%swap3A_1971] {strides = array<i32>} : memref<128xf32, #tpu.memory_space<vmem>>, vector<16xf32>,
    tpu.vector_store %arg7[%swap3A_1971], %div3A_1970 {strides = array<i32>} : memref<128xf32, #tpu.memory_space<vmem>>, vector<16xf32>,
    %add3A_1973 = arith.constant 96 : i32
    %add3A_1974 = vector.broadcast %add3A_1973 : i32 to vector<16xi32>
    %add3A_1975 = arith.addi %add3A_1974, %iota3A : vector<16xi32>
    %mul3A_1976 = arith.constant 50 : i32
    %mul3A_1977 = vector.broadcast %mul3A_1976 : i32 to vector<16xi32>
    %mul3A_1978 = arith.muli %add3A_1975, %mul3A_1977 : vector<16xi32>
    %broadcast_in_dim3A_1979 = arith.constant 0.000000e+00 : f32
    %broadcast_in_dim3A_1980 = vector.broadcast %broadcast_in_dim3A_1979 : f32 to vector<16xf32>
    %broadcast_in_dim3A_1981 = arith.constant 0.000000e+00 : f32
    %broadcast_in_dim3A_1982 = vector.broadcast %broadcast_in_dim3A_1981 : f32 to vector<16xf32>
    %broadcast_in_dim3A_1983 = arith.constant 0.000000e+00 : f32
    %broadcast_in_dim3A_1984 = vector.broadcast %broadcast_in_dim3A_1983 : f32 to vector<16xf32>
    %broadcast_in_dim3A_1985 = arith.constant 0.000000e+00 : f32
    %broadcast_in_dim3A_1986 = vector.broadcast %broadcast_in_dim3A_1985 : f32 to vector<16xf32>
    %add3A_1987 = arith.constant 0 : i32
    %add3A_1988 = vector.broadcast %add3A_1987 : i32 to vector<16xi32>
    %add3A_1989 = arith.addi %mul3A_1978, %add3A_1988 : vector<16xi32>
    %gather3A_1990 = tpu.vector_load_idx %arg5[%add3A_1989] : memref<6400xi32, #tpu.memory_space<vmem>>[vector<16xi32>], vector<16xi32>,
    %gather3A_1991 = tpu.vector_load_idx %arg6[%gather3A_1990] : memref<1000xf32, #tpu.memory_space<vmem>>[vector<16xi32>], vector<16xf32>,
    %add3A_1992 = arith.addf %broadcast_in_dim3A_1980, %gather3A_1991 : vector<16xf32>
    %add3A_1993 = arith.constant 1 : i32
    %add3A_1994 = vector.broadcast %add3A_1993 : i32 to vector<16xi32>
    %add3A_1995 = arith.addi %mul3A_1978, %add3A_1994 : vector<16xi32>
    %gather3A_1996 = tpu.vector_load_idx %arg5[%add3A_1995] : memref<6400xi32, #tpu.memory_space<vmem>>[vector<16xi32>], vector<16xi32>,
    %gather3A_1997 = tpu.vector_load_idx %arg6[%gather3A_1996] : memref<1000xf32, #tpu.memory_space<vmem>>[vector<16xi32>], vector<16xf32>,
    %add3A_1998 = arith.addf %broadcast_in_dim3A_1982, %gather3A_1997 : vector<16xf32>
    %add3A_1999 = arith.constant 2 : i32
    %add3A_2000 = vector.broadcast %add3A_1999 : i32 to vector<16xi32>
    %add3A_2001 = arith.addi %mul3A_1978, %add3A_2000 : vector<16xi32>
    %gather3A_2002 = tpu.vector_load_idx %arg5[%add3A_2001] : memref<6400xi32, #tpu.memory_space<vmem>>[vector<16xi32>], vector<16xi32>,
    %gather3A_2003 = tpu.vector_load_idx %arg6[%gather3A_2002] : memref<1000xf32, #tpu.memory_space<vmem>>[vector<16xi32>], vector<16xf32>,
    %add3A_2004 = arith.addf %broadcast_in_dim3A_1984, %gather3A_2003 : vector<16xf32>
    %add3A_2005 = arith.constant 3 : i32
    %add3A_2006 = vector.broadcast %add3A_2005 : i32 to vector<16xi32>
    %add3A_2007 = arith.addi %mul3A_1978, %add3A_2006 : vector<16xi32>
    %gather3A_2008 = tpu.vector_load_idx %arg5[%add3A_2007] : memref<6400xi32, #tpu.memory_space<vmem>>[vector<16xi32>], vector<16xi32>,
    %gather3A_2009 = tpu.vector_load_idx %arg6[%gather3A_2008] : memref<1000xf32, #tpu.memory_space<vmem>>[vector<16xi32>], vector<16xf32>,
    %add3A_2010 = arith.addf %broadcast_in_dim3A_1986, %gather3A_2009 : vector<16xf32>
    %add3A_2011 = arith.constant 4 : i32
    %add3A_2012 = vector.broadcast %add3A_2011 : i32 to vector<16xi32>
    %add3A_2013 = arith.addi %mul3A_1978, %add3A_2012 : vector<16xi32>
    %gather3A_2014 = tpu.vector_load_idx %arg5[%add3A_2013] : memref<6400xi32, #tpu.memory_space<vmem>>[vector<16xi32>], vector<16xi32>,
    %gather3A_2015 = tpu.vector_load_idx %arg6[%gather3A_2014] : memref<1000xf32, #tpu.memory_space<vmem>>[vector<16xi32>], vector<16xf32>,
    %add3A_2016 = arith.addf %add3A_1992, %gather3A_2015 : vector<16xf32>
    %add3A_2017 = arith.constant 5 : i32
    %add3A_2018 = vector.broadcast %add3A_2017 : i32 to vector<16xi32>
    %add3A_2019 = arith.addi %mul3A_1978, %add3A_2018 : vector<16xi32>
    %gather3A_2020 = tpu.vector_load_idx %arg5[%add3A_2019] : memref<6400xi32, #tpu.memory_space<vmem>>[vector<16xi32>], vector<16xi32>,
    %gather3A_2021 = tpu.vector_load_idx %arg6[%gather3A_2020] : memref<1000xf32, #tpu.memory_space<vmem>>[vector<16xi32>], vector<16xf32>,
    %add3A_2022 = arith.addf %add3A_1998, %gather3A_2021 : vector<16xf32>
    %add3A_2023 = arith.constant 6 : i32
    %add3A_2024 = vector.broadcast %add3A_2023 : i32 to vector<16xi32>
    %add3A_2025 = arith.addi %mul3A_1978, %add3A_2024 : vector<16xi32>
    %gather3A_2026 = tpu.vector_load_idx %arg5[%add3A_2025] : memref<6400xi32, #tpu.memory_space<vmem>>[vector<16xi32>], vector<16xi32>,
    %gather3A_2027 = tpu.vector_load_idx %arg6[%gather3A_2026] : memref<1000xf32, #tpu.memory_space<vmem>>[vector<16xi32>], vector<16xf32>,
    %add3A_2028 = arith.addf %add3A_2004, %gather3A_2027 : vector<16xf32>
    %add3A_2029 = arith.constant 7 : i32
    %add3A_2030 = vector.broadcast %add3A_2029 : i32 to vector<16xi32>
    %add3A_2031 = arith.addi %mul3A_1978, %add3A_2030 : vector<16xi32>
    %gather3A_2032 = tpu.vector_load_idx %arg5[%add3A_2031] : memref<6400xi32, #tpu.memory_space<vmem>>[vector<16xi32>], vector<16xi32>,
    %gather3A_2033 = tpu.vector_load_idx %arg6[%gather3A_2032] : memref<1000xf32, #tpu.memory_space<vmem>>[vector<16xi32>], vector<16xf32>,
    %add3A_2034 = arith.addf %add3A_2010, %gather3A_2033 : vector<16xf32>
    %add3A_2035 = arith.constant 8 : i32
    %add3A_2036 = vector.broadcast %add3A_2035 : i32 to vector<16xi32>
    %add3A_2037 = arith.addi %mul3A_1978, %add3A_2036 : vector<16xi32>
    %gather3A_2038 = tpu.vector_load_idx %arg5[%add3A_2037] : memref<6400xi32, #tpu.memory_space<vmem>>[vector<16xi32>], vector<16xi32>,
    %gather3A_2039 = tpu.vector_load_idx %arg6[%gather3A_2038] : memref<1000xf32, #tpu.memory_space<vmem>>[vector<16xi32>], vector<16xf32>,
    %add3A_2040 = arith.addf %add3A_2016, %gather3A_2039 : vector<16xf32>
    %add3A_2041 = arith.constant 9 : i32
    %add3A_2042 = vector.broadcast %add3A_2041 : i32 to vector<16xi32>
    %add3A_2043 = arith.addi %mul3A_1978, %add3A_2042 : vector<16xi32>
    %gather3A_2044 = tpu.vector_load_idx %arg5[%add3A_2043] : memref<6400xi32, #tpu.memory_space<vmem>>[vector<16xi32>], vector<16xi32>,
    %gather3A_2045 = tpu.vector_load_idx %arg6[%gather3A_2044] : memref<1000xf32, #tpu.memory_space<vmem>>[vector<16xi32>], vector<16xf32>,
    %add3A_2046 = arith.addf %add3A_2022, %gather3A_2045 : vector<16xf32>
    %add3A_2047 = arith.constant 10 : i32
    %add3A_2048 = vector.broadcast %add3A_2047 : i32 to vector<16xi32>
    %add3A_2049 = arith.addi %mul3A_1978, %add3A_2048 : vector<16xi32>
    %gather3A_2050 = tpu.vector_load_idx %arg5[%add3A_2049] : memref<6400xi32, #tpu.memory_space<vmem>>[vector<16xi32>], vector<16xi32>,
    %gather3A_2051 = tpu.vector_load_idx %arg6[%gather3A_2050] : memref<1000xf32, #tpu.memory_space<vmem>>[vector<16xi32>], vector<16xf32>,
    %add3A_2052 = arith.addf %add3A_2028, %gather3A_2051 : vector<16xf32>
    %add3A_2053 = arith.constant 11 : i32
    %add3A_2054 = vector.broadcast %add3A_2053 : i32 to vector<16xi32>
    %add3A_2055 = arith.addi %mul3A_1978, %add3A_2054 : vector<16xi32>
    %gather3A_2056 = tpu.vector_load_idx %arg5[%add3A_2055] : memref<6400xi32, #tpu.memory_space<vmem>>[vector<16xi32>], vector<16xi32>,
    %gather3A_2057 = tpu.vector_load_idx %arg6[%gather3A_2056] : memref<1000xf32, #tpu.memory_space<vmem>>[vector<16xi32>], vector<16xf32>,
    %add3A_2058 = arith.addf %add3A_2034, %gather3A_2057 : vector<16xf32>
    %add3A_2059 = arith.constant 12 : i32
    %add3A_2060 = vector.broadcast %add3A_2059 : i32 to vector<16xi32>
    %add3A_2061 = arith.addi %mul3A_1978, %add3A_2060 : vector<16xi32>
    %gather3A_2062 = tpu.vector_load_idx %arg5[%add3A_2061] : memref<6400xi32, #tpu.memory_space<vmem>>[vector<16xi32>], vector<16xi32>,
    %gather3A_2063 = tpu.vector_load_idx %arg6[%gather3A_2062] : memref<1000xf32, #tpu.memory_space<vmem>>[vector<16xi32>], vector<16xf32>,
    %add3A_2064 = arith.addf %add3A_2040, %gather3A_2063 : vector<16xf32>
    %add3A_2065 = arith.constant 13 : i32
    %add3A_2066 = vector.broadcast %add3A_2065 : i32 to vector<16xi32>
    %add3A_2067 = arith.addi %mul3A_1978, %add3A_2066 : vector<16xi32>
    %gather3A_2068 = tpu.vector_load_idx %arg5[%add3A_2067] : memref<6400xi32, #tpu.memory_space<vmem>>[vector<16xi32>], vector<16xi32>,
    %gather3A_2069 = tpu.vector_load_idx %arg6[%gather3A_2068] : memref<1000xf32, #tpu.memory_space<vmem>>[vector<16xi32>], vector<16xf32>,
    %add3A_2070 = arith.addf %add3A_2046, %gather3A_2069 : vector<16xf32>
    %add3A_2071 = arith.constant 14 : i32
    %add3A_2072 = vector.broadcast %add3A_2071 : i32 to vector<16xi32>
    %add3A_2073 = arith.addi %mul3A_1978, %add3A_2072 : vector<16xi32>
    %gather3A_2074 = tpu.vector_load_idx %arg5[%add3A_2073] : memref<6400xi32, #tpu.memory_space<vmem>>[vector<16xi32>], vector<16xi32>,
    %gather3A_2075 = tpu.vector_load_idx %arg6[%gather3A_2074] : memref<1000xf32, #tpu.memory_space<vmem>>[vector<16xi32>], vector<16xf32>,
    %add3A_2076 = arith.addf %add3A_2052, %gather3A_2075 : vector<16xf32>
    %add3A_2077 = arith.constant 15 : i32
    %add3A_2078 = vector.broadcast %add3A_2077 : i32 to vector<16xi32>
    %add3A_2079 = arith.addi %mul3A_1978, %add3A_2078 : vector<16xi32>
    %gather3A_2080 = tpu.vector_load_idx %arg5[%add3A_2079] : memref<6400xi32, #tpu.memory_space<vmem>>[vector<16xi32>], vector<16xi32>,
    %gather3A_2081 = tpu.vector_load_idx %arg6[%gather3A_2080] : memref<1000xf32, #tpu.memory_space<vmem>>[vector<16xi32>], vector<16xf32>,
    %add3A_2082 = arith.addf %add3A_2058, %gather3A_2081 : vector<16xf32>
    %add3A_2083 = arith.constant 16 : i32
    %add3A_2084 = vector.broadcast %add3A_2083 : i32 to vector<16xi32>
    %add3A_2085 = arith.addi %mul3A_1978, %add3A_2084 : vector<16xi32>
    %gather3A_2086 = tpu.vector_load_idx %arg5[%add3A_2085] : memref<6400xi32, #tpu.memory_space<vmem>>[vector<16xi32>], vector<16xi32>,
    %gather3A_2087 = tpu.vector_load_idx %arg6[%gather3A_2086] : memref<1000xf32, #tpu.memory_space<vmem>>[vector<16xi32>], vector<16xf32>,
    %add3A_2088 = arith.addf %add3A_2064, %gather3A_2087 : vector<16xf32>
    %add3A_2089 = arith.constant 17 : i32
    %add3A_2090 = vector.broadcast %add3A_2089 : i32 to vector<16xi32>
    %add3A_2091 = arith.addi %mul3A_1978, %add3A_2090 : vector<16xi32>
    %gather3A_2092 = tpu.vector_load_idx %arg5[%add3A_2091] : memref<6400xi32, #tpu.memory_space<vmem>>[vector<16xi32>], vector<16xi32>,
    %gather3A_2093 = tpu.vector_load_idx %arg6[%gather3A_2092] : memref<1000xf32, #tpu.memory_space<vmem>>[vector<16xi32>], vector<16xf32>,
    %add3A_2094 = arith.addf %add3A_2070, %gather3A_2093 : vector<16xf32>
    %add3A_2095 = arith.constant 18 : i32
    %add3A_2096 = vector.broadcast %add3A_2095 : i32 to vector<16xi32>
    %add3A_2097 = arith.addi %mul3A_1978, %add3A_2096 : vector<16xi32>
    %gather3A_2098 = tpu.vector_load_idx %arg5[%add3A_2097] : memref<6400xi32, #tpu.memory_space<vmem>>[vector<16xi32>], vector<16xi32>,
    %gather3A_2099 = tpu.vector_load_idx %arg6[%gather3A_2098] : memref<1000xf32, #tpu.memory_space<vmem>>[vector<16xi32>], vector<16xf32>,
    %add3A_2100 = arith.addf %add3A_2076, %gather3A_2099 : vector<16xf32>
    %add3A_2101 = arith.constant 19 : i32
    %add3A_2102 = vector.broadcast %add3A_2101 : i32 to vector<16xi32>
    %add3A_2103 = arith.addi %mul3A_1978, %add3A_2102 : vector<16xi32>
    %gather3A_2104 = tpu.vector_load_idx %arg5[%add3A_2103] : memref<6400xi32, #tpu.memory_space<vmem>>[vector<16xi32>], vector<16xi32>,
    %gather3A_2105 = tpu.vector_load_idx %arg6[%gather3A_2104] : memref<1000xf32, #tpu.memory_space<vmem>>[vector<16xi32>], vector<16xf32>,
    %add3A_2106 = arith.addf %add3A_2082, %gather3A_2105 : vector<16xf32>
    %add3A_2107 = arith.constant 20 : i32
    %add3A_2108 = vector.broadcast %add3A_2107 : i32 to vector<16xi32>
    %add3A_2109 = arith.addi %mul3A_1978, %add3A_2108 : vector<16xi32>
    %gather3A_2110 = tpu.vector_load_idx %arg5[%add3A_2109] : memref<6400xi32, #tpu.memory_space<vmem>>[vector<16xi32>], vector<16xi32>,
    %gather3A_2111 = tpu.vector_load_idx %arg6[%gather3A_2110] : memref<1000xf32, #tpu.memory_space<vmem>>[vector<16xi32>], vector<16xf32>,
    %add3A_2112 = arith.addf %add3A_2088, %gather3A_2111 : vector<16xf32>
    %add3A_2113 = arith.constant 21 : i32
    %add3A_2114 = vector.broadcast %add3A_2113 : i32 to vector<16xi32>
    %add3A_2115 = arith.addi %mul3A_1978, %add3A_2114 : vector<16xi32>
    %gather3A_2116 = tpu.vector_load_idx %arg5[%add3A_2115] : memref<6400xi32, #tpu.memory_space<vmem>>[vector<16xi32>], vector<16xi32>,
    %gather3A_2117 = tpu.vector_load_idx %arg6[%gather3A_2116] : memref<1000xf32, #tpu.memory_space<vmem>>[vector<16xi32>], vector<16xf32>,
    %add3A_2118 = arith.addf %add3A_2094, %gather3A_2117 : vector<16xf32>
    %add3A_2119 = arith.constant 22 : i32
    %add3A_2120 = vector.broadcast %add3A_2119 : i32 to vector<16xi32>
    %add3A_2121 = arith.addi %mul3A_1978, %add3A_2120 : vector<16xi32>
    %gather3A_2122 = tpu.vector_load_idx %arg5[%add3A_2121] : memref<6400xi32, #tpu.memory_space<vmem>>[vector<16xi32>], vector<16xi32>,
    %gather3A_2123 = tpu.vector_load_idx %arg6[%gather3A_2122] : memref<1000xf32, #tpu.memory_space<vmem>>[vector<16xi32>], vector<16xf32>,
    %add3A_2124 = arith.addf %add3A_2100, %gather3A_2123 : vector<16xf32>
    %add3A_2125 = arith.constant 23 : i32
    %add3A_2126 = vector.broadcast %add3A_2125 : i32 to vector<16xi32>
    %add3A_2127 = arith.addi %mul3A_1978, %add3A_2126 : vector<16xi32>
    %gather3A_2128 = tpu.vector_load_idx %arg5[%add3A_2127] : memref<6400xi32, #tpu.memory_space<vmem>>[vector<16xi32>], vector<16xi32>,
    %gather3A_2129 = tpu.vector_load_idx %arg6[%gather3A_2128] : memref<1000xf32, #tpu.memory_space<vmem>>[vector<16xi32>], vector<16xf32>,
    %add3A_2130 = arith.addf %add3A_2106, %gather3A_2129 : vector<16xf32>
    %add3A_2131 = arith.constant 24 : i32
    %add3A_2132 = vector.broadcast %add3A_2131 : i32 to vector<16xi32>
    %add3A_2133 = arith.addi %mul3A_1978, %add3A_2132 : vector<16xi32>
    %gather3A_2134 = tpu.vector_load_idx %arg5[%add3A_2133] : memref<6400xi32, #tpu.memory_space<vmem>>[vector<16xi32>], vector<16xi32>,
    %gather3A_2135 = tpu.vector_load_idx %arg6[%gather3A_2134] : memref<1000xf32, #tpu.memory_space<vmem>>[vector<16xi32>], vector<16xf32>,
    %add3A_2136 = arith.addf %add3A_2112, %gather3A_2135 : vector<16xf32>
    %add3A_2137 = arith.constant 25 : i32
    %add3A_2138 = vector.broadcast %add3A_2137 : i32 to vector<16xi32>
    %add3A_2139 = arith.addi %mul3A_1978, %add3A_2138 : vector<16xi32>
    %gather3A_2140 = tpu.vector_load_idx %arg5[%add3A_2139] : memref<6400xi32, #tpu.memory_space<vmem>>[vector<16xi32>], vector<16xi32>,
    %gather3A_2141 = tpu.vector_load_idx %arg6[%gather3A_2140] : memref<1000xf32, #tpu.memory_space<vmem>>[vector<16xi32>], vector<16xf32>,
    %add3A_2142 = arith.addf %add3A_2118, %gather3A_2141 : vector<16xf32>
    %add3A_2143 = arith.constant 26 : i32
    %add3A_2144 = vector.broadcast %add3A_2143 : i32 to vector<16xi32>
    %add3A_2145 = arith.addi %mul3A_1978, %add3A_2144 : vector<16xi32>
    %gather3A_2146 = tpu.vector_load_idx %arg5[%add3A_2145] : memref<6400xi32, #tpu.memory_space<vmem>>[vector<16xi32>], vector<16xi32>,
    %gather3A_2147 = tpu.vector_load_idx %arg6[%gather3A_2146] : memref<1000xf32, #tpu.memory_space<vmem>>[vector<16xi32>], vector<16xf32>,
    %add3A_2148 = arith.addf %add3A_2124, %gather3A_2147 : vector<16xf32>
    %add3A_2149 = arith.constant 27 : i32
    %add3A_2150 = vector.broadcast %add3A_2149 : i32 to vector<16xi32>
    %add3A_2151 = arith.addi %mul3A_1978, %add3A_2150 : vector<16xi32>
    %gather3A_2152 = tpu.vector_load_idx %arg5[%add3A_2151] : memref<6400xi32, #tpu.memory_space<vmem>>[vector<16xi32>], vector<16xi32>,
    %gather3A_2153 = tpu.vector_load_idx %arg6[%gather3A_2152] : memref<1000xf32, #tpu.memory_space<vmem>>[vector<16xi32>], vector<16xf32>,
    %add3A_2154 = arith.addf %add3A_2130, %gather3A_2153 : vector<16xf32>
    %add3A_2155 = arith.constant 28 : i32
    %add3A_2156 = vector.broadcast %add3A_2155 : i32 to vector<16xi32>
    %add3A_2157 = arith.addi %mul3A_1978, %add3A_2156 : vector<16xi32>
    %gather3A_2158 = tpu.vector_load_idx %arg5[%add3A_2157] : memref<6400xi32, #tpu.memory_space<vmem>>[vector<16xi32>], vector<16xi32>,
    %gather3A_2159 = tpu.vector_load_idx %arg6[%gather3A_2158] : memref<1000xf32, #tpu.memory_space<vmem>>[vector<16xi32>], vector<16xf32>,
    %add3A_2160 = arith.addf %add3A_2136, %gather3A_2159 : vector<16xf32>
    %add3A_2161 = arith.constant 29 : i32
    %add3A_2162 = vector.broadcast %add3A_2161 : i32 to vector<16xi32>
    %add3A_2163 = arith.addi %mul3A_1978, %add3A_2162 : vector<16xi32>
    %gather3A_2164 = tpu.vector_load_idx %arg5[%add3A_2163] : memref<6400xi32, #tpu.memory_space<vmem>>[vector<16xi32>], vector<16xi32>,
    %gather3A_2165 = tpu.vector_load_idx %arg6[%gather3A_2164] : memref<1000xf32, #tpu.memory_space<vmem>>[vector<16xi32>], vector<16xf32>,
    %add3A_2166 = arith.addf %add3A_2142, %gather3A_2165 : vector<16xf32>
    %add3A_2167 = arith.constant 30 : i32
    %add3A_2168 = vector.broadcast %add3A_2167 : i32 to vector<16xi32>
    %add3A_2169 = arith.addi %mul3A_1978, %add3A_2168 : vector<16xi32>
    %gather3A_2170 = tpu.vector_load_idx %arg5[%add3A_2169] : memref<6400xi32, #tpu.memory_space<vmem>>[vector<16xi32>], vector<16xi32>,
    %gather3A_2171 = tpu.vector_load_idx %arg6[%gather3A_2170] : memref<1000xf32, #tpu.memory_space<vmem>>[vector<16xi32>], vector<16xf32>,
    %add3A_2172 = arith.addf %add3A_2148, %gather3A_2171 : vector<16xf32>
    %add3A_2173 = arith.constant 31 : i32
    %add3A_2174 = vector.broadcast %add3A_2173 : i32 to vector<16xi32>
    %add3A_2175 = arith.addi %mul3A_1978, %add3A_2174 : vector<16xi32>
    %gather3A_2176 = tpu.vector_load_idx %arg5[%add3A_2175] : memref<6400xi32, #tpu.memory_space<vmem>>[vector<16xi32>], vector<16xi32>,
    %gather3A_2177 = tpu.vector_load_idx %arg6[%gather3A_2176] : memref<1000xf32, #tpu.memory_space<vmem>>[vector<16xi32>], vector<16xf32>,
    %add3A_2178 = arith.addf %add3A_2154, %gather3A_2177 : vector<16xf32>
    %add3A_2179 = arith.constant 32 : i32
    %add3A_2180 = vector.broadcast %add3A_2179 : i32 to vector<16xi32>
    %add3A_2181 = arith.addi %mul3A_1978, %add3A_2180 : vector<16xi32>
    %gather3A_2182 = tpu.vector_load_idx %arg5[%add3A_2181] : memref<6400xi32, #tpu.memory_space<vmem>>[vector<16xi32>], vector<16xi32>,
    %gather3A_2183 = tpu.vector_load_idx %arg6[%gather3A_2182] : memref<1000xf32, #tpu.memory_space<vmem>>[vector<16xi32>], vector<16xf32>,
    %add3A_2184 = arith.addf %add3A_2160, %gather3A_2183 : vector<16xf32>
    %add3A_2185 = arith.constant 33 : i32
    %add3A_2186 = vector.broadcast %add3A_2185 : i32 to vector<16xi32>
    %add3A_2187 = arith.addi %mul3A_1978, %add3A_2186 : vector<16xi32>
    %gather3A_2188 = tpu.vector_load_idx %arg5[%add3A_2187] : memref<6400xi32, #tpu.memory_space<vmem>>[vector<16xi32>], vector<16xi32>,
    %gather3A_2189 = tpu.vector_load_idx %arg6[%gather3A_2188] : memref<1000xf32, #tpu.memory_space<vmem>>[vector<16xi32>], vector<16xf32>,
    %add3A_2190 = arith.addf %add3A_2166, %gather3A_2189 : vector<16xf32>
    %add3A_2191 = arith.constant 34 : i32
    %add3A_2192 = vector.broadcast %add3A_2191 : i32 to vector<16xi32>
    %add3A_2193 = arith.addi %mul3A_1978, %add3A_2192 : vector<16xi32>
    %gather3A_2194 = tpu.vector_load_idx %arg5[%add3A_2193] : memref<6400xi32, #tpu.memory_space<vmem>>[vector<16xi32>], vector<16xi32>,
    %gather3A_2195 = tpu.vector_load_idx %arg6[%gather3A_2194] : memref<1000xf32, #tpu.memory_space<vmem>>[vector<16xi32>], vector<16xf32>,
    %add3A_2196 = arith.addf %add3A_2172, %gather3A_2195 : vector<16xf32>
    %add3A_2197 = arith.constant 35 : i32
    %add3A_2198 = vector.broadcast %add3A_2197 : i32 to vector<16xi32>
    %add3A_2199 = arith.addi %mul3A_1978, %add3A_2198 : vector<16xi32>
    %gather3A_2200 = tpu.vector_load_idx %arg5[%add3A_2199] : memref<6400xi32, #tpu.memory_space<vmem>>[vector<16xi32>], vector<16xi32>,
    %gather3A_2201 = tpu.vector_load_idx %arg6[%gather3A_2200] : memref<1000xf32, #tpu.memory_space<vmem>>[vector<16xi32>], vector<16xf32>,
    %add3A_2202 = arith.addf %add3A_2178, %gather3A_2201 : vector<16xf32>
    %add3A_2203 = arith.constant 36 : i32
    %add3A_2204 = vector.broadcast %add3A_2203 : i32 to vector<16xi32>
    %add3A_2205 = arith.addi %mul3A_1978, %add3A_2204 : vector<16xi32>
    %gather3A_2206 = tpu.vector_load_idx %arg5[%add3A_2205] : memref<6400xi32, #tpu.memory_space<vmem>>[vector<16xi32>], vector<16xi32>,
    %gather3A_2207 = tpu.vector_load_idx %arg6[%gather3A_2206] : memref<1000xf32, #tpu.memory_space<vmem>>[vector<16xi32>], vector<16xf32>,
    %add3A_2208 = arith.addf %add3A_2184, %gather3A_2207 : vector<16xf32>
    %add3A_2209 = arith.constant 37 : i32
    %add3A_2210 = vector.broadcast %add3A_2209 : i32 to vector<16xi32>
    %add3A_2211 = arith.addi %mul3A_1978, %add3A_2210 : vector<16xi32>
    %gather3A_2212 = tpu.vector_load_idx %arg5[%add3A_2211] : memref<6400xi32, #tpu.memory_space<vmem>>[vector<16xi32>], vector<16xi32>,
    %gather3A_2213 = tpu.vector_load_idx %arg6[%gather3A_2212] : memref<1000xf32, #tpu.memory_space<vmem>>[vector<16xi32>], vector<16xf32>,
    %add3A_2214 = arith.addf %add3A_2190, %gather3A_2213 : vector<16xf32>
    %add3A_2215 = arith.constant 38 : i32
    %add3A_2216 = vector.broadcast %add3A_2215 : i32 to vector<16xi32>
    %add3A_2217 = arith.addi %mul3A_1978, %add3A_2216 : vector<16xi32>
    %gather3A_2218 = tpu.vector_load_idx %arg5[%add3A_2217] : memref<6400xi32, #tpu.memory_space<vmem>>[vector<16xi32>], vector<16xi32>,
    %gather3A_2219 = tpu.vector_load_idx %arg6[%gather3A_2218] : memref<1000xf32, #tpu.memory_space<vmem>>[vector<16xi32>], vector<16xf32>,
    %add3A_2220 = arith.addf %add3A_2196, %gather3A_2219 : vector<16xf32>
    %add3A_2221 = arith.constant 39 : i32
    %add3A_2222 = vector.broadcast %add3A_2221 : i32 to vector<16xi32>
    %add3A_2223 = arith.addi %mul3A_1978, %add3A_2222 : vector<16xi32>
    %gather3A_2224 = tpu.vector_load_idx %arg5[%add3A_2223] : memref<6400xi32, #tpu.memory_space<vmem>>[vector<16xi32>], vector<16xi32>,
    %gather3A_2225 = tpu.vector_load_idx %arg6[%gather3A_2224] : memref<1000xf32, #tpu.memory_space<vmem>>[vector<16xi32>], vector<16xf32>,
    %add3A_2226 = arith.addf %add3A_2202, %gather3A_2225 : vector<16xf32>
    %add3A_2227 = arith.constant 40 : i32
    %add3A_2228 = vector.broadcast %add3A_2227 : i32 to vector<16xi32>
    %add3A_2229 = arith.addi %mul3A_1978, %add3A_2228 : vector<16xi32>
    %gather3A_2230 = tpu.vector_load_idx %arg5[%add3A_2229] : memref<6400xi32, #tpu.memory_space<vmem>>[vector<16xi32>], vector<16xi32>,
    %gather3A_2231 = tpu.vector_load_idx %arg6[%gather3A_2230] : memref<1000xf32, #tpu.memory_space<vmem>>[vector<16xi32>], vector<16xf32>,
    %add3A_2232 = arith.addf %add3A_2208, %gather3A_2231 : vector<16xf32>
    %add3A_2233 = arith.constant 41 : i32
    %add3A_2234 = vector.broadcast %add3A_2233 : i32 to vector<16xi32>
    %add3A_2235 = arith.addi %mul3A_1978, %add3A_2234 : vector<16xi32>
    %gather3A_2236 = tpu.vector_load_idx %arg5[%add3A_2235] : memref<6400xi32, #tpu.memory_space<vmem>>[vector<16xi32>], vector<16xi32>,
    %gather3A_2237 = tpu.vector_load_idx %arg6[%gather3A_2236] : memref<1000xf32, #tpu.memory_space<vmem>>[vector<16xi32>], vector<16xf32>,
    %add3A_2238 = arith.addf %add3A_2214, %gather3A_2237 : vector<16xf32>
    %add3A_2239 = arith.constant 42 : i32
    %add3A_2240 = vector.broadcast %add3A_2239 : i32 to vector<16xi32>
    %add3A_2241 = arith.addi %mul3A_1978, %add3A_2240 : vector<16xi32>
    %gather3A_2242 = tpu.vector_load_idx %arg5[%add3A_2241] : memref<6400xi32, #tpu.memory_space<vmem>>[vector<16xi32>], vector<16xi32>,
    %gather3A_2243 = tpu.vector_load_idx %arg6[%gather3A_2242] : memref<1000xf32, #tpu.memory_space<vmem>>[vector<16xi32>], vector<16xf32>,
    %add3A_2244 = arith.addf %add3A_2220, %gather3A_2243 : vector<16xf32>
    %add3A_2245 = arith.constant 43 : i32
    %add3A_2246 = vector.broadcast %add3A_2245 : i32 to vector<16xi32>
    %add3A_2247 = arith.addi %mul3A_1978, %add3A_2246 : vector<16xi32>
    %gather3A_2248 = tpu.vector_load_idx %arg5[%add3A_2247] : memref<6400xi32, #tpu.memory_space<vmem>>[vector<16xi32>], vector<16xi32>,
    %gather3A_2249 = tpu.vector_load_idx %arg6[%gather3A_2248] : memref<1000xf32, #tpu.memory_space<vmem>>[vector<16xi32>], vector<16xf32>,
    %add3A_2250 = arith.addf %add3A_2226, %gather3A_2249 : vector<16xf32>
    %add3A_2251 = arith.constant 44 : i32
    %add3A_2252 = vector.broadcast %add3A_2251 : i32 to vector<16xi32>
    %add3A_2253 = arith.addi %mul3A_1978, %add3A_2252 : vector<16xi32>
    %gather3A_2254 = tpu.vector_load_idx %arg5[%add3A_2253] : memref<6400xi32, #tpu.memory_space<vmem>>[vector<16xi32>], vector<16xi32>,
    %gather3A_2255 = tpu.vector_load_idx %arg6[%gather3A_2254] : memref<1000xf32, #tpu.memory_space<vmem>>[vector<16xi32>], vector<16xf32>,
    %add3A_2256 = arith.addf %add3A_2232, %gather3A_2255 : vector<16xf32>
    %add3A_2257 = arith.constant 45 : i32
    %add3A_2258 = vector.broadcast %add3A_2257 : i32 to vector<16xi32>
    %add3A_2259 = arith.addi %mul3A_1978, %add3A_2258 : vector<16xi32>
    %gather3A_2260 = tpu.vector_load_idx %arg5[%add3A_2259] : memref<6400xi32, #tpu.memory_space<vmem>>[vector<16xi32>], vector<16xi32>,
    %gather3A_2261 = tpu.vector_load_idx %arg6[%gather3A_2260] : memref<1000xf32, #tpu.memory_space<vmem>>[vector<16xi32>], vector<16xf32>,
    %add3A_2262 = arith.addf %add3A_2238, %gather3A_2261 : vector<16xf32>
    %add3A_2263 = arith.constant 46 : i32
    %add3A_2264 = vector.broadcast %add3A_2263 : i32 to vector<16xi32>
    %add3A_2265 = arith.addi %mul3A_1978, %add3A_2264 : vector<16xi32>
    %gather3A_2266 = tpu.vector_load_idx %arg5[%add3A_2265] : memref<6400xi32, #tpu.memory_space<vmem>>[vector<16xi32>], vector<16xi32>,
    %gather3A_2267 = tpu.vector_load_idx %arg6[%gather3A_2266] : memref<1000xf32, #tpu.memory_space<vmem>>[vector<16xi32>], vector<16xf32>,
    %add3A_2268 = arith.addf %add3A_2244, %gather3A_2267 : vector<16xf32>
    %add3A_2269 = arith.constant 47 : i32
    %add3A_2270 = vector.broadcast %add3A_2269 : i32 to vector<16xi32>
    %add3A_2271 = arith.addi %mul3A_1978, %add3A_2270 : vector<16xi32>
    %gather3A_2272 = tpu.vector_load_idx %arg5[%add3A_2271] : memref<6400xi32, #tpu.memory_space<vmem>>[vector<16xi32>], vector<16xi32>,
    %gather3A_2273 = tpu.vector_load_idx %arg6[%gather3A_2272] : memref<1000xf32, #tpu.memory_space<vmem>>[vector<16xi32>], vector<16xf32>,
    %add3A_2274 = arith.addf %add3A_2250, %gather3A_2273 : vector<16xf32>
    %add3A_2275 = arith.constant 48 : i32
    %add3A_2276 = vector.broadcast %add3A_2275 : i32 to vector<16xi32>
    %add3A_2277 = arith.addi %mul3A_1978, %add3A_2276 : vector<16xi32>
    %gather3A_2278 = tpu.vector_load_idx %arg5[%add3A_2277] : memref<6400xi32, #tpu.memory_space<vmem>>[vector<16xi32>], vector<16xi32>,
    %gather3A_2279 = tpu.vector_load_idx %arg6[%gather3A_2278] : memref<1000xf32, #tpu.memory_space<vmem>>[vector<16xi32>], vector<16xf32>,
    %add3A_2280 = arith.addf %add3A_2256, %gather3A_2279 : vector<16xf32>
    %add3A_2281 = arith.constant 49 : i32
    %add3A_2282 = vector.broadcast %add3A_2281 : i32 to vector<16xi32>
    %add3A_2283 = arith.addi %mul3A_1978, %add3A_2282 : vector<16xi32>
    %gather3A_2284 = tpu.vector_load_idx %arg5[%add3A_2283] : memref<6400xi32, #tpu.memory_space<vmem>>[vector<16xi32>], vector<16xi32>,
    %gather3A_2285 = tpu.vector_load_idx %arg6[%gather3A_2284] : memref<1000xf32, #tpu.memory_space<vmem>>[vector<16xi32>], vector<16xf32>,
    %add3A_2286 = arith.addf %add3A_2262, %gather3A_2285 : vector<16xf32>
    %add3A_2287 = arith.addf %add3A_2280, %add3A_2286 : vector<16xf32>
    %add3A_2288 = arith.addf %add3A_2268, %add3A_2274 : vector<16xf32>
    %add3A_2289 = arith.addf %add3A_2287, %add3A_2288 : vector<16xf32>
    %neg3A_2290 = arith.constant 0.000000e+00 : f32
    %neg3A_2291 = vector.broadcast %neg3A_2290 : f32 to vector<16xf32>
    %neg3A_2292 = arith.subf %neg3A_2291, %add3A_2289 : vector<16xf32>
    %exp3A_2293 = math.exp %neg3A_2292 : vector<16xf32>
    %add3A_2294 = arith.constant 1.000000e+00 : f32
    %add3A_2295 = vector.broadcast %add3A_2294 : f32 to vector<16xf32>
    %add3A_2296 = arith.addf %add3A_2295, %exp3A_2293 : vector<16xf32>
    %div3A_2297 = arith.constant 1.000000e+00 : f32
    %div3A_2298 = vector.broadcast %div3A_2297 : f32 to vector<16xf32>
    %div3A_2299 = arith.divf %div3A_2298, %add3A_2296 : vector<16xf32>
    %swap3A_2300 = arith.constant 96 : index
    %swap3A_2301 = tpu.vector_load %arg7[%swap3A_2300] {strides = array<i32>} : memref<128xf32, #tpu.memory_space<vmem>>, vector<16xf32>,
    tpu.vector_store %arg7[%swap3A_2300], %div3A_2299 {strides = array<i32>} : memref<128xf32, #tpu.memory_space<vmem>>, vector<16xf32>,
    %add3A_2302 = arith.constant 112 : i32
    %add3A_2303 = vector.broadcast %add3A_2302 : i32 to vector<16xi32>
    %add3A_2304 = arith.addi %add3A_2303, %iota3A : vector<16xi32>
    %mul3A_2305 = arith.constant 50 : i32
    %mul3A_2306 = vector.broadcast %mul3A_2305 : i32 to vector<16xi32>
    %mul3A_2307 = arith.muli %add3A_2304, %mul3A_2306 : vector<16xi32>
    %broadcast_in_dim3A_2308 = arith.constant 0.000000e+00 : f32
    %broadcast_in_dim3A_2309 = vector.broadcast %broadcast_in_dim3A_2308 : f32 to vector<16xf32>
    %broadcast_in_dim3A_2310 = arith.constant 0.000000e+00 : f32
    %broadcast_in_dim3A_2311 = vector.broadcast %broadcast_in_dim3A_2310 : f32 to vector<16xf32>
    %broadcast_in_dim3A_2312 = arith.constant 0.000000e+00 : f32
    %broadcast_in_dim3A_2313 = vector.broadcast %broadcast_in_dim3A_2312 : f32 to vector<16xf32>
    %broadcast_in_dim3A_2314 = arith.constant 0.000000e+00 : f32
    %broadcast_in_dim3A_2315 = vector.broadcast %broadcast_in_dim3A_2314 : f32 to vector<16xf32>
    %add3A_2316 = arith.constant 0 : i32
    %add3A_2317 = vector.broadcast %add3A_2316 : i32 to vector<16xi32>
    %add3A_2318 = arith.addi %mul3A_2307, %add3A_2317 : vector<16xi32>
    %gather3A_2319 = tpu.vector_load_idx %arg5[%add3A_2318] : memref<6400xi32, #tpu.memory_space<vmem>>[vector<16xi32>], vector<16xi32>,
    %gather3A_2320 = tpu.vector_load_idx %arg6[%gather3A_2319] : memref<1000xf32, #tpu.memory_space<vmem>>[vector<16xi32>], vector<16xf32>,
    %add3A_2321 = arith.addf %broadcast_in_dim3A_2309, %gather3A_2320 : vector<16xf32>
    %add3A_2322 = arith.constant 1 : i32
    %add3A_2323 = vector.broadcast %add3A_2322 : i32 to vector<16xi32>
    %add3A_2324 = arith.addi %mul3A_2307, %add3A_2323 : vector<16xi32>
    %gather3A_2325 = tpu.vector_load_idx %arg5[%add3A_2324] : memref<6400xi32, #tpu.memory_space<vmem>>[vector<16xi32>], vector<16xi32>,
    %gather3A_2326 = tpu.vector_load_idx %arg6[%gather3A_2325] : memref<1000xf32, #tpu.memory_space<vmem>>[vector<16xi32>], vector<16xf32>,
    %add3A_2327 = arith.addf %broadcast_in_dim3A_2311, %gather3A_2326 : vector<16xf32>
    %add3A_2328 = arith.constant 2 : i32
    %add3A_2329 = vector.broadcast %add3A_2328 : i32 to vector<16xi32>
    %add3A_2330 = arith.addi %mul3A_2307, %add3A_2329 : vector<16xi32>
    %gather3A_2331 = tpu.vector_load_idx %arg5[%add3A_2330] : memref<6400xi32, #tpu.memory_space<vmem>>[vector<16xi32>], vector<16xi32>,
    %gather3A_2332 = tpu.vector_load_idx %arg6[%gather3A_2331] : memref<1000xf32, #tpu.memory_space<vmem>>[vector<16xi32>], vector<16xf32>,
    %add3A_2333 = arith.addf %broadcast_in_dim3A_2313, %gather3A_2332 : vector<16xf32>
    %add3A_2334 = arith.constant 3 : i32
    %add3A_2335 = vector.broadcast %add3A_2334 : i32 to vector<16xi32>
    %add3A_2336 = arith.addi %mul3A_2307, %add3A_2335 : vector<16xi32>
    %gather3A_2337 = tpu.vector_load_idx %arg5[%add3A_2336] : memref<6400xi32, #tpu.memory_space<vmem>>[vector<16xi32>], vector<16xi32>,
    %gather3A_2338 = tpu.vector_load_idx %arg6[%gather3A_2337] : memref<1000xf32, #tpu.memory_space<vmem>>[vector<16xi32>], vector<16xf32>,
    %add3A_2339 = arith.addf %broadcast_in_dim3A_2315, %gather3A_2338 : vector<16xf32>
    %add3A_2340 = arith.constant 4 : i32
    %add3A_2341 = vector.broadcast %add3A_2340 : i32 to vector<16xi32>
    %add3A_2342 = arith.addi %mul3A_2307, %add3A_2341 : vector<16xi32>
    %gather3A_2343 = tpu.vector_load_idx %arg5[%add3A_2342] : memref<6400xi32, #tpu.memory_space<vmem>>[vector<16xi32>], vector<16xi32>,
    %gather3A_2344 = tpu.vector_load_idx %arg6[%gather3A_2343] : memref<1000xf32, #tpu.memory_space<vmem>>[vector<16xi32>], vector<16xf32>,
    %add3A_2345 = arith.addf %add3A_2321, %gather3A_2344 : vector<16xf32>
    %add3A_2346 = arith.constant 5 : i32
    %add3A_2347 = vector.broadcast %add3A_2346 : i32 to vector<16xi32>
    %add3A_2348 = arith.addi %mul3A_2307, %add3A_2347 : vector<16xi32>
    %gather3A_2349 = tpu.vector_load_idx %arg5[%add3A_2348] : memref<6400xi32, #tpu.memory_space<vmem>>[vector<16xi32>], vector<16xi32>,
    %gather3A_2350 = tpu.vector_load_idx %arg6[%gather3A_2349] : memref<1000xf32, #tpu.memory_space<vmem>>[vector<16xi32>], vector<16xf32>,
    %add3A_2351 = arith.addf %add3A_2327, %gather3A_2350 : vector<16xf32>
    %add3A_2352 = arith.constant 6 : i32
    %add3A_2353 = vector.broadcast %add3A_2352 : i32 to vector<16xi32>
    %add3A_2354 = arith.addi %mul3A_2307, %add3A_2353 : vector<16xi32>
    %gather3A_2355 = tpu.vector_load_idx %arg5[%add3A_2354] : memref<6400xi32, #tpu.memory_space<vmem>>[vector<16xi32>], vector<16xi32>,
    %gather3A_2356 = tpu.vector_load_idx %arg6[%gather3A_2355] : memref<1000xf32, #tpu.memory_space<vmem>>[vector<16xi32>], vector<16xf32>,
    %add3A_2357 = arith.addf %add3A_2333, %gather3A_2356 : vector<16xf32>
    %add3A_2358 = arith.constant 7 : i32
    %add3A_2359 = vector.broadcast %add3A_2358 : i32 to vector<16xi32>
    %add3A_2360 = arith.addi %mul3A_2307, %add3A_2359 : vector<16xi32>
    %gather3A_2361 = tpu.vector_load_idx %arg5[%add3A_2360] : memref<6400xi32, #tpu.memory_space<vmem>>[vector<16xi32>], vector<16xi32>,
    %gather3A_2362 = tpu.vector_load_idx %arg6[%gather3A_2361] : memref<1000xf32, #tpu.memory_space<vmem>>[vector<16xi32>], vector<16xf32>,
    %add3A_2363 = arith.addf %add3A_2339, %gather3A_2362 : vector<16xf32>
    %add3A_2364 = arith.constant 8 : i32
    %add3A_2365 = vector.broadcast %add3A_2364 : i32 to vector<16xi32>
    %add3A_2366 = arith.addi %mul3A_2307, %add3A_2365 : vector<16xi32>
    %gather3A_2367 = tpu.vector_load_idx %arg5[%add3A_2366] : memref<6400xi32, #tpu.memory_space<vmem>>[vector<16xi32>], vector<16xi32>,
    %gather3A_2368 = tpu.vector_load_idx %arg6[%gather3A_2367] : memref<1000xf32, #tpu.memory_space<vmem>>[vector<16xi32>], vector<16xf32>,
    %add3A_2369 = arith.addf %add3A_2345, %gather3A_2368 : vector<16xf32>
    %add3A_2370 = arith.constant 9 : i32
    %add3A_2371 = vector.broadcast %add3A_2370 : i32 to vector<16xi32>
    %add3A_2372 = arith.addi %mul3A_2307, %add3A_2371 : vector<16xi32>
    %gather3A_2373 = tpu.vector_load_idx %arg5[%add3A_2372] : memref<6400xi32, #tpu.memory_space<vmem>>[vector<16xi32>], vector<16xi32>,
    %gather3A_2374 = tpu.vector_load_idx %arg6[%gather3A_2373] : memref<1000xf32, #tpu.memory_space<vmem>>[vector<16xi32>], vector<16xf32>,
    %add3A_2375 = arith.addf %add3A_2351, %gather3A_2374 : vector<16xf32>
    %add3A_2376 = arith.constant 10 : i32
    %add3A_2377 = vector.broadcast %add3A_2376 : i32 to vector<16xi32>
    %add3A_2378 = arith.addi %mul3A_2307, %add3A_2377 : vector<16xi32>
    %gather3A_2379 = tpu.vector_load_idx %arg5[%add3A_2378] : memref<6400xi32, #tpu.memory_space<vmem>>[vector<16xi32>], vector<16xi32>,
    %gather3A_2380 = tpu.vector_load_idx %arg6[%gather3A_2379] : memref<1000xf32, #tpu.memory_space<vmem>>[vector<16xi32>], vector<16xf32>,
    %add3A_2381 = arith.addf %add3A_2357, %gather3A_2380 : vector<16xf32>
    %add3A_2382 = arith.constant 11 : i32
    %add3A_2383 = vector.broadcast %add3A_2382 : i32 to vector<16xi32>
    %add3A_2384 = arith.addi %mul3A_2307, %add3A_2383 : vector<16xi32>
    %gather3A_2385 = tpu.vector_load_idx %arg5[%add3A_2384] : memref<6400xi32, #tpu.memory_space<vmem>>[vector<16xi32>], vector<16xi32>,
    %gather3A_2386 = tpu.vector_load_idx %arg6[%gather3A_2385] : memref<1000xf32, #tpu.memory_space<vmem>>[vector<16xi32>], vector<16xf32>,
    %add3A_2387 = arith.addf %add3A_2363, %gather3A_2386 : vector<16xf32>
    %add3A_2388 = arith.constant 12 : i32
    %add3A_2389 = vector.broadcast %add3A_2388 : i32 to vector<16xi32>
    %add3A_2390 = arith.addi %mul3A_2307, %add3A_2389 : vector<16xi32>
    %gather3A_2391 = tpu.vector_load_idx %arg5[%add3A_2390] : memref<6400xi32, #tpu.memory_space<vmem>>[vector<16xi32>], vector<16xi32>,
    %gather3A_2392 = tpu.vector_load_idx %arg6[%gather3A_2391] : memref<1000xf32, #tpu.memory_space<vmem>>[vector<16xi32>], vector<16xf32>,
    %add3A_2393 = arith.addf %add3A_2369, %gather3A_2392 : vector<16xf32>
    %add3A_2394 = arith.constant 13 : i32
    %add3A_2395 = vector.broadcast %add3A_2394 : i32 to vector<16xi32>
    %add3A_2396 = arith.addi %mul3A_2307, %add3A_2395 : vector<16xi32>
    %gather3A_2397 = tpu.vector_load_idx %arg5[%add3A_2396] : memref<6400xi32, #tpu.memory_space<vmem>>[vector<16xi32>], vector<16xi32>,
    %gather3A_2398 = tpu.vector_load_idx %arg6[%gather3A_2397] : memref<1000xf32, #tpu.memory_space<vmem>>[vector<16xi32>], vector<16xf32>,
    %add3A_2399 = arith.addf %add3A_2375, %gather3A_2398 : vector<16xf32>
    %add3A_2400 = arith.constant 14 : i32
    %add3A_2401 = vector.broadcast %add3A_2400 : i32 to vector<16xi32>
    %add3A_2402 = arith.addi %mul3A_2307, %add3A_2401 : vector<16xi32>
    %gather3A_2403 = tpu.vector_load_idx %arg5[%add3A_2402] : memref<6400xi32, #tpu.memory_space<vmem>>[vector<16xi32>], vector<16xi32>,
    %gather3A_2404 = tpu.vector_load_idx %arg6[%gather3A_2403] : memref<1000xf32, #tpu.memory_space<vmem>>[vector<16xi32>], vector<16xf32>,
    %add3A_2405 = arith.addf %add3A_2381, %gather3A_2404 : vector<16xf32>
    %add3A_2406 = arith.constant 15 : i32
    %add3A_2407 = vector.broadcast %add3A_2406 : i32 to vector<16xi32>
    %add3A_2408 = arith.addi %mul3A_2307, %add3A_2407 : vector<16xi32>
    %gather3A_2409 = tpu.vector_load_idx %arg5[%add3A_2408] : memref<6400xi32, #tpu.memory_space<vmem>>[vector<16xi32>], vector<16xi32>,
    %gather3A_2410 = tpu.vector_load_idx %arg6[%gather3A_2409] : memref<1000xf32, #tpu.memory_space<vmem>>[vector<16xi32>], vector<16xf32>,
    %add3A_2411 = arith.addf %add3A_2387, %gather3A_2410 : vector<16xf32>
    %add3A_2412 = arith.constant 16 : i32
    %add3A_2413 = vector.broadcast %add3A_2412 : i32 to vector<16xi32>
    %add3A_2414 = arith.addi %mul3A_2307, %add3A_2413 : vector<16xi32>
    %gather3A_2415 = tpu.vector_load_idx %arg5[%add3A_2414] : memref<6400xi32, #tpu.memory_space<vmem>>[vector<16xi32>], vector<16xi32>,
    %gather3A_2416 = tpu.vector_load_idx %arg6[%gather3A_2415] : memref<1000xf32, #tpu.memory_space<vmem>>[vector<16xi32>], vector<16xf32>,
    %add3A_2417 = arith.addf %add3A_2393, %gather3A_2416 : vector<16xf32>
    %add3A_2418 = arith.constant 17 : i32
    %add3A_2419 = vector.broadcast %add3A_2418 : i32 to vector<16xi32>
    %add3A_2420 = arith.addi %mul3A_2307, %add3A_2419 : vector<16xi32>
    %gather3A_2421 = tpu.vector_load_idx %arg5[%add3A_2420] : memref<6400xi32, #tpu.memory_space<vmem>>[vector<16xi32>], vector<16xi32>,
    %gather3A_2422 = tpu.vector_load_idx %arg6[%gather3A_2421] : memref<1000xf32, #tpu.memory_space<vmem>>[vector<16xi32>], vector<16xf32>,
    %add3A_2423 = arith.addf %add3A_2399, %gather3A_2422 : vector<16xf32>
    %add3A_2424 = arith.constant 18 : i32
    %add3A_2425 = vector.broadcast %add3A_2424 : i32 to vector<16xi32>
    %add3A_2426 = arith.addi %mul3A_2307, %add3A_2425 : vector<16xi32>
    %gather3A_2427 = tpu.vector_load_idx %arg5[%add3A_2426] : memref<6400xi32, #tpu.memory_space<vmem>>[vector<16xi32>], vector<16xi32>,
    %gather3A_2428 = tpu.vector_load_idx %arg6[%gather3A_2427] : memref<1000xf32, #tpu.memory_space<vmem>>[vector<16xi32>], vector<16xf32>,
    %add3A_2429 = arith.addf %add3A_2405, %gather3A_2428 : vector<16xf32>
    %add3A_2430 = arith.constant 19 : i32
    %add3A_2431 = vector.broadcast %add3A_2430 : i32 to vector<16xi32>
    %add3A_2432 = arith.addi %mul3A_2307, %add3A_2431 : vector<16xi32>
    %gather3A_2433 = tpu.vector_load_idx %arg5[%add3A_2432] : memref<6400xi32, #tpu.memory_space<vmem>>[vector<16xi32>], vector<16xi32>,
    %gather3A_2434 = tpu.vector_load_idx %arg6[%gather3A_2433] : memref<1000xf32, #tpu.memory_space<vmem>>[vector<16xi32>], vector<16xf32>,
    %add3A_2435 = arith.addf %add3A_2411, %gather3A_2434 : vector<16xf32>
    %add3A_2436 = arith.constant 20 : i32
    %add3A_2437 = vector.broadcast %add3A_2436 : i32 to vector<16xi32>
    %add3A_2438 = arith.addi %mul3A_2307, %add3A_2437 : vector<16xi32>
    %gather3A_2439 = tpu.vector_load_idx %arg5[%add3A_2438] : memref<6400xi32, #tpu.memory_space<vmem>>[vector<16xi32>], vector<16xi32>,
    %gather3A_2440 = tpu.vector_load_idx %arg6[%gather3A_2439] : memref<1000xf32, #tpu.memory_space<vmem>>[vector<16xi32>], vector<16xf32>,
    %add3A_2441 = arith.addf %add3A_2417, %gather3A_2440 : vector<16xf32>
    %add3A_2442 = arith.constant 21 : i32
    %add3A_2443 = vector.broadcast %add3A_2442 : i32 to vector<16xi32>
    %add3A_2444 = arith.addi %mul3A_2307, %add3A_2443 : vector<16xi32>
    %gather3A_2445 = tpu.vector_load_idx %arg5[%add3A_2444] : memref<6400xi32, #tpu.memory_space<vmem>>[vector<16xi32>], vector<16xi32>,
    %gather3A_2446 = tpu.vector_load_idx %arg6[%gather3A_2445] : memref<1000xf32, #tpu.memory_space<vmem>>[vector<16xi32>], vector<16xf32>,
    %add3A_2447 = arith.addf %add3A_2423, %gather3A_2446 : vector<16xf32>
    %add3A_2448 = arith.constant 22 : i32
    %add3A_2449 = vector.broadcast %add3A_2448 : i32 to vector<16xi32>
    %add3A_2450 = arith.addi %mul3A_2307, %add3A_2449 : vector<16xi32>
    %gather3A_2451 = tpu.vector_load_idx %arg5[%add3A_2450] : memref<6400xi32, #tpu.memory_space<vmem>>[vector<16xi32>], vector<16xi32>,
    %gather3A_2452 = tpu.vector_load_idx %arg6[%gather3A_2451] : memref<1000xf32, #tpu.memory_space<vmem>>[vector<16xi32>], vector<16xf32>,
    %add3A_2453 = arith.addf %add3A_2429, %gather3A_2452 : vector<16xf32>
    %add3A_2454 = arith.constant 23 : i32
    %add3A_2455 = vector.broadcast %add3A_2454 : i32 to vector<16xi32>
    %add3A_2456 = arith.addi %mul3A_2307, %add3A_2455 : vector<16xi32>
    %gather3A_2457 = tpu.vector_load_idx %arg5[%add3A_2456] : memref<6400xi32, #tpu.memory_space<vmem>>[vector<16xi32>], vector<16xi32>,
    %gather3A_2458 = tpu.vector_load_idx %arg6[%gather3A_2457] : memref<1000xf32, #tpu.memory_space<vmem>>[vector<16xi32>], vector<16xf32>,
    %add3A_2459 = arith.addf %add3A_2435, %gather3A_2458 : vector<16xf32>
    %add3A_2460 = arith.constant 24 : i32
    %add3A_2461 = vector.broadcast %add3A_2460 : i32 to vector<16xi32>
    %add3A_2462 = arith.addi %mul3A_2307, %add3A_2461 : vector<16xi32>
    %gather3A_2463 = tpu.vector_load_idx %arg5[%add3A_2462] : memref<6400xi32, #tpu.memory_space<vmem>>[vector<16xi32>], vector<16xi32>,
    %gather3A_2464 = tpu.vector_load_idx %arg6[%gather3A_2463] : memref<1000xf32, #tpu.memory_space<vmem>>[vector<16xi32>], vector<16xf32>,
    %add3A_2465 = arith.addf %add3A_2441, %gather3A_2464 : vector<16xf32>
    %add3A_2466 = arith.constant 25 : i32
    %add3A_2467 = vector.broadcast %add3A_2466 : i32 to vector<16xi32>
    %add3A_2468 = arith.addi %mul3A_2307, %add3A_2467 : vector<16xi32>
    %gather3A_2469 = tpu.vector_load_idx %arg5[%add3A_2468] : memref<6400xi32, #tpu.memory_space<vmem>>[vector<16xi32>], vector<16xi32>,
    %gather3A_2470 = tpu.vector_load_idx %arg6[%gather3A_2469] : memref<1000xf32, #tpu.memory_space<vmem>>[vector<16xi32>], vector<16xf32>,
    %add3A_2471 = arith.addf %add3A_2447, %gather3A_2470 : vector<16xf32>
    %add3A_2472 = arith.constant 26 : i32
    %add3A_2473 = vector.broadcast %add3A_2472 : i32 to vector<16xi32>
    %add3A_2474 = arith.addi %mul3A_2307, %add3A_2473 : vector<16xi32>
    %gather3A_2475 = tpu.vector_load_idx %arg5[%add3A_2474] : memref<6400xi32, #tpu.memory_space<vmem>>[vector<16xi32>], vector<16xi32>,
    %gather3A_2476 = tpu.vector_load_idx %arg6[%gather3A_2475] : memref<1000xf32, #tpu.memory_space<vmem>>[vector<16xi32>], vector<16xf32>,
    %add3A_2477 = arith.addf %add3A_2453, %gather3A_2476 : vector<16xf32>
    %add3A_2478 = arith.constant 27 : i32
    %add3A_2479 = vector.broadcast %add3A_2478 : i32 to vector<16xi32>
    %add3A_2480 = arith.addi %mul3A_2307, %add3A_2479 : vector<16xi32>
    %gather3A_2481 = tpu.vector_load_idx %arg5[%add3A_2480] : memref<6400xi32, #tpu.memory_space<vmem>>[vector<16xi32>], vector<16xi32>,
    %gather3A_2482 = tpu.vector_load_idx %arg6[%gather3A_2481] : memref<1000xf32, #tpu.memory_space<vmem>>[vector<16xi32>], vector<16xf32>,
    %add3A_2483 = arith.addf %add3A_2459, %gather3A_2482 : vector<16xf32>
    %add3A_2484 = arith.constant 28 : i32
    %add3A_2485 = vector.broadcast %add3A_2484 : i32 to vector<16xi32>
    %add3A_2486 = arith.addi %mul3A_2307, %add3A_2485 : vector<16xi32>
    %gather3A_2487 = tpu.vector_load_idx %arg5[%add3A_2486] : memref<6400xi32, #tpu.memory_space<vmem>>[vector<16xi32>], vector<16xi32>,
    %gather3A_2488 = tpu.vector_load_idx %arg6[%gather3A_2487] : memref<1000xf32, #tpu.memory_space<vmem>>[vector<16xi32>], vector<16xf32>,
    %add3A_2489 = arith.addf %add3A_2465, %gather3A_2488 : vector<16xf32>
    %add3A_2490 = arith.constant 29 : i32
    %add3A_2491 = vector.broadcast %add3A_2490 : i32 to vector<16xi32>
    %add3A_2492 = arith.addi %mul3A_2307, %add3A_2491 : vector<16xi32>
    %gather3A_2493 = tpu.vector_load_idx %arg5[%add3A_2492] : memref<6400xi32, #tpu.memory_space<vmem>>[vector<16xi32>], vector<16xi32>,
    %gather3A_2494 = tpu.vector_load_idx %arg6[%gather3A_2493] : memref<1000xf32, #tpu.memory_space<vmem>>[vector<16xi32>], vector<16xf32>,
    %add3A_2495 = arith.addf %add3A_2471, %gather3A_2494 : vector<16xf32>
    %add3A_2496 = arith.constant 30 : i32
    %add3A_2497 = vector.broadcast %add3A_2496 : i32 to vector<16xi32>
    %add3A_2498 = arith.addi %mul3A_2307, %add3A_2497 : vector<16xi32>
    %gather3A_2499 = tpu.vector_load_idx %arg5[%add3A_2498] : memref<6400xi32, #tpu.memory_space<vmem>>[vector<16xi32>], vector<16xi32>,
    %gather3A_2500 = tpu.vector_load_idx %arg6[%gather3A_2499] : memref<1000xf32, #tpu.memory_space<vmem>>[vector<16xi32>], vector<16xf32>,
    %add3A_2501 = arith.addf %add3A_2477, %gather3A_2500 : vector<16xf32>
    %add3A_2502 = arith.constant 31 : i32
    %add3A_2503 = vector.broadcast %add3A_2502 : i32 to vector<16xi32>
    %add3A_2504 = arith.addi %mul3A_2307, %add3A_2503 : vector<16xi32>
    %gather3A_2505 = tpu.vector_load_idx %arg5[%add3A_2504] : memref<6400xi32, #tpu.memory_space<vmem>>[vector<16xi32>], vector<16xi32>,
    %gather3A_2506 = tpu.vector_load_idx %arg6[%gather3A_2505] : memref<1000xf32, #tpu.memory_space<vmem>>[vector<16xi32>], vector<16xf32>,
    %add3A_2507 = arith.addf %add3A_2483, %gather3A_2506 : vector<16xf32>
    %add3A_2508 = arith.constant 32 : i32
    %add3A_2509 = vector.broadcast %add3A_2508 : i32 to vector<16xi32>
    %add3A_2510 = arith.addi %mul3A_2307, %add3A_2509 : vector<16xi32>
    %gather3A_2511 = tpu.vector_load_idx %arg5[%add3A_2510] : memref<6400xi32, #tpu.memory_space<vmem>>[vector<16xi32>], vector<16xi32>,
    %gather3A_2512 = tpu.vector_load_idx %arg6[%gather3A_2511] : memref<1000xf32, #tpu.memory_space<vmem>>[vector<16xi32>], vector<16xf32>,
    %add3A_2513 = arith.addf %add3A_2489, %gather3A_2512 : vector<16xf32>
    %add3A_2514 = arith.constant 33 : i32
    %add3A_2515 = vector.broadcast %add3A_2514 : i32 to vector<16xi32>
    %add3A_2516 = arith.addi %mul3A_2307, %add3A_2515 : vector<16xi32>
    %gather3A_2517 = tpu.vector_load_idx %arg5[%add3A_2516] : memref<6400xi32, #tpu.memory_space<vmem>>[vector<16xi32>], vector<16xi32>,
    %gather3A_2518 = tpu.vector_load_idx %arg6[%gather3A_2517] : memref<1000xf32, #tpu.memory_space<vmem>>[vector<16xi32>], vector<16xf32>,
    %add3A_2519 = arith.addf %add3A_2495, %gather3A_2518 : vector<16xf32>
    %add3A_2520 = arith.constant 34 : i32
    %add3A_2521 = vector.broadcast %add3A_2520 : i32 to vector<16xi32>
    %add3A_2522 = arith.addi %mul3A_2307, %add3A_2521 : vector<16xi32>
    %gather3A_2523 = tpu.vector_load_idx %arg5[%add3A_2522] : memref<6400xi32, #tpu.memory_space<vmem>>[vector<16xi32>], vector<16xi32>,
    %gather3A_2524 = tpu.vector_load_idx %arg6[%gather3A_2523] : memref<1000xf32, #tpu.memory_space<vmem>>[vector<16xi32>], vector<16xf32>,
    %add3A_2525 = arith.addf %add3A_2501, %gather3A_2524 : vector<16xf32>
    %add3A_2526 = arith.constant 35 : i32
    %add3A_2527 = vector.broadcast %add3A_2526 : i32 to vector<16xi32>
    %add3A_2528 = arith.addi %mul3A_2307, %add3A_2527 : vector<16xi32>
    %gather3A_2529 = tpu.vector_load_idx %arg5[%add3A_2528] : memref<6400xi32, #tpu.memory_space<vmem>>[vector<16xi32>], vector<16xi32>,
    %gather3A_2530 = tpu.vector_load_idx %arg6[%gather3A_2529] : memref<1000xf32, #tpu.memory_space<vmem>>[vector<16xi32>], vector<16xf32>,
    %add3A_2531 = arith.addf %add3A_2507, %gather3A_2530 : vector<16xf32>
    %add3A_2532 = arith.constant 36 : i32
    %add3A_2533 = vector.broadcast %add3A_2532 : i32 to vector<16xi32>
    %add3A_2534 = arith.addi %mul3A_2307, %add3A_2533 : vector<16xi32>
    %gather3A_2535 = tpu.vector_load_idx %arg5[%add3A_2534] : memref<6400xi32, #tpu.memory_space<vmem>>[vector<16xi32>], vector<16xi32>,
    %gather3A_2536 = tpu.vector_load_idx %arg6[%gather3A_2535] : memref<1000xf32, #tpu.memory_space<vmem>>[vector<16xi32>], vector<16xf32>,
    %add3A_2537 = arith.addf %add3A_2513, %gather3A_2536 : vector<16xf32>
    %add3A_2538 = arith.constant 37 : i32
    %add3A_2539 = vector.broadcast %add3A_2538 : i32 to vector<16xi32>
    %add3A_2540 = arith.addi %mul3A_2307, %add3A_2539 : vector<16xi32>
    %gather3A_2541 = tpu.vector_load_idx %arg5[%add3A_2540] : memref<6400xi32, #tpu.memory_space<vmem>>[vector<16xi32>], vector<16xi32>,
    %gather3A_2542 = tpu.vector_load_idx %arg6[%gather3A_2541] : memref<1000xf32, #tpu.memory_space<vmem>>[vector<16xi32>], vector<16xf32>,
    %add3A_2543 = arith.addf %add3A_2519, %gather3A_2542 : vector<16xf32>
    %add3A_2544 = arith.constant 38 : i32
    %add3A_2545 = vector.broadcast %add3A_2544 : i32 to vector<16xi32>
    %add3A_2546 = arith.addi %mul3A_2307, %add3A_2545 : vector<16xi32>
    %gather3A_2547 = tpu.vector_load_idx %arg5[%add3A_2546] : memref<6400xi32, #tpu.memory_space<vmem>>[vector<16xi32>], vector<16xi32>,
    %gather3A_2548 = tpu.vector_load_idx %arg6[%gather3A_2547] : memref<1000xf32, #tpu.memory_space<vmem>>[vector<16xi32>], vector<16xf32>,
    %add3A_2549 = arith.addf %add3A_2525, %gather3A_2548 : vector<16xf32>
    %add3A_2550 = arith.constant 39 : i32
    %add3A_2551 = vector.broadcast %add3A_2550 : i32 to vector<16xi32>
    %add3A_2552 = arith.addi %mul3A_2307, %add3A_2551 : vector<16xi32>
    %gather3A_2553 = tpu.vector_load_idx %arg5[%add3A_2552] : memref<6400xi32, #tpu.memory_space<vmem>>[vector<16xi32>], vector<16xi32>,
    %gather3A_2554 = tpu.vector_load_idx %arg6[%gather3A_2553] : memref<1000xf32, #tpu.memory_space<vmem>>[vector<16xi32>], vector<16xf32>,
    %add3A_2555 = arith.addf %add3A_2531, %gather3A_2554 : vector<16xf32>
    %add3A_2556 = arith.constant 40 : i32
    %add3A_2557 = vector.broadcast %add3A_2556 : i32 to vector<16xi32>
    %add3A_2558 = arith.addi %mul3A_2307, %add3A_2557 : vector<16xi32>
    %gather3A_2559 = tpu.vector_load_idx %arg5[%add3A_2558] : memref<6400xi32, #tpu.memory_space<vmem>>[vector<16xi32>], vector<16xi32>,
    %gather3A_2560 = tpu.vector_load_idx %arg6[%gather3A_2559] : memref<1000xf32, #tpu.memory_space<vmem>>[vector<16xi32>], vector<16xf32>,
    %add3A_2561 = arith.addf %add3A_2537, %gather3A_2560 : vector<16xf32>
    %add3A_2562 = arith.constant 41 : i32
    %add3A_2563 = vector.broadcast %add3A_2562 : i32 to vector<16xi32>
    %add3A_2564 = arith.addi %mul3A_2307, %add3A_2563 : vector<16xi32>
    %gather3A_2565 = tpu.vector_load_idx %arg5[%add3A_2564] : memref<6400xi32, #tpu.memory_space<vmem>>[vector<16xi32>], vector<16xi32>,
    %gather3A_2566 = tpu.vector_load_idx %arg6[%gather3A_2565] : memref<1000xf32, #tpu.memory_space<vmem>>[vector<16xi32>], vector<16xf32>,
    %add3A_2567 = arith.addf %add3A_2543, %gather3A_2566 : vector<16xf32>
    %add3A_2568 = arith.constant 42 : i32
    %add3A_2569 = vector.broadcast %add3A_2568 : i32 to vector<16xi32>
    %add3A_2570 = arith.addi %mul3A_2307, %add3A_2569 : vector<16xi32>
    %gather3A_2571 = tpu.vector_load_idx %arg5[%add3A_2570] : memref<6400xi32, #tpu.memory_space<vmem>>[vector<16xi32>], vector<16xi32>,
    %gather3A_2572 = tpu.vector_load_idx %arg6[%gather3A_2571] : memref<1000xf32, #tpu.memory_space<vmem>>[vector<16xi32>], vector<16xf32>,
    %add3A_2573 = arith.addf %add3A_2549, %gather3A_2572 : vector<16xf32>
    %add3A_2574 = arith.constant 43 : i32
    %add3A_2575 = vector.broadcast %add3A_2574 : i32 to vector<16xi32>
    %add3A_2576 = arith.addi %mul3A_2307, %add3A_2575 : vector<16xi32>
    %gather3A_2577 = tpu.vector_load_idx %arg5[%add3A_2576] : memref<6400xi32, #tpu.memory_space<vmem>>[vector<16xi32>], vector<16xi32>,
    %gather3A_2578 = tpu.vector_load_idx %arg6[%gather3A_2577] : memref<1000xf32, #tpu.memory_space<vmem>>[vector<16xi32>], vector<16xf32>,
    %add3A_2579 = arith.addf %add3A_2555, %gather3A_2578 : vector<16xf32>
    %add3A_2580 = arith.constant 44 : i32
    %add3A_2581 = vector.broadcast %add3A_2580 : i32 to vector<16xi32>
    %add3A_2582 = arith.addi %mul3A_2307, %add3A_2581 : vector<16xi32>
    %gather3A_2583 = tpu.vector_load_idx %arg5[%add3A_2582] : memref<6400xi32, #tpu.memory_space<vmem>>[vector<16xi32>], vector<16xi32>,
    %gather3A_2584 = tpu.vector_load_idx %arg6[%gather3A_2583] : memref<1000xf32, #tpu.memory_space<vmem>>[vector<16xi32>], vector<16xf32>,
    %add3A_2585 = arith.addf %add3A_2561, %gather3A_2584 : vector<16xf32>
    %add3A_2586 = arith.constant 45 : i32
    %add3A_2587 = vector.broadcast %add3A_2586 : i32 to vector<16xi32>
    %add3A_2588 = arith.addi %mul3A_2307, %add3A_2587 : vector<16xi32>
    %gather3A_2589 = tpu.vector_load_idx %arg5[%add3A_2588] : memref<6400xi32, #tpu.memory_space<vmem>>[vector<16xi32>], vector<16xi32>,
    %gather3A_2590 = tpu.vector_load_idx %arg6[%gather3A_2589] : memref<1000xf32, #tpu.memory_space<vmem>>[vector<16xi32>], vector<16xf32>,
    %add3A_2591 = arith.addf %add3A_2567, %gather3A_2590 : vector<16xf32>
    %add3A_2592 = arith.constant 46 : i32
    %add3A_2593 = vector.broadcast %add3A_2592 : i32 to vector<16xi32>
    %add3A_2594 = arith.addi %mul3A_2307, %add3A_2593 : vector<16xi32>
    %gather3A_2595 = tpu.vector_load_idx %arg5[%add3A_2594] : memref<6400xi32, #tpu.memory_space<vmem>>[vector<16xi32>], vector<16xi32>,
    %gather3A_2596 = tpu.vector_load_idx %arg6[%gather3A_2595] : memref<1000xf32, #tpu.memory_space<vmem>>[vector<16xi32>], vector<16xf32>,
    %add3A_2597 = arith.addf %add3A_2573, %gather3A_2596 : vector<16xf32>
    %add3A_2598 = arith.constant 47 : i32
    %add3A_2599 = vector.broadcast %add3A_2598 : i32 to vector<16xi32>
    %add3A_2600 = arith.addi %mul3A_2307, %add3A_2599 : vector<16xi32>
    %gather3A_2601 = tpu.vector_load_idx %arg5[%add3A_2600] : memref<6400xi32, #tpu.memory_space<vmem>>[vector<16xi32>], vector<16xi32>,
    %gather3A_2602 = tpu.vector_load_idx %arg6[%gather3A_2601] : memref<1000xf32, #tpu.memory_space<vmem>>[vector<16xi32>], vector<16xf32>,
    %add3A_2603 = arith.addf %add3A_2579, %gather3A_2602 : vector<16xf32>
    %add3A_2604 = arith.constant 48 : i32
    %add3A_2605 = vector.broadcast %add3A_2604 : i32 to vector<16xi32>
    %add3A_2606 = arith.addi %mul3A_2307, %add3A_2605 : vector<16xi32>
    %gather3A_2607 = tpu.vector_load_idx %arg5[%add3A_2606] : memref<6400xi32, #tpu.memory_space<vmem>>[vector<16xi32>], vector<16xi32>,
    %gather3A_2608 = tpu.vector_load_idx %arg6[%gather3A_2607] : memref<1000xf32, #tpu.memory_space<vmem>>[vector<16xi32>], vector<16xf32>,
    %add3A_2609 = arith.addf %add3A_2585, %gather3A_2608 : vector<16xf32>
    %add3A_2610 = arith.constant 49 : i32
    %add3A_2611 = vector.broadcast %add3A_2610 : i32 to vector<16xi32>
    %add3A_2612 = arith.addi %mul3A_2307, %add3A_2611 : vector<16xi32>
    %gather3A_2613 = tpu.vector_load_idx %arg5[%add3A_2612] : memref<6400xi32, #tpu.memory_space<vmem>>[vector<16xi32>], vector<16xi32>,
    %gather3A_2614 = tpu.vector_load_idx %arg6[%gather3A_2613] : memref<1000xf32, #tpu.memory_space<vmem>>[vector<16xi32>], vector<16xf32>,
    %add3A_2615 = arith.addf %add3A_2591, %gather3A_2614 : vector<16xf32>
    %add3A_2616 = arith.addf %add3A_2609, %add3A_2615 : vector<16xf32>
    %add3A_2617 = arith.addf %add3A_2597, %add3A_2603 : vector<16xf32>
    %add3A_2618 = arith.addf %add3A_2616, %add3A_2617 : vector<16xf32>
    %neg3A_2619 = arith.constant 0.000000e+00 : f32
    %neg3A_2620 = vector.broadcast %neg3A_2619 : f32 to vector<16xf32>
    %neg3A_2621 = arith.subf %neg3A_2620, %add3A_2618 : vector<16xf32>
    %exp3A_2622 = math.exp %neg3A_2621 : vector<16xf32>
    %add3A_2623 = arith.constant 1.000000e+00 : f32
    %add3A_2624 = vector.broadcast %add3A_2623 : f32 to vector<16xf32>
    %add3A_2625 = arith.addf %add3A_2624, %exp3A_2622 : vector<16xf32>
    %div3A_2626 = arith.constant 1.000000e+00 : f32
    %div3A_2627 = vector.broadcast %div3A_2626 : f32 to vector<16xf32>
    %div3A_2628 = arith.divf %div3A_2627, %add3A_2625 : vector<16xf32>
    %swap3A_2629 = arith.constant 112 : index
    %swap3A_2630 = tpu.vector_load %arg7[%swap3A_2629] {strides = array<i32>} : memref<128xf32, #tpu.memory_space<vmem>>, vector<16xf32>,
    tpu.vector_store %arg7[%swap3A_2629], %div3A_2628 {strides = array<i32>} : memref<128xf32, #tpu.memory_space<vmem>>, vector<16xf32>,
    %mul3A_2631 = arith.constant 128 : i32
    %mul3A_2632 = arith.muli %add3A, %mul3A_2631 : i32
    "tpu.region"() ({
      %run_scoped3A = tpu.sem_alloc : memref<!tpu.dma_semaphore, #tpu.memory_space<semaphore_mem>>
      %dma_start3A = tpu.memref_slice %arg4[%mul3A_2632] : memref<4096xf32, #tpu.memory_space<hbm>> -> memref<128xf32, #tpu.memory_space<hbm>>
      %dma_start3A_2633 = tpu.memref_slice %arg4[%mul3A_2632] : memref<4096xf32, #tpu.memory_space<hbm>> -> memref<128xf32, #tpu.memory_space<hbm>>
      tpu.enqueue_dma source(%arg7 : memref<128xf32, #tpu.memory_space<vmem>>) target(%dma_start3A_2633 : memref<128xf32, #tpu.memory_space<hbm>>) target_semaphore(%run_scoped3A : memref<!tpu.dma_semaphore, #tpu.memory_space<semaphore_mem>>)
      %dma_wait3A = tpu.memref_slice %arg4[%mul3A_2632] : memref<4096xf32, #tpu.memory_space<hbm>> -> memref<128xf32, #tpu.memory_space<hbm>>
      %dma_wait3A_2634 = tpu.memref_slice %arg4[%mul3A_2632] : memref<4096xf32, #tpu.memory_space<hbm>> -> memref<128xf32, #tpu.memory_space<hbm>>
      tpu.wait_dma2 semaphore(%run_scoped3A : memref<!tpu.dma_semaphore, #tpu.memory_space<semaphore_mem>>) src(%arg7 : memref<128xf32, #tpu.memory_space<vmem>>) dst(%dma_wait3A_2634 : memref<128xf32, #tpu.memory_space<hbm>>)
      tpu.yield
    }) : () -> ()
    return
  }
}

module attributes {stable_mosaic.version = 14 : i64} {
  func.func @_table_body(%arg0: memref<1000x128xf32, #tpu.memory_space<vmem>>, %arg1: memref<1x128xf32, #tpu.memory_space<vmem>>, %arg2: memref<1x1xf32, #tpu.memory_space<vmem>>, %arg3: memref<1000x1xf32, #tpu.memory_space<vmem>>) attributes {dimension_semantics = [], scalar_prefetch = 0 : i64, scratch_operands = 0 : i64, tpu.core_type = #tpu.core_type<tc>} {
    %get3A = arith.constant 0 : index
    %get3A_0 = arith.constant 0 : index
    %get3A_1 = vector.load %arg0[%get3A, %get3A_0] : memref<1000x128xf32, #tpu.memory_space<vmem>>, vector<1000x128xf32>
    %get3A_2 = arith.constant 0 : index
    %get3A_3 = arith.constant 0 : index
    %get3A_4 = vector.load %arg1[%get3A_2, %get3A_3] : memref<1x128xf32, #tpu.memory_space<vmem>>, vector<1x128xf32>
    %mul3A = vector.broadcast %get3A_4 : vector<1x128xf32> to vector<1000x128xf32>
    %mul3A_5 = arith.mulf %get3A_1, %mul3A : vector<1000x128xf32>
    %reduce_sum3A = arith.constant dense<0.000000e+00> : vector<1000xf32>
    %reduce_sum3A_6 = vector.multi_reduction <add>, %mul3A_5, %reduce_sum3A [1] : vector<1000x128xf32> to vector<1000xf32>
    %broadcast_in_dim3A = vector.shape_cast %reduce_sum3A_6 : vector<1000xf32> to vector<1000x1xf32>
    %get3A_7 = arith.constant 0 : index
    %get3A_8 = arith.constant 0 : index
    %get3A_9 = vector.load %arg2[%get3A_7, %get3A_8] : memref<1x1xf32, #tpu.memory_space<vmem>>, vector<1x1xf32>
    %get3A_10 = vector.extract %get3A_9[0, 0] : f32 from vector<1x1xf32>
    %add3A = vector.broadcast %get3A_10 : f32 to vector<1000x1xf32>
    %add3A_11 = arith.addf %broadcast_in_dim3A, %add3A : vector<1000x1xf32>
    %mul3A_12 = arith.constant 2.000000e-02 : f32
    %mul3A_13 = vector.broadcast %mul3A_12 : f32 to vector<1000x1xf32>
    %mul3A_14 = arith.mulf %add3A_11, %mul3A_13 : vector<1000x1xf32>
    %swap3A = arith.constant 0 : index
    %swap3A_15 = arith.constant 0 : index
    %swap3A_16 = vector.load %arg3[%swap3A, %swap3A_15] : memref<1000x1xf32, #tpu.memory_space<vmem>>, vector<1000x1xf32>
    tpu.vector_store %arg3[%swap3A, %swap3A_15], %mul3A_14 {strides = array<i32>} : memref<1000x1xf32, #tpu.memory_space<vmem>>, vector<1000x1xf32>,
    return
  }
}

</mosaic_0001>

<sc_bundles>
// kernel: kernel.4.cloned.1.call-start
scs
__scs_entry_jumppad:
0x0: {  	(pc) =	sbr.rel $0x88, $3  }
0x1: {  	(tag) =	ssettag $0x0;
	lr =	simm.s32 $0x1  }
0x2: {  	[smem:$0x3F9D] =	sst lr;
	_ =	strace $0xD0000000  }
0x3: {  	_ = 	snop  }
0x4: {  	_ = 	snop  }
0x5: {  	_ = 	snop  }
0x6: {  	_ = 	snop  }
0x7: {  	_ = 	snop  }
__scs_overlays_trampoline_lowered:
0x8: {  	[smem:$0x3FAC] =	sst s0  }
0x9: {  	[smem:$0x3FAD] =	sst s1  }
0xa: {  	[smem:$0x3FAE] =	sst s2  }
0xb: {  	[smem:$0x3FAF] =	sst s3  }
0xc: {  	[smem:$0x3FB0] =	sst s4  }
0xd: {  	[smem:$0x3FB1] =	sst s5  }
0xe: {  	[smem:$0x3FB2] =	sst s6  }
0xf: {  	[smem:$0x3FB3] =	sst s7  }
0x10: {  	[smem:$0x3FB4] =	sst s8  }
0x11: {  	[smem:$0x3FB5] =	sst s9;
	s0 =	simm.s32 @!p0 $0x0  }
0x12: {  	s1 =	sld [smem:$0x3F9B];
	s0 =	simm.s32 @p0 $0x1  }
0x13: {  	[smem:$0x3FB6] =	sst s0;
	s0 =	simm.s32 @!p1 $0x0  }
0x14: {  	s2 =	sld [smem:$0x3F9A];
	s0 =	simm.s32 @p1 $0x1  }
0x15: {  	[smem:$0x3FB7] =	sst s0;
	s0 =	simm.s32 @!p2 $0x0  }
0x16: {  	s3 =	sld [smem:$0x3FDB];
	s0 =	simm.s32 @p2 $0x1  }
0x17: {  	s4 =	simm.s32 $0x1BF5;
	[smem:$0x3FB9] =	sst s0  }
0x18: {  	s0 =	sld [smem:$0x3F9C];
	_ =	swait.ge [sflag:s4], $0x0  }
0x19: {  	s7 =	sld [smem:$0x3F9D]  }
0x1a: {  	s8 =	sadd.s32 $0xFFFFE003, lr  }
0x1b: {  	s9 =	sadd.s32 $0xFFFFFEF7, lr;
	s5 =	simm.s32 $0xFFFFFFFF;
	p2 =	slt.u32 s8, $0xFFFFF086  }
0x1c: {  	p1 =	slt.u32 s9, $0xF7A;
	s5 =	simm.s32 @!p2 $0x0  }
0x1d: {  	s5 =	simm.s32 @p1 $0x1;
	p0 =	seq.s32 s7, s2  }
0x1e: {  	s7 =	smul.u32 @!p0 $0xF7A, s2;
	p2 =	seq.s32 @!p0 s5, $0x0  }
0x1f: {  	s9 =	smul.u32 $0xF7A, s1;
	s8 =	simm.s32 @!p0 $0x1BF5;
	p2 =	por !p2, p0  }
0x20: {  	[sflag:s8] =	ssyncset.s32 @!p0 $0xFFFFF086;
	s6 =	sadd.s32 @!p0 s3, s7;
	s7 =	simm.s32 @!p0 $0x108  }
0x21: {  	s3 =	sadd.s32 s3, s9;
	s6 =	sadd.s32 @!p0 $0x88, s6;
	s7 =	simm.s32 @p2 $0x1082  }
0x22: {  	[simem:s7], [sflag:s8] =	dma.local @!p0 [hbm:s6], $0xF7A  }
0x23: {  	s9 =	sor.u32 $0xD0000000, s2;
	s6 =	simm.s32 $0x108;
	_ =	swait.ge @!p0 [sflag:s8], $0x0  }
0x24: {  	s3 =	sadd.s32 $0x88, s3;
	s6 =	simm.s32 @!p1 $0x1082;
	[sflag:s4] =	ssyncset.s32 $0xFFFFF086  }
0x25: {  	[simem:s6], [sflag:s4] =	dma.local [hbm:s3], $0xF7A  }
0x26: {  	[smem:$0x3F9D] =	sst s1;
	(tag) =	ssettag s2;
	_ =	strace s9  }
0x27: {  	s1 =	sld [smem:$0x3FAD]  }
0x28: {  	s2 =	sld [smem:$0x3FAE]  }
0x29: {  	s4 =	sld [smem:$0x3FB0]  }
0x2a: {  	p0 =	seq.s32 s5, $0x0;
	s5 =	sld [smem:$0x3FB1]  }
0x2b: {  	s6 =	sld [smem:$0x3FB2]  }
0x2c: {  	s7 =	sld [smem:$0x3FB3]  }
0x2d: {  	s3 =	simm.s32 $0x108;
	s8 =	sld [smem:$0x3FB4]  }
0x2e: {  	s3 =	simm.s32 @!p0 $0x1082;
	s9 =	sld [smem:$0x3FB5]  }
0x2f: {  	lr =	sadd.s32 s0, s3;
	s0 =	sld [smem:$0x3FAC]  }
0x30: {  	s3 =	sld [smem:$0x3FAF]  }
0x31: {  	[smem:$0x3FB8] =	sst s10  }
0x32: {  	s10 =	sld [smem:$0x3FB6];
	_ =	sdelay $0x3  }
0x33: {  	p0 =	seq.s32 s10, $0x1;
	s10 =	sld [smem:$0x3FB8];
	_ =	sdelay $0x3  }
0x34: {  	[smem:$0x3FB8] =	sst s10  }
0x35: {  	s10 =	sld [smem:$0x3FB7];
	_ =	sdelay $0x3  }
0x36: {  	p1 =	seq.s32 s10, $0x1;
	s10 =	sld [smem:$0x3FB8];
	_ =	sdelay $0x3  }
0x37: {  	[smem:$0x3FB8] =	sst s10  }
0x38: {  	s10 =	sld [smem:$0x3FB9]  }
0x39: {  	_ = 	snop;
	(pc) =	sbr.ind lr, $3  }
0x3a: {  	_ = 	snop  }
0x3b: {  	_ = 	snop  }
0x3c: {  	p2 =	seq.s32 s10, $0x1;
	s10 =	sld [smem:$0x3FB8]  }
0x3d: {  	_ =	shalt  }
0x3e: {  	_ =	shalt  }
0x3f: {  	_ =	shalt  }
0x40: {  	_ =	shalt  }
0x41: {  	_ =	shalt  }
0x42: {  	_ =	shalt  }
0x43: {  	_ =	shalt  }
0x44: {  	_ =	shalt  }
0x45: {  	_ =	shalt  }
0x46: {  	_ =	shalt  }
0x47: {  	_ =	shalt  }
0x48: {  	_ =	shalt  }
0x49: {  	_ =	shalt  }
0x4a: {  	_ =	shalt  }
0x4b: {  	_ =	shalt  }
0x4c: {  	_ =	shalt  }
0x4d: {  	_ =	shalt  }
0x4e: {  	_ =	shalt  }
0x4f: {  	_ =	shalt  }
0x50: {  	_ =	shalt  }
0x51: {  	_ =	shalt  }
0x52: {  	_ =	shalt  }
0x53: {  	_ =	shalt  }
0x54: {  	_ =	shalt  }
0x55: {  	_ =	shalt  }
0x56: {  	_ =	shalt  }
0x57: {  	_ =	shalt  }
0x58: {  	_ =	shalt  }
0x59: {  	_ =	shalt  }
0x5a: {  	_ =	shalt  }
0x5b: {  	_ =	shalt  }
0x5c: {  	_ =	shalt  }
0x5d: {  	_ =	shalt  }
0x5e: {  	_ =	shalt  }
0x5f: {  	_ =	shalt  }
0x60: {  	_ =	shalt  }
0x61: {  	_ =	shalt  }
0x62: {  	_ =	shalt  }
0x63: {  	_ =	shalt  }
0x64: {  	_ =	shalt  }
0x65: {  	_ =	shalt  }
0x66: {  	_ =	shalt  }
0x67: {  	_ =	shalt  }
0x68: {  	_ =	shalt  }
0x69: {  	_ =	shalt  }
0x6a: {  	_ =	shalt  }
0x6b: {  	_ =	shalt  }
0x6c: {  	_ =	shalt  }
0x6d: {  	_ =	shalt  }
0x6e: {  	_ =	shalt  }
0x6f: {  	_ =	shalt  }
0x70: {  	_ =	shalt  }
0x71: {  	_ =	shalt  }
0x72: {  	_ =	shalt  }
0x73: {  	_ =	shalt  }
0x74: {  	_ =	shalt  }
0x75: {  	_ =	shalt  }
0x76: {  	_ =	shalt  }
0x77: {  	_ =	shalt  }
0x78: {  	_ =	shalt  }
0x79: {  	_ =	shalt  }
0x7a: {  	_ =	shalt  }
0x7b: {  	_ =	shalt  }
0x7c: {  	_ =	shalt  }
0x7d: {  	_ =	shalt  }
0x7e: {  	_ =	shalt  }
0x7f: {  	_ =	shalt  }
0x80: {  	_ =	shalt  }
0x81: {  	_ =	shalt  }
0x82: {  	_ =	shalt  }
0x83: {  	_ =	shalt  }
0x84: {  	_ =	shalt  }
0x85: {  	_ =	shalt  }
0x86: {  	_ =	shalt  }
0x87: {  	_ =	shalt  }
.Lfunc_end0:
.L_simem_size_0:
called_computation_lowered:
.L_overlay_start_0:
0x88: {  	s2 =	sld [smem:$0x3FD9]  }
0x89: {  	s3 =	sld [smem:$0x3FFE];
	_ =	sdelay $0x1  }
0x8a: {  	s1 =	srdreg.scid  }
0x8b: {  	s0 =	sand.u32 $0x1, s1  }
0x8c: {  	s17 =	sshll.u32 s0, $0xA;
	s2 =	sadd.s32 s3, s2  }
0x8d: {  	s2 =	sadd.s32 s2, s17  }
0x8e: {  	[smem:$0x3FC4] =	sst s2  }
0x8f: {  	_ = 	snop  }
0x90: {  	s2 =	sld [smem:$0x3FD0];
	(tm) =	ssettm $0x1  }
0x91: {  	s18 =	sld [smem:$0x3FFB];
	_ =	sdelay $0x3  }
0x92: {  	_ =	strace s18  }
0x93: {  	s3 =	sld [smem:$0x3FFC];
	_ =	sdelay $0x3  }
0x94: {  	_ =	strace s3  }
0x95: {  	s3 =	sld [smem:$0x3FFD];
	_ =	sdelay $0x3  }
0x96: {  	_ =	strace s3  }
0x97: {  	_ =	strace $0x8FFFFFFF  }
0x98: {  	s19 =	sld [smem:$0x3FDB];
	_ =	sdelay $0x1  }
0x99: {  	s4 =	simm.s32 $_scs_section_size  }
0x9a: {  	s5 =	simm.s32 $_size__tile_overlayer_lowered;
	s6 =	simm.s32 $_tile_overlayer_lowered  }
0x9b: {  	s22 =	simm.s32 $0x1BFF;
	s21 =	sshll.u32 s6, $0x1;
	s3 =	sadd.s32 s4, s19  }
0x9c: {  	s7 =	simm.s32 $0x0;
	s20 =	sshll.u32 s5, $0x1;
	s5 =	sadd.s32 s21, s3  }
0x9d: {  	[timem:s7], [sflag:s22] =	dma.local [hbm:s5], s20  }
0x9e: {  	_ =	swait.ge [sflag:s22], s20  }
0x9f: {  	s4 =	ssub.s32 $0x0, s20;
	[sflag:s22] =	ssyncset.done $0x0  }
0xa0: {  	[sflag:s22] =	ssyncadd.s32 s4;
	_ =	sdelay $0x1  }
0xa1: {  	s23 =	simm.s32 $0x1B8B  }
0xa2: {  	_ =	swait.ge [sflag:s23], $0x1  }
0xa3: {  	[sflag:s23] =	ssyncset.done $0x0  }
0xa4: {  	s25 =	simm.s32 $0x1B8E;
	s24 =	sld [smem:$0x3FFE];
	[sflag:s23] =	ssyncadd.s32 $0xFFFFFFFF  }
0xa5: {  	s26 =	simm.s32 $execute0_lowered;
	[smem:$0x3FD2] =	sst s25  }
0xa6: {  	s5 =	sshll.u32 s26, $0x1;
	_ =	strace $0x80000046;
	[dreg:$0x1] =	wrdreg $0xFFFFFFFF  }
0xa7: {  	s28 =	simm.s32 $_size_execute0_lowered;
	s3 =	sadd.s32 s3, s5;
	[dreg:$0x0] =	wrdreg $0x0  }
0xa8: {  	s5 =	sshll.u32 s28, $0x1;
	[dreg:$0x2] =	wrdreg s3  }
0xa9: {  	[dreg:$0x3] =	wrdreg s5  }
0xaa: {  	[dreg:$0x4] =	wrdreg $0xC0  }
0xab: {  	_ =	task [dreg:s7], $0x5FFFF  }
0xac: {  	[dreg:$0x1] =	wrdreg $0xFFFFFFFF  }
0xad: {  	[dreg:$0x0] =	wrdreg $0x60  }
0xae: {  	[dreg:$0x2] =	wrdreg s24  }
0xaf: {  	[dreg:$0x3] =	wrdreg s2  }
0xb0: {  	[dreg:$0x4] =	wrdreg $0x9  }
0xb1: {  	_ =	task.clear_ibuf [dreg:s7], $0x5FFFF;
	_ =	strace $0x90000046  }
0xb2: {  	s29 =	simm.s32 $0x9;
	_ =	strace $0x80000048  }
0xb3: {  	_ =	swait.ge [sflag:s29], $0x1  }
0xb4: {  	[sflag:s29] =	ssyncadd.s32 $0xFFFFFFFF  }
0xb5: {  	_ =	strace $0x90000048  }
0xb6: {  	_ =	sfence  }
0xb7: {  	s30 =	sld [smem:$0x0];
	_ =	sdelay $0x2  }
0xb8: {  	s31 =	sshll.u32 s1, $0xD;
	s1 =	sshrl.u32 s1, $0x2  }
0xb9: {  	s3 =	sand.u32 $0x4000, s31;
	s1 =	sadd.s32 s1, s30  }
0xba: {  	s0 =	sor.u32 s3, s0;
	s1 =	sshll.u32 s1, $0x11  }
0xbb: {  	s0 =	sor.u32 s1, s0  }
0xbc: {  	s0 =	sadd.s32 $0x8F2B, s0  }
0xbd: {  	[sflag:s0] =	ssyncadd.remote.s32 $0x1  }
0xbe: {  	_ =	sfence.sel $0xFFFF  }
0xbf: {  	[dreg:$0x0] =	wrdreg $0xFFFFFFFF;
	(pc) =	sbr.abs _section_cstart, $3  }
0xc0: {  	[dreg:$0x1] =	wrdreg $0xFFFFFFFF  }
0xc1: {  	_ =	task.clear_ibuf [dreg:s7], $0x2FFFF;
	_ =	strace $0x9FFFFFFF  }
0xc2: {  	(tm) =	ssettm $0x7FFFFFFF  }
0xc3: {  	_ =	shalt  }
tec
execute0_lowered:
.L_overlay_start_1:
0x0: {  	(tag) =	ssettag $0x1  }
0x1: {  	v0 =	vlaneseq.u32  }
0x2: {  	v0 =	vmul.u32 $0x32, v0;
	_ =	sdelay $0x1  }
0x3: {  	v1 =	vor.u32 $0x1, v0  }
0x4: {  	[tilespmem:$0x1FD30] =	vst v1;
	v1 =	vadd.s32 $0x2, v0  }
0x5: {  	[tilespmem:$0x1FD40] =	vst v1;
	v1 =	vadd.s32 $0x3, v0  }
0x6: {  	[tilespmem:$0x1FD50] =	vst v1;
	v1 =	vadd.s32 $0x4, v0  }
0x7: {  	[tilespmem:$0x1FD60] =	vst v1;
	v1 =	vadd.s32 $0x5, v0  }
0x8: {  	[tilespmem:$0x1FD70] =	vst v1;
	v1 =	vadd.s32 $0x6, v0  }
0x9: {  	[tilespmem:$0x1FD80] =	vst v1;
	v1 =	vadd.s32 $0x7, v0  }
0xa: {  	[tilespmem:$0x1FD90] =	vst v1;
	v1 =	vadd.s32 $0x8, v0  }
0xb: {  	[tilespmem:$0x1FDA0] =	vst v1;
	v1 =	vadd.s32 $0x9, v0  }
0xc: {  	[tilespmem:$0x1FDB0] =	vst v1;
	v1 =	vadd.s32 $0xA, v0  }
0xd: {  	[tilespmem:$0x1FDC0] =	vst v1;
	v1 =	vadd.s32 $0xB, v0  }
0xe: {  	[tilespmem:$0x1FDD0] =	vst v1;
	v1 =	vadd.s32 $0xC, v0  }
0xf: {  	[tilespmem:$0x1FDE0] =	vst v1;
	v1 =	vadd.s32 $0xD, v0  }
0x10: {  	[tilespmem:$0x1FDF0] =	vst v1;
	v1 =	vadd.s32 $0xE, v0  }
0x11: {  	[tilespmem:$0x1FE00] =	vst v1;
	v1 =	vadd.s32 $0xF, v0  }
0x12: {  	[tilespmem:$0x1FE10] =	vst v1;
	v1 =	vadd.s32 $0x10, v0  }
0x13: {  	[tilespmem:$0x1FE20] =	vst v1;
	v1 =	vadd.s32 $0x11, v0  }
0x14: {  	[tilespmem:$0x1FE30] =	vst v1;
	v1 =	vadd.s32 $0x12, v0  }
0x15: {  	[tilespmem:$0x1FE40] =	vst v1;
	v1 =	vadd.s32 $0x13, v0  }
0x16: {  	[tilespmem:$0x1FE50] =	vst v1;
	v1 =	vadd.s32 $0x14, v0  }
0x17: {  	[tilespmem:$0x1FE60] =	vst v1;
	v1 =	vadd.s32 $0x15, v0  }
0x18: {  	[tilespmem:$0x1FE70] =	vst v1;
	v1 =	vadd.s32 $0x16, v0  }
0x19: {  	[tilespmem:$0x1FE80] =	vst v1;
	v1 =	vadd.s32 $0x17, v0  }
0x1a: {  	[tilespmem:$0x1FE90] =	vst v1;
	v1 =	vadd.s32 $0x18, v0  }
0x1b: {  	[tilespmem:$0x1FEA0] =	vst v1;
	v1 =	vadd.s32 $0x19, v0  }
0x1c: {  	[tilespmem:$0x1FEB0] =	vst v1;
	v1 =	vadd.s32 $0x1A, v0  }
0x1d: {  	[tilespmem:$0x1FEC0] =	vst v1;
	v1 =	vadd.s32 $0x1B, v0  }
0x1e: {  	[tilespmem:$0x1FED0] =	vst v1;
	v1 =	vadd.s32 $0x1C, v0  }
0x1f: {  	[tilespmem:$0x1FEE0] =	vst v1;
	v1 =	vadd.s32 $0x1D, v0  }
0x20: {  	[tilespmem:$0x1FEF0] =	vst v1;
	v1 =	vadd.s32 $0x1E, v0  }
0x21: {  	[tilespmem:$0x1FF00] =	vst v1;
	v1 =	vadd.s32 $0x1F, v0  }
0x22: {  	[tilespmem:$0x1FF10] =	vst v1;
	v1 =	vadd.s32 $0x20, v0  }
0x23: {  	[tilespmem:$0x1FF20] =	vst v1;
	v1 =	vadd.s32 $0x21, v0  }
0x24: {  	[tilespmem:$0x1FF30] =	vst v1;
	v1 =	vadd.s32 $0x22, v0  }
0x25: {  	[tilespmem:$0x1FF40] =	vst v1;
	v1 =	vadd.s32 $0x23, v0  }
0x26: {  	[tilespmem:$0x1FF50] =	vst v1;
	v1 =	vadd.s32 $0x24, v0  }
0x27: {  	[tilespmem:$0x1FF60] =	vst v1;
	v1 =	vadd.s32 $0x25, v0  }
0x28: {  	[tilespmem:$0x1FF70] =	vst v1;
	v1 =	vadd.s32 $0x26, v0  }
0x29: {  	s1 =	srdreg.scid;
	[tilespmem:$0x1FF80] =	vst v1;
	v1 =	vadd.s32 $0x27, v0  }
0x2a: {  	s0 =	stileid.u32;
	s3 =	rddreg [dreg:$0x0];
	v46 =	vadd.s32 $0x2E, v0;
	v47 =	vadd.s32 $0x2F, v0;
	[tilespmem:$0x1FF90] =	vst v1;
	v1 =	vadd.s32 $0x28, v0  }
0x2b: {  	s5 =	rddreg [dreg:$0x1];
	s4 =	sand.u32 $0x1, s1;
	s31 =	sshll.u32 s0, $0x1;
	v48 =	vadd.s32 $0x30, v0;
	v49 =	vadd.s32 $0x31, v0;
	[tilespmem:$0x1FFA0] =	vst v1;
	v1 =	vadd.s32 $0x29, v0  }
0x2c: {  	s2 =	simm.s32 $0x0;
	s9 =	simm.s32 $0x1D00;
	s6 =	sor.u32 s4, s31;
	v50 =	vadd.s32 $0x320, v0;
	v51 =	vadd.s32 $0x321, v0;
	[tilespmem:$0x1FFB0] =	vst v1;
	v1 =	vadd.s32 $0x2A, v0  }
0x2d: {  	s1 =	rddreg [dreg:$0x2];
	s4 =	ssub.s32 $0x2, s4;
	s7 =	smul.u32 $0x320, s6;
	v52 =	vadd.s32 $0x322, v0;
	v53 =	vadd.s32 $0x323, v0;
	[tilespmem:$0x1FFC0] =	vst v1;
	v1 =	vadd.s32 $0x2B, v0  }
0x2e: {  	[smem:$0x7FF] =	sst s2;
	s8 =	sshrl.u32 s4, $0x1;
	v54 =	vadd.s32 $0x324, v0;
	s6 =	sshll.u32 s6, $0x4;
	v55 =	vadd.s32 $0x325, v0;
	[tilespmem:$0x1FFD0] =	vst v1;
	v1 =	vadd.s32 $0x2C, v0  }
0x2f: {  	v56 =	vadd.s32 $0x326, v0;
	v57 =	vadd.s32 $0x327, v0;
	s8 =	ssub.s32 s4, s8;
	s5 =	sadd.s32 s5, s6;
	s7 =	sadd.s32 s7, s3;
	[tilespmem:$0x1FFE0] =	vst v1;
	v1 =	vadd.s32 $0x2D, v0  }
0x30: {  	v58 =	vadd.s32 $0x328, v0;
	v59 =	vadd.s32 $0x329, v0;
	v60 =	vadd.s32 $0x32A, v0;
	s3 =	sadd.s32 $0x6800, s3;
	s6 =	smax.u32 s8, $0x1;
	s8 =	simm.s32 $0x1900;
	[tilespmem:$0x1FFF0] =	vst v1  }
0x31: {  	v61 =	vadd.s32 $0x32B, v0;
	v62 =	vadd.s32 $0x32C, v0;
	v63 =	vadd.s32 $0x32D, v0;
	s4 =	sadd.s32 $0x400, s7;
	s7 =	simm.s32 $0x1;
	_ =	strace $0x80000047  }
.LBB2_1:
0x32: {  	[tilespmem:s2], [sflag:$0x1] =	stream.linear.gather [hbm4b:s4+s2], $0x1900, $0x38;
	[tilespmem:$0x1D80] =	vst v63  }
0x33: {  	_ =	swait.ge [sflag:s7], $0x1900  }
0x34: {  	[sflag:s7] =	ssyncset.done $0x0  }
0x35: {  	[sflag:s7] =	ssyncadd.s32 $0xFFFFE700  }
0x36: {  	[tilespmem:s8], [sflag:$0x1] =	stream.linear.gather [hbm4b:s3+s2], $0x400, $0x38;
	[tilespmem:$0x1D80] =	vst v63  }
0x37: {  	_ =	swait.ge [sflag:s7], $0x400  }
0x38: {  	v2 =	vld [tilespmem:$0x1FD30]  }
0x39: {  	v3 =	vld [tilespmem:$0x1FD40]  }
0x3a: {  	v4 =	vld [tilespmem:$0x1FD50]  }
0x3b: {  	v5 =	vld [tilespmem:$0x1FD60]  }
0x3c: {  	v6 =	vld [tilespmem:$0x1FD70]  }
0x3d: {  	v7 =	vld [tilespmem:$0x1FD80]  }
0x3e: {  	v8 =	vld [tilespmem:$0x1FD90]  }
0x3f: {  	v9 =	vld [tilespmem:$0x1FDA0]  }
0x40: {  	v10 =	vld [tilespmem:$0x1FDB0]  }
0x41: {  	v11 =	vld [tilespmem:$0x1FDC0]  }
0x42: {  	v12 =	vld [tilespmem:$0x1FDD0]  }
0x43: {  	v13 =	vld [tilespmem:$0x1FDE0]  }
0x44: {  	v14 =	vld [tilespmem:$0x1FDF0]  }
0x45: {  	v15 =	vld [tilespmem:$0x1FE00]  }
0x46: {  	v16 =	vld [tilespmem:$0x1FE10]  }
0x47: {  	v17 =	vld [tilespmem:$0x1FE20]  }
0x48: {  	v18 =	vld [tilespmem:$0x1FE30]  }
0x49: {  	v19 =	vld [tilespmem:$0x1FE40]  }
0x4a: {  	v20 =	vld [tilespmem:$0x1FE50]  }
0x4b: {  	v21 =	vld [tilespmem:$0x1FE60]  }
0x4c: {  	v22 =	vld [tilespmem:$0x1FE70]  }
0x4d: {  	v23 =	vld [tilespmem:$0x1FE80]  }
0x4e: {  	v24 =	vld [tilespmem:$0x1FE90]  }
0x4f: {  	v25 =	vld [tilespmem:$0x1FEA0]  }
0x50: {  	v26 =	vld [tilespmem:$0x1FEB0]  }
0x51: {  	v27 =	vld [tilespmem:$0x1FEC0]  }
0x52: {  	v28 =	vld [tilespmem:$0x1FED0]  }
0x53: {  	v29 =	vld [tilespmem:$0x1FEE0]  }
0x54: {  	v30 =	vld [tilespmem:$0x1FEF0]  }
0x55: {  	v31 =	vld [tilespmem:$0x1FF00]  }
0x56: {  	v32 =	vld [tilespmem:$0x1FF10]  }
0x57: {  	v33 =	vld [tilespmem:$0x1FF20]  }
0x58: {  	v34 =	vld [tilespmem:$0x1FF30]  }
0x59: {  	v35 =	vld [tilespmem:$0x1FF40]  }
0x5a: {  	v36 =	vld [tilespmem:$0x1FF50]  }
0x5b: {  	v37 =	vld [tilespmem:$0x1FF60]  }
0x5c: {  	v38 =	vld [tilespmem:$0x1FF70]  }
0x5d: {  	v39 =	vld [tilespmem:$0x1FF80]  }
0x5e: {  	v40 =	vld [tilespmem:$0x1FF90]  }
0x5f: {  	[sflag:s7] =	ssyncset.done $0x0;
	v41 =	vld [tilespmem:$0x1FFA0]  }
0x60: {  	v42 =	vld [tilespmem:$0x1FFB0];
	[sflag:s7] =	ssyncadd.s32 $0xFFFFFC00  }
0x61: {  	v1 =	vld.idx.msk [tilespmem:v0+s2+$0x0], $0xffff  }
0x62: {  	v2 =	vld.idx.msk [tilespmem:v2+s2+$0x0], $0xffff  }
0x63: {  	v3 =	vld.idx.msk [tilespmem:v3+s2+$0x0], $0xffff  }
0x64: {  	v4 =	vld.idx.msk [tilespmem:v4+s2+$0x0], $0xffff  }
0x65: {  	v5 =	vld.idx.msk [tilespmem:v5+s2+$0x0], $0xffff  }
0x66: {  	v6 =	vld.idx.msk [tilespmem:v6+s2+$0x0], $0xffff  }
0x67: {  	v7 =	vld.idx.msk [tilespmem:v7+s2+$0x0], $0xffff  }
0x68: {  	v8 =	vld.idx.msk [tilespmem:v8+s2+$0x0], $0xffff  }
0x69: {  	v9 =	vld.idx.msk [tilespmem:v9+s2+$0x0], $0xffff  }
0x6a: {  	v10 =	vld.idx.msk [tilespmem:v10+s2+$0x0], $0xffff  }
0x6b: {  	v11 =	vld.idx.msk [tilespmem:v11+s2+$0x0], $0xffff  }
0x6c: {  	v12 =	vld.idx.msk [tilespmem:v12+s2+$0x0], $0xffff  }
0x6d: {  	v13 =	vld.idx.msk [tilespmem:v13+s2+$0x0], $0xffff  }
0x6e: {  	v14 =	vld.idx.msk [tilespmem:v14+s2+$0x0], $0xffff  }
0x6f: {  	v15 =	vld.idx.msk [tilespmem:v15+s2+$0x0], $0xffff  }
0x70: {  	v16 =	vld.idx.msk [tilespmem:v16+s2+$0x0], $0xffff  }
0x71: {  	v17 =	vld.idx.msk [tilespmem:v17+s2+$0x0], $0xffff  }
0x72: {  	v18 =	vld.idx.msk [tilespmem:v18+s2+$0x0], $0xffff  }
0x73: {  	v19 =	vld.idx.msk [tilespmem:v19+s2+$0x0], $0xffff  }
0x74: {  	v20 =	vld.idx.msk [tilespmem:v20+s2+$0x0], $0xffff  }
0x75: {  	v21 =	vld.idx.msk [tilespmem:v21+s2+$0x0], $0xffff  }
0x76: {  	v22 =	vld.idx.msk [tilespmem:v22+s2+$0x0], $0xffff  }
0x77: {  	v23 =	vld.idx.msk [tilespmem:v23+s2+$0x0], $0xffff  }
0x78: {  	v24 =	vld.idx.msk [tilespmem:v24+s2+$0x0], $0xffff  }
0x79: {  	v25 =	vld.idx.msk [tilespmem:v25+s2+$0x0], $0xffff  }
0x7a: {  	v26 =	vld.idx.msk [tilespmem:v26+s2+$0x0], $0xffff  }
0x7b: {  	v27 =	vld.idx.msk [tilespmem:v27+s2+$0x0], $0xffff  }
0x7c: {  	v28 =	vld.idx.msk [tilespmem:v28+s2+$0x0], $0xffff  }
0x7d: {  	v29 =	vld.idx.msk [tilespmem:v29+s2+$0x0], $0xffff  }
0x7e: {  	v30 =	vld.idx.msk [tilespmem:v30+s2+$0x0], $0xffff  }
0x7f: {  	v31 =	vld.idx.msk [tilespmem:v31+s2+$0x0], $0xffff  }
0x80: {  	v32 =	vld.idx.msk [tilespmem:v32+s2+$0x0], $0xffff  }
0x81: {  	v33 =	vld.idx.msk [tilespmem:v33+s2+$0x0], $0xffff  }
0x82: {  	v34 =	vld.idx.msk [tilespmem:v34+s2+$0x0], $0xffff  }
0x83: {  	v35 =	vld.idx.msk [tilespmem:v35+s2+$0x0], $0xffff  }
0x84: {  	v36 =	vld.idx.msk [tilespmem:v36+s2+$0x0], $0xffff  }
0x85: {  	v37 =	vld.idx.msk [tilespmem:v37+s2+$0x0], $0xffff  }
0x86: {  	v38 =	vld.idx.msk [tilespmem:v38+s2+$0x0], $0xffff  }
0x87: {  	v39 =	vld.idx.msk [tilespmem:v39+s2+$0x0], $0xffff  }
0x88: {  	v40 =	vld.idx.msk [tilespmem:v40+s2+$0x0], $0xffff  }
0x89: {  	v41 =	vld.idx.msk [tilespmem:v41+s2+$0x0], $0xffff  }
0x8a: {  	v42 =	vld.idx.msk [tilespmem:v42+s2+$0x0], $0xffff  }
0x8b: {  	v1 =	vld.idx.msk [tilespmem:v1+s8+$0x0], $0xffff  }
0x8c: {  	v2 =	vld.idx.msk [tilespmem:v2+s8+$0x0], $0xffff  }
0x8d: {  	v3 =	vld.idx.msk [tilespmem:v3+s8+$0x0], $0xffff  }
0x8e: {  	v4 =	vld.idx.msk [tilespmem:v4+s8+$0x0], $0xffff  }
0x8f: {  	v5 =	vld.idx.msk [tilespmem:v5+s8+$0x0], $0xffff  }
0x90: {  	v6 =	vld.idx.msk [tilespmem:v6+s8+$0x0], $0xffff  }
0x91: {  	v7 =	vld.idx.msk [tilespmem:v7+s8+$0x0], $0xffff  }
0x92: {  	v8 =	vld.idx.msk [tilespmem:v8+s8+$0x0], $0xffff  }
0x93: {  	v9 =	vld.idx.msk [tilespmem:v9+s8+$0x0], $0xffff  }
0x94: {  	v10 =	vld.idx.msk [tilespmem:v10+s8+$0x0], $0xffff  }
0x95: {  	v11 =	vld.idx.msk [tilespmem:v11+s8+$0x0], $0xffff  }
0x96: {  	v12 =	vld.idx.msk [tilespmem:v12+s8+$0x0], $0xffff  }
0x97: {  	v13 =	vld.idx.msk [tilespmem:v13+s8+$0x0], $0xffff  }
0x98: {  	v14 =	vld.idx.msk [tilespmem:v14+s8+$0x0], $0xffff  }
0x99: {  	v15 =	vld.idx.msk [tilespmem:v15+s8+$0x0], $0xffff  }
0x9a: {  	v16 =	vld.idx.msk [tilespmem:v16+s8+$0x0], $0xffff  }
0x9b: {  	v17 =	vld.idx.msk [tilespmem:v17+s8+$0x0], $0xffff  }
0x9c: {  	v18 =	vld.idx.msk [tilespmem:v18+s8+$0x0], $0xffff  }
0x9d: {  	v19 =	vld.idx.msk [tilespmem:v19+s8+$0x0], $0xffff  }
0x9e: {  	v20 =	vld.idx.msk [tilespmem:v20+s8+$0x0], $0xffff  }
0x9f: {  	v21 =	vld.idx.msk [tilespmem:v21+s8+$0x0], $0xffff  }
0xa0: {  	v22 =	vld.idx.msk [tilespmem:v22+s8+$0x0], $0xffff  }
0xa1: {  	v23 =	vld.idx.msk [tilespmem:v23+s8+$0x0], $0xffff  }
0xa2: {  	v24 =	vld.idx.msk [tilespmem:v24+s8+$0x0], $0xffff  }
0xa3: {  	v25 =	vld.idx.msk [tilespmem:v25+s8+$0x0], $0xffff  }
0xa4: {  	v26 =	vld.idx.msk [tilespmem:v26+s8+$0x0], $0xffff  }
0xa5: {  	v27 =	vld.idx.msk [tilespmem:v27+s8+$0x0], $0xffff  }
0xa6: {  	v28 =	vld.idx.msk [tilespmem:v28+s8+$0x0], $0xffff  }
0xa7: {  	v29 =	vld.idx.msk [tilespmem:v29+s8+$0x0], $0xffff  }
0xa8: {  	v30 =	vld.idx.msk [tilespmem:v30+s8+$0x0], $0xffff  }
0xa9: {  	v31 =	vld.idx.msk [tilespmem:v31+s8+$0x0], $0xffff  }
0xaa: {  	v32 =	vld.idx.msk [tilespmem:v32+s8+$0x0], $0xffff  }
0xab: {  	v33 =	vld.idx.msk [tilespmem:v33+s8+$0x0], $0xffff  }
0xac: {  	v34 =	vld.idx.msk [tilespmem:v34+s8+$0x0], $0xffff  }
0xad: {  	v35 =	vld.idx.msk [tilespmem:v35+s8+$0x0], $0xffff  }
0xae: {  	v36 =	vld.idx.msk [tilespmem:v36+s8+$0x0], $0xffff  }
0xaf: {  	v37 =	vld.idx.msk [tilespmem:v37+s8+$0x0], $0xffff;
	v2 =	vadd.f32 $0.0e+00, v2  }
0xb0: {  	v38 =	vld.idx.msk [tilespmem:v38+s8+$0x0], $0xffff;
	v4 =	vadd.f32 $0.0e+00, v4  }
0xb1: {  	v39 =	vld.idx.msk [tilespmem:v39+s8+$0x0], $0xffff;
	v2 =	vadd.f32 v6, v2  }
0xb2: {  	v40 =	vld.idx.msk [tilespmem:v40+s8+$0x0], $0xffff;
	v4 =	vadd.f32 v8, v4  }
0xb3: {  	v2 =	vadd.f32 v10, v2;
	v10 =	vld [tilespmem:$0x1FFC0]  }
0xb4: {  	v4 =	vadd.f32 v12, v4;
	v12 =	vld [tilespmem:$0x1FFD0]  }
0xb5: {  	v1 =	vadd.f32 $0.0e+00, v1;
	v2 =	vadd.f32 v14, v2;
	v14 =	vld [tilespmem:$0x1FFE0]  }
0xb6: {  	v3 =	vadd.f32 $0.0e+00, v3;
	v4 =	vadd.f32 v16, v4;
	v16 =	vld [tilespmem:$0x1FFF0]  }
0xb7: {  	v44 =	vld.idx.msk [tilespmem:v41+s8+$0x0], $0xffff;
	v1 =	vadd.f32 v5, v1  }
0xb8: {  	v45 =	vld.idx.msk [tilespmem:v42+s8+$0x0], $0xffff;
	v3 =	vadd.f32 v7, v3  }
0xb9: {  	v1 =	vadd.f32 v9, v1;
	v2 =	vadd.f32 v18, v2;
	v18 =	vld.idx.msk [tilespmem:v46+s2+$0x0], $0xffff  }
0xba: {  	v3 =	vadd.f32 v11, v3;
	v4 =	vadd.f32 v20, v4;
	v20 =	vld.idx.msk [tilespmem:v47+s2+$0x0], $0xffff  }
0xbb: {  	v1 =	vadd.f32 v13, v1;
	v7 =	vld.idx.msk [tilespmem:v10+s2+$0x0], $0xffff  }
0xbc: {  	v3 =	vadd.f32 v15, v3;
	v8 =	vld.idx.msk [tilespmem:v12+s2+$0x0], $0xffff  }
0xbd: {  	v1 =	vadd.f32 v17, v1;
	v9 =	vld.idx.msk [tilespmem:v14+s2+$0x0], $0xffff  }
0xbe: {  	v3 =	vadd.f32 v19, v3;
	v10 =	vld.idx.msk [tilespmem:v16+s2+$0x0], $0xffff  }
0xbf: {  	v1 =	vadd.f32 v21, v1;
	v2 =	vadd.f32 v22, v2;
	v22 =	vld.idx.msk [tilespmem:v48+s2+$0x0], $0xffff  }
0xc0: {  	v3 =	vadd.f32 v23, v3;
	v4 =	vadd.f32 v24, v4;
	v24 =	vld.idx.msk [tilespmem:v49+s2+$0x0], $0xffff  }
0xc1: {  	v1 =	vadd.f32 v25, v1;
	v2 =	vadd.f32 v26, v2;
	v11 =	vld.idx.msk [tilespmem:v18+s8+$0x0], $0xffff  }
0xc2: {  	v3 =	vadd.f32 v27, v3;
	v4 =	vadd.f32 v28, v4;
	v12 =	vld.idx.msk [tilespmem:v20+s8+$0x0], $0xffff  }
0xc3: {  	v1 =	vadd.f32 v29, v1;
	v2 =	vadd.f32 v30, v2;
	v7 =	vld.idx.msk [tilespmem:v7+s8+$0x0], $0xffff  }
0xc4: {  	v3 =	vadd.f32 v31, v3;
	v4 =	vadd.f32 v32, v4;
	v8 =	vld.idx.msk [tilespmem:v8+s8+$0x0], $0xffff  }
0xc5: {  	v1 =	vadd.f32 v33, v1;
	v2 =	vadd.f32 v34, v2;
	v9 =	vld.idx.msk [tilespmem:v9+s8+$0x0], $0xffff  }
0xc6: {  	v3 =	vadd.f32 v35, v3;
	v4 =	vadd.f32 v36, v4;
	v10 =	vld.idx.msk [tilespmem:v10+s8+$0x0], $0xffff  }
0xc7: {  	v1 =	vadd.f32 v37, v1;
	v2 =	vadd.f32 v38, v2;
	v13 =	vld.idx.msk [tilespmem:v22+s8+$0x0], $0xffff  }
0xc8: {  	v3 =	vadd.f32 v39, v3;
	v4 =	vadd.f32 v40, v4;
	v14 =	vld.idx.msk [tilespmem:v24+s8+$0x0], $0xffff  }
0xc9: {  	v1 =	vadd.f32 v44, v1;
	v2 =	vadd.f32 v45, v2  }
0xca: {  	v3 =	vadd.f32 v7, v3;
	v4 =	vadd.f32 v8, v4  }
0xcb: {  	v1 =	vadd.f32 v9, v1;
	v2 =	vadd.f32 v10, v2  }
0xcc: {  	v3 =	vadd.f32 v11, v3;
	v4 =	vadd.f32 v12, v4  }
0xcd: {  	v1 =	vadd.f32 v13, v1;
	v2 =	vadd.f32 v14, v2;
	_ =	sdelay $0x1  }
0xce: {  	v1 =	vadd.f32 v2, v1;
	v2 =	vadd.f32 v4, v3;
	_ =	sdelay $0x1  }
0xcf: {  	v1 =	vadd.f32 v1, v2;
	_ =	sdelay $0x1  }
0xd0: {  	v1 =	vsub.f32 $0.0e+00, v1;
	_ =	sdelay $0x1  }
0xd1: {  	v1 =	vmul.f32 $1.442695020e+00, v1;
	_ =	sdelay $0x1  }
0xd2: {  	(erf) = vpow2.f32 v1;
	_ =	sdelay $0x8  }
0xd3: {  	v1 =	vpop (erf)  }
0xd4: {  	v1 =	vadd.f32 $1.000000000e+00, v1;
	_ =	sdelay $0x1  }
0xd5: {  	(erf) = vrcp.f32 v1;
	_ =	sdelay $0x8  }
0xd6: {  	v1 =	vpop (erf)  }
0xd7: {  	[tilespmem:$0x1D00] =	vst v1  }
0xd8: {  	v1 =	vld.idx.msk [tilespmem:v50+s2+$0x0], $0xffff  }
0xd9: {  	v2 =	vld.idx.msk [tilespmem:v51+s2+$0x0], $0xffff  }
0xda: {  	v3 =	vld.idx.msk [tilespmem:v52+s2+$0x0], $0xffff  }
0xdb: {  	v37 =	vld.idx.msk [tilespmem:v53+s2+$0x0], $0xffff  }
0xdc: {  	v38 =	vld.idx.msk [tilespmem:v54+s2+$0x0], $0xffff  }
0xdd: {  	v39 =	vld.idx.msk [tilespmem:v55+s2+$0x0], $0xffff  }
0xde: {  	v40 =	vld.idx.msk [tilespmem:v56+s2+$0x0], $0xffff  }
0xdf: {  	v41 =	vld.idx.msk [tilespmem:v57+s2+$0x0], $0xffff  }
0xe0: {  	v42 =	vld.idx.msk [tilespmem:v58+s2+$0x0], $0xffff  }
0xe1: {  	v44 =	vadd.s32 $0x32E, v0;
	v43 =	vld.idx.msk [tilespmem:v59+s2+$0x0], $0xffff  }
0xe2: {  	v21 =	vadd.s32 $0x32F, v0;
	v45 =	vld.idx.msk [tilespmem:v60+s2+$0x0], $0xffff  }
0xe3: {  	v23 =	vadd.s32 $0x330, v0;
	v22 =	vld.idx.msk [tilespmem:v61+s2+$0x0], $0xffff  }
0xe4: {  	v25 =	vadd.s32 $0x331, v0;
	v24 =	vld.idx.msk [tilespmem:v62+s2+$0x0], $0xffff  }
0xe5: {  	v27 =	vadd.s32 $0x332, v0;
	v26 =	vld.idx.msk [tilespmem:v63+s2+$0x0], $0xffff  }
0xe6: {  	v28 =	vadd.s32 $0x333, v0;
	v11 =	vld.idx.msk [tilespmem:v44+s2+$0x0], $0xffff  }
0xe7: {  	v29 =	vadd.s32 $0x334, v0;
	v13 =	vld.idx.msk [tilespmem:v21+s2+$0x0], $0xffff  }
0xe8: {  	v31 =	vadd.s32 $0x336, v0;
	v15 =	vld.idx.msk [tilespmem:v23+s2+$0x0], $0xffff  }
0xe9: {  	v33 =	vadd.s32 $0x338, v0;
	v17 =	vld.idx.msk [tilespmem:v25+s2+$0x0], $0xffff  }
0xea: {  	v35 =	vadd.s32 $0x33A, v0;
	v19 =	vld.idx.msk [tilespmem:v27+s2+$0x0], $0xffff  }
0xeb: {  	v36 =	vadd.s32 $0x33B, v0;
	v20 =	vld.idx.msk [tilespmem:v28+s2+$0x0], $0xffff  }
0xec: {  	v21 =	vld.idx.msk [tilespmem:v29+s2+$0x0], $0xffff  }
0xed: {  	v23 =	vld.idx.msk [tilespmem:v31+s2+$0x0], $0xffff  }
0xee: {  	v25 =	vld.idx.msk [tilespmem:v33+s2+$0x0], $0xffff  }
0xef: {  	v27 =	vld.idx.msk [tilespmem:v35+s2+$0x0], $0xffff  }
0xf0: {  	v28 =	vld.idx.msk [tilespmem:v36+s2+$0x0], $0xffff  }
0xf1: {  	v1 =	vld.idx.msk [tilespmem:v1+s8+$0x0], $0xffff  }
0xf2: {  	v2 =	vld.idx.msk [tilespmem:v2+s8+$0x0], $0xffff  }
0xf3: {  	v3 =	vld.idx.msk [tilespmem:v3+s8+$0x0], $0xffff  }
0xf4: {  	v4 =	vld.idx.msk [tilespmem:v37+s8+$0x0], $0xffff  }
0xf5: {  	v5 =	vld.idx.msk [tilespmem:v38+s8+$0x0], $0xffff  }
0xf6: {  	v6 =	vld.idx.msk [tilespmem:v39+s8+$0x0], $0xffff  }
0xf7: {  	v7 =	vld.idx.msk [tilespmem:v40+s8+$0x0], $0xffff  }
0xf8: {  	v8 =	vld.idx.msk [tilespmem:v41+s8+$0x0], $0xffff  }
0xf9: {  	v9 =	vld.idx.msk [tilespmem:v42+s8+$0x0], $0xffff  }
0xfa: {  	v10 =	vld.idx.msk [tilespmem:v43+s8+$0x0], $0xffff  }
0xfb: {  	v12 =	vld.idx.msk [tilespmem:v45+s8+$0x0], $0xffff  }
0xfc: {  	v14 =	vld.idx.msk [tilespmem:v22+s8+$0x0], $0xffff  }
0xfd: {  	v16 =	vld.idx.msk [tilespmem:v24+s8+$0x0], $0xffff  }
0xfe: {  	v30 =	vadd.s32 $0x335, v0;
	v18 =	vld.idx.msk [tilespmem:v26+s8+$0x0], $0xffff  }
0xff: {  	v32 =	vadd.s32 $0x337, v0;
	v11 =	vld.idx.msk [tilespmem:v11+s8+$0x0], $0xffff  }
0x100: {  	v34 =	vadd.s32 $0x339, v0;
	v13 =	vld.idx.msk [tilespmem:v13+s8+$0x0], $0xffff  }
0x101: {  	v15 =	vld.idx.msk [tilespmem:v15+s8+$0x0], $0xffff  }
0x102: {  	v17 =	vld.idx.msk [tilespmem:v17+s8+$0x0], $0xffff  }
0x103: {  	v22 =	vld.idx.msk [tilespmem:v30+s2+$0x0], $0xffff  }
0x104: {  	v24 =	vld.idx.msk [tilespmem:v32+s2+$0x0], $0xffff  }
0x105: {  	v26 =	vld.idx.msk [tilespmem:v34+s2+$0x0], $0xffff  }
0x106: {  	v19 =	vld.idx.msk [tilespmem:v19+s8+$0x0], $0xffff  }
0x107: {  	v20 =	vld.idx.msk [tilespmem:v20+s8+$0x0], $0xffff  }
0x108: {  	v21 =	vld.idx.msk [tilespmem:v21+s8+$0x0], $0xffff;
	v37 =	vadd.s32 $0x33C, v0  }
0x109: {  	v23 =	vld.idx.msk [tilespmem:v23+s8+$0x0], $0xffff;
	v38 =	vadd.s32 $0x33D, v0  }
0x10a: {  	v25 =	vld.idx.msk [tilespmem:v25+s8+$0x0], $0xffff;
	v39 =	vadd.s32 $0x33E, v0  }
0x10b: {  	v40 =	vadd.s32 $0x33F, v0;
	v27 =	vld.idx.msk [tilespmem:v27+s8+$0x0], $0xffff  }
0x10c: {  	v41 =	vadd.s32 $0x340, v0;
	v28 =	vld.idx.msk [tilespmem:v28+s8+$0x0], $0xffff  }
0x10d: {  	v42 =	vadd.s32 $0x341, v0;
	v29 =	vld.idx.msk [tilespmem:v37+s2+$0x0], $0xffff  }
0x10e: {  	v43 =	vadd.s32 $0x342, v0;
	v30 =	vld.idx.msk [tilespmem:v38+s2+$0x0], $0xffff  }
0x10f: {  	v45 =	vadd.s32 $0x343, v0;
	v31 =	vld.idx.msk [tilespmem:v39+s2+$0x0], $0xffff  }
0x110: {  	v44 =	vadd.s32 $0x344, v0;
	v32 =	vld.idx.msk [tilespmem:v40+s2+$0x0], $0xffff  }
0x111: {  	v33 =	vld.idx.msk [tilespmem:v41+s2+$0x0], $0xffff  }
0x112: {  	v34 =	vld.idx.msk [tilespmem:v42+s2+$0x0], $0xffff  }
0x113: {  	v35 =	vld.idx.msk [tilespmem:v43+s2+$0x0], $0xffff  }
0x114: {  	v38 =	vadd.s32 $0x345, v0;
	v36 =	vld.idx.msk [tilespmem:v45+s2+$0x0], $0xffff  }
0x115: {  	v39 =	vadd.s32 $0x346, v0;
	v37 =	vld.idx.msk [tilespmem:v44+s2+$0x0], $0xffff  }
0x116: {  	v40 =	vadd.s32 $0x347, v0;
	v22 =	vld.idx.msk [tilespmem:v22+s8+$0x0], $0xffff  }
0x117: {  	v41 =	vadd.s32 $0x348, v0;
	v24 =	vld.idx.msk [tilespmem:v24+s8+$0x0], $0xffff  }
0x118: {  	v45 =	vadd.s32 $0x349, v0;
	v26 =	vld.idx.msk [tilespmem:v26+s8+$0x0], $0xffff  }
0x119: {  	v43 =	vadd.s32 $0x34A, v0;
	v2 =	vadd.f32 $0.0e+00, v2;
	v38 =	vld.idx.msk [tilespmem:v38+s2+$0x0], $0xffff  }
0x11a: {  	v1 =	vadd.f32 $0.0e+00, v1;
	v44 =	vadd.s32 $0x34B, v0;
	v4 =	vadd.f32 $0.0e+00, v4;
	v39 =	vld.idx.msk [tilespmem:v39+s2+$0x0], $0xffff  }
0x11b: {  	v3 =	vadd.f32 $0.0e+00, v3;
	v2 =	vadd.f32 v6, v2;
	v6 =	vadd.s32 $0x34D, v0;
	v40 =	vld.idx.msk [tilespmem:v40+s2+$0x0], $0xffff  }
0x11c: {  	v1 =	vadd.f32 v5, v1;
	v4 =	vadd.f32 v8, v4;
	v8 =	vadd.s32 $0x34E, v0;
	v41 =	vld.idx.msk [tilespmem:v41+s2+$0x0], $0xffff  }
0x11d: {  	v3 =	vadd.f32 v7, v3;
	v42 =	vld.idx.msk [tilespmem:v45+s2+$0x0], $0xffff  }
0x11e: {  	v1 =	vadd.f32 v9, v1;
	v9 =	vld.idx.msk [tilespmem:v43+s2+$0x0], $0xffff  }
0x11f: {  	v3 =	vadd.f32 v12, v3;
	v12 =	vld.idx.msk [tilespmem:v44+s2+$0x0], $0xffff  }
0x120: {  	v6 =	vld.idx.msk [tilespmem:v6+s2+$0x0], $0xffff  }
0x121: {  	v8 =	vld.idx.msk [tilespmem:v8+s2+$0x0], $0xffff  }
0x122: {  	v29 =	vld.idx.msk [tilespmem:v29+s8+$0x0], $0xffff  }
0x123: {  	v30 =	vld.idx.msk [tilespmem:v30+s8+$0x0], $0xffff  }
0x124: {  	v31 =	vld.idx.msk [tilespmem:v31+s8+$0x0], $0xffff  }
0x125: {  	v32 =	vld.idx.msk [tilespmem:v32+s8+$0x0], $0xffff  }
0x126: {  	v43 =	vadd.s32 $0x34F, v0;
	v33 =	vld.idx.msk [tilespmem:v33+s8+$0x0], $0xffff  }
0x127: {  	v44 =	vadd.s32 $0x350, v0;
	v34 =	vld.idx.msk [tilespmem:v34+s8+$0x0], $0xffff  }
0x128: {  	v35 =	vld.idx.msk [tilespmem:v35+s8+$0x0], $0xffff  }
0x129: {  	v36 =	vld.idx.msk [tilespmem:v36+s8+$0x0], $0xffff  }
0x12a: {  	v37 =	vld.idx.msk [tilespmem:v37+s8+$0x0], $0xffff  }
0x12b: {  	v2 =	vadd.f32 v10, v2;
	v10 =	vld.idx.msk [tilespmem:v43+s2+$0x0], $0xffff  }
0x12c: {  	v45 =	vadd.s32 $0x34C, v0;
	v43 =	vld.idx.msk [tilespmem:v44+s2+$0x0], $0xffff  }
0x12d: {  	v4 =	vadd.f32 v14, v4;
	v38 =	vld.idx.msk [tilespmem:v38+s8+$0x0], $0xffff  }
0x12e: {  	v1 =	vadd.f32 v16, v1;
	v2 =	vadd.f32 v18, v2;
	v7 =	vld.idx.msk [tilespmem:v42+s8+$0x0], $0xffff;
	v42 =	vadd.s32 $0x351, v0  }
0x12f: {  	v3 =	vadd.f32 v11, v3;
	v4 =	vadd.f32 v13, v4;
	v39 =	vld.idx.msk [tilespmem:v39+s8+$0x0], $0xffff  }
0x130: {  	v1 =	vadd.f32 v15, v1;
	v2 =	vadd.f32 v17, v2;
	v5 =	vld.idx.msk [tilespmem:v41+s8+$0x0], $0xffff  }
0x131: {  	v3 =	vadd.f32 v19, v3;
	v4 =	vadd.f32 v20, v4;
	v41 =	vld.idx.msk [tilespmem:v45+s2+$0x0], $0xffff  }
0x132: {  	v1 =	vadd.f32 v21, v1;
	v2 =	vadd.f32 v22, v2;
	v40 =	vld.idx.msk [tilespmem:v40+s8+$0x0], $0xffff  }
0x133: {  	v3 =	vadd.f32 v23, v3;
	v4 =	vadd.f32 v24, v4;
	v44 =	vld.idx.msk [tilespmem:v42+s2+$0x0], $0xffff  }
0x134: {  	v1 =	vadd.f32 v25, v1;
	v2 =	vadd.f32 v26, v2;
	v9 =	vld.idx.msk [tilespmem:v9+s8+$0x0], $0xffff  }
0x135: {  	v3 =	vadd.f32 v27, v3;
	v4 =	vadd.f32 v28, v4;
	v12 =	vld.idx.msk [tilespmem:v12+s8+$0x0], $0xffff  }
0x136: {  	v1 =	vadd.f32 v29, v1;
	v2 =	vadd.f32 v30, v2;
	v6 =	vld.idx.msk [tilespmem:v6+s8+$0x0], $0xffff  }
0x137: {  	v3 =	vadd.f32 v31, v3;
	v4 =	vadd.f32 v32, v4;
	v8 =	vld.idx.msk [tilespmem:v8+s8+$0x0], $0xffff  }
0x138: {  	v1 =	vadd.f32 v33, v1;
	v2 =	vadd.f32 v34, v2;
	v10 =	vld.idx.msk [tilespmem:v10+s8+$0x0], $0xffff  }
0x139: {  	v3 =	vadd.f32 v35, v3;
	v4 =	vadd.f32 v36, v4;
	v45 =	vld.idx.msk [tilespmem:v41+s8+$0x0], $0xffff  }
0x13a: {  	v1 =	vadd.f32 v37, v1;
	v2 =	vadd.f32 v38, v2;
	v11 =	vld.idx.msk [tilespmem:v43+s8+$0x0], $0xffff  }
0x13b: {  	v3 =	vadd.f32 v39, v3;
	v4 =	vadd.f32 v40, v4;
	v13 =	vld.idx.msk [tilespmem:v44+s8+$0x0], $0xffff  }
0x13c: {  	v1 =	vadd.f32 v5, v1;
	v2 =	vadd.f32 v7, v2  }
0x13d: {  	v3 =	vadd.f32 v9, v3;
	v4 =	vadd.f32 v12, v4  }
0x13e: {  	v2 =	vadd.f32 v6, v2;
	v1 =	vadd.f32 v45, v1  }
0x13f: {  	v3 =	vadd.f32 v8, v3;
	v4 =	vadd.f32 v10, v4  }
0x140: {  	v1 =	vadd.f32 v11, v1;
	v2 =	vadd.f32 v13, v2;
	_ =	sdelay $0x1  }
0x141: {  	v1 =	vadd.f32 v2, v1;
	v2 =	vadd.f32 v4, v3;
	_ =	sdelay $0x1  }
0x142: {  	v1 =	vadd.f32 v1, v2;
	_ =	sdelay $0x1  }
0x143: {  	v1 =	vsub.f32 $0.0e+00, v1;
	_ =	sdelay $0x1  }
0x144: {  	v1 =	vmul.f32 $1.442695020e+00, v1;
	_ =	sdelay $0x1  }
0x145: {  	(erf) = vpow2.f32 v1;
	_ =	sdelay $0x8  }
0x146: {  	v1 =	vpop (erf)  }
0x147: {  	v1 =	vadd.f32 $1.000000000e+00, v1;
	_ =	sdelay $0x1  }
0x148: {  	(erf) = vrcp.f32 v1;
	_ =	sdelay $0x5  }
0x149: {  	v1 =	vadd.s32 $0x640, v0  }
0x14a: {  	v2 =	vadd.s32 $0x641, v0  }
0x14b: {  	v12 =	vadd.s32 $0x643, v0  }
0x14c: {  	v13 =	vadd.s32 $0x644, v0;
	v3 =	vpop (erf)  }
0x14d: {  	v14 =	vadd.s32 $0x645, v0;
	[tilespmem:$0x1D10] =	vst v3  }
0x14e: {  	v15 =	vadd.s32 $0x646, v0;
	v1 =	vld.idx.msk [tilespmem:v1+s2+$0x0], $0xffff  }
0x14f: {  	v16 =	vadd.s32 $0x647, v0;
	v2 =	vld.idx.msk [tilespmem:v2+s2+$0x0], $0xffff  }
0x150: {  	v17 =	vadd.s32 $0x648, v0;
	v4 =	vld.idx.msk [tilespmem:v12+s2+$0x0], $0xffff  }
0x151: {  	v18 =	vadd.s32 $0x649, v0;
	v5 =	vld.idx.msk [tilespmem:v13+s2+$0x0], $0xffff  }
0x152: {  	v19 =	vadd.s32 $0x64A, v0;
	v6 =	vld.idx.msk [tilespmem:v14+s2+$0x0], $0xffff  }
0x153: {  	v20 =	vadd.s32 $0x64B, v0;
	v7 =	vld.idx.msk [tilespmem:v15+s2+$0x0], $0xffff  }
0x154: {  	v21 =	vadd.s32 $0x64C, v0;
	v8 =	vld.idx.msk [tilespmem:v16+s2+$0x0], $0xffff  }
0x155: {  	v22 =	vadd.s32 $0x64D, v0;
	v9 =	vld.idx.msk [tilespmem:v17+s2+$0x0], $0xffff  }
0x156: {  	v23 =	vadd.s32 $0x64E, v0;
	v10 =	vld.idx.msk [tilespmem:v18+s2+$0x0], $0xffff  }
0x157: {  	v24 =	vadd.s32 $0x64F, v0;
	v11 =	vld.idx.msk [tilespmem:v19+s2+$0x0], $0xffff  }
0x158: {  	v25 =	vadd.s32 $0x650, v0;
	v12 =	vld.idx.msk [tilespmem:v20+s2+$0x0], $0xffff  }
0x159: {  	v26 =	vadd.s32 $0x651, v0;
	v13 =	vld.idx.msk [tilespmem:v21+s2+$0x0], $0xffff  }
0x15a: {  	v27 =	vadd.s32 $0x652, v0;
	v14 =	vld.idx.msk [tilespmem:v22+s2+$0x0], $0xffff  }
0x15b: {  	v28 =	vadd.s32 $0x653, v0;
	v15 =	vld.idx.msk [tilespmem:v23+s2+$0x0], $0xffff  }
0x15c: {  	v29 =	vadd.s32 $0x654, v0;
	v16 =	vld.idx.msk [tilespmem:v24+s2+$0x0], $0xffff  }
0x15d: {  	v30 =	vadd.s32 $0x655, v0;
	v17 =	vld.idx.msk [tilespmem:v25+s2+$0x0], $0xffff  }
0x15e: {  	v31 =	vadd.s32 $0x656, v0;
	v18 =	vld.idx.msk [tilespmem:v26+s2+$0x0], $0xffff  }
0x15f: {  	v32 =	vadd.s32 $0x657, v0;
	v19 =	vld.idx.msk [tilespmem:v27+s2+$0x0], $0xffff  }
0x160: {  	v33 =	vadd.s32 $0x658, v0;
	v20 =	vld.idx.msk [tilespmem:v28+s2+$0x0], $0xffff  }
0x161: {  	v34 =	vadd.s32 $0x659, v0;
	v21 =	vld.idx.msk [tilespmem:v29+s2+$0x0], $0xffff  }
0x162: {  	v35 =	vadd.s32 $0x65A, v0;
	v22 =	vld.idx.msk [tilespmem:v30+s2+$0x0], $0xffff  }
0x163: {  	v36 =	vadd.s32 $0x65B, v0;
	v23 =	vld.idx.msk [tilespmem:v31+s2+$0x0], $0xffff  }
0x164: {  	v37 =	vadd.s32 $0x65C, v0;
	v24 =	vld.idx.msk [tilespmem:v32+s2+$0x0], $0xffff  }
0x165: {  	v38 =	vadd.s32 $0x65D, v0;
	v25 =	vld.idx.msk [tilespmem:v33+s2+$0x0], $0xffff  }
0x166: {  	v39 =	vadd.s32 $0x65E, v0;
	v26 =	vld.idx.msk [tilespmem:v34+s2+$0x0], $0xffff  }
0x167: {  	v40 =	vadd.s32 $0x65F, v0;
	v27 =	vld.idx.msk [tilespmem:v35+s2+$0x0], $0xffff  }
0x168: {  	v41 =	vadd.s32 $0x660, v0;
	v28 =	vld.idx.msk [tilespmem:v36+s2+$0x0], $0xffff  }
0x169: {  	v42 =	vadd.s32 $0x661, v0;
	v29 =	vld.idx.msk [tilespmem:v37+s2+$0x0], $0xffff  }
0x16a: {  	v43 =	vadd.s32 $0x662, v0;
	v30 =	vld.idx.msk [tilespmem:v38+s2+$0x0], $0xffff  }
0x16b: {  	v45 =	vadd.s32 $0x663, v0;
	v31 =	vld.idx.msk [tilespmem:v39+s2+$0x0], $0xffff  }
0x16c: {  	v44 =	vadd.s32 $0x664, v0;
	v32 =	vld.idx.msk [tilespmem:v40+s2+$0x0], $0xffff  }
0x16d: {  	v3 =	vadd.s32 $0x642, v0;
	v33 =	vld.idx.msk [tilespmem:v41+s2+$0x0], $0xffff  }
0x16e: {  	v34 =	vld.idx.msk [tilespmem:v42+s2+$0x0], $0xffff;
	v38 =	vadd.s32 $0x665, v0  }
0x16f: {  	v39 =	vadd.s32 $0x666, v0;
	v35 =	vld.idx.msk [tilespmem:v43+s2+$0x0], $0xffff  }
0x170: {  	v40 =	vadd.s32 $0x667, v0;
	v36 =	vld.idx.msk [tilespmem:v45+s2+$0x0], $0xffff  }
0x171: {  	v41 =	vadd.s32 $0x668, v0;
	v37 =	vld.idx.msk [tilespmem:v44+s2+$0x0], $0xffff  }
0x172: {  	v45 =	vadd.s32 $0x669, v0;
	v3 =	vld.idx.msk [tilespmem:v3+s2+$0x0], $0xffff  }
0x173: {  	v38 =	vld.idx.msk [tilespmem:v38+s2+$0x0], $0xffff  }
0x174: {  	v39 =	vld.idx.msk [tilespmem:v39+s2+$0x0], $0xffff  }
0x175: {  	v40 =	vld.idx.msk [tilespmem:v40+s2+$0x0], $0xffff  }
0x176: {  	v41 =	vld.idx.msk [tilespmem:v41+s2+$0x0], $0xffff  }
0x177: {  	v42 =	vld.idx.msk [tilespmem:v45+s2+$0x0], $0xffff  }
0x178: {  	v1 =	vld.idx.msk [tilespmem:v1+s8+$0x0], $0xffff  }
0x179: {  	v2 =	vld.idx.msk [tilespmem:v2+s8+$0x0], $0xffff  }
0x17a: {  	v4 =	vld.idx.msk [tilespmem:v4+s8+$0x0], $0xffff  }
0x17b: {  	v5 =	vld.idx.msk [tilespmem:v5+s8+$0x0], $0xffff  }
0x17c: {  	v6 =	vld.idx.msk [tilespmem:v6+s8+$0x0], $0xffff  }
0x17d: {  	v7 =	vld.idx.msk [tilespmem:v7+s8+$0x0], $0xffff  }
0x17e: {  	v8 =	vld.idx.msk [tilespmem:v8+s8+$0x0], $0xffff  }
0x17f: {  	v9 =	vld.idx.msk [tilespmem:v9+s8+$0x0], $0xffff  }
0x180: {  	v10 =	vld.idx.msk [tilespmem:v10+s8+$0x0], $0xffff  }
0x181: {  	v11 =	vld.idx.msk [tilespmem:v11+s8+$0x0], $0xffff  }
0x182: {  	v12 =	vld.idx.msk [tilespmem:v12+s8+$0x0], $0xffff  }
0x183: {  	v13 =	vld.idx.msk [tilespmem:v13+s8+$0x0], $0xffff  }
0x184: {  	v14 =	vld.idx.msk [tilespmem:v14+s8+$0x0], $0xffff  }
0x185: {  	v15 =	vld.idx.msk [tilespmem:v15+s8+$0x0], $0xffff  }
0x186: {  	v16 =	vld.idx.msk [tilespmem:v16+s8+$0x0], $0xffff  }
0x187: {  	v17 =	vld.idx.msk [tilespmem:v17+s8+$0x0], $0xffff  }
0x188: {  	v18 =	vld.idx.msk [tilespmem:v18+s8+$0x0], $0xffff  }
0x189: {  	v19 =	vld.idx.msk [tilespmem:v19+s8+$0x0], $0xffff  }
0x18a: {  	v20 =	vld.idx.msk [tilespmem:v20+s8+$0x0], $0xffff  }
0x18b: {  	v21 =	vld.idx.msk [tilespmem:v21+s8+$0x0], $0xffff  }
0x18c: {  	v22 =	vld.idx.msk [tilespmem:v22+s8+$0x0], $0xffff  }
0x18d: {  	v23 =	vld.idx.msk [tilespmem:v23+s8+$0x0], $0xffff  }
0x18e: {  	v24 =	vld.idx.msk [tilespmem:v24+s8+$0x0], $0xffff  }
0x18f: {  	v25 =	vld.idx.msk [tilespmem:v25+s8+$0x0], $0xffff  }
0x190: {  	v26 =	vld.idx.msk [tilespmem:v26+s8+$0x0], $0xffff  }
0x191: {  	v27 =	vld.idx.msk [tilespmem:v27+s8+$0x0], $0xffff  }
0x192: {  	v28 =	vld.idx.msk [tilespmem:v28+s8+$0x0], $0xffff  }
0x193: {  	v29 =	vld.idx.msk [tilespmem:v29+s8+$0x0], $0xffff  }
0x194: {  	v30 =	vld.idx.msk [tilespmem:v30+s8+$0x0], $0xffff  }
0x195: {  	v31 =	vld.idx.msk [tilespmem:v31+s8+$0x0], $0xffff  }
0x196: {  	v32 =	vld.idx.msk [tilespmem:v32+s8+$0x0], $0xffff  }
0x197: {  	v33 =	vld.idx.msk [tilespmem:v33+s8+$0x0], $0xffff  }
0x198: {  	v34 =	vld.idx.msk [tilespmem:v34+s8+$0x0], $0xffff  }
0x199: {  	v35 =	vld.idx.msk [tilespmem:v35+s8+$0x0], $0xffff  }
0x19a: {  	v36 =	vld.idx.msk [tilespmem:v36+s8+$0x0], $0xffff  }
0x19b: {  	v3 =	vld.idx.msk [tilespmem:v3+s8+$0x0], $0xffff  }
0x19c: {  	v43 =	vadd.s32 $0x66A, v0;
	v37 =	vld.idx.msk [tilespmem:v37+s8+$0x0], $0xffff  }
0x19d: {  	v38 =	vld.idx.msk [tilespmem:v38+s8+$0x0], $0xffff;
	v1 =	vadd.f32 $0.0e+00, v1  }
0x19e: {  	v44 =	vadd.s32 $0x66B, v0;
	v2 =	vadd.f32 $0.0e+00, v2;
	v39 =	vld.idx.msk [tilespmem:v39+s8+$0x0], $0xffff  }
0x19f: {  	v45 =	vadd.s32 $0x66C, v0;
	v4 =	vadd.f32 $0.0e+00, v4;
	v40 =	vld.idx.msk [tilespmem:v40+s8+$0x0], $0xffff;
	v1 =	vadd.f32 v5, v1  }
0x1a0: {  	v2 =	vadd.f32 v6, v2;
	v5 =	vld.idx.msk [tilespmem:v41+s8+$0x0], $0xffff;
	v6 =	vadd.s32 $0x66D, v0;
	v3 =	vadd.f32 $0.0e+00, v3  }
0x1a1: {  	v4 =	vadd.f32 v8, v4;
	v8 =	vadd.s32 $0x66E, v0;
	v1 =	vadd.f32 v9, v1;
	v9 =	vld.idx.msk [tilespmem:v43+s2+$0x0], $0xffff  }
0x1a2: {  	v41 =	vadd.s32 $0x66F, v0;
	v2 =	vadd.f32 v10, v2;
	v3 =	vadd.f32 v7, v3;
	v7 =	vld.idx.msk [tilespmem:v42+s8+$0x0], $0xffff  }
0x1a3: {  	v4 =	vadd.f32 v12, v4;
	v43 =	vadd.s32 $0x670, v0;
	v42 =	vld.idx.msk [tilespmem:v44+s2+$0x0], $0xffff;
	v1 =	vadd.f32 v13, v1  }
0x1a4: {  	v2 =	vadd.f32 v14, v2;
	v44 =	vld.idx.msk [tilespmem:v45+s2+$0x0], $0xffff;
	v45 =	vadd.s32 $0x671, v0;
	v3 =	vadd.f32 v11, v3  }
0x1a5: {  	v4 =	vadd.f32 v16, v4;
	v6 =	vld.idx.msk [tilespmem:v6+s2+$0x0], $0xffff;
	v1 =	vadd.f32 v17, v1  }
0x1a6: {  	v8 =	vld.idx.msk [tilespmem:v8+s2+$0x0], $0xffff;
	v2 =	vadd.f32 v18, v2;
	v3 =	vadd.f32 v15, v3  }
0x1a7: {  	v10 =	vld.idx.msk [tilespmem:v41+s2+$0x0], $0xffff;
	v4 =	vadd.f32 v20, v4;
	v1 =	vadd.f32 v21, v1  }
0x1a8: {  	v12 =	vld.idx.msk [tilespmem:v43+s2+$0x0], $0xffff;
	v2 =	vadd.f32 v22, v2;
	v3 =	vadd.f32 v19, v3  }
0x1a9: {  	v4 =	vadd.f32 v24, v4;
	v14 =	vld.idx.msk [tilespmem:v45+s2+$0x0], $0xffff;
	v1 =	vadd.f32 v25, v1  }
0x1aa: {  	v2 =	vadd.f32 v26, v2;
	v9 =	vld.idx.msk [tilespmem:v9+s8+$0x0], $0xffff;
	v3 =	vadd.f32 v23, v3  }
0x1ab: {  	v4 =	vadd.f32 v28, v4;
	v11 =	vld.idx.msk [tilespmem:v42+s8+$0x0], $0xffff;
	v1 =	vadd.f32 v29, v1  }
0x1ac: {  	v2 =	vadd.f32 v30, v2;
	v13 =	vld.idx.msk [tilespmem:v44+s8+$0x0], $0xffff;
	v3 =	vadd.f32 v27, v3  }
0x1ad: {  	v4 =	vadd.f32 v32, v4;
	v6 =	vld.idx.msk [tilespmem:v6+s8+$0x0], $0xffff;
	v1 =	vadd.f32 v33, v1  }
0x1ae: {  	v8 =	vld.idx.msk [tilespmem:v8+s8+$0x0], $0xffff;
	v2 =	vadd.f32 v34, v2;
	v3 =	vadd.f32 v31, v3  }
0x1af: {  	v10 =	vld.idx.msk [tilespmem:v10+s8+$0x0], $0xffff;
	v4 =	vadd.f32 v36, v4;
	v1 =	vadd.f32 v37, v1  }
0x1b0: {  	v12 =	vld.idx.msk [tilespmem:v12+s8+$0x0], $0xffff;
	v2 =	vadd.f32 v38, v2;
	v3 =	vadd.f32 v35, v3  }
0x1b1: {  	v4 =	vadd.f32 v40, v4;
	v14 =	vld.idx.msk [tilespmem:v14+s8+$0x0], $0xffff;
	v1 =	vadd.f32 v5, v1  }
0x1b2: {  	v2 =	vadd.f32 v7, v2;
	v3 =	vadd.f32 v39, v3  }
0x1b3: {  	v4 =	vadd.f32 v11, v4;
	v1 =	vadd.f32 v13, v1  }
0x1b4: {  	v2 =	vadd.f32 v6, v2;
	v3 =	vadd.f32 v9, v3  }
0x1b5: {  	v4 =	vadd.f32 v10, v4;
	v1 =	vadd.f32 v12, v1  }
0x1b6: {  	v2 =	vadd.f32 v14, v2;
	v3 =	vadd.f32 v8, v3;
	_ =	sdelay $0x1  }
0x1b7: {  	v1 =	vadd.f32 v2, v1;
	v2 =	vadd.f32 v4, v3;
	_ =	sdelay $0x1  }
0x1b8: {  	v1 =	vadd.f32 v1, v2;
	_ =	sdelay $0x1  }
0x1b9: {  	v1 =	vsub.f32 $0.0e+00, v1;
	_ =	sdelay $0x1  }
0x1ba: {  	v1 =	vmul.f32 $1.442695020e+00, v1;
	_ =	sdelay $0x1  }
0x1bb: {  	(erf) = vpow2.f32 v1;
	_ =	sdelay $0x8  }
0x1bc: {  	v1 =	vpop (erf)  }
0x1bd: {  	v1 =	vadd.f32 $1.000000000e+00, v1;
	_ =	sdelay $0x1  }
0x1be: {  	(erf) = vrcp.f32 v1;
	_ =	sdelay $0x5  }
0x1bf: {  	v1 =	vadd.s32 $0x960, v0  }
0x1c0: {  	v2 =	vadd.s32 $0x961, v0  }
0x1c1: {  	v3 =	vadd.s32 $0x962, v0  }
0x1c2: {  	v12 =	vadd.s32 $0x963, v0;
	v11 =	vpop (erf)  }
0x1c3: {  	v13 =	vadd.s32 $0x964, v0;
	[tilespmem:$0x1D20] =	vst v11  }
0x1c4: {  	v14 =	vadd.s32 $0x965, v0;
	v1 =	vld.idx.msk [tilespmem:v1+s2+$0x0], $0xffff  }
0x1c5: {  	v15 =	vadd.s32 $0x966, v0;
	v2 =	vld.idx.msk [tilespmem:v2+s2+$0x0], $0xffff  }
0x1c6: {  	v16 =	vadd.s32 $0x967, v0;
	v3 =	vld.idx.msk [tilespmem:v3+s2+$0x0], $0xffff  }
0x1c7: {  	v17 =	vadd.s32 $0x968, v0;
	v5 =	vld.idx.msk [tilespmem:v12+s2+$0x0], $0xffff  }
0x1c8: {  	v18 =	vadd.s32 $0x969, v0;
	v4 =	vld.idx.msk [tilespmem:v13+s2+$0x0], $0xffff  }
0x1c9: {  	v19 =	vadd.s32 $0x96A, v0;
	v6 =	vld.idx.msk [tilespmem:v14+s2+$0x0], $0xffff  }
0x1ca: {  	v20 =	vadd.s32 $0x96B, v0;
	v7 =	vld.idx.msk [tilespmem:v15+s2+$0x0], $0xffff  }
0x1cb: {  	v21 =	vadd.s32 $0x96C, v0;
	v8 =	vld.idx.msk [tilespmem:v16+s2+$0x0], $0xffff  }
0x1cc: {  	v22 =	vadd.s32 $0x96D, v0;
	v9 =	vld.idx.msk [tilespmem:v17+s2+$0x0], $0xffff  }
0x1cd: {  	v10 =	vld.idx.msk [tilespmem:v18+s2+$0x0], $0xffff  }
0x1ce: {  	v11 =	vld.idx.msk [tilespmem:v19+s2+$0x0], $0xffff  }
0x1cf: {  	v12 =	vld.idx.msk [tilespmem:v20+s2+$0x0], $0xffff  }
0x1d0: {  	v13 =	vld.idx.msk [tilespmem:v21+s2+$0x0], $0xffff  }
0x1d1: {  	v14 =	vld.idx.msk [tilespmem:v22+s2+$0x0], $0xffff  }
0x1d2: {  	v1 =	vld.idx.msk [tilespmem:v1+s8+$0x0], $0xffff  }
0x1d3: {  	v2 =	vld.idx.msk [tilespmem:v2+s8+$0x0], $0xffff  }
0x1d4: {  	v3 =	vld.idx.msk [tilespmem:v3+s8+$0x0], $0xffff  }
0x1d5: {  	v5 =	vld.idx.msk [tilespmem:v5+s8+$0x0], $0xffff  }
0x1d6: {  	v4 =	vld.idx.msk [tilespmem:v4+s8+$0x0], $0xffff  }
0x1d7: {  	v6 =	vld.idx.msk [tilespmem:v6+s8+$0x0], $0xffff  }
0x1d8: {  	v7 =	vld.idx.msk [tilespmem:v7+s8+$0x0], $0xffff  }
0x1d9: {  	v8 =	vld.idx.msk [tilespmem:v8+s8+$0x0], $0xffff  }
0x1da: {  	v9 =	vld.idx.msk [tilespmem:v9+s8+$0x0], $0xffff  }
0x1db: {  	v23 =	vadd.s32 $0x96E, v0;
	v10 =	vld.idx.msk [tilespmem:v10+s8+$0x0], $0xffff  }
0x1dc: {  	v24 =	vadd.s32 $0x96F, v0;
	v11 =	vld.idx.msk [tilespmem:v11+s8+$0x0], $0xffff  }
0x1dd: {  	v25 =	vadd.s32 $0x970, v0;
	v12 =	vld.idx.msk [tilespmem:v12+s8+$0x0], $0xffff  }
0x1de: {  	v26 =	vadd.s32 $0x971, v0;
	v13 =	vld.idx.msk [tilespmem:v13+s8+$0x0], $0xffff  }
0x1df: {  	v27 =	vadd.s32 $0x972, v0;
	v14 =	vld.idx.msk [tilespmem:v14+s8+$0x0], $0xffff  }
0x1e0: {  	v28 =	vadd.s32 $0x973, v0;
	v15 =	vld.idx.msk [tilespmem:v23+s2+$0x0], $0xffff  }
0x1e1: {  	v29 =	vadd.s32 $0x974, v0;
	v16 =	vld.idx.msk [tilespmem:v24+s2+$0x0], $0xffff  }
0x1e2: {  	v30 =	vadd.s32 $0x975, v0;
	v17 =	vld.idx.msk [tilespmem:v25+s2+$0x0], $0xffff  }
0x1e3: {  	v31 =	vadd.s32 $0x976, v0;
	v18 =	vld.idx.msk [tilespmem:v26+s2+$0x0], $0xffff  }
0x1e4: {  	v32 =	vadd.s32 $0x977, v0;
	v19 =	vld.idx.msk [tilespmem:v27+s2+$0x0], $0xffff  }
0x1e5: {  	v33 =	vadd.s32 $0x978, v0;
	v20 =	vld.idx.msk [tilespmem:v28+s2+$0x0], $0xffff  }
0x1e6: {  	v34 =	vadd.s32 $0x979, v0;
	v21 =	vld.idx.msk [tilespmem:v29+s2+$0x0], $0xffff  }
0x1e7: {  	v35 =	vadd.s32 $0x97A, v0;
	v22 =	vld.idx.msk [tilespmem:v30+s2+$0x0], $0xffff  }
0x1e8: {  	v36 =	vadd.s32 $0x97B, v0;
	v23 =	vld.idx.msk [tilespmem:v31+s2+$0x0], $0xffff  }
0x1e9: {  	v37 =	vadd.s32 $0x97C, v0;
	v24 =	vld.idx.msk [tilespmem:v32+s2+$0x0], $0xffff  }
0x1ea: {  	v38 =	vadd.s32 $0x97D, v0;
	v25 =	vld.idx.msk [tilespmem:v33+s2+$0x0], $0xffff  }
0x1eb: {  	v39 =	vadd.s32 $0x97E, v0;
	v26 =	vld.idx.msk [tilespmem:v34+s2+$0x0], $0xffff  }
0x1ec: {  	v40 =	vadd.s32 $0x97F, v0;
	v27 =	vld.idx.msk [tilespmem:v35+s2+$0x0], $0xffff  }
0x1ed: {  	v41 =	vadd.s32 $0x980, v0;
	v28 =	vld.idx.msk [tilespmem:v36+s2+$0x0], $0xffff  }
0x1ee: {  	v42 =	vadd.s32 $0x981, v0;
	v29 =	vld.idx.msk [tilespmem:v37+s2+$0x0], $0xffff  }
0x1ef: {  	v43 =	vadd.s32 $0x982, v0;
	v30 =	vld.idx.msk [tilespmem:v38+s2+$0x0], $0xffff  }
0x1f0: {  	v45 =	vadd.s32 $0x983, v0;
	v31 =	vld.idx.msk [tilespmem:v39+s2+$0x0], $0xffff  }
0x1f1: {  	v44 =	vadd.s32 $0x984, v0;
	v32 =	vld.idx.msk [tilespmem:v40+s2+$0x0], $0xffff  }
0x1f2: {  	v33 =	vld.idx.msk [tilespmem:v41+s2+$0x0], $0xffff;
	v38 =	vadd.s32 $0x985, v0  }
0x1f3: {  	v34 =	vld.idx.msk [tilespmem:v42+s2+$0x0], $0xffff;
	v39 =	vadd.s32 $0x986, v0  }
0x1f4: {  	v35 =	vld.idx.msk [tilespmem:v43+s2+$0x0], $0xffff;
	v40 =	vadd.s32 $0x987, v0  }
0x1f5: {  	v36 =	vld.idx.msk [tilespmem:v45+s2+$0x0], $0xffff;
	v41 =	vadd.s32 $0x988, v0  }
0x1f6: {  	v37 =	vld.idx.msk [tilespmem:v44+s2+$0x0], $0xffff;
	v45 =	vadd.s32 $0x989, v0  }
0x1f7: {  	v38 =	vld.idx.msk [tilespmem:v38+s2+$0x0], $0xffff  }
0x1f8: {  	v39 =	vld.idx.msk [tilespmem:v39+s2+$0x0], $0xffff  }
0x1f9: {  	v40 =	vld.idx.msk [tilespmem:v40+s2+$0x0], $0xffff  }
0x1fa: {  	v41 =	vld.idx.msk [tilespmem:v41+s2+$0x0], $0xffff  }
0x1fb: {  	v42 =	vld.idx.msk [tilespmem:v45+s2+$0x0], $0xffff  }
0x1fc: {  	v15 =	vld.idx.msk [tilespmem:v15+s8+$0x0], $0xffff  }
0x1fd: {  	v16 =	vld.idx.msk [tilespmem:v16+s8+$0x0], $0xffff  }
0x1fe: {  	v17 =	vld.idx.msk [tilespmem:v17+s8+$0x0], $0xffff  }
0x1ff: {  	v18 =	vld.idx.msk [tilespmem:v18+s8+$0x0], $0xffff  }
0x200: {  	v19 =	vld.idx.msk [tilespmem:v19+s8+$0x0], $0xffff  }
0x201: {  	v20 =	vld.idx.msk [tilespmem:v20+s8+$0x0], $0xffff  }
0x202: {  	v21 =	vld.idx.msk [tilespmem:v21+s8+$0x0], $0xffff  }
0x203: {  	v22 =	vld.idx.msk [tilespmem:v22+s8+$0x0], $0xffff  }
0x204: {  	v23 =	vld.idx.msk [tilespmem:v23+s8+$0x0], $0xffff  }
0x205: {  	v24 =	vld.idx.msk [tilespmem:v24+s8+$0x0], $0xffff  }
0x206: {  	v25 =	vld.idx.msk [tilespmem:v25+s8+$0x0], $0xffff  }
0x207: {  	v26 =	vld.idx.msk [tilespmem:v26+s8+$0x0], $0xffff  }
0x208: {  	v27 =	vld.idx.msk [tilespmem:v27+s8+$0x0], $0xffff  }
0x209: {  	v28 =	vld.idx.msk [tilespmem:v28+s8+$0x0], $0xffff  }
0x20a: {  	v29 =	vld.idx.msk [tilespmem:v29+s8+$0x0], $0xffff  }
0x20b: {  	v30 =	vld.idx.msk [tilespmem:v30+s8+$0x0], $0xffff  }
0x20c: {  	v31 =	vld.idx.msk [tilespmem:v31+s8+$0x0], $0xffff  }
0x20d: {  	v2 =	vadd.f32 $0.0e+00, v2;
	v32 =	vld.idx.msk [tilespmem:v32+s8+$0x0], $0xffff  }
0x20e: {  	v43 =	vadd.s32 $0x98A, v0;
	v5 =	vadd.f32 $0.0e+00, v5;
	v33 =	vld.idx.msk [tilespmem:v33+s8+$0x0], $0xffff  }
0x20f: {  	v1 =	vadd.f32 $0.0e+00, v1;
	v2 =	vadd.f32 v6, v2;
	v6 =	vadd.s32 $0x98D, v0;
	v34 =	vld.idx.msk [tilespmem:v34+s8+$0x0], $0xffff  }
0x210: {  	v5 =	vadd.f32 v8, v5;
	v8 =	vadd.s32 $0x98E, v0;
	v35 =	vld.idx.msk [tilespmem:v35+s8+$0x0], $0xffff  }
0x211: {  	v1 =	vadd.f32 v4, v1;
	v36 =	vld.idx.msk [tilespmem:v36+s8+$0x0], $0xffff  }
0x212: {  	v37 =	vld.idx.msk [tilespmem:v37+s8+$0x0], $0xffff  }
0x213: {  	v1 =	vadd.f32 v9, v1;
	v9 =	vld.idx.msk [tilespmem:v43+s2+$0x0], $0xffff  }
0x214: {  	v44 =	vadd.s32 $0x98B, v0;
	v6 =	vld.idx.msk [tilespmem:v6+s2+$0x0], $0xffff  }
0x215: {  	v3 =	vadd.f32 $0.0e+00, v3;
	v45 =	vadd.s32 $0x98C, v0;
	v8 =	vld.idx.msk [tilespmem:v8+s2+$0x0], $0xffff  }
0x216: {  	v38 =	vld.idx.msk [tilespmem:v38+s8+$0x0], $0xffff  }
0x217: {  	v3 =	vadd.f32 v7, v3;
	v4 =	vld.idx.msk [tilespmem:v41+s8+$0x0], $0xffff  }
0x218: {  	v2 =	vadd.f32 v10, v2;
	v43 =	vadd.s32 $0x990, v0;
	v7 =	vld.idx.msk [tilespmem:v42+s8+$0x0], $0xffff  }
0x219: {  	v3 =	vadd.f32 v11, v3;
	v1 =	vadd.f32 v13, v1;
	v41 =	vadd.s32 $0x98F, v0;
	v42 =	vld.idx.msk [tilespmem:v44+s2+$0x0], $0xffff  }
0x21a: {  	v5 =	vadd.f32 v12, v5;
	v2 =	vadd.f32 v14, v2;
	v44 =	vld.idx.msk [tilespmem:v45+s2+$0x0], $0xffff;
	v45 =	vadd.s32 $0x991, v0  }
0x21b: {  	v39 =	vld.idx.msk [tilespmem:v39+s8+$0x0], $0xffff;
	v3 =	vadd.f32 v15, v3;
	v1 =	vadd.f32 v17, v1  }
0x21c: {  	v40 =	vld.idx.msk [tilespmem:v40+s8+$0x0], $0xffff;
	v5 =	vadd.f32 v16, v5;
	v2 =	vadd.f32 v18, v2  }
0x21d: {  	v12 =	vld.idx.msk [tilespmem:v43+s2+$0x0], $0xffff;
	v3 =	vadd.f32 v19, v3;
	v1 =	vadd.f32 v21, v1  }
0x21e: {  	v5 =	vadd.f32 v20, v5;
	v2 =	vadd.f32 v22, v2;
	v10 =	vld.idx.msk [tilespmem:v41+s2+$0x0], $0xffff  }
0x21f: {  	v3 =	vadd.f32 v23, v3;
	v1 =	vadd.f32 v25, v1;
	v14 =	vld.idx.msk [tilespmem:v45+s2+$0x0], $0xffff  }
0x220: {  	v5 =	vadd.f32 v24, v5;
	v2 =	vadd.f32 v26, v2;
	v9 =	vld.idx.msk [tilespmem:v9+s8+$0x0], $0xffff  }
0x221: {  	v3 =	vadd.f32 v27, v3;
	v1 =	vadd.f32 v29, v1;
	v6 =	vld.idx.msk [tilespmem:v6+s8+$0x0], $0xffff  }
0x222: {  	v5 =	vadd.f32 v28, v5;
	v2 =	vadd.f32 v30, v2;
	v8 =	vld.idx.msk [tilespmem:v8+s8+$0x0], $0xffff  }
0x223: {  	v11 =	vld.idx.msk [tilespmem:v42+s8+$0x0], $0xffff;
	v3 =	vadd.f32 v31, v3;
	v1 =	vadd.f32 v33, v1  }
0x224: {  	v13 =	vld.idx.msk [tilespmem:v44+s8+$0x0], $0xffff;
	v5 =	vadd.f32 v32, v5;
	v2 =	vadd.f32 v34, v2  }
0x225: {  	v12 =	vld.idx.msk [tilespmem:v12+s8+$0x0], $0xffff;
	v3 =	vadd.f32 v35, v3;
	v1 =	vadd.f32 v37, v1  }
0x226: {  	v5 =	vadd.f32 v36, v5;
	v2 =	vadd.f32 v38, v2;
	v10 =	vld.idx.msk [tilespmem:v10+s8+$0x0], $0xffff  }
0x227: {  	v3 =	vadd.f32 v39, v3;
	v1 =	vadd.f32 v4, v1;
	v14 =	vld.idx.msk [tilespmem:v14+s8+$0x0], $0xffff  }
0x228: {  	v5 =	vadd.f32 v40, v5;
	v2 =	vadd.f32 v7, v2  }
0x229: {  	v3 =	vadd.f32 v9, v3;
	v1 =	vadd.f32 v13, v1  }
0x22a: {  	v11 =	vadd.f32 v11, v5;
	v2 =	vadd.f32 v6, v2  }
0x22b: {  	v3 =	vadd.f32 v8, v3;
	v1 =	vadd.f32 v12, v1  }
0x22c: {  	v4 =	vadd.f32 v10, v11;
	v2 =	vadd.f32 v14, v2;
	_ =	sdelay $0x1  }
0x22d: {  	v1 =	vadd.f32 v2, v1;
	v2 =	vadd.f32 v4, v3;
	_ =	sdelay $0x1  }
0x22e: {  	v1 =	vadd.f32 v1, v2;
	_ =	sdelay $0x1  }
0x22f: {  	v1 =	vsub.f32 $0.0e+00, v1;
	_ =	sdelay $0x1  }
0x230: {  	v1 =	vmul.f32 $1.442695020e+00, v1;
	_ =	sdelay $0x1  }
0x231: {  	(erf) = vpow2.f32 v1;
	_ =	sdelay $0x8  }
0x232: {  	v1 =	vpop (erf)  }
0x233: {  	v1 =	vadd.f32 $1.000000000e+00, v1;
	_ =	sdelay $0x1  }
0x234: {  	(erf) = vrcp.f32 v1;
	_ =	sdelay $0x5  }
0x235: {  	v1 =	vadd.s32 $0xC80, v0  }
0x236: {  	v2 =	vadd.s32 $0xC81, v0  }
0x237: {  	v12 =	vadd.s32 $0xC83, v0  }
0x238: {  	v13 =	vadd.s32 $0xC84, v0;
	v3 =	vpop (erf)  }
0x239: {  	v14 =	vadd.s32 $0xC85, v0;
	[tilespmem:$0x1D30] =	vst v3  }
0x23a: {  	v15 =	vadd.s32 $0xC86, v0;
	v1 =	vld.idx.msk [tilespmem:v1+s2+$0x0], $0xffff  }
0x23b: {  	v16 =	vadd.s32 $0xC87, v0;
	v2 =	vld.idx.msk [tilespmem:v2+s2+$0x0], $0xffff  }
0x23c: {  	v17 =	vadd.s32 $0xC88, v0;
	v4 =	vld.idx.msk [tilespmem:v12+s2+$0x0], $0xffff  }
0x23d: {  	v18 =	vadd.s32 $0xC89, v0;
	v5 =	vld.idx.msk [tilespmem:v13+s2+$0x0], $0xffff  }
0x23e: {  	v19 =	vadd.s32 $0xC8A, v0;
	v6 =	vld.idx.msk [tilespmem:v14+s2+$0x0], $0xffff  }
0x23f: {  	v20 =	vadd.s32 $0xC8B, v0;
	v7 =	vld.idx.msk [tilespmem:v15+s2+$0x0], $0xffff  }
0x240: {  	v21 =	vadd.s32 $0xC8C, v0;
	v8 =	vld.idx.msk [tilespmem:v16+s2+$0x0], $0xffff  }
0x241: {  	v22 =	vadd.s32 $0xC8D, v0;
	v9 =	vld.idx.msk [tilespmem:v17+s2+$0x0], $0xffff  }
0x242: {  	v23 =	vadd.s32 $0xC8E, v0;
	v10 =	vld.idx.msk [tilespmem:v18+s2+$0x0], $0xffff  }
0x243: {  	v24 =	vadd.s32 $0xC8F, v0;
	v11 =	vld.idx.msk [tilespmem:v19+s2+$0x0], $0xffff  }
0x244: {  	v25 =	vadd.s32 $0xC90, v0;
	v12 =	vld.idx.msk [tilespmem:v20+s2+$0x0], $0xffff  }
0x245: {  	v26 =	vadd.s32 $0xC91, v0;
	v13 =	vld.idx.msk [tilespmem:v21+s2+$0x0], $0xffff  }
0x246: {  	v27 =	vadd.s32 $0xC92, v0;
	v14 =	vld.idx.msk [tilespmem:v22+s2+$0x0], $0xffff  }
0x247: {  	v28 =	vadd.s32 $0xC93, v0;
	v15 =	vld.idx.msk [tilespmem:v23+s2+$0x0], $0xffff  }
0x248: {  	v29 =	vadd.s32 $0xC94, v0;
	v16 =	vld.idx.msk [tilespmem:v24+s2+$0x0], $0xffff  }
0x249: {  	v30 =	vadd.s32 $0xC95, v0;
	v17 =	vld.idx.msk [tilespmem:v25+s2+$0x0], $0xffff  }
0x24a: {  	v31 =	vadd.s32 $0xC96, v0;
	v18 =	vld.idx.msk [tilespmem:v26+s2+$0x0], $0xffff  }
0x24b: {  	v32 =	vadd.s32 $0xC97, v0;
	v19 =	vld.idx.msk [tilespmem:v27+s2+$0x0], $0xffff  }
0x24c: {  	v33 =	vadd.s32 $0xC98, v0;
	v20 =	vld.idx.msk [tilespmem:v28+s2+$0x0], $0xffff  }
0x24d: {  	v34 =	vadd.s32 $0xC99, v0;
	v21 =	vld.idx.msk [tilespmem:v29+s2+$0x0], $0xffff  }
0x24e: {  	v35 =	vadd.s32 $0xC9A, v0;
	v22 =	vld.idx.msk [tilespmem:v30+s2+$0x0], $0xffff  }
0x24f: {  	v36 =	vadd.s32 $0xC9B, v0;
	v23 =	vld.idx.msk [tilespmem:v31+s2+$0x0], $0xffff  }
0x250: {  	v37 =	vadd.s32 $0xC9C, v0;
	v24 =	vld.idx.msk [tilespmem:v32+s2+$0x0], $0xffff  }
0x251: {  	v38 =	vadd.s32 $0xC9D, v0;
	v25 =	vld.idx.msk [tilespmem:v33+s2+$0x0], $0xffff  }
0x252: {  	v39 =	vadd.s32 $0xC9E, v0;
	v26 =	vld.idx.msk [tilespmem:v34+s2+$0x0], $0xffff  }
0x253: {  	v40 =	vadd.s32 $0xC9F, v0;
	v27 =	vld.idx.msk [tilespmem:v35+s2+$0x0], $0xffff  }
0x254: {  	v41 =	vadd.s32 $0xCA0, v0;
	v28 =	vld.idx.msk [tilespmem:v36+s2+$0x0], $0xffff  }
0x255: {  	v42 =	vadd.s32 $0xCA1, v0;
	v29 =	vld.idx.msk [tilespmem:v37+s2+$0x0], $0xffff  }
0x256: {  	v43 =	vadd.s32 $0xCA2, v0;
	v30 =	vld.idx.msk [tilespmem:v38+s2+$0x0], $0xffff  }
0x257: {  	v45 =	vadd.s32 $0xCA3, v0;
	v31 =	vld.idx.msk [tilespmem:v39+s2+$0x0], $0xffff  }
0x258: {  	v44 =	vadd.s32 $0xCA4, v0;
	v32 =	vld.idx.msk [tilespmem:v40+s2+$0x0], $0xffff  }
0x259: {  	v3 =	vadd.s32 $0xC82, v0;
	v33 =	vld.idx.msk [tilespmem:v41+s2+$0x0], $0xffff  }
0x25a: {  	v34 =	vld.idx.msk [tilespmem:v42+s2+$0x0], $0xffff;
	v38 =	vadd.s32 $0xCA5, v0  }
0x25b: {  	v39 =	vadd.s32 $0xCA6, v0;
	v35 =	vld.idx.msk [tilespmem:v43+s2+$0x0], $0xffff  }
0x25c: {  	v40 =	vadd.s32 $0xCA7, v0;
	v36 =	vld.idx.msk [tilespmem:v45+s2+$0x0], $0xffff  }
0x25d: {  	v41 =	vadd.s32 $0xCA8, v0;
	v37 =	vld.idx.msk [tilespmem:v44+s2+$0x0], $0xffff  }
0x25e: {  	v45 =	vadd.s32 $0xCA9, v0;
	v3 =	vld.idx.msk [tilespmem:v3+s2+$0x0], $0xffff  }
0x25f: {  	v38 =	vld.idx.msk [tilespmem:v38+s2+$0x0], $0xffff  }
0x260: {  	v39 =	vld.idx.msk [tilespmem:v39+s2+$0x0], $0xffff  }
0x261: {  	v40 =	vld.idx.msk [tilespmem:v40+s2+$0x0], $0xffff  }
0x262: {  	v41 =	vld.idx.msk [tilespmem:v41+s2+$0x0], $0xffff  }
0x263: {  	v42 =	vld.idx.msk [tilespmem:v45+s2+$0x0], $0xffff  }
0x264: {  	v1 =	vld.idx.msk [tilespmem:v1+s8+$0x0], $0xffff  }
0x265: {  	v2 =	vld.idx.msk [tilespmem:v2+s8+$0x0], $0xffff  }
0x266: {  	v4 =	vld.idx.msk [tilespmem:v4+s8+$0x0], $0xffff  }
0x267: {  	v5 =	vld.idx.msk [tilespmem:v5+s8+$0x0], $0xffff  }
0x268: {  	v6 =	vld.idx.msk [tilespmem:v6+s8+$0x0], $0xffff  }
0x269: {  	v7 =	vld.idx.msk [tilespmem:v7+s8+$0x0], $0xffff  }
0x26a: {  	v8 =	vld.idx.msk [tilespmem:v8+s8+$0x0], $0xffff  }
0x26b: {  	v9 =	vld.idx.msk [tilespmem:v9+s8+$0x0], $0xffff  }
0x26c: {  	v10 =	vld.idx.msk [tilespmem:v10+s8+$0x0], $0xffff  }
0x26d: {  	v11 =	vld.idx.msk [tilespmem:v11+s8+$0x0], $0xffff  }
0x26e: {  	v12 =	vld.idx.msk [tilespmem:v12+s8+$0x0], $0xffff  }
0x26f: {  	v13 =	vld.idx.msk [tilespmem:v13+s8+$0x0], $0xffff  }
0x270: {  	v14 =	vld.idx.msk [tilespmem:v14+s8+$0x0], $0xffff  }
0x271: {  	v15 =	vld.idx.msk [tilespmem:v15+s8+$0x0], $0xffff  }
0x272: {  	v16 =	vld.idx.msk [tilespmem:v16+s8+$0x0], $0xffff  }
0x273: {  	v17 =	vld.idx.msk [tilespmem:v17+s8+$0x0], $0xffff  }
0x274: {  	v18 =	vld.idx.msk [tilespmem:v18+s8+$0x0], $0xffff  }
0x275: {  	v19 =	vld.idx.msk [tilespmem:v19+s8+$0x0], $0xffff  }
0x276: {  	v20 =	vld.idx.msk [tilespmem:v20+s8+$0x0], $0xffff  }
0x277: {  	v21 =	vld.idx.msk [tilespmem:v21+s8+$0x0], $0xffff  }
0x278: {  	v22 =	vld.idx.msk [tilespmem:v22+s8+$0x0], $0xffff  }
0x279: {  	v23 =	vld.idx.msk [tilespmem:v23+s8+$0x0], $0xffff  }
0x27a: {  	v24 =	vld.idx.msk [tilespmem:v24+s8+$0x0], $0xffff  }
0x27b: {  	v25 =	vld.idx.msk [tilespmem:v25+s8+$0x0], $0xffff  }
0x27c: {  	v26 =	vld.idx.msk [tilespmem:v26+s8+$0x0], $0xffff  }
0x27d: {  	v27 =	vld.idx.msk [tilespmem:v27+s8+$0x0], $0xffff  }
0x27e: {  	v28 =	vld.idx.msk [tilespmem:v28+s8+$0x0], $0xffff  }
0x27f: {  	v29 =	vld.idx.msk [tilespmem:v29+s8+$0x0], $0xffff  }
0x280: {  	v30 =	vld.idx.msk [tilespmem:v30+s8+$0x0], $0xffff  }
0x281: {  	v31 =	vld.idx.msk [tilespmem:v31+s8+$0x0], $0xffff  }
0x282: {  	v32 =	vld.idx.msk [tilespmem:v32+s8+$0x0], $0xffff  }
0x283: {  	v33 =	vld.idx.msk [tilespmem:v33+s8+$0x0], $0xffff  }
0x284: {  	v34 =	vld.idx.msk [tilespmem:v34+s8+$0x0], $0xffff  }
0x285: {  	v35 =	vld.idx.msk [tilespmem:v35+s8+$0x0], $0xffff  }
0x286: {  	v36 =	vld.idx.msk [tilespmem:v36+s8+$0x0], $0xffff  }
0x287: {  	v3 =	vld.idx.msk [tilespmem:v3+s8+$0x0], $0xffff  }
0x288: {  	v43 =	vadd.s32 $0xCAA, v0;
	v37 =	vld.idx.msk [tilespmem:v37+s8+$0x0], $0xffff  }
0x289: {  	v38 =	vld.idx.msk [tilespmem:v38+s8+$0x0], $0xffff;
	v1 =	vadd.f32 $0.0e+00, v1  }
0x28a: {  	v44 =	vadd.s32 $0xCAB, v0;
	v2 =	vadd.f32 $0.0e+00, v2;
	v39 =	vld.idx.msk [tilespmem:v39+s8+$0x0], $0xffff  }
0x28b: {  	v45 =	vadd.s32 $0xCAC, v0;
	v4 =	vadd.f32 $0.0e+00, v4;
	v40 =	vld.idx.msk [tilespmem:v40+s8+$0x0], $0xffff;
	v1 =	vadd.f32 v5, v1  }
0x28c: {  	v2 =	vadd.f32 v6, v2;
	v5 =	vld.idx.msk [tilespmem:v41+s8+$0x0], $0xffff;
	v6 =	vadd.s32 $0xCAD, v0;
	v3 =	vadd.f32 $0.0e+00, v3  }
0x28d: {  	v4 =	vadd.f32 v8, v4;
	v8 =	vadd.s32 $0xCAE, v0;
	v1 =	vadd.f32 v9, v1;
	v9 =	vld.idx.msk [tilespmem:v43+s2+$0x0], $0xffff  }
0x28e: {  	v41 =	vadd.s32 $0xCAF, v0;
	v2 =	vadd.f32 v10, v2;
	v3 =	vadd.f32 v7, v3;
	v7 =	vld.idx.msk [tilespmem:v42+s8+$0x0], $0xffff  }
0x28f: {  	v4 =	vadd.f32 v12, v4;
	v43 =	vadd.s32 $0xCB0, v0;
	v42 =	vld.idx.msk [tilespmem:v44+s2+$0x0], $0xffff;
	v1 =	vadd.f32 v13, v1  }
0x290: {  	v2 =	vadd.f32 v14, v2;
	v44 =	vld.idx.msk [tilespmem:v45+s2+$0x0], $0xffff;
	v45 =	vadd.s32 $0xCB1, v0;
	v3 =	vadd.f32 v11, v3  }
0x291: {  	v4 =	vadd.f32 v16, v4;
	v6 =	vld.idx.msk [tilespmem:v6+s2+$0x0], $0xffff;
	v1 =	vadd.f32 v17, v1  }
0x292: {  	v8 =	vld.idx.msk [tilespmem:v8+s2+$0x0], $0xffff;
	v2 =	vadd.f32 v18, v2;
	v3 =	vadd.f32 v15, v3  }
0x293: {  	v10 =	vld.idx.msk [tilespmem:v41+s2+$0x0], $0xffff;
	v4 =	vadd.f32 v20, v4;
	v1 =	vadd.f32 v21, v1  }
0x294: {  	v12 =	vld.idx.msk [tilespmem:v43+s2+$0x0], $0xffff;
	v2 =	vadd.f32 v22, v2;
	v3 =	vadd.f32 v19, v3  }
0x295: {  	v4 =	vadd.f32 v24, v4;
	v14 =	vld.idx.msk [tilespmem:v45+s2+$0x0], $0xffff;
	v1 =	vadd.f32 v25, v1  }
0x296: {  	v2 =	vadd.f32 v26, v2;
	v9 =	vld.idx.msk [tilespmem:v9+s8+$0x0], $0xffff;
	v3 =	vadd.f32 v23, v3  }
0x297: {  	v4 =	vadd.f32 v28, v4;
	v11 =	vld.idx.msk [tilespmem:v42+s8+$0x0], $0xffff;
	v1 =	vadd.f32 v29, v1  }
0x298: {  	v2 =	vadd.f32 v30, v2;
	v13 =	vld.idx.msk [tilespmem:v44+s8+$0x0], $0xffff;
	v3 =	vadd.f32 v27, v3  }
0x299: {  	v4 =	vadd.f32 v32, v4;
	v6 =	vld.idx.msk [tilespmem:v6+s8+$0x0], $0xffff;
	v1 =	vadd.f32 v33, v1  }
0x29a: {  	v8 =	vld.idx.msk [tilespmem:v8+s8+$0x0], $0xffff;
	v2 =	vadd.f32 v34, v2;
	v3 =	vadd.f32 v31, v3  }
0x29b: {  	v10 =	vld.idx.msk [tilespmem:v10+s8+$0x0], $0xffff;
	v4 =	vadd.f32 v36, v4;
	v1 =	vadd.f32 v37, v1  }
0x29c: {  	v12 =	vld.idx.msk [tilespmem:v12+s8+$0x0], $0xffff;
	v2 =	vadd.f32 v38, v2;
	v3 =	vadd.f32 v35, v3  }
0x29d: {  	v4 =	vadd.f32 v40, v4;
	v14 =	vld.idx.msk [tilespmem:v14+s8+$0x0], $0xffff;
	v1 =	vadd.f32 v5, v1  }
0x29e: {  	v2 =	vadd.f32 v7, v2;
	v3 =	vadd.f32 v39, v3  }
0x29f: {  	v4 =	vadd.f32 v11, v4;
	v1 =	vadd.f32 v13, v1  }
0x2a0: {  	v2 =	vadd.f32 v6, v2;
	v3 =	vadd.f32 v9, v3  }
0x2a1: {  	v4 =	vadd.f32 v10, v4;
	v1 =	vadd.f32 v12, v1  }
0x2a2: {  	v2 =	vadd.f32 v14, v2;
	v3 =	vadd.f32 v8, v3;
	_ =	sdelay $0x1  }
0x2a3: {  	v1 =	vadd.f32 v2, v1;
	v2 =	vadd.f32 v4, v3;
	_ =	sdelay $0x1  }
0x2a4: {  	v1 =	vadd.f32 v1, v2;
	_ =	sdelay $0x1  }
0x2a5: {  	v1 =	vsub.f32 $0.0e+00, v1;
	_ =	sdelay $0x1  }
0x2a6: {  	v1 =	vmul.f32 $1.442695020e+00, v1;
	_ =	sdelay $0x1  }
0x2a7: {  	(erf) = vpow2.f32 v1;
	_ =	sdelay $0x8  }
0x2a8: {  	v1 =	vpop (erf)  }
0x2a9: {  	v1 =	vadd.f32 $1.000000000e+00, v1;
	_ =	sdelay $0x1  }
0x2aa: {  	(erf) = vrcp.f32 v1;
	_ =	sdelay $0x5  }
0x2ab: {  	v1 =	vadd.s32 $0xFA0, v0  }
0x2ac: {  	v2 =	vadd.s32 $0xFA1, v0  }
0x2ad: {  	v12 =	vadd.s32 $0xFA3, v0  }
0x2ae: {  	v13 =	vadd.s32 $0xFA4, v0;
	v3 =	vpop (erf)  }
0x2af: {  	v14 =	vadd.s32 $0xFA5, v0;
	[tilespmem:$0x1D40] =	vst v3  }
0x2b0: {  	v15 =	vadd.s32 $0xFA6, v0;
	v1 =	vld.idx.msk [tilespmem:v1+s2+$0x0], $0xffff  }
0x2b1: {  	v16 =	vadd.s32 $0xFA7, v0;
	v2 =	vld.idx.msk [tilespmem:v2+s2+$0x0], $0xffff  }
0x2b2: {  	v17 =	vadd.s32 $0xFA8, v0;
	v4 =	vld.idx.msk [tilespmem:v12+s2+$0x0], $0xffff  }
0x2b3: {  	v18 =	vadd.s32 $0xFA9, v0;
	v5 =	vld.idx.msk [tilespmem:v13+s2+$0x0], $0xffff  }
0x2b4: {  	v19 =	vadd.s32 $0xFAA, v0;
	v6 =	vld.idx.msk [tilespmem:v14+s2+$0x0], $0xffff  }
0x2b5: {  	v20 =	vadd.s32 $0xFAB, v0;
	v7 =	vld.idx.msk [tilespmem:v15+s2+$0x0], $0xffff  }
0x2b6: {  	v21 =	vadd.s32 $0xFAC, v0;
	v8 =	vld.idx.msk [tilespmem:v16+s2+$0x0], $0xffff  }
0x2b7: {  	v22 =	vadd.s32 $0xFAD, v0;
	v9 =	vld.idx.msk [tilespmem:v17+s2+$0x0], $0xffff  }
0x2b8: {  	v23 =	vadd.s32 $0xFAE, v0;
	v10 =	vld.idx.msk [tilespmem:v18+s2+$0x0], $0xffff  }
0x2b9: {  	v24 =	vadd.s32 $0xFAF, v0;
	v11 =	vld.idx.msk [tilespmem:v19+s2+$0x0], $0xffff  }
0x2ba: {  	v25 =	vadd.s32 $0xFB0, v0;
	v12 =	vld.idx.msk [tilespmem:v20+s2+$0x0], $0xffff  }
0x2bb: {  	v26 =	vadd.s32 $0xFB1, v0;
	v13 =	vld.idx.msk [tilespmem:v21+s2+$0x0], $0xffff  }
0x2bc: {  	v27 =	vadd.s32 $0xFB2, v0;
	v14 =	vld.idx.msk [tilespmem:v22+s2+$0x0], $0xffff  }
0x2bd: {  	v28 =	vadd.s32 $0xFB3, v0;
	v15 =	vld.idx.msk [tilespmem:v23+s2+$0x0], $0xffff  }
0x2be: {  	v29 =	vadd.s32 $0xFB4, v0;
	v16 =	vld.idx.msk [tilespmem:v24+s2+$0x0], $0xffff  }
0x2bf: {  	v30 =	vadd.s32 $0xFB5, v0;
	v17 =	vld.idx.msk [tilespmem:v25+s2+$0x0], $0xffff  }
0x2c0: {  	v31 =	vadd.s32 $0xFB6, v0;
	v18 =	vld.idx.msk [tilespmem:v26+s2+$0x0], $0xffff  }
0x2c1: {  	v32 =	vadd.s32 $0xFB7, v0;
	v19 =	vld.idx.msk [tilespmem:v27+s2+$0x0], $0xffff  }
0x2c2: {  	v33 =	vadd.s32 $0xFB8, v0;
	v20 =	vld.idx.msk [tilespmem:v28+s2+$0x0], $0xffff  }
0x2c3: {  	v34 =	vadd.s32 $0xFB9, v0;
	v21 =	vld.idx.msk [tilespmem:v29+s2+$0x0], $0xffff  }
0x2c4: {  	v35 =	vadd.s32 $0xFBA, v0;
	v22 =	vld.idx.msk [tilespmem:v30+s2+$0x0], $0xffff  }
0x2c5: {  	v36 =	vadd.s32 $0xFBB, v0;
	v23 =	vld.idx.msk [tilespmem:v31+s2+$0x0], $0xffff  }
0x2c6: {  	v37 =	vadd.s32 $0xFBC, v0;
	v24 =	vld.idx.msk [tilespmem:v32+s2+$0x0], $0xffff  }
0x2c7: {  	v38 =	vadd.s32 $0xFBD, v0;
	v25 =	vld.idx.msk [tilespmem:v33+s2+$0x0], $0xffff  }
0x2c8: {  	v39 =	vadd.s32 $0xFBE, v0;
	v26 =	vld.idx.msk [tilespmem:v34+s2+$0x0], $0xffff  }
0x2c9: {  	v40 =	vadd.s32 $0xFBF, v0;
	v27 =	vld.idx.msk [tilespmem:v35+s2+$0x0], $0xffff  }
0x2ca: {  	v41 =	vadd.s32 $0xFC0, v0;
	v28 =	vld.idx.msk [tilespmem:v36+s2+$0x0], $0xffff  }
0x2cb: {  	v42 =	vadd.s32 $0xFC1, v0;
	v29 =	vld.idx.msk [tilespmem:v37+s2+$0x0], $0xffff  }
0x2cc: {  	v43 =	vadd.s32 $0xFC2, v0;
	v30 =	vld.idx.msk [tilespmem:v38+s2+$0x0], $0xffff  }
0x2cd: {  	v45 =	vadd.s32 $0xFC3, v0;
	v31 =	vld.idx.msk [tilespmem:v39+s2+$0x0], $0xffff  }
0x2ce: {  	v44 =	vadd.s32 $0xFC4, v0;
	v32 =	vld.idx.msk [tilespmem:v40+s2+$0x0], $0xffff  }
0x2cf: {  	v3 =	vadd.s32 $0xFA2, v0;
	v33 =	vld.idx.msk [tilespmem:v41+s2+$0x0], $0xffff  }
0x2d0: {  	v34 =	vld.idx.msk [tilespmem:v42+s2+$0x0], $0xffff;
	v38 =	vadd.s32 $0xFC5, v0  }
0x2d1: {  	v39 =	vadd.s32 $0xFC6, v0;
	v35 =	vld.idx.msk [tilespmem:v43+s2+$0x0], $0xffff  }
0x2d2: {  	v40 =	vadd.s32 $0xFC7, v0;
	v36 =	vld.idx.msk [tilespmem:v45+s2+$0x0], $0xffff  }
0x2d3: {  	v41 =	vadd.s32 $0xFC8, v0;
	v37 =	vld.idx.msk [tilespmem:v44+s2+$0x0], $0xffff  }
0x2d4: {  	v45 =	vadd.s32 $0xFC9, v0;
	v3 =	vld.idx.msk [tilespmem:v3+s2+$0x0], $0xffff  }
0x2d5: {  	v38 =	vld.idx.msk [tilespmem:v38+s2+$0x0], $0xffff  }
0x2d6: {  	v39 =	vld.idx.msk [tilespmem:v39+s2+$0x0], $0xffff  }
0x2d7: {  	v40 =	vld.idx.msk [tilespmem:v40+s2+$0x0], $0xffff  }
0x2d8: {  	v41 =	vld.idx.msk [tilespmem:v41+s2+$0x0], $0xffff  }
0x2d9: {  	v42 =	vld.idx.msk [tilespmem:v45+s2+$0x0], $0xffff  }
0x2da: {  	v1 =	vld.idx.msk [tilespmem:v1+s8+$0x0], $0xffff  }
0x2db: {  	v2 =	vld.idx.msk [tilespmem:v2+s8+$0x0], $0xffff  }
0x2dc: {  	v4 =	vld.idx.msk [tilespmem:v4+s8+$0x0], $0xffff  }
0x2dd: {  	v5 =	vld.idx.msk [tilespmem:v5+s8+$0x0], $0xffff  }
0x2de: {  	v6 =	vld.idx.msk [tilespmem:v6+s8+$0x0], $0xffff  }
0x2df: {  	v7 =	vld.idx.msk [tilespmem:v7+s8+$0x0], $0xffff  }
0x2e0: {  	v8 =	vld.idx.msk [tilespmem:v8+s8+$0x0], $0xffff  }
0x2e1: {  	v9 =	vld.idx.msk [tilespmem:v9+s8+$0x0], $0xffff  }
0x2e2: {  	v10 =	vld.idx.msk [tilespmem:v10+s8+$0x0], $0xffff  }
0x2e3: {  	v11 =	vld.idx.msk [tilespmem:v11+s8+$0x0], $0xffff  }
0x2e4: {  	v12 =	vld.idx.msk [tilespmem:v12+s8+$0x0], $0xffff  }
0x2e5: {  	v13 =	vld.idx.msk [tilespmem:v13+s8+$0x0], $0xffff  }
0x2e6: {  	v14 =	vld.idx.msk [tilespmem:v14+s8+$0x0], $0xffff  }
0x2e7: {  	v15 =	vld.idx.msk [tilespmem:v15+s8+$0x0], $0xffff  }
0x2e8: {  	v16 =	vld.idx.msk [tilespmem:v16+s8+$0x0], $0xffff  }
0x2e9: {  	v17 =	vld.idx.msk [tilespmem:v17+s8+$0x0], $0xffff  }
0x2ea: {  	v18 =	vld.idx.msk [tilespmem:v18+s8+$0x0], $0xffff  }
0x2eb: {  	v19 =	vld.idx.msk [tilespmem:v19+s8+$0x0], $0xffff  }
0x2ec: {  	v20 =	vld.idx.msk [tilespmem:v20+s8+$0x0], $0xffff  }
0x2ed: {  	v21 =	vld.idx.msk [tilespmem:v21+s8+$0x0], $0xffff  }
0x2ee: {  	v22 =	vld.idx.msk [tilespmem:v22+s8+$0x0], $0xffff  }
0x2ef: {  	v23 =	vld.idx.msk [tilespmem:v23+s8+$0x0], $0xffff  }
0x2f0: {  	v24 =	vld.idx.msk [tilespmem:v24+s8+$0x0], $0xffff  }
0x2f1: {  	v25 =	vld.idx.msk [tilespmem:v25+s8+$0x0], $0xffff  }
0x2f2: {  	v26 =	vld.idx.msk [tilespmem:v26+s8+$0x0], $0xffff  }
0x2f3: {  	v27 =	vld.idx.msk [tilespmem:v27+s8+$0x0], $0xffff  }
0x2f4: {  	v28 =	vld.idx.msk [tilespmem:v28+s8+$0x0], $0xffff  }
0x2f5: {  	v29 =	vld.idx.msk [tilespmem:v29+s8+$0x0], $0xffff  }
0x2f6: {  	v30 =	vld.idx.msk [tilespmem:v30+s8+$0x0], $0xffff  }
0x2f7: {  	v31 =	vld.idx.msk [tilespmem:v31+s8+$0x0], $0xffff  }
0x2f8: {  	v32 =	vld.idx.msk [tilespmem:v32+s8+$0x0], $0xffff  }
0x2f9: {  	v33 =	vld.idx.msk [tilespmem:v33+s8+$0x0], $0xffff  }
0x2fa: {  	v34 =	vld.idx.msk [tilespmem:v34+s8+$0x0], $0xffff  }
0x2fb: {  	v35 =	vld.idx.msk [tilespmem:v35+s8+$0x0], $0xffff  }
0x2fc: {  	v36 =	vld.idx.msk [tilespmem:v36+s8+$0x0], $0xffff  }
0x2fd: {  	v3 =	vld.idx.msk [tilespmem:v3+s8+$0x0], $0xffff  }
0x2fe: {  	v43 =	vadd.s32 $0xFCA, v0;
	v37 =	vld.idx.msk [tilespmem:v37+s8+$0x0], $0xffff  }
0x2ff: {  	v38 =	vld.idx.msk [tilespmem:v38+s8+$0x0], $0xffff;
	v1 =	vadd.f32 $0.0e+00, v1  }
0x300: {  	v44 =	vadd.s32 $0xFCB, v0;
	v2 =	vadd.f32 $0.0e+00, v2;
	v39 =	vld.idx.msk [tilespmem:v39+s8+$0x0], $0xffff  }
0x301: {  	v45 =	vadd.s32 $0xFCC, v0;
	v4 =	vadd.f32 $0.0e+00, v4;
	v40 =	vld.idx.msk [tilespmem:v40+s8+$0x0], $0xffff;
	v1 =	vadd.f32 v5, v1  }
0x302: {  	v2 =	vadd.f32 v6, v2;
	v5 =	vld.idx.msk [tilespmem:v41+s8+$0x0], $0xffff;
	v6 =	vadd.s32 $0xFCD, v0;
	v3 =	vadd.f32 $0.0e+00, v3  }
0x303: {  	v4 =	vadd.f32 v8, v4;
	v8 =	vadd.s32 $0xFCE, v0;
	v1 =	vadd.f32 v9, v1;
	v9 =	vld.idx.msk [tilespmem:v43+s2+$0x0], $0xffff  }
0x304: {  	v41 =	vadd.s32 $0xFCF, v0;
	v2 =	vadd.f32 v10, v2;
	v3 =	vadd.f32 v7, v3;
	v7 =	vld.idx.msk [tilespmem:v42+s8+$0x0], $0xffff  }
0x305: {  	v4 =	vadd.f32 v12, v4;
	v43 =	vadd.s32 $0xFD0, v0;
	v42 =	vld.idx.msk [tilespmem:v44+s2+$0x0], $0xffff;
	v1 =	vadd.f32 v13, v1  }
0x306: {  	v2 =	vadd.f32 v14, v2;
	v44 =	vld.idx.msk [tilespmem:v45+s2+$0x0], $0xffff;
	v45 =	vadd.s32 $0xFD1, v0;
	v3 =	vadd.f32 v11, v3  }
0x307: {  	v4 =	vadd.f32 v16, v4;
	v6 =	vld.idx.msk [tilespmem:v6+s2+$0x0], $0xffff;
	v1 =	vadd.f32 v17, v1  }
0x308: {  	v8 =	vld.idx.msk [tilespmem:v8+s2+$0x0], $0xffff;
	v2 =	vadd.f32 v18, v2;
	v3 =	vadd.f32 v15, v3  }
0x309: {  	v10 =	vld.idx.msk [tilespmem:v41+s2+$0x0], $0xffff;
	v4 =	vadd.f32 v20, v4;
	v1 =	vadd.f32 v21, v1  }
0x30a: {  	v12 =	vld.idx.msk [tilespmem:v43+s2+$0x0], $0xffff;
	v2 =	vadd.f32 v22, v2;
	v3 =	vadd.f32 v19, v3  }
0x30b: {  	v4 =	vadd.f32 v24, v4;
	v14 =	vld.idx.msk [tilespmem:v45+s2+$0x0], $0xffff;
	v1 =	vadd.f32 v25, v1  }
0x30c: {  	v2 =	vadd.f32 v26, v2;
	v9 =	vld.idx.msk [tilespmem:v9+s8+$0x0], $0xffff;
	v3 =	vadd.f32 v23, v3  }
0x30d: {  	v4 =	vadd.f32 v28, v4;
	v11 =	vld.idx.msk [tilespmem:v42+s8+$0x0], $0xffff;
	v1 =	vadd.f32 v29, v1  }
0x30e: {  	v2 =	vadd.f32 v30, v2;
	v13 =	vld.idx.msk [tilespmem:v44+s8+$0x0], $0xffff;
	v3 =	vadd.f32 v27, v3  }
0x30f: {  	v4 =	vadd.f32 v32, v4;
	v6 =	vld.idx.msk [tilespmem:v6+s8+$0x0], $0xffff;
	v1 =	vadd.f32 v33, v1  }
0x310: {  	v8 =	vld.idx.msk [tilespmem:v8+s8+$0x0], $0xffff;
	v2 =	vadd.f32 v34, v2;
	v3 =	vadd.f32 v31, v3  }
0x311: {  	v10 =	vld.idx.msk [tilespmem:v10+s8+$0x0], $0xffff;
	v4 =	vadd.f32 v36, v4;
	v1 =	vadd.f32 v37, v1  }
0x312: {  	v12 =	vld.idx.msk [tilespmem:v12+s8+$0x0], $0xffff;
	v2 =	vadd.f32 v38, v2;
	v3 =	vadd.f32 v35, v3  }
0x313: {  	v4 =	vadd.f32 v40, v4;
	v14 =	vld.idx.msk [tilespmem:v14+s8+$0x0], $0xffff;
	v1 =	vadd.f32 v5, v1  }
0x314: {  	v2 =	vadd.f32 v7, v2;
	v3 =	vadd.f32 v39, v3  }
0x315: {  	v4 =	vadd.f32 v11, v4;
	v1 =	vadd.f32 v13, v1  }
0x316: {  	v2 =	vadd.f32 v6, v2;
	v3 =	vadd.f32 v9, v3  }
0x317: {  	v4 =	vadd.f32 v10, v4;
	v1 =	vadd.f32 v12, v1  }
0x318: {  	v2 =	vadd.f32 v14, v2;
	v3 =	vadd.f32 v8, v3;
	_ =	sdelay $0x1  }
0x319: {  	v1 =	vadd.f32 v2, v1;
	v2 =	vadd.f32 v4, v3;
	_ =	sdelay $0x1  }
0x31a: {  	v1 =	vadd.f32 v1, v2;
	_ =	sdelay $0x1  }
0x31b: {  	v1 =	vsub.f32 $0.0e+00, v1;
	_ =	sdelay $0x1  }
0x31c: {  	v1 =	vmul.f32 $1.442695020e+00, v1;
	_ =	sdelay $0x1  }
0x31d: {  	(erf) = vpow2.f32 v1;
	_ =	sdelay $0x8  }
0x31e: {  	v1 =	vpop (erf)  }
0x31f: {  	v1 =	vadd.f32 $1.000000000e+00, v1;
	_ =	sdelay $0x1  }
0x320: {  	(erf) = vrcp.f32 v1;
	_ =	sdelay $0x5  }
0x321: {  	v1 =	vadd.s32 $0x12C0, v0  }
0x322: {  	v2 =	vadd.s32 $0x12C1, v0  }
0x323: {  	v12 =	vadd.s32 $0x12C3, v0  }
0x324: {  	v13 =	vadd.s32 $0x12C4, v0;
	v3 =	vpop (erf)  }
0x325: {  	v14 =	vadd.s32 $0x12C5, v0;
	[tilespmem:$0x1D50] =	vst v3  }
0x326: {  	v15 =	vadd.s32 $0x12C6, v0;
	v1 =	vld.idx.msk [tilespmem:v1+s2+$0x0], $0xffff  }
0x327: {  	v16 =	vadd.s32 $0x12C7, v0;
	v2 =	vld.idx.msk [tilespmem:v2+s2+$0x0], $0xffff  }
0x328: {  	v17 =	vadd.s32 $0x12C8, v0;
	v4 =	vld.idx.msk [tilespmem:v12+s2+$0x0], $0xffff  }
0x329: {  	v18 =	vadd.s32 $0x12C9, v0;
	v5 =	vld.idx.msk [tilespmem:v13+s2+$0x0], $0xffff  }
0x32a: {  	v19 =	vadd.s32 $0x12CA, v0;
	v6 =	vld.idx.msk [tilespmem:v14+s2+$0x0], $0xffff  }
0x32b: {  	v20 =	vadd.s32 $0x12CB, v0;
	v7 =	vld.idx.msk [tilespmem:v15+s2+$0x0], $0xffff  }
0x32c: {  	v21 =	vadd.s32 $0x12CC, v0;
	v8 =	vld.idx.msk [tilespmem:v16+s2+$0x0], $0xffff  }
0x32d: {  	v22 =	vadd.s32 $0x12CD, v0;
	v9 =	vld.idx.msk [tilespmem:v17+s2+$0x0], $0xffff  }
0x32e: {  	v23 =	vadd.s32 $0x12CE, v0;
	v10 =	vld.idx.msk [tilespmem:v18+s2+$0x0], $0xffff  }
0x32f: {  	v24 =	vadd.s32 $0x12CF, v0;
	v11 =	vld.idx.msk [tilespmem:v19+s2+$0x0], $0xffff  }
0x330: {  	v25 =	vadd.s32 $0x12D0, v0;
	v12 =	vld.idx.msk [tilespmem:v20+s2+$0x0], $0xffff  }
0x331: {  	v26 =	vadd.s32 $0x12D1, v0;
	v13 =	vld.idx.msk [tilespmem:v21+s2+$0x0], $0xffff  }
0x332: {  	v27 =	vadd.s32 $0x12D2, v0;
	v14 =	vld.idx.msk [tilespmem:v22+s2+$0x0], $0xffff  }
0x333: {  	v28 =	vadd.s32 $0x12D3, v0;
	v15 =	vld.idx.msk [tilespmem:v23+s2+$0x0], $0xffff  }
0x334: {  	v29 =	vadd.s32 $0x12D4, v0;
	v16 =	vld.idx.msk [tilespmem:v24+s2+$0x0], $0xffff  }
0x335: {  	v30 =	vadd.s32 $0x12D5, v0;
	v17 =	vld.idx.msk [tilespmem:v25+s2+$0x0], $0xffff  }
0x336: {  	v31 =	vadd.s32 $0x12D6, v0;
	v18 =	vld.idx.msk [tilespmem:v26+s2+$0x0], $0xffff  }
0x337: {  	v32 =	vadd.s32 $0x12D7, v0;
	v19 =	vld.idx.msk [tilespmem:v27+s2+$0x0], $0xffff  }
0x338: {  	v33 =	vadd.s32 $0x12D8, v0;
	v20 =	vld.idx.msk [tilespmem:v28+s2+$0x0], $0xffff  }
0x339: {  	v34 =	vadd.s32 $0x12D9, v0;
	v21 =	vld.idx.msk [tilespmem:v29+s2+$0x0], $0xffff  }
0x33a: {  	v35 =	vadd.s32 $0x12DA, v0;
	v22 =	vld.idx.msk [tilespmem:v30+s2+$0x0], $0xffff  }
0x33b: {  	v36 =	vadd.s32 $0x12DB, v0;
	v23 =	vld.idx.msk [tilespmem:v31+s2+$0x0], $0xffff  }
0x33c: {  	v37 =	vadd.s32 $0x12DC, v0;
	v24 =	vld.idx.msk [tilespmem:v32+s2+$0x0], $0xffff  }
0x33d: {  	v38 =	vadd.s32 $0x12DD, v0;
	v25 =	vld.idx.msk [tilespmem:v33+s2+$0x0], $0xffff  }
0x33e: {  	v39 =	vadd.s32 $0x12DE, v0;
	v26 =	vld.idx.msk [tilespmem:v34+s2+$0x0], $0xffff  }
0x33f: {  	v40 =	vadd.s32 $0x12DF, v0;
	v27 =	vld.idx.msk [tilespmem:v35+s2+$0x0], $0xffff  }
0x340: {  	v41 =	vadd.s32 $0x12E0, v0;
	v28 =	vld.idx.msk [tilespmem:v36+s2+$0x0], $0xffff  }
0x341: {  	v42 =	vadd.s32 $0x12E1, v0;
	v29 =	vld.idx.msk [tilespmem:v37+s2+$0x0], $0xffff  }
0x342: {  	v43 =	vadd.s32 $0x12E2, v0;
	v30 =	vld.idx.msk [tilespmem:v38+s2+$0x0], $0xffff  }
0x343: {  	v45 =	vadd.s32 $0x12E3, v0;
	v31 =	vld.idx.msk [tilespmem:v39+s2+$0x0], $0xffff  }
0x344: {  	v44 =	vadd.s32 $0x12E4, v0;
	v32 =	vld.idx.msk [tilespmem:v40+s2+$0x0], $0xffff  }
0x345: {  	v3 =	vadd.s32 $0x12C2, v0;
	v33 =	vld.idx.msk [tilespmem:v41+s2+$0x0], $0xffff  }
0x346: {  	v34 =	vld.idx.msk [tilespmem:v42+s2+$0x0], $0xffff;
	v38 =	vadd.s32 $0x12E5, v0  }
0x347: {  	v39 =	vadd.s32 $0x12E6, v0;
	v35 =	vld.idx.msk [tilespmem:v43+s2+$0x0], $0xffff  }
0x348: {  	v40 =	vadd.s32 $0x12E7, v0;
	v36 =	vld.idx.msk [tilespmem:v45+s2+$0x0], $0xffff  }
0x349: {  	v41 =	vadd.s32 $0x12E8, v0;
	v37 =	vld.idx.msk [tilespmem:v44+s2+$0x0], $0xffff  }
0x34a: {  	v45 =	vadd.s32 $0x12E9, v0;
	v3 =	vld.idx.msk [tilespmem:v3+s2+$0x0], $0xffff  }
0x34b: {  	v38 =	vld.idx.msk [tilespmem:v38+s2+$0x0], $0xffff  }
0x34c: {  	v39 =	vld.idx.msk [tilespmem:v39+s2+$0x0], $0xffff  }
0x34d: {  	v40 =	vld.idx.msk [tilespmem:v40+s2+$0x0], $0xffff  }
0x34e: {  	v41 =	vld.idx.msk [tilespmem:v41+s2+$0x0], $0xffff  }
0x34f: {  	v42 =	vld.idx.msk [tilespmem:v45+s2+$0x0], $0xffff  }
0x350: {  	v1 =	vld.idx.msk [tilespmem:v1+s8+$0x0], $0xffff  }
0x351: {  	v2 =	vld.idx.msk [tilespmem:v2+s8+$0x0], $0xffff  }
0x352: {  	v4 =	vld.idx.msk [tilespmem:v4+s8+$0x0], $0xffff  }
0x353: {  	v5 =	vld.idx.msk [tilespmem:v5+s8+$0x0], $0xffff  }
0x354: {  	v6 =	vld.idx.msk [tilespmem:v6+s8+$0x0], $0xffff  }
0x355: {  	v7 =	vld.idx.msk [tilespmem:v7+s8+$0x0], $0xffff  }
0x356: {  	v8 =	vld.idx.msk [tilespmem:v8+s8+$0x0], $0xffff  }
0x357: {  	v9 =	vld.idx.msk [tilespmem:v9+s8+$0x0], $0xffff  }
0x358: {  	v10 =	vld.idx.msk [tilespmem:v10+s8+$0x0], $0xffff  }
0x359: {  	v11 =	vld.idx.msk [tilespmem:v11+s8+$0x0], $0xffff  }
0x35a: {  	v12 =	vld.idx.msk [tilespmem:v12+s8+$0x0], $0xffff  }
0x35b: {  	v13 =	vld.idx.msk [tilespmem:v13+s8+$0x0], $0xffff  }
0x35c: {  	v14 =	vld.idx.msk [tilespmem:v14+s8+$0x0], $0xffff  }
0x35d: {  	v15 =	vld.idx.msk [tilespmem:v15+s8+$0x0], $0xffff  }
0x35e: {  	v16 =	vld.idx.msk [tilespmem:v16+s8+$0x0], $0xffff  }
0x35f: {  	v17 =	vld.idx.msk [tilespmem:v17+s8+$0x0], $0xffff  }
0x360: {  	v18 =	vld.idx.msk [tilespmem:v18+s8+$0x0], $0xffff  }
0x361: {  	v19 =	vld.idx.msk [tilespmem:v19+s8+$0x0], $0xffff  }
0x362: {  	v20 =	vld.idx.msk [tilespmem:v20+s8+$0x0], $0xffff  }
0x363: {  	v21 =	vld.idx.msk [tilespmem:v21+s8+$0x0], $0xffff  }
0x364: {  	v22 =	vld.idx.msk [tilespmem:v22+s8+$0x0], $0xffff  }
0x365: {  	v23 =	vld.idx.msk [tilespmem:v23+s8+$0x0], $0xffff  }
0x366: {  	v24 =	vld.idx.msk [tilespmem:v24+s8+$0x0], $0xffff  }
0x367: {  	v25 =	vld.idx.msk [tilespmem:v25+s8+$0x0], $0xffff  }
0x368: {  	v26 =	vld.idx.msk [tilespmem:v26+s8+$0x0], $0xffff  }
0x369: {  	v27 =	vld.idx.msk [tilespmem:v27+s8+$0x0], $0xffff  }
0x36a: {  	v28 =	vld.idx.msk [tilespmem:v28+s8+$0x0], $0xffff  }
0x36b: {  	v29 =	vld.idx.msk [tilespmem:v29+s8+$0x0], $0xffff  }
0x36c: {  	v30 =	vld.idx.msk [tilespmem:v30+s8+$0x0], $0xffff  }
0x36d: {  	v31 =	vld.idx.msk [tilespmem:v31+s8+$0x0], $0xffff  }
0x36e: {  	v32 =	vld.idx.msk [tilespmem:v32+s8+$0x0], $0xffff  }
0x36f: {  	v33 =	vld.idx.msk [tilespmem:v33+s8+$0x0], $0xffff  }
0x370: {  	v34 =	vld.idx.msk [tilespmem:v34+s8+$0x0], $0xffff  }
0x371: {  	v35 =	vld.idx.msk [tilespmem:v35+s8+$0x0], $0xffff  }
0x372: {  	v36 =	vld.idx.msk [tilespmem:v36+s8+$0x0], $0xffff  }
0x373: {  	v3 =	vld.idx.msk [tilespmem:v3+s8+$0x0], $0xffff  }
0x374: {  	v43 =	vadd.s32 $0x12EA, v0;
	v37 =	vld.idx.msk [tilespmem:v37+s8+$0x0], $0xffff  }
0x375: {  	v38 =	vld.idx.msk [tilespmem:v38+s8+$0x0], $0xffff;
	v1 =	vadd.f32 $0.0e+00, v1  }
0x376: {  	v44 =	vadd.s32 $0x12EB, v0;
	v2 =	vadd.f32 $0.0e+00, v2;
	v39 =	vld.idx.msk [tilespmem:v39+s8+$0x0], $0xffff  }
0x377: {  	v45 =	vadd.s32 $0x12EC, v0;
	v4 =	vadd.f32 $0.0e+00, v4;
	v40 =	vld.idx.msk [tilespmem:v40+s8+$0x0], $0xffff;
	v1 =	vadd.f32 v5, v1  }
0x378: {  	v2 =	vadd.f32 v6, v2;
	v5 =	vld.idx.msk [tilespmem:v41+s8+$0x0], $0xffff;
	v6 =	vadd.s32 $0x12ED, v0;
	v3 =	vadd.f32 $0.0e+00, v3  }
0x379: {  	v4 =	vadd.f32 v8, v4;
	v8 =	vadd.s32 $0x12EE, v0;
	v1 =	vadd.f32 v9, v1;
	v9 =	vld.idx.msk [tilespmem:v43+s2+$0x0], $0xffff  }
0x37a: {  	v41 =	vadd.s32 $0x12EF, v0;
	v2 =	vadd.f32 v10, v2;
	v3 =	vadd.f32 v7, v3;
	v7 =	vld.idx.msk [tilespmem:v42+s8+$0x0], $0xffff  }
0x37b: {  	v4 =	vadd.f32 v12, v4;
	v43 =	vadd.s32 $0x12F0, v0;
	v42 =	vld.idx.msk [tilespmem:v44+s2+$0x0], $0xffff;
	v1 =	vadd.f32 v13, v1  }
0x37c: {  	v2 =	vadd.f32 v14, v2;
	v44 =	vld.idx.msk [tilespmem:v45+s2+$0x0], $0xffff;
	v45 =	vadd.s32 $0x12F1, v0;
	v3 =	vadd.f32 v11, v3  }
0x37d: {  	v4 =	vadd.f32 v16, v4;
	v6 =	vld.idx.msk [tilespmem:v6+s2+$0x0], $0xffff;
	v1 =	vadd.f32 v17, v1  }
0x37e: {  	v8 =	vld.idx.msk [tilespmem:v8+s2+$0x0], $0xffff;
	v2 =	vadd.f32 v18, v2;
	v3 =	vadd.f32 v15, v3  }
0x37f: {  	v10 =	vld.idx.msk [tilespmem:v41+s2+$0x0], $0xffff;
	v4 =	vadd.f32 v20, v4;
	v1 =	vadd.f32 v21, v1  }
0x380: {  	v12 =	vld.idx.msk [tilespmem:v43+s2+$0x0], $0xffff;
	v2 =	vadd.f32 v22, v2;
	v3 =	vadd.f32 v19, v3  }
0x381: {  	v4 =	vadd.f32 v24, v4;
	v14 =	vld.idx.msk [tilespmem:v45+s2+$0x0], $0xffff;
	v1 =	vadd.f32 v25, v1  }
0x382: {  	v2 =	vadd.f32 v26, v2;
	v9 =	vld.idx.msk [tilespmem:v9+s8+$0x0], $0xffff;
	v3 =	vadd.f32 v23, v3  }
0x383: {  	v4 =	vadd.f32 v28, v4;
	v11 =	vld.idx.msk [tilespmem:v42+s8+$0x0], $0xffff;
	v1 =	vadd.f32 v29, v1  }
0x384: {  	v2 =	vadd.f32 v30, v2;
	v13 =	vld.idx.msk [tilespmem:v44+s8+$0x0], $0xffff;
	v3 =	vadd.f32 v27, v3  }
0x385: {  	v4 =	vadd.f32 v32, v4;
	v6 =	vld.idx.msk [tilespmem:v6+s8+$0x0], $0xffff;
	v1 =	vadd.f32 v33, v1  }
0x386: {  	v8 =	vld.idx.msk [tilespmem:v8+s8+$0x0], $0xffff;
	v2 =	vadd.f32 v34, v2;
	v3 =	vadd.f32 v31, v3  }
0x387: {  	v10 =	vld.idx.msk [tilespmem:v10+s8+$0x0], $0xffff;
	v4 =	vadd.f32 v36, v4;
	v1 =	vadd.f32 v37, v1  }
0x388: {  	v12 =	vld.idx.msk [tilespmem:v12+s8+$0x0], $0xffff;
	v2 =	vadd.f32 v38, v2;
	v3 =	vadd.f32 v35, v3  }
0x389: {  	v4 =	vadd.f32 v40, v4;
	v14 =	vld.idx.msk [tilespmem:v14+s8+$0x0], $0xffff;
	v1 =	vadd.f32 v5, v1  }
0x38a: {  	v2 =	vadd.f32 v7, v2;
	v3 =	vadd.f32 v39, v3  }
0x38b: {  	v4 =	vadd.f32 v11, v4;
	v1 =	vadd.f32 v13, v1  }
0x38c: {  	v2 =	vadd.f32 v6, v2;
	v3 =	vadd.f32 v9, v3  }
0x38d: {  	v4 =	vadd.f32 v10, v4;
	v1 =	vadd.f32 v12, v1  }
0x38e: {  	v2 =	vadd.f32 v14, v2;
	v3 =	vadd.f32 v8, v3;
	_ =	sdelay $0x1  }
0x38f: {  	v1 =	vadd.f32 v2, v1;
	v2 =	vadd.f32 v4, v3;
	_ =	sdelay $0x1  }
0x390: {  	v1 =	vadd.f32 v1, v2;
	_ =	sdelay $0x1  }
0x391: {  	v1 =	vsub.f32 $0.0e+00, v1;
	_ =	sdelay $0x1  }
0x392: {  	v1 =	vmul.f32 $1.442695020e+00, v1;
	_ =	sdelay $0x1  }
0x393: {  	(erf) = vpow2.f32 v1;
	_ =	sdelay $0x8  }
0x394: {  	v1 =	vpop (erf)  }
0x395: {  	v1 =	vadd.f32 $1.000000000e+00, v1;
	_ =	sdelay $0x1  }
0x396: {  	(erf) = vrcp.f32 v1;
	_ =	sdelay $0x5  }
0x397: {  	v1 =	vadd.s32 $0x15E0, v0  }
0x398: {  	v2 =	vadd.s32 $0x15E1, v0  }
0x399: {  	v12 =	vadd.s32 $0x15E3, v0  }
0x39a: {  	v13 =	vadd.s32 $0x15E4, v0;
	v3 =	vpop (erf)  }
0x39b: {  	v14 =	vadd.s32 $0x15E5, v0;
	[tilespmem:$0x1D60] =	vst v3  }
0x39c: {  	v15 =	vadd.s32 $0x15E6, v0;
	v1 =	vld.idx.msk [tilespmem:v1+s2+$0x0], $0xffff  }
0x39d: {  	v16 =	vadd.s32 $0x15E7, v0;
	v2 =	vld.idx.msk [tilespmem:v2+s2+$0x0], $0xffff  }
0x39e: {  	v17 =	vadd.s32 $0x15E8, v0;
	v4 =	vld.idx.msk [tilespmem:v12+s2+$0x0], $0xffff  }
0x39f: {  	v18 =	vadd.s32 $0x15E9, v0;
	v5 =	vld.idx.msk [tilespmem:v13+s2+$0x0], $0xffff  }
0x3a0: {  	v19 =	vadd.s32 $0x15EA, v0;
	v6 =	vld.idx.msk [tilespmem:v14+s2+$0x0], $0xffff  }
0x3a1: {  	v20 =	vadd.s32 $0x15EB, v0;
	v7 =	vld.idx.msk [tilespmem:v15+s2+$0x0], $0xffff  }
0x3a2: {  	v21 =	vadd.s32 $0x15EC, v0;
	v8 =	vld.idx.msk [tilespmem:v16+s2+$0x0], $0xffff  }
0x3a3: {  	v22 =	vadd.s32 $0x15ED, v0;
	v9 =	vld.idx.msk [tilespmem:v17+s2+$0x0], $0xffff  }
0x3a4: {  	v23 =	vadd.s32 $0x15EE, v0;
	v10 =	vld.idx.msk [tilespmem:v18+s2+$0x0], $0xffff  }
0x3a5: {  	v24 =	vadd.s32 $0x15EF, v0;
	v11 =	vld.idx.msk [tilespmem:v19+s2+$0x0], $0xffff  }
0x3a6: {  	v25 =	vadd.s32 $0x15F0, v0;
	v12 =	vld.idx.msk [tilespmem:v20+s2+$0x0], $0xffff  }
0x3a7: {  	v26 =	vadd.s32 $0x15F1, v0;
	v13 =	vld.idx.msk [tilespmem:v21+s2+$0x0], $0xffff  }
0x3a8: {  	v27 =	vadd.s32 $0x15F2, v0;
	v14 =	vld.idx.msk [tilespmem:v22+s2+$0x0], $0xffff  }
0x3a9: {  	v28 =	vadd.s32 $0x15F3, v0;
	v15 =	vld.idx.msk [tilespmem:v23+s2+$0x0], $0xffff  }
0x3aa: {  	v29 =	vadd.s32 $0x15F4, v0;
	v16 =	vld.idx.msk [tilespmem:v24+s2+$0x0], $0xffff  }
0x3ab: {  	v30 =	vadd.s32 $0x15F5, v0;
	v17 =	vld.idx.msk [tilespmem:v25+s2+$0x0], $0xffff  }
0x3ac: {  	v31 =	vadd.s32 $0x15F6, v0;
	v18 =	vld.idx.msk [tilespmem:v26+s2+$0x0], $0xffff  }
0x3ad: {  	v32 =	vadd.s32 $0x15F7, v0;
	v19 =	vld.idx.msk [tilespmem:v27+s2+$0x0], $0xffff  }
0x3ae: {  	v33 =	vadd.s32 $0x15F8, v0;
	v20 =	vld.idx.msk [tilespmem:v28+s2+$0x0], $0xffff  }
0x3af: {  	v34 =	vadd.s32 $0x15F9, v0;
	v21 =	vld.idx.msk [tilespmem:v29+s2+$0x0], $0xffff  }
0x3b0: {  	v35 =	vadd.s32 $0x15FA, v0;
	v22 =	vld.idx.msk [tilespmem:v30+s2+$0x0], $0xffff  }
0x3b1: {  	v36 =	vadd.s32 $0x15FB, v0;
	v23 =	vld.idx.msk [tilespmem:v31+s2+$0x0], $0xffff  }
0x3b2: {  	v37 =	vadd.s32 $0x15FC, v0;
	v24 =	vld.idx.msk [tilespmem:v32+s2+$0x0], $0xffff  }
0x3b3: {  	v38 =	vadd.s32 $0x15FD, v0;
	v25 =	vld.idx.msk [tilespmem:v33+s2+$0x0], $0xffff  }
0x3b4: {  	v39 =	vadd.s32 $0x15FE, v0;
	v26 =	vld.idx.msk [tilespmem:v34+s2+$0x0], $0xffff  }
0x3b5: {  	v40 =	vadd.s32 $0x15FF, v0;
	v27 =	vld.idx.msk [tilespmem:v35+s2+$0x0], $0xffff  }
0x3b6: {  	v41 =	vadd.s32 $0x1600, v0;
	v28 =	vld.idx.msk [tilespmem:v36+s2+$0x0], $0xffff  }
0x3b7: {  	v42 =	vadd.s32 $0x1601, v0;
	v29 =	vld.idx.msk [tilespmem:v37+s2+$0x0], $0xffff  }
0x3b8: {  	v43 =	vadd.s32 $0x1602, v0;
	v30 =	vld.idx.msk [tilespmem:v38+s2+$0x0], $0xffff  }
0x3b9: {  	v45 =	vadd.s32 $0x1603, v0;
	v31 =	vld.idx.msk [tilespmem:v39+s2+$0x0], $0xffff  }
0x3ba: {  	v44 =	vadd.s32 $0x1604, v0;
	v32 =	vld.idx.msk [tilespmem:v40+s2+$0x0], $0xffff  }
0x3bb: {  	v3 =	vadd.s32 $0x15E2, v0;
	v33 =	vld.idx.msk [tilespmem:v41+s2+$0x0], $0xffff  }
0x3bc: {  	v34 =	vld.idx.msk [tilespmem:v42+s2+$0x0], $0xffff;
	v38 =	vadd.s32 $0x1605, v0  }
0x3bd: {  	v39 =	vadd.s32 $0x1606, v0;
	v35 =	vld.idx.msk [tilespmem:v43+s2+$0x0], $0xffff  }
0x3be: {  	v40 =	vadd.s32 $0x1607, v0;
	v36 =	vld.idx.msk [tilespmem:v45+s2+$0x0], $0xffff  }
0x3bf: {  	v41 =	vadd.s32 $0x1608, v0;
	v37 =	vld.idx.msk [tilespmem:v44+s2+$0x0], $0xffff  }
0x3c0: {  	v45 =	vadd.s32 $0x1609, v0;
	v3 =	vld.idx.msk [tilespmem:v3+s2+$0x0], $0xffff  }
0x3c1: {  	v38 =	vld.idx.msk [tilespmem:v38+s2+$0x0], $0xffff  }
0x3c2: {  	v39 =	vld.idx.msk [tilespmem:v39+s2+$0x0], $0xffff  }
0x3c3: {  	v40 =	vld.idx.msk [tilespmem:v40+s2+$0x0], $0xffff  }
0x3c4: {  	v41 =	vld.idx.msk [tilespmem:v41+s2+$0x0], $0xffff  }
0x3c5: {  	v42 =	vld.idx.msk [tilespmem:v45+s2+$0x0], $0xffff  }
0x3c6: {  	v1 =	vld.idx.msk [tilespmem:v1+s8+$0x0], $0xffff  }
0x3c7: {  	v2 =	vld.idx.msk [tilespmem:v2+s8+$0x0], $0xffff  }
0x3c8: {  	v4 =	vld.idx.msk [tilespmem:v4+s8+$0x0], $0xffff  }
0x3c9: {  	v5 =	vld.idx.msk [tilespmem:v5+s8+$0x0], $0xffff  }
0x3ca: {  	v6 =	vld.idx.msk [tilespmem:v6+s8+$0x0], $0xffff  }
0x3cb: {  	v7 =	vld.idx.msk [tilespmem:v7+s8+$0x0], $0xffff  }
0x3cc: {  	v8 =	vld.idx.msk [tilespmem:v8+s8+$0x0], $0xffff  }
0x3cd: {  	v9 =	vld.idx.msk [tilespmem:v9+s8+$0x0], $0xffff  }
0x3ce: {  	v10 =	vld.idx.msk [tilespmem:v10+s8+$0x0], $0xffff  }
0x3cf: {  	v11 =	vld.idx.msk [tilespmem:v11+s8+$0x0], $0xffff  }
0x3d0: {  	v12 =	vld.idx.msk [tilespmem:v12+s8+$0x0], $0xffff  }
0x3d1: {  	v13 =	vld.idx.msk [tilespmem:v13+s8+$0x0], $0xffff  }
0x3d2: {  	v14 =	vld.idx.msk [tilespmem:v14+s8+$0x0], $0xffff  }
0x3d3: {  	v15 =	vld.idx.msk [tilespmem:v15+s8+$0x0], $0xffff  }
0x3d4: {  	v16 =	vld.idx.msk [tilespmem:v16+s8+$0x0], $0xffff  }
0x3d5: {  	v17 =	vld.idx.msk [tilespmem:v17+s8+$0x0], $0xffff  }
0x3d6: {  	v18 =	vld.idx.msk [tilespmem:v18+s8+$0x0], $0xffff  }
0x3d7: {  	v19 =	vld.idx.msk [tilespmem:v19+s8+$0x0], $0xffff  }
0x3d8: {  	v20 =	vld.idx.msk [tilespmem:v20+s8+$0x0], $0xffff  }
0x3d9: {  	v21 =	vld.idx.msk [tilespmem:v21+s8+$0x0], $0xffff  }
0x3da: {  	v22 =	vld.idx.msk [tilespmem:v22+s8+$0x0], $0xffff  }
0x3db: {  	v23 =	vld.idx.msk [tilespmem:v23+s8+$0x0], $0xffff  }
0x3dc: {  	v24 =	vld.idx.msk [tilespmem:v24+s8+$0x0], $0xffff  }
0x3dd: {  	v25 =	vld.idx.msk [tilespmem:v25+s8+$0x0], $0xffff  }
0x3de: {  	v26 =	vld.idx.msk [tilespmem:v26+s8+$0x0], $0xffff  }
0x3df: {  	v27 =	vld.idx.msk [tilespmem:v27+s8+$0x0], $0xffff  }
0x3e0: {  	v28 =	vld.idx.msk [tilespmem:v28+s8+$0x0], $0xffff  }
0x3e1: {  	v29 =	vld.idx.msk [tilespmem:v29+s8+$0x0], $0xffff  }
0x3e2: {  	v30 =	vld.idx.msk [tilespmem:v30+s8+$0x0], $0xffff  }
0x3e3: {  	v31 =	vld.idx.msk [tilespmem:v31+s8+$0x0], $0xffff  }
0x3e4: {  	v32 =	vld.idx.msk [tilespmem:v32+s8+$0x0], $0xffff  }
0x3e5: {  	v33 =	vld.idx.msk [tilespmem:v33+s8+$0x0], $0xffff  }
0x3e6: {  	v34 =	vld.idx.msk [tilespmem:v34+s8+$0x0], $0xffff  }
0x3e7: {  	v35 =	vld.idx.msk [tilespmem:v35+s8+$0x0], $0xffff  }
0x3e8: {  	v36 =	vld.idx.msk [tilespmem:v36+s8+$0x0], $0xffff  }
0x3e9: {  	v3 =	vld.idx.msk [tilespmem:v3+s8+$0x0], $0xffff  }
0x3ea: {  	v43 =	vadd.s32 $0x160A, v0;
	v37 =	vld.idx.msk [tilespmem:v37+s8+$0x0], $0xffff  }
0x3eb: {  	v38 =	vld.idx.msk [tilespmem:v38+s8+$0x0], $0xffff;
	v1 =	vadd.f32 $0.0e+00, v1  }
0x3ec: {  	v44 =	vadd.s32 $0x160B, v0;
	v2 =	vadd.f32 $0.0e+00, v2;
	v39 =	vld.idx.msk [tilespmem:v39+s8+$0x0], $0xffff  }
0x3ed: {  	v45 =	vadd.s32 $0x160C, v0;
	v4 =	vadd.f32 $0.0e+00, v4;
	v40 =	vld.idx.msk [tilespmem:v40+s8+$0x0], $0xffff;
	v1 =	vadd.f32 v5, v1  }
0x3ee: {  	v2 =	vadd.f32 v6, v2;
	v5 =	vld.idx.msk [tilespmem:v41+s8+$0x0], $0xffff;
	v6 =	vadd.s32 $0x160D, v0;
	v3 =	vadd.f32 $0.0e+00, v3  }
0x3ef: {  	v4 =	vadd.f32 v8, v4;
	v8 =	vadd.s32 $0x160E, v0;
	v1 =	vadd.f32 v9, v1;
	v9 =	vld.idx.msk [tilespmem:v43+s2+$0x0], $0xffff  }
0x3f0: {  	v41 =	vadd.s32 $0x160F, v0;
	v2 =	vadd.f32 v10, v2;
	v3 =	vadd.f32 v7, v3;
	v7 =	vld.idx.msk [tilespmem:v42+s8+$0x0], $0xffff  }
0x3f1: {  	v4 =	vadd.f32 v12, v4;
	v43 =	vadd.s32 $0x1610, v0;
	v42 =	vld.idx.msk [tilespmem:v44+s2+$0x0], $0xffff;
	v1 =	vadd.f32 v13, v1  }
0x3f2: {  	v2 =	vadd.f32 v14, v2;
	v44 =	vld.idx.msk [tilespmem:v45+s2+$0x0], $0xffff;
	v45 =	vadd.s32 $0x1611, v0;
	v3 =	vadd.f32 v11, v3  }
0x3f3: {  	v4 =	vadd.f32 v16, v4;
	v6 =	vld.idx.msk [tilespmem:v6+s2+$0x0], $0xffff;
	v1 =	vadd.f32 v17, v1  }
0x3f4: {  	v8 =	vld.idx.msk [tilespmem:v8+s2+$0x0], $0xffff;
	v2 =	vadd.f32 v18, v2;
	v3 =	vadd.f32 v15, v3  }
0x3f5: {  	v10 =	vld.idx.msk [tilespmem:v41+s2+$0x0], $0xffff;
	v4 =	vadd.f32 v20, v4;
	v1 =	vadd.f32 v21, v1  }
0x3f6: {  	v12 =	vld.idx.msk [tilespmem:v43+s2+$0x0], $0xffff;
	v2 =	vadd.f32 v22, v2;
	v3 =	vadd.f32 v19, v3  }
0x3f7: {  	v4 =	vadd.f32 v24, v4;
	v14 =	vld.idx.msk [tilespmem:v45+s2+$0x0], $0xffff;
	v1 =	vadd.f32 v25, v1  }
0x3f8: {  	v2 =	vadd.f32 v26, v2;
	v9 =	vld.idx.msk [tilespmem:v9+s8+$0x0], $0xffff;
	v3 =	vadd.f32 v23, v3  }
0x3f9: {  	v4 =	vadd.f32 v28, v4;
	v11 =	vld.idx.msk [tilespmem:v42+s8+$0x0], $0xffff;
	v1 =	vadd.f32 v29, v1  }
0x3fa: {  	v2 =	vadd.f32 v30, v2;
	v13 =	vld.idx.msk [tilespmem:v44+s8+$0x0], $0xffff;
	v3 =	vadd.f32 v27, v3  }
0x3fb: {  	v4 =	vadd.f32 v32, v4;
	v6 =	vld.idx.msk [tilespmem:v6+s8+$0x0], $0xffff;
	v1 =	vadd.f32 v33, v1  }
0x3fc: {  	v8 =	vld.idx.msk [tilespmem:v8+s8+$0x0], $0xffff;
	v2 =	vadd.f32 v34, v2;
	v3 =	vadd.f32 v31, v3  }
0x3fd: {  	v10 =	vld.idx.msk [tilespmem:v10+s8+$0x0], $0xffff;
	v4 =	vadd.f32 v36, v4;
	v1 =	vadd.f32 v37, v1  }
0x3fe: {  	v12 =	vld.idx.msk [tilespmem:v12+s8+$0x0], $0xffff;
	v2 =	vadd.f32 v38, v2;
	v3 =	vadd.f32 v35, v3  }
0x3ff: {  	v4 =	vadd.f32 v40, v4;
	v14 =	vld.idx.msk [tilespmem:v14+s8+$0x0], $0xffff;
	v1 =	vadd.f32 v5, v1  }
0x400: {  	v2 =	vadd.f32 v7, v2;
	v3 =	vadd.f32 v39, v3  }
0x401: {  	v4 =	vadd.f32 v11, v4;
	v1 =	vadd.f32 v13, v1  }
0x402: {  	v2 =	vadd.f32 v6, v2;
	v3 =	vadd.f32 v9, v3  }
0x403: {  	v4 =	vadd.f32 v10, v4;
	v1 =	vadd.f32 v12, v1  }
0x404: {  	v2 =	vadd.f32 v14, v2;
	v3 =	vadd.f32 v8, v3;
	_ =	sdelay $0x1  }
0x405: {  	v1 =	vadd.f32 v2, v1;
	v2 =	vadd.f32 v4, v3;
	_ =	sdelay $0x1  }
0x406: {  	v1 =	vadd.f32 v1, v2;
	_ =	sdelay $0x1  }
0x407: {  	v1 =	vsub.f32 $0.0e+00, v1;
	_ =	sdelay $0x1  }
0x408: {  	v1 =	vmul.f32 $1.442695020e+00, v1;
	_ =	sdelay $0x1  }
0x409: {  	(erf) = vpow2.f32 v1;
	_ =	sdelay $0x8  }
0x40a: {  	v1 =	vpop (erf)  }
0x40b: {  	v1 =	vadd.f32 $1.000000000e+00, v1;
	_ =	sdelay $0x1  }
0x40c: {  	(erf) = vrcp.f32 v1;
	_ =	sdelay $0x8  }
0x40d: {  	p0 =	sne.s32 s6, $0x1;
	v1 =	vpop (erf)  }
.Ltmp0:
0x40e: {  	[tilespmem:$0x1D70] =	vst v1;
	(pc) =	sbr.rel @p0 .LBB2_1-.Ltmp0, $4  }
0x40f: {  	[hbm4b:s5+s2] =	stream.linear.scatter [tilespmem:s9], [sflag:$0x1], $0x80, $0x38;
	[tilespmem:$0x1D80] =	vst v63  }
0x410: {  	_ =	swait.ge [sflag:s7], $0x80  }
0x411: {  	[sflag:s7] =	ssyncset.done $0x0  }
0x412: {  	s6 =	sadd.s32 $0xFFFFFFFF, s6;
	[sflag:s7] =	ssyncadd.s32 $0xFFFFFF80  }
0x413: {  	_ =	sfence.sel $0x180000  }
0x414: {  	[bflag:$0x0] =	sbarrier.arrive $0xFFFF  }
0x415: {  	p0 =	sne.s32 s0, $0x0;
	_ =	strace $0x90000047  }
0x416: {  	s0 =	sadd.s32 @!p0 $0x100000, s1;
	[bflag:$0x2] =	sbarrier.arrive $0xFFFF  }
0x417: {  	[sflag:s0] =	ssyncadd.tile.s32 @!p0 $0x1;
	_ =	shalt  }
.Lfunc_end2:
_tile_overlayer_lowered:
.L_overlay_start_2:
0x418: {  	(tag) =	ssettag $0x2  }
0x419: {  	s0 =	rddreg [dreg:$0x0];
	s2 =	stileid.u32  }
0x41a: {  	s1 =	rddreg [dreg:$0x1];
	p0 =	sne.s32 s2, $0x0  }
0x41b: {  	s3 =	rddreg [dreg:$0x2];
	[bflag:$0x3] =	sbarrier.arrive $0xFFFF;
	s2 =	simm.s32 @!p0 $0x1C01  }
0x41c: {  	[timem:s3], [sflag:s2] =	dma.local @!p0 [hbm:s0], s1  }
0x41d: {  	s0 =	simm.s32 @!p0 $0x1  }
0x41e: {  	_ =	swait.ge @!p0 [sflag:s0], s1  }
0x41f: {  	s1 =	ssub.s32 @!p0 $0x0, s1;
	[sflag:s0] =	ssyncset.done @!p0 $0x0  }
0x420: {  	[sflag:s0] =	ssyncadd.s32 @!p0 s1  }
0x421: {  	[bflag:$0x3] =	sbarrier.arrive $0xFFFF  }
0x422: {  	_ =	shalt  }

</sc_bundles>
